<compile_context>
chip_gen: v7x
topology: tpu7x:2x2x1
jax: 0.10.2.dev20260603
libtpu: 0.0.44.dev20260713+nightly
codegen_flags: <defaults>
</compile_context>

<pallas_src>
import functools

import jax
import jax.numpy as jnp
from jax import lax
from jax.experimental import pallas as pl
from jax.experimental.pallas import tpu as pltpu
from jax.experimental.pallas import tpu_sc as plsc

_NC = 2
_NS = 16
_K = 80
_DW = 16
_FB = 80


def _mesh():
  return plsc.VectorSubcoreMesh(core_axis_name="c", subcore_axis_name="s")


_K2 = 50


@functools.lru_cache(maxsize=None)
def _degree_kernel(N, E):
  NW = _NC * _NS
  EW = E // NW
  K2 = _K2
  NCH = EW // K2
  G = 10
  TB = N // _FB
  BPT = -(-TB // _NS)

  @functools.partial(
      pl.kernel,
      out_type=jax.ShapeDtypeStruct((_NC, N, _DW), jnp.float32),
      mesh=_mesh(),
      scratch_types=[
          pltpu.VMEM((NCH, K2), jnp.int32),
          pltpu.VMEM((K2, _DW), jnp.float32),
          pltpu.VMEM((_FB, _DW), jnp.float32),
          pltpu.VMEM_SHARED((N, _DW), jnp.float32),
          pltpu.SemaphoreType.DMA,
          pltpu.SemaphoreType.DMA,
      ],
      compiler_params=pltpu.CompilerParams(use_tc_tiling_on_sc=False),
  )
  def deg_k(ei_hbm, out_hbm, dst_all, ones_v, buf_v, acc_sh, isem, ssem):
    c = lax.axis_index("c")
    s = lax.axis_index("s")
    wid = c * _NS + s
    one = jnp.full((16,), 1.0, jnp.float32)
    zero = jnp.zeros((16,), jnp.float32)

    pltpu.async_copy(ei_hbm.at[1, wid], dst_all, isem)

    def fill(i, carry):
      ones_v[i, :] = one
      return carry

    lax.fori_loop(0, K2, fill, 0)

    def zrow(i, carry):
      buf_v[i, :] = zero
      return carry

    lax.fori_loop(0, _FB, zrow, 0)
    for j in range(BPT):
      blk = s + j * _NS

      @pl.when(blk < TB)
      def _():
        pltpu.async_copy(buf_v, acc_sh.at[pl.ds(blk * _FB, _FB), :], ssem)

    for j in range(BPT):
      blk = s + j * _NS

      @pl.when(blk < TB)
      def _():
        pltpu.make_async_copy(buf_v, acc_sh.at[pl.ds(0, _FB), :], ssem).wait()

    pltpu.make_async_copy(ei_hbm.at[1, wid], dst_all, isem).wait()
    plsc.subcore_barrier()

    def body(g, carry):
      for j in range(G):
        pltpu.async_copy(ones_v, acc_sh.at[dst_all.at[g * G + j]], ssem,
                         add=True)
      for j in range(G):
        pltpu.make_async_copy(ones_v, acc_sh.at[dst_all.at[0]], ssem).wait()
      return carry

    lax.fori_loop(0, NCH // G, body, 0)
    plsc.subcore_barrier()
    RPT = N // _NS
    pltpu.sync_copy(acc_sh.at[pl.ds(s * RPT, RPT), :],
                    out_hbm.at[c, pl.ds(s * RPT, RPT), :])

  return deg_k


@functools.lru_cache(maxsize=None)
def _spmm_kernel(N, E, W):
  NW = _NC * _NS
  EW = E // NW
  K2 = _K2
  NCH = EW // K2
  D = 5 if W > 64 else 8
  S = 3 if W > 64 else 6
  Q = NCH // D
  FBk = 40
  TB = N // FBk
  BPT = -(-TB // _NS)

  @functools.partial(
      pl.kernel,
      out_type=jax.ShapeDtypeStruct((_NC, N, W), jnp.float32),
      mesh=_mesh(),
      scratch_types=(
          [pltpu.VMEM((NCH, K2), jnp.int32)]
          + [pltpu.VMEM((K2,), jnp.int32) for _ in range(D)]
          + [pltpu.VMEM((K2, W), jnp.float32) for _ in range(D)]
          + [pltpu.VMEM_SHARED((N, W), jnp.float32)]
          + ([pltpu.VMEM_SHARED((N, W), jnp.float32)] if W <= 64 else [])
          + [pltpu.SemaphoreType.DMA for _ in range(3 * D + 2)]
      ),
      compiler_params=pltpu.CompilerParams(use_tc_tiling_on_sc=False),
  )
  def spmm_k(t_hbm, ei_hbm, out_hbm, *scr):
    dst_all = scr[0]
    srcb = scr[1:1 + D]
    rows = scr[1 + D:1 + 2 * D]
    acc_sh = scr[1 + 2 * D]
    off = 2 if W <= 64 else 1
    t_src = scr[1 + 2 * D + 1] if W <= 64 else t_hbm
    gs = scr[off + 1 + 2 * D:off + 1 + 3 * D]
    ss = scr[off + 1 + 3 * D:off + 1 + 4 * D]
    isems = scr[off + 1 + 4 * D:off + 1 + 5 * D]
    dsem = scr[off + 1 + 5 * D]
    zsem = scr[off + 2 + 5 * D]
    c = lax.axis_index("c")
    s = lax.axis_index("s")
    wid = c * _NS + s
    zero = jnp.zeros((16,), jnp.float32)

    pltpu.async_copy(ei_hbm.at[1, wid], dst_all, dsem)

    r0 = rows[0]

    def zrow(i, carry):
      for j in range(W // 16):
        r0[i, pl.ds(j * 16, 16)] = zero
      return carry

    lax.fori_loop(0, FBk, zrow, 0)
    for j in range(BPT):
      blk = s + j * _NS

      @pl.when(blk < TB)
      def _():
        pltpu.async_copy(r0.at[pl.ds(0, FBk), :],
                         acc_sh.at[pl.ds(blk * FBk, FBk), :], zsem)

    for j in range(BPT):
      blk = s + j * _NS

      @pl.when(blk < TB)
      def _():
        pltpu.make_async_copy(r0.at[pl.ds(0, FBk), :],
                              acc_sh.at[pl.ds(0, FBk), :], zsem).wait()

    if W <= 64:
      RPT = N // _NS
      pltpu.sync_copy(t_hbm.at[pl.ds(s * RPT, RPT), :],
                      t_src.at[pl.ds(s * RPT, RPT), :])

    pltpu.make_async_copy(ei_hbm.at[1, wid], dst_all, dsem).wait()
    plsc.subcore_barrier()

    for k in range(S + 2):
      pltpu.async_copy(ei_hbm.at[0, wid, k], srcb[k % D], isems[k % D])
    for k in range(S):
      pltpu.make_async_copy(ei_hbm.at[0, wid, k], srcb[k % D],
                            isems[k % D]).wait()
      pltpu.async_copy(t_src.at[srcb[k % D]], rows[k % D], gs[k % D])

    def body(q, carry):
      for j in range(D):
        i = D * q + j
        bn = (j + S) % D
        bp = (j + S + 2) % D
        pltpu.make_async_copy(t_src.at[srcb[j]], rows[j], gs[j]).wait()

        def wait_prev_scatter(i=i, bn=bn):
          pltpu.make_async_copy(rows[bn], acc_sh.at[dst_all.at[i]],
                                ss[bn]).wait()

        if j >= D - S:
          wait_prev_scatter()
        else:
          pl.when(q > 0)(wait_prev_scatter)

        pltpu.async_copy(rows[j], acc_sh.at[dst_all.at[i]], ss[j], add=True)

        def start_next_gather(bn=bn):
          pltpu.make_async_copy(ei_hbm.at[0, wid, 0], srcb[bn],
                                isems[bn]).wait()
          pltpu.async_copy(t_src.at[srcb[bn]], rows[bn], gs[bn])

        if j < D - S:
          start_next_gather()
        else:
          pl.when(q < Q - 1)(start_next_gather)

        def prefetch_idx(i=i, bp=bp):
          pltpu.async_copy(ei_hbm.at[0, wid, i + S + 2], srcb[bp], isems[bp])

        if j < D - S - 2:
          prefetch_idx()
        else:
          pl.when(q < Q - 1)(prefetch_idx)
      return carry

    lax.fori_loop(0, Q, body, 0)
    for k in range(NCH - (D - S), NCH):
      pltpu.make_async_copy(rows[k % D], acc_sh.at[dst_all.at[NCH - 1]],
                            ss[k % D]).wait()
    plsc.subcore_barrier()
    RPT = N // _NS
    pltpu.sync_copy(acc_sh.at[pl.ds(s * RPT, RPT), :],
                    out_hbm.at[c, pl.ds(s * RPT, RPT), :])

  return spmm_k


def _tc1(deg_parts, x, W1, R=2000):
  N, NF = x.shape
  NH = W1.shape[1]

  def body(dp_ref, x_ref, w_ref, t_ref, dis_ref):
    deg = dp_ref[0][:, 0:1] + dp_ref[1][:, 0:1]
    dis = lax.rsqrt(jnp.maximum(deg, 1.0))
    s = jnp.dot(x_ref[...], w_ref[...], preferred_element_type=jnp.float32)
    t_ref[...] = s * dis
    dis_ref[...] = dis

  return pl.pallas_call(
      body,
      grid=(N // R,),
      in_specs=[
          pl.BlockSpec((_NC, R, _DW), lambda i: (0, i, 0)),
          pl.BlockSpec((R, NF), lambda i: (i, 0)),
          pl.BlockSpec((NF, NH), lambda i: (0, 0)),
      ],
      out_specs=[
          pl.BlockSpec((R, NH), lambda i: (i, 0)),
          pl.BlockSpec((R, 1), lambda i: (i, 0)),
      ],
      out_shape=[
          jax.ShapeDtypeStruct((N, NH), jnp.float32),
          jax.ShapeDtypeStruct((N, 1), jnp.float32),
      ],
  )(deg_parts, x, W1)


def _tc2(p1, dis, b1, W2p, R=2000):
  _, N, NH = p1.shape
  WP = W2p.shape[1]

  def body(p_ref, dis_ref, b_ref, w_ref, t_ref):
    d = dis_ref[...]
    h = (p_ref[0] + p_ref[1]) * d + b_ref[...]
    h = jnp.maximum(h, 0.0)
    t_ref[...] = jnp.dot(h, w_ref[...],
                         preferred_element_type=jnp.float32) * d

  return pl.pallas_call(
      body,
      grid=(N // R,),
      in_specs=[
          pl.BlockSpec((_NC, R, NH), lambda i: (0, i, 0)),
          pl.BlockSpec((R, 1), lambda i: (i, 0)),
          pl.BlockSpec((1, NH), lambda i: (0, 0)),
          pl.BlockSpec((NH, WP), lambda i: (0, 0)),
      ],
      out_specs=pl.BlockSpec((R, WP), lambda i: (i, 0)),
      out_shape=jax.ShapeDtypeStruct((N, WP), jnp.float32),
  )(p1, dis, b1, W2p)


def _tc3(p2, dis, b2, R=2000):
  _, N, WP = p2.shape
  C = b2.shape[1]

  def body(p_ref, dis_ref, b_ref, o_ref):
    d = dis_ref[...]
    h = (p_ref[0] + p_ref[1])[:, :C] * d + b_ref[...]
    m = jnp.max(h, axis=1, keepdims=True)
    lse = m + jnp.log(jnp.sum(jnp.exp(h - m), axis=1, keepdims=True))
    o_ref[...] = h - lse

  return pl.pallas_call(
      body,
      grid=(N // R,),
      in_specs=[
          pl.BlockSpec((_NC, R, WP), lambda i: (0, i, 0)),
          pl.BlockSpec((R, 1), lambda i: (i, 0)),
          pl.BlockSpec((1, C), lambda i: (0, 0)),
      ],
      out_specs=pl.BlockSpec((R, C), lambda i: (i, 0)),
      out_shape=jax.ShapeDtypeStruct((N, C), jnp.float32),
  )(p2, dis, b2)


def kernel(x, edge_index, W1, b1, W2, b2):
  N, _ = x.shape
  NH = W1.shape[1]
  C = W2.shape[1]
  E = edge_index.shape[1]
  WP = 48
  W2p = jnp.pad(W2, ((0, 0), (0, WP - C)))
  NW = _NC * _NS
  ei_r = edge_index.reshape(2, NW, -1, _K2)

  deg_parts = _degree_kernel(N, E)(ei_r)
  t1, dis = _tc1(deg_parts, x, W1)
  p1 = _spmm_kernel(N, E, NH)(t1, ei_r)
  t2 = _tc2(p1, dis, b1.reshape(1, -1), W2p)
  p2 = _spmm_kernel(N, E, WP)(t2, ei_r)
  return _tc3(p2, dis, b2.reshape(1, -1))

# --- scband reference (transcript-rebuilt; emitter-appended) ---
"""Pipeline reference for scband-gcn-13219909337779 (READ-ONLY COPY).

The authoritative reference and input builder live on the scoring server;
editing this copy changes nothing except your own understanding.
"""

import jax, jax.numpy as jnp
import numpy as np

N = 10000
E = 320000
NFEAT = 128
NHID = 128
NCLASS = 40


def setup_inputs(seed: int = 0) -> dict:
    key = jax.random.key(seed)
    k1, k2, k3, k4, k5, k6 = jax.random.split(key, 6)
    x = jax.random.normal(k1, (N, NFEAT), dtype=jnp.float32)
    edge_index = jax.random.randint(k2, (2, E), 0, N, dtype=jnp.int32)
    # GraphConvolution weights (Glorot-ish scaling)
    W1 = jax.random.normal(k3, (NFEAT, NHID), dtype=jnp.float32) * (1.0 / np.sqrt(NFEAT))
    b1 = jnp.zeros((NHID,), dtype=jnp.float32)
    W2 = jax.random.normal(k4, (NHID, NCLASS), dtype=jnp.float32) * (1.0 / np.sqrt(NHID))
    b2 = jnp.zeros((NCLASS,), dtype=jnp.float32)
    return {"x": x, "edge_index": edge_index, "W1": W1, "b1": b1, "W2": W2, "b2": b2}


def _spmm_norm(h, src, dst, deg_inv_sqrt):
    # adj @ h with symmetric D^{-1/2} A D^{-1/2} normalization, via gather + segment_sum
    norm = deg_inv_sqrt[src] * deg_inv_sqrt[dst]
    msg = h[src] * norm[:, None]
    return jax.ops.segment_sum(msg, dst, num_segments=N)


def reference(x, edge_index, W1, b1, W2, b2):
    src = edge_index[0]
    dst = edge_index[1]
    ones = jnp.ones((E,), dtype=jnp.float32)
    deg = jax.ops.segment_sum(ones, dst, num_segments=N)
    deg = jnp.clip(deg, 1.0, None)
    deg_inv_sqrt = jax.lax.rsqrt(deg)
    # layer 1: support = x @ W1; out = adj @ support + b1; relu
    s1 = x @ W1
    h1 = _spmm_norm(s1, src, dst, deg_inv_sqrt) + b1
    h1 = jax.nn.relu(h1)
    # dropout is identity in eval mode
    # layer 2
    s2 = h1 @ W2
    h2 = _spmm_norm(s2, src, dst, deg_inv_sqrt) + b2
    # log_softmax over classes
    out = h2 - jax.scipy.special.logsumexp(h2, axis=1, keepdims=True)
    return out

if __name__ == "__main__":
    import jax
    _d = setup_inputs()
    print(jax.jit(kernel)(*tuple(_d.values())))

</pallas_src>

<mosaic_0001>
#map = affine_map<(d0, d1) -> (0, 0)>
#map1 = affine_map<(d0, d1) -> (0, 0, 0, 0)>
#map2 = affine_map<(d0, d1) -> (0, 0, 0)>
module attributes {stable_mosaic.version = 14 : i64} {
  func.func @spmm_k(%arg0: i32, %arg1: i32, %arg2: memref<10000x48xf32, #tpu.memory_space<hbm>>, %arg3: memref<2x32x200x50xi32, #tpu.memory_space<hbm>>, %arg4: memref<2x10000x48xf32, #tpu.memory_space<hbm>>, %arg5: memref<200x50xi32, #tpu.memory_space<vmem>>, %arg6: memref<50xi32, #tpu.memory_space<vmem>>, %arg7: memref<50xi32, #tpu.memory_space<vmem>>, %arg8: memref<50xi32, #tpu.memory_space<vmem>>, %arg9: memref<50xi32, #tpu.memory_space<vmem>>, %arg10: memref<50xi32, #tpu.memory_space<vmem>>, %arg11: memref<50xi32, #tpu.memory_space<vmem>>, %arg12: memref<50xi32, #tpu.memory_space<vmem>>, %arg13: memref<50xi32, #tpu.memory_space<vmem>>, %arg14: memref<50x48xf32, #tpu.memory_space<vmem>>, %arg15: memref<50x48xf32, #tpu.memory_space<vmem>>, %arg16: memref<50x48xf32, #tpu.memory_space<vmem>>, %arg17: memref<50x48xf32, #tpu.memory_space<vmem>>, %arg18: memref<50x48xf32, #tpu.memory_space<vmem>>, %arg19: memref<50x48xf32, #tpu.memory_space<vmem>>, %arg20: memref<50x48xf32, #tpu.memory_space<vmem>>, %arg21: memref<50x48xf32, #tpu.memory_space<vmem>>, %arg22: memref<10000x48xf32, #tpu.memory_space<vmem_shared>>, %arg23: memref<10000x48xf32, #tpu.memory_space<vmem_shared>>, %arg24: memref<!tpu.dma_semaphore, #tpu.memory_space<semaphore_mem>>, %arg25: memref<!tpu.dma_semaphore, #tpu.memory_space<semaphore_mem>>, %arg26: memref<!tpu.dma_semaphore, #tpu.memory_space<semaphore_mem>>, %arg27: memref<!tpu.dma_semaphore, #tpu.memory_space<semaphore_mem>>, %arg28: memref<!tpu.dma_semaphore, #tpu.memory_space<semaphore_mem>>, %arg29: memref<!tpu.dma_semaphore, #tpu.memory_space<semaphore_mem>>, %arg30: memref<!tpu.dma_semaphore, #tpu.memory_space<semaphore_mem>>, %arg31: memref<!tpu.dma_semaphore, #tpu.memory_space<semaphore_mem>>, %arg32: memref<!tpu.dma_semaphore, #tpu.memory_space<semaphore_mem>>, %arg33: memref<!tpu.dma_semaphore, #tpu.memory_space<semaphore_mem>>, %arg34: memref<!tpu.dma_semaphore, #tpu.memory_space<semaphore_mem>>, %arg35: memref<!tpu.dma_semaphore, #tpu.memory_space<semaphore_mem>>, %arg36: memref<!tpu.dma_semaphore, #tpu.memory_space<semaphore_mem>>, %arg37: memref<!tpu.dma_semaphore, #tpu.memory_space<semaphore_mem>>, %arg38: memref<!tpu.dma_semaphore, #tpu.memory_space<semaphore_mem>>, %arg39: memref<!tpu.dma_semaphore, #tpu.memory_space<semaphore_mem>>, %arg40: memref<!tpu.dma_semaphore, #tpu.memory_space<semaphore_mem>>, %arg41: memref<!tpu.dma_semaphore, #tpu.memory_space<semaphore_mem>>, %arg42: memref<!tpu.dma_semaphore, #tpu.memory_space<semaphore_mem>>, %arg43: memref<!tpu.dma_semaphore, #tpu.memory_space<semaphore_mem>>, %arg44: memref<!tpu.dma_semaphore, #tpu.memory_space<semaphore_mem>>, %arg45: memref<!tpu.dma_semaphore, #tpu.memory_space<semaphore_mem>>, %arg46: memref<!tpu.dma_semaphore, #tpu.memory_space<semaphore_mem>>, %arg47: memref<!tpu.dma_semaphore, #tpu.memory_space<semaphore_mem>>, %arg48: memref<!tpu.dma_semaphore, #tpu.memory_space<semaphore_mem>>, %arg49: memref<!tpu.dma_semaphore, #tpu.memory_space<semaphore_mem>>) attributes {dimension_semantics = [#tpu.dimension_semantics<core_parallel>, #tpu.dimension_semantics<subcore_parallel>], iteration_bounds = array<i64: 2, 16>, scalar_prefetch = 0 : i64, scratch_operands = 45 : i64, tpu.core_type = #tpu.core_type<sc_vector_subcore>, window_params = [{transform_indices = #map}, {transform_indices = #map1}, {transform_indices = #map2}]} {
    %mul3A = arith.constant 16 : i32
    %mul3A_0 = arith.muli %arg0, %mul3A : i32
    %add3A = arith.addi %mul3A_0, %arg1 : i32
    %broadcast_in_dim3A = arith.constant 0.000000e+00 : f32
    %broadcast_in_dim3A_1 = vector.broadcast %broadcast_in_dim3A : f32 to vector<16xf32>
    %dma_start3A = arith.constant 1 : i32
    %dma_start3A_2 = arith.constant 0 : i32
    %dma_start3A_3 = arith.constant 0 : i32
    %dma_start3A_4 = tpu.memref_slice %arg3[%dma_start3A, %add3A, %dma_start3A_2, %dma_start3A_3] : memref<2x32x200x50xi32, #tpu.memory_space<hbm>> -> memref<1x1x200x50xi32, #tpu.memory_space<hbm>>
    %dma_start3A_5 = tpu.memref_squeeze %dma_start3A_4 : memref<1x1x200x50xi32, #tpu.memory_space<hbm>> -> memref<200x50xi32, #tpu.memory_space<hbm>>
    %dma_start3A_6 = arith.constant 0 : i32
    %dma_start3A_7 = arith.constant 0 : i32
    %dma_start3A_8 = tpu.memref_slice %arg3[%dma_start3A, %add3A, %dma_start3A_6, %dma_start3A_7] : memref<2x32x200x50xi32, #tpu.memory_space<hbm>> -> memref<1x1x200x50xi32, #tpu.memory_space<hbm>>
    %dma_start3A_9 = tpu.memref_squeeze %dma_start3A_8 : memref<1x1x200x50xi32, #tpu.memory_space<hbm>> -> memref<200x50xi32, #tpu.memory_space<hbm>>
    tpu.enqueue_dma source(%dma_start3A_9 : memref<200x50xi32, #tpu.memory_space<hbm>>) target(%arg5 : memref<200x50xi32, #tpu.memory_space<vmem>>) target_semaphore(%arg48 : memref<!tpu.dma_semaphore, #tpu.memory_space<semaphore_mem>>)
    %scan3A = arith.constant 0 : i32
    %scan3A_10 = arith.constant 0 : i32
    %scan3A_11 = arith.constant 40 : i32
    %scan3A_12 = arith.addi %scan3A_10, %scan3A_11 : i32
    %scan3A_13 = arith.constant 1 : i32
    scf.for %scan3A_403 = %scan3A_10 to %scan3A_12 step %scan3A_13  : i32 {
      %swap3A = arith.index_cast %scan3A_403 : i32 to index
      %swap3A_404 = arith.constant 0 : index
      %swap3A_405 = tpu.vector_load %arg14[%swap3A, %swap3A_404] {strides = array<i32>} : memref<50x48xf32, #tpu.memory_space<vmem>>, vector<1x16xf32>,
      %swap3A_406 = vector.shape_cast %swap3A_405 : vector<1x16xf32> to vector<16xf32>
      %swap3A_407 = vector.shape_cast %broadcast_in_dim3A_1 : vector<16xf32> to vector<1x16xf32>
      tpu.vector_store %arg14[%swap3A, %swap3A_404], %swap3A_407 {strides = array<i32>} : memref<50x48xf32, #tpu.memory_space<vmem>>, vector<1x16xf32>,
      %swap3A_408 = arith.index_cast %scan3A_403 : i32 to index
      %swap3A_409 = arith.constant 16 : index
      %swap3A_410 = tpu.vector_load %arg14[%swap3A_408, %swap3A_409] {strides = array<i32>} : memref<50x48xf32, #tpu.memory_space<vmem>>, vector<1x16xf32>,
      %swap3A_411 = vector.shape_cast %swap3A_410 : vector<1x16xf32> to vector<16xf32>
      %swap3A_412 = vector.shape_cast %broadcast_in_dim3A_1 : vector<16xf32> to vector<1x16xf32>
      tpu.vector_store %arg14[%swap3A_408, %swap3A_409], %swap3A_412 {strides = array<i32>} : memref<50x48xf32, #tpu.memory_space<vmem>>, vector<1x16xf32>,
      %swap3A_413 = arith.index_cast %scan3A_403 : i32 to index
      %swap3A_414 = arith.constant 32 : index
      %swap3A_415 = tpu.vector_load %arg14[%swap3A_413, %swap3A_414] {strides = array<i32>} : memref<50x48xf32, #tpu.memory_space<vmem>>, vector<1x16xf32>,
      %swap3A_416 = vector.shape_cast %swap3A_415 : vector<1x16xf32> to vector<16xf32>
      %swap3A_417 = vector.shape_cast %broadcast_in_dim3A_1 : vector<16xf32> to vector<1x16xf32>
      tpu.vector_store %arg14[%swap3A_413, %swap3A_414], %swap3A_417 {strides = array<i32>} : memref<50x48xf32, #tpu.memory_space<vmem>>, vector<1x16xf32>,
    }
    %scan3A_14 = arith.constant 40 : i32
    %add3A_15 = arith.constant 0 : i32
    %add3A_16 = arith.addi %arg1, %add3A_15 : i32
    %lt3A = arith.constant 250 : i32
    %lt3A_17 = arith.cmpi slt, %add3A_16, %lt3A : i32
    %convert_element_type3A = arith.extui %lt3A_17 : i1 to i32
    %cond3A = arith.constant 0 : i32
    %cond3A_18 = arith.cmpi ne, %convert_element_type3A, %cond3A : i32
    scf.if %cond3A_18 {
      %mul3A_403 = arith.constant 40 : i32
      %mul3A_404 = arith.muli %add3A_16, %mul3A_403 : i32
      %dma_start3A_405 = arith.constant 0 : i32
      %dma_start3A_406 = arith.constant 0 : i32
      %dma_start3A_407 = tpu.memref_slice %arg14[%dma_start3A_405, %dma_start3A_406] : memref<50x48xf32, #tpu.memory_space<vmem>> -> memref<40x48xf32, #tpu.memory_space<vmem>>
      %dma_start3A_408 = arith.constant 0 : i32
      %dma_start3A_409 = tpu.memref_slice %arg22[%mul3A_404, %dma_start3A_408] : memref<10000x48xf32, #tpu.memory_space<vmem_shared>> -> memref<40x48xf32, #tpu.memory_space<vmem_shared>>
      %dma_start3A_410 = arith.constant 0 : i32
      %dma_start3A_411 = tpu.memref_slice %arg22[%mul3A_404, %dma_start3A_410] : memref<10000x48xf32, #tpu.memory_space<vmem_shared>> -> memref<40x48xf32, #tpu.memory_space<vmem_shared>>
      %dma_start3A_412 = arith.constant 0 : i32
      %dma_start3A_413 = arith.constant 0 : i32
      %dma_start3A_414 = tpu.memref_slice %arg14[%dma_start3A_412, %dma_start3A_413] : memref<50x48xf32, #tpu.memory_space<vmem>> -> memref<40x48xf32, #tpu.memory_space<vmem>>
      tpu.enqueue_dma source(%dma_start3A_414 : memref<40x48xf32, #tpu.memory_space<vmem>>) target(%dma_start3A_411 : memref<40x48xf32, #tpu.memory_space<vmem_shared>>) target_semaphore(%arg49 : memref<!tpu.dma_semaphore, #tpu.memory_space<semaphore_mem>>)
    } else {
    }
    %add3A_19 = arith.constant 16 : i32
    %add3A_20 = arith.addi %arg1, %add3A_19 : i32
    %lt3A_21 = arith.constant 250 : i32
    %lt3A_22 = arith.cmpi slt, %add3A_20, %lt3A_21 : i32
    %convert_element_type3A_23 = arith.extui %lt3A_22 : i1 to i32
    %cond3A_24 = arith.constant 0 : i32
    %cond3A_25 = arith.cmpi ne, %convert_element_type3A_23, %cond3A_24 : i32
    scf.if %cond3A_25 {
      %mul3A_403 = arith.constant 40 : i32
      %mul3A_404 = arith.muli %add3A_20, %mul3A_403 : i32
      %dma_start3A_405 = arith.constant 0 : i32
      %dma_start3A_406 = arith.constant 0 : i32
      %dma_start3A_407 = tpu.memref_slice %arg14[%dma_start3A_405, %dma_start3A_406] : memref<50x48xf32, #tpu.memory_space<vmem>> -> memref<40x48xf32, #tpu.memory_space<vmem>>
      %dma_start3A_408 = arith.constant 0 : i32
      %dma_start3A_409 = tpu.memref_slice %arg22[%mul3A_404, %dma_start3A_408] : memref<10000x48xf32, #tpu.memory_space<vmem_shared>> -> memref<40x48xf32, #tpu.memory_space<vmem_shared>>
      %dma_start3A_410 = arith.constant 0 : i32
      %dma_start3A_411 = tpu.memref_slice %arg22[%mul3A_404, %dma_start3A_410] : memref<10000x48xf32, #tpu.memory_space<vmem_shared>> -> memref<40x48xf32, #tpu.memory_space<vmem_shared>>
      %dma_start3A_412 = arith.constant 0 : i32
      %dma_start3A_413 = arith.constant 0 : i32
      %dma_start3A_414 = tpu.memref_slice %arg14[%dma_start3A_412, %dma_start3A_413] : memref<50x48xf32, #tpu.memory_space<vmem>> -> memref<40x48xf32, #tpu.memory_space<vmem>>
      tpu.enqueue_dma source(%dma_start3A_414 : memref<40x48xf32, #tpu.memory_space<vmem>>) target(%dma_start3A_411 : memref<40x48xf32, #tpu.memory_space<vmem_shared>>) target_semaphore(%arg49 : memref<!tpu.dma_semaphore, #tpu.memory_space<semaphore_mem>>)
    } else {
    }
    %add3A_26 = arith.constant 32 : i32
    %add3A_27 = arith.addi %arg1, %add3A_26 : i32
    %lt3A_28 = arith.constant 250 : i32
    %lt3A_29 = arith.cmpi slt, %add3A_27, %lt3A_28 : i32
    %convert_element_type3A_30 = arith.extui %lt3A_29 : i1 to i32
    %cond3A_31 = arith.constant 0 : i32
    %cond3A_32 = arith.cmpi ne, %convert_element_type3A_30, %cond3A_31 : i32
    scf.if %cond3A_32 {
      %mul3A_403 = arith.constant 40 : i32
      %mul3A_404 = arith.muli %add3A_27, %mul3A_403 : i32
      %dma_start3A_405 = arith.constant 0 : i32
      %dma_start3A_406 = arith.constant 0 : i32
      %dma_start3A_407 = tpu.memref_slice %arg14[%dma_start3A_405, %dma_start3A_406] : memref<50x48xf32, #tpu.memory_space<vmem>> -> memref<40x48xf32, #tpu.memory_space<vmem>>
      %dma_start3A_408 = arith.constant 0 : i32
      %dma_start3A_409 = tpu.memref_slice %arg22[%mul3A_404, %dma_start3A_408] : memref<10000x48xf32, #tpu.memory_space<vmem_shared>> -> memref<40x48xf32, #tpu.memory_space<vmem_shared>>
      %dma_start3A_410 = arith.constant 0 : i32
      %dma_start3A_411 = tpu.memref_slice %arg22[%mul3A_404, %dma_start3A_410] : memref<10000x48xf32, #tpu.memory_space<vmem_shared>> -> memref<40x48xf32, #tpu.memory_space<vmem_shared>>
      %dma_start3A_412 = arith.constant 0 : i32
      %dma_start3A_413 = arith.constant 0 : i32
      %dma_start3A_414 = tpu.memref_slice %arg14[%dma_start3A_412, %dma_start3A_413] : memref<50x48xf32, #tpu.memory_space<vmem>> -> memref<40x48xf32, #tpu.memory_space<vmem>>
      tpu.enqueue_dma source(%dma_start3A_414 : memref<40x48xf32, #tpu.memory_space<vmem>>) target(%dma_start3A_411 : memref<40x48xf32, #tpu.memory_space<vmem_shared>>) target_semaphore(%arg49 : memref<!tpu.dma_semaphore, #tpu.memory_space<semaphore_mem>>)
    } else {
    }
    %add3A_33 = arith.constant 48 : i32
    %add3A_34 = arith.addi %arg1, %add3A_33 : i32
    %lt3A_35 = arith.constant 250 : i32
    %lt3A_36 = arith.cmpi slt, %add3A_34, %lt3A_35 : i32
    %convert_element_type3A_37 = arith.extui %lt3A_36 : i1 to i32
    %cond3A_38 = arith.constant 0 : i32
    %cond3A_39 = arith.cmpi ne, %convert_element_type3A_37, %cond3A_38 : i32
    scf.if %cond3A_39 {
      %mul3A_403 = arith.constant 40 : i32
      %mul3A_404 = arith.muli %add3A_34, %mul3A_403 : i32
      %dma_start3A_405 = arith.constant 0 : i32
      %dma_start3A_406 = arith.constant 0 : i32
      %dma_start3A_407 = tpu.memref_slice %arg14[%dma_start3A_405, %dma_start3A_406] : memref<50x48xf32, #tpu.memory_space<vmem>> -> memref<40x48xf32, #tpu.memory_space<vmem>>
      %dma_start3A_408 = arith.constant 0 : i32
      %dma_start3A_409 = tpu.memref_slice %arg22[%mul3A_404, %dma_start3A_408] : memref<10000x48xf32, #tpu.memory_space<vmem_shared>> -> memref<40x48xf32, #tpu.memory_space<vmem_shared>>
      %dma_start3A_410 = arith.constant 0 : i32
      %dma_start3A_411 = tpu.memref_slice %arg22[%mul3A_404, %dma_start3A_410] : memref<10000x48xf32, #tpu.memory_space<vmem_shared>> -> memref<40x48xf32, #tpu.memory_space<vmem_shared>>
      %dma_start3A_412 = arith.constant 0 : i32
      %dma_start3A_413 = arith.constant 0 : i32
      %dma_start3A_414 = tpu.memref_slice %arg14[%dma_start3A_412, %dma_start3A_413] : memref<50x48xf32, #tpu.memory_space<vmem>> -> memref<40x48xf32, #tpu.memory_space<vmem>>
      tpu.enqueue_dma source(%dma_start3A_414 : memref<40x48xf32, #tpu.memory_space<vmem>>) target(%dma_start3A_411 : memref<40x48xf32, #tpu.memory_space<vmem_shared>>) target_semaphore(%arg49 : memref<!tpu.dma_semaphore, #tpu.memory_space<semaphore_mem>>)
    } else {
    }
    %add3A_40 = arith.constant 64 : i32
    %add3A_41 = arith.addi %arg1, %add3A_40 : i32
    %lt3A_42 = arith.constant 250 : i32
    %lt3A_43 = arith.cmpi slt, %add3A_41, %lt3A_42 : i32
    %convert_element_type3A_44 = arith.extui %lt3A_43 : i1 to i32
    %cond3A_45 = arith.constant 0 : i32
    %cond3A_46 = arith.cmpi ne, %convert_element_type3A_44, %cond3A_45 : i32
    scf.if %cond3A_46 {
      %mul3A_403 = arith.constant 40 : i32
      %mul3A_404 = arith.muli %add3A_41, %mul3A_403 : i32
      %dma_start3A_405 = arith.constant 0 : i32
      %dma_start3A_406 = arith.constant 0 : i32
      %dma_start3A_407 = tpu.memref_slice %arg14[%dma_start3A_405, %dma_start3A_406] : memref<50x48xf32, #tpu.memory_space<vmem>> -> memref<40x48xf32, #tpu.memory_space<vmem>>
      %dma_start3A_408 = arith.constant 0 : i32
      %dma_start3A_409 = tpu.memref_slice %arg22[%mul3A_404, %dma_start3A_408] : memref<10000x48xf32, #tpu.memory_space<vmem_shared>> -> memref<40x48xf32, #tpu.memory_space<vmem_shared>>
      %dma_start3A_410 = arith.constant 0 : i32
      %dma_start3A_411 = tpu.memref_slice %arg22[%mul3A_404, %dma_start3A_410] : memref<10000x48xf32, #tpu.memory_space<vmem_shared>> -> memref<40x48xf32, #tpu.memory_space<vmem_shared>>
      %dma_start3A_412 = arith.constant 0 : i32
      %dma_start3A_413 = arith.constant 0 : i32
      %dma_start3A_414 = tpu.memref_slice %arg14[%dma_start3A_412, %dma_start3A_413] : memref<50x48xf32, #tpu.memory_space<vmem>> -> memref<40x48xf32, #tpu.memory_space<vmem>>
      tpu.enqueue_dma source(%dma_start3A_414 : memref<40x48xf32, #tpu.memory_space<vmem>>) target(%dma_start3A_411 : memref<40x48xf32, #tpu.memory_space<vmem_shared>>) target_semaphore(%arg49 : memref<!tpu.dma_semaphore, #tpu.memory_space<semaphore_mem>>)
    } else {
    }
    %add3A_47 = arith.constant 80 : i32
    %add3A_48 = arith.addi %arg1, %add3A_47 : i32
    %lt3A_49 = arith.constant 250 : i32
    %lt3A_50 = arith.cmpi slt, %add3A_48, %lt3A_49 : i32
    %convert_element_type3A_51 = arith.extui %lt3A_50 : i1 to i32
    %cond3A_52 = arith.constant 0 : i32
    %cond3A_53 = arith.cmpi ne, %convert_element_type3A_51, %cond3A_52 : i32
    scf.if %cond3A_53 {
      %mul3A_403 = arith.constant 40 : i32
      %mul3A_404 = arith.muli %add3A_48, %mul3A_403 : i32
      %dma_start3A_405 = arith.constant 0 : i32
      %dma_start3A_406 = arith.constant 0 : i32
      %dma_start3A_407 = tpu.memref_slice %arg14[%dma_start3A_405, %dma_start3A_406] : memref<50x48xf32, #tpu.memory_space<vmem>> -> memref<40x48xf32, #tpu.memory_space<vmem>>
      %dma_start3A_408 = arith.constant 0 : i32
      %dma_start3A_409 = tpu.memref_slice %arg22[%mul3A_404, %dma_start3A_408] : memref<10000x48xf32, #tpu.memory_space<vmem_shared>> -> memref<40x48xf32, #tpu.memory_space<vmem_shared>>
      %dma_start3A_410 = arith.constant 0 : i32
      %dma_start3A_411 = tpu.memref_slice %arg22[%mul3A_404, %dma_start3A_410] : memref<10000x48xf32, #tpu.memory_space<vmem_shared>> -> memref<40x48xf32, #tpu.memory_space<vmem_shared>>
      %dma_start3A_412 = arith.constant 0 : i32
      %dma_start3A_413 = arith.constant 0 : i32
      %dma_start3A_414 = tpu.memref_slice %arg14[%dma_start3A_412, %dma_start3A_413] : memref<50x48xf32, #tpu.memory_space<vmem>> -> memref<40x48xf32, #tpu.memory_space<vmem>>
      tpu.enqueue_dma source(%dma_start3A_414 : memref<40x48xf32, #tpu.memory_space<vmem>>) target(%dma_start3A_411 : memref<40x48xf32, #tpu.memory_space<vmem_shared>>) target_semaphore(%arg49 : memref<!tpu.dma_semaphore, #tpu.memory_space<semaphore_mem>>)
    } else {
    }
    %add3A_54 = arith.constant 96 : i32
    %add3A_55 = arith.addi %arg1, %add3A_54 : i32
    %lt3A_56 = arith.constant 250 : i32
    %lt3A_57 = arith.cmpi slt, %add3A_55, %lt3A_56 : i32
    %convert_element_type3A_58 = arith.extui %lt3A_57 : i1 to i32
    %cond3A_59 = arith.constant 0 : i32
    %cond3A_60 = arith.cmpi ne, %convert_element_type3A_58, %cond3A_59 : i32
    scf.if %cond3A_60 {
      %mul3A_403 = arith.constant 40 : i32
      %mul3A_404 = arith.muli %add3A_55, %mul3A_403 : i32
      %dma_start3A_405 = arith.constant 0 : i32
      %dma_start3A_406 = arith.constant 0 : i32
      %dma_start3A_407 = tpu.memref_slice %arg14[%dma_start3A_405, %dma_start3A_406] : memref<50x48xf32, #tpu.memory_space<vmem>> -> memref<40x48xf32, #tpu.memory_space<vmem>>
      %dma_start3A_408 = arith.constant 0 : i32
      %dma_start3A_409 = tpu.memref_slice %arg22[%mul3A_404, %dma_start3A_408] : memref<10000x48xf32, #tpu.memory_space<vmem_shared>> -> memref<40x48xf32, #tpu.memory_space<vmem_shared>>
      %dma_start3A_410 = arith.constant 0 : i32
      %dma_start3A_411 = tpu.memref_slice %arg22[%mul3A_404, %dma_start3A_410] : memref<10000x48xf32, #tpu.memory_space<vmem_shared>> -> memref<40x48xf32, #tpu.memory_space<vmem_shared>>
      %dma_start3A_412 = arith.constant 0 : i32
      %dma_start3A_413 = arith.constant 0 : i32
      %dma_start3A_414 = tpu.memref_slice %arg14[%dma_start3A_412, %dma_start3A_413] : memref<50x48xf32, #tpu.memory_space<vmem>> -> memref<40x48xf32, #tpu.memory_space<vmem>>
      tpu.enqueue_dma source(%dma_start3A_414 : memref<40x48xf32, #tpu.memory_space<vmem>>) target(%dma_start3A_411 : memref<40x48xf32, #tpu.memory_space<vmem_shared>>) target_semaphore(%arg49 : memref<!tpu.dma_semaphore, #tpu.memory_space<semaphore_mem>>)
    } else {
    }
    %add3A_61 = arith.constant 112 : i32
    %add3A_62 = arith.addi %arg1, %add3A_61 : i32
    %lt3A_63 = arith.constant 250 : i32
    %lt3A_64 = arith.cmpi slt, %add3A_62, %lt3A_63 : i32
    %convert_element_type3A_65 = arith.extui %lt3A_64 : i1 to i32
    %cond3A_66 = arith.constant 0 : i32
    %cond3A_67 = arith.cmpi ne, %convert_element_type3A_65, %cond3A_66 : i32
    scf.if %cond3A_67 {
      %mul3A_403 = arith.constant 40 : i32
      %mul3A_404 = arith.muli %add3A_62, %mul3A_403 : i32
      %dma_start3A_405 = arith.constant 0 : i32
      %dma_start3A_406 = arith.constant 0 : i32
      %dma_start3A_407 = tpu.memref_slice %arg14[%dma_start3A_405, %dma_start3A_406] : memref<50x48xf32, #tpu.memory_space<vmem>> -> memref<40x48xf32, #tpu.memory_space<vmem>>
      %dma_start3A_408 = arith.constant 0 : i32
      %dma_start3A_409 = tpu.memref_slice %arg22[%mul3A_404, %dma_start3A_408] : memref<10000x48xf32, #tpu.memory_space<vmem_shared>> -> memref<40x48xf32, #tpu.memory_space<vmem_shared>>
      %dma_start3A_410 = arith.constant 0 : i32
      %dma_start3A_411 = tpu.memref_slice %arg22[%mul3A_404, %dma_start3A_410] : memref<10000x48xf32, #tpu.memory_space<vmem_shared>> -> memref<40x48xf32, #tpu.memory_space<vmem_shared>>
      %dma_start3A_412 = arith.constant 0 : i32
      %dma_start3A_413 = arith.constant 0 : i32
      %dma_start3A_414 = tpu.memref_slice %arg14[%dma_start3A_412, %dma_start3A_413] : memref<50x48xf32, #tpu.memory_space<vmem>> -> memref<40x48xf32, #tpu.memory_space<vmem>>
      tpu.enqueue_dma source(%dma_start3A_414 : memref<40x48xf32, #tpu.memory_space<vmem>>) target(%dma_start3A_411 : memref<40x48xf32, #tpu.memory_space<vmem_shared>>) target_semaphore(%arg49 : memref<!tpu.dma_semaphore, #tpu.memory_space<semaphore_mem>>)
    } else {
    }
    %add3A_68 = arith.constant 128 : i32
    %add3A_69 = arith.addi %arg1, %add3A_68 : i32
    %lt3A_70 = arith.constant 250 : i32
    %lt3A_71 = arith.cmpi slt, %add3A_69, %lt3A_70 : i32
    %convert_element_type3A_72 = arith.extui %lt3A_71 : i1 to i32
    %cond3A_73 = arith.constant 0 : i32
    %cond3A_74 = arith.cmpi ne, %convert_element_type3A_72, %cond3A_73 : i32
    scf.if %cond3A_74 {
      %mul3A_403 = arith.constant 40 : i32
      %mul3A_404 = arith.muli %add3A_69, %mul3A_403 : i32
      %dma_start3A_405 = arith.constant 0 : i32
      %dma_start3A_406 = arith.constant 0 : i32
      %dma_start3A_407 = tpu.memref_slice %arg14[%dma_start3A_405, %dma_start3A_406] : memref<50x48xf32, #tpu.memory_space<vmem>> -> memref<40x48xf32, #tpu.memory_space<vmem>>
      %dma_start3A_408 = arith.constant 0 : i32
      %dma_start3A_409 = tpu.memref_slice %arg22[%mul3A_404, %dma_start3A_408] : memref<10000x48xf32, #tpu.memory_space<vmem_shared>> -> memref<40x48xf32, #tpu.memory_space<vmem_shared>>
      %dma_start3A_410 = arith.constant 0 : i32
      %dma_start3A_411 = tpu.memref_slice %arg22[%mul3A_404, %dma_start3A_410] : memref<10000x48xf32, #tpu.memory_space<vmem_shared>> -> memref<40x48xf32, #tpu.memory_space<vmem_shared>>
      %dma_start3A_412 = arith.constant 0 : i32
      %dma_start3A_413 = arith.constant 0 : i32
      %dma_start3A_414 = tpu.memref_slice %arg14[%dma_start3A_412, %dma_start3A_413] : memref<50x48xf32, #tpu.memory_space<vmem>> -> memref<40x48xf32, #tpu.memory_space<vmem>>
      tpu.enqueue_dma source(%dma_start3A_414 : memref<40x48xf32, #tpu.memory_space<vmem>>) target(%dma_start3A_411 : memref<40x48xf32, #tpu.memory_space<vmem_shared>>) target_semaphore(%arg49 : memref<!tpu.dma_semaphore, #tpu.memory_space<semaphore_mem>>)
    } else {
    }
    %add3A_75 = arith.constant 144 : i32
    %add3A_76 = arith.addi %arg1, %add3A_75 : i32
    %lt3A_77 = arith.constant 250 : i32
    %lt3A_78 = arith.cmpi slt, %add3A_76, %lt3A_77 : i32
    %convert_element_type3A_79 = arith.extui %lt3A_78 : i1 to i32
    %cond3A_80 = arith.constant 0 : i32
    %cond3A_81 = arith.cmpi ne, %convert_element_type3A_79, %cond3A_80 : i32
    scf.if %cond3A_81 {
      %mul3A_403 = arith.constant 40 : i32
      %mul3A_404 = arith.muli %add3A_76, %mul3A_403 : i32
      %dma_start3A_405 = arith.constant 0 : i32
      %dma_start3A_406 = arith.constant 0 : i32
      %dma_start3A_407 = tpu.memref_slice %arg14[%dma_start3A_405, %dma_start3A_406] : memref<50x48xf32, #tpu.memory_space<vmem>> -> memref<40x48xf32, #tpu.memory_space<vmem>>
      %dma_start3A_408 = arith.constant 0 : i32
      %dma_start3A_409 = tpu.memref_slice %arg22[%mul3A_404, %dma_start3A_408] : memref<10000x48xf32, #tpu.memory_space<vmem_shared>> -> memref<40x48xf32, #tpu.memory_space<vmem_shared>>
      %dma_start3A_410 = arith.constant 0 : i32
      %dma_start3A_411 = tpu.memref_slice %arg22[%mul3A_404, %dma_start3A_410] : memref<10000x48xf32, #tpu.memory_space<vmem_shared>> -> memref<40x48xf32, #tpu.memory_space<vmem_shared>>
      %dma_start3A_412 = arith.constant 0 : i32
      %dma_start3A_413 = arith.constant 0 : i32
      %dma_start3A_414 = tpu.memref_slice %arg14[%dma_start3A_412, %dma_start3A_413] : memref<50x48xf32, #tpu.memory_space<vmem>> -> memref<40x48xf32, #tpu.memory_space<vmem>>
      tpu.enqueue_dma source(%dma_start3A_414 : memref<40x48xf32, #tpu.memory_space<vmem>>) target(%dma_start3A_411 : memref<40x48xf32, #tpu.memory_space<vmem_shared>>) target_semaphore(%arg49 : memref<!tpu.dma_semaphore, #tpu.memory_space<semaphore_mem>>)
    } else {
    }
    %add3A_82 = arith.constant 160 : i32
    %add3A_83 = arith.addi %arg1, %add3A_82 : i32
    %lt3A_84 = arith.constant 250 : i32
    %lt3A_85 = arith.cmpi slt, %add3A_83, %lt3A_84 : i32
    %convert_element_type3A_86 = arith.extui %lt3A_85 : i1 to i32
    %cond3A_87 = arith.constant 0 : i32
    %cond3A_88 = arith.cmpi ne, %convert_element_type3A_86, %cond3A_87 : i32
    scf.if %cond3A_88 {
      %mul3A_403 = arith.constant 40 : i32
      %mul3A_404 = arith.muli %add3A_83, %mul3A_403 : i32
      %dma_start3A_405 = arith.constant 0 : i32
      %dma_start3A_406 = arith.constant 0 : i32
      %dma_start3A_407 = tpu.memref_slice %arg14[%dma_start3A_405, %dma_start3A_406] : memref<50x48xf32, #tpu.memory_space<vmem>> -> memref<40x48xf32, #tpu.memory_space<vmem>>
      %dma_start3A_408 = arith.constant 0 : i32
      %dma_start3A_409 = tpu.memref_slice %arg22[%mul3A_404, %dma_start3A_408] : memref<10000x48xf32, #tpu.memory_space<vmem_shared>> -> memref<40x48xf32, #tpu.memory_space<vmem_shared>>
      %dma_start3A_410 = arith.constant 0 : i32
      %dma_start3A_411 = tpu.memref_slice %arg22[%mul3A_404, %dma_start3A_410] : memref<10000x48xf32, #tpu.memory_space<vmem_shared>> -> memref<40x48xf32, #tpu.memory_space<vmem_shared>>
      %dma_start3A_412 = arith.constant 0 : i32
      %dma_start3A_413 = arith.constant 0 : i32
      %dma_start3A_414 = tpu.memref_slice %arg14[%dma_start3A_412, %dma_start3A_413] : memref<50x48xf32, #tpu.memory_space<vmem>> -> memref<40x48xf32, #tpu.memory_space<vmem>>
      tpu.enqueue_dma source(%dma_start3A_414 : memref<40x48xf32, #tpu.memory_space<vmem>>) target(%dma_start3A_411 : memref<40x48xf32, #tpu.memory_space<vmem_shared>>) target_semaphore(%arg49 : memref<!tpu.dma_semaphore, #tpu.memory_space<semaphore_mem>>)
    } else {
    }
    %add3A_89 = arith.constant 176 : i32
    %add3A_90 = arith.addi %arg1, %add3A_89 : i32
    %lt3A_91 = arith.constant 250 : i32
    %lt3A_92 = arith.cmpi slt, %add3A_90, %lt3A_91 : i32
    %convert_element_type3A_93 = arith.extui %lt3A_92 : i1 to i32
    %cond3A_94 = arith.constant 0 : i32
    %cond3A_95 = arith.cmpi ne, %convert_element_type3A_93, %cond3A_94 : i32
    scf.if %cond3A_95 {
      %mul3A_403 = arith.constant 40 : i32
      %mul3A_404 = arith.muli %add3A_90, %mul3A_403 : i32
      %dma_start3A_405 = arith.constant 0 : i32
      %dma_start3A_406 = arith.constant 0 : i32
      %dma_start3A_407 = tpu.memref_slice %arg14[%dma_start3A_405, %dma_start3A_406] : memref<50x48xf32, #tpu.memory_space<vmem>> -> memref<40x48xf32, #tpu.memory_space<vmem>>
      %dma_start3A_408 = arith.constant 0 : i32
      %dma_start3A_409 = tpu.memref_slice %arg22[%mul3A_404, %dma_start3A_408] : memref<10000x48xf32, #tpu.memory_space<vmem_shared>> -> memref<40x48xf32, #tpu.memory_space<vmem_shared>>
      %dma_start3A_410 = arith.constant 0 : i32
      %dma_start3A_411 = tpu.memref_slice %arg22[%mul3A_404, %dma_start3A_410] : memref<10000x48xf32, #tpu.memory_space<vmem_shared>> -> memref<40x48xf32, #tpu.memory_space<vmem_shared>>
      %dma_start3A_412 = arith.constant 0 : i32
      %dma_start3A_413 = arith.constant 0 : i32
      %dma_start3A_414 = tpu.memref_slice %arg14[%dma_start3A_412, %dma_start3A_413] : memref<50x48xf32, #tpu.memory_space<vmem>> -> memref<40x48xf32, #tpu.memory_space<vmem>>
      tpu.enqueue_dma source(%dma_start3A_414 : memref<40x48xf32, #tpu.memory_space<vmem>>) target(%dma_start3A_411 : memref<40x48xf32, #tpu.memory_space<vmem_shared>>) target_semaphore(%arg49 : memref<!tpu.dma_semaphore, #tpu.memory_space<semaphore_mem>>)
    } else {
    }
    %add3A_96 = arith.constant 192 : i32
    %add3A_97 = arith.addi %arg1, %add3A_96 : i32
    %lt3A_98 = arith.constant 250 : i32
    %lt3A_99 = arith.cmpi slt, %add3A_97, %lt3A_98 : i32
    %convert_element_type3A_100 = arith.extui %lt3A_99 : i1 to i32
    %cond3A_101 = arith.constant 0 : i32
    %cond3A_102 = arith.cmpi ne, %convert_element_type3A_100, %cond3A_101 : i32
    scf.if %cond3A_102 {
      %mul3A_403 = arith.constant 40 : i32
      %mul3A_404 = arith.muli %add3A_97, %mul3A_403 : i32
      %dma_start3A_405 = arith.constant 0 : i32
      %dma_start3A_406 = arith.constant 0 : i32
      %dma_start3A_407 = tpu.memref_slice %arg14[%dma_start3A_405, %dma_start3A_406] : memref<50x48xf32, #tpu.memory_space<vmem>> -> memref<40x48xf32, #tpu.memory_space<vmem>>
      %dma_start3A_408 = arith.constant 0 : i32
      %dma_start3A_409 = tpu.memref_slice %arg22[%mul3A_404, %dma_start3A_408] : memref<10000x48xf32, #tpu.memory_space<vmem_shared>> -> memref<40x48xf32, #tpu.memory_space<vmem_shared>>
      %dma_start3A_410 = arith.constant 0 : i32
      %dma_start3A_411 = tpu.memref_slice %arg22[%mul3A_404, %dma_start3A_410] : memref<10000x48xf32, #tpu.memory_space<vmem_shared>> -> memref<40x48xf32, #tpu.memory_space<vmem_shared>>
      %dma_start3A_412 = arith.constant 0 : i32
      %dma_start3A_413 = arith.constant 0 : i32
      %dma_start3A_414 = tpu.memref_slice %arg14[%dma_start3A_412, %dma_start3A_413] : memref<50x48xf32, #tpu.memory_space<vmem>> -> memref<40x48xf32, #tpu.memory_space<vmem>>
      tpu.enqueue_dma source(%dma_start3A_414 : memref<40x48xf32, #tpu.memory_space<vmem>>) target(%dma_start3A_411 : memref<40x48xf32, #tpu.memory_space<vmem_shared>>) target_semaphore(%arg49 : memref<!tpu.dma_semaphore, #tpu.memory_space<semaphore_mem>>)
    } else {
    }
    %add3A_103 = arith.constant 208 : i32
    %add3A_104 = arith.addi %arg1, %add3A_103 : i32
    %lt3A_105 = arith.constant 250 : i32
    %lt3A_106 = arith.cmpi slt, %add3A_104, %lt3A_105 : i32
    %convert_element_type3A_107 = arith.extui %lt3A_106 : i1 to i32
    %cond3A_108 = arith.constant 0 : i32
    %cond3A_109 = arith.cmpi ne, %convert_element_type3A_107, %cond3A_108 : i32
    scf.if %cond3A_109 {
      %mul3A_403 = arith.constant 40 : i32
      %mul3A_404 = arith.muli %add3A_104, %mul3A_403 : i32
      %dma_start3A_405 = arith.constant 0 : i32
      %dma_start3A_406 = arith.constant 0 : i32
      %dma_start3A_407 = tpu.memref_slice %arg14[%dma_start3A_405, %dma_start3A_406] : memref<50x48xf32, #tpu.memory_space<vmem>> -> memref<40x48xf32, #tpu.memory_space<vmem>>
      %dma_start3A_408 = arith.constant 0 : i32
      %dma_start3A_409 = tpu.memref_slice %arg22[%mul3A_404, %dma_start3A_408] : memref<10000x48xf32, #tpu.memory_space<vmem_shared>> -> memref<40x48xf32, #tpu.memory_space<vmem_shared>>
      %dma_start3A_410 = arith.constant 0 : i32
      %dma_start3A_411 = tpu.memref_slice %arg22[%mul3A_404, %dma_start3A_410] : memref<10000x48xf32, #tpu.memory_space<vmem_shared>> -> memref<40x48xf32, #tpu.memory_space<vmem_shared>>
      %dma_start3A_412 = arith.constant 0 : i32
      %dma_start3A_413 = arith.constant 0 : i32
      %dma_start3A_414 = tpu.memref_slice %arg14[%dma_start3A_412, %dma_start3A_413] : memref<50x48xf32, #tpu.memory_space<vmem>> -> memref<40x48xf32, #tpu.memory_space<vmem>>
      tpu.enqueue_dma source(%dma_start3A_414 : memref<40x48xf32, #tpu.memory_space<vmem>>) target(%dma_start3A_411 : memref<40x48xf32, #tpu.memory_space<vmem_shared>>) target_semaphore(%arg49 : memref<!tpu.dma_semaphore, #tpu.memory_space<semaphore_mem>>)
    } else {
    }
    %add3A_110 = arith.constant 224 : i32
    %add3A_111 = arith.addi %arg1, %add3A_110 : i32
    %lt3A_112 = arith.constant 250 : i32
    %lt3A_113 = arith.cmpi slt, %add3A_111, %lt3A_112 : i32
    %convert_element_type3A_114 = arith.extui %lt3A_113 : i1 to i32
    %cond3A_115 = arith.constant 0 : i32
    %cond3A_116 = arith.cmpi ne, %convert_element_type3A_114, %cond3A_115 : i32
    scf.if %cond3A_116 {
      %mul3A_403 = arith.constant 40 : i32
      %mul3A_404 = arith.muli %add3A_111, %mul3A_403 : i32
      %dma_start3A_405 = arith.constant 0 : i32
      %dma_start3A_406 = arith.constant 0 : i32
      %dma_start3A_407 = tpu.memref_slice %arg14[%dma_start3A_405, %dma_start3A_406] : memref<50x48xf32, #tpu.memory_space<vmem>> -> memref<40x48xf32, #tpu.memory_space<vmem>>
      %dma_start3A_408 = arith.constant 0 : i32
      %dma_start3A_409 = tpu.memref_slice %arg22[%mul3A_404, %dma_start3A_408] : memref<10000x48xf32, #tpu.memory_space<vmem_shared>> -> memref<40x48xf32, #tpu.memory_space<vmem_shared>>
      %dma_start3A_410 = arith.constant 0 : i32
      %dma_start3A_411 = tpu.memref_slice %arg22[%mul3A_404, %dma_start3A_410] : memref<10000x48xf32, #tpu.memory_space<vmem_shared>> -> memref<40x48xf32, #tpu.memory_space<vmem_shared>>
      %dma_start3A_412 = arith.constant 0 : i32
      %dma_start3A_413 = arith.constant 0 : i32
      %dma_start3A_414 = tpu.memref_slice %arg14[%dma_start3A_412, %dma_start3A_413] : memref<50x48xf32, #tpu.memory_space<vmem>> -> memref<40x48xf32, #tpu.memory_space<vmem>>
      tpu.enqueue_dma source(%dma_start3A_414 : memref<40x48xf32, #tpu.memory_space<vmem>>) target(%dma_start3A_411 : memref<40x48xf32, #tpu.memory_space<vmem_shared>>) target_semaphore(%arg49 : memref<!tpu.dma_semaphore, #tpu.memory_space<semaphore_mem>>)
    } else {
    }
    %add3A_117 = arith.constant 240 : i32
    %add3A_118 = arith.addi %arg1, %add3A_117 : i32
    %lt3A_119 = arith.constant 250 : i32
    %lt3A_120 = arith.cmpi slt, %add3A_118, %lt3A_119 : i32
    %convert_element_type3A_121 = arith.extui %lt3A_120 : i1 to i32
    %cond3A_122 = arith.constant 0 : i32
    %cond3A_123 = arith.cmpi ne, %convert_element_type3A_121, %cond3A_122 : i32
    scf.if %cond3A_123 {
      %mul3A_403 = arith.constant 40 : i32
      %mul3A_404 = arith.muli %add3A_118, %mul3A_403 : i32
      %dma_start3A_405 = arith.constant 0 : i32
      %dma_start3A_406 = arith.constant 0 : i32
      %dma_start3A_407 = tpu.memref_slice %arg14[%dma_start3A_405, %dma_start3A_406] : memref<50x48xf32, #tpu.memory_space<vmem>> -> memref<40x48xf32, #tpu.memory_space<vmem>>
      %dma_start3A_408 = arith.constant 0 : i32
      %dma_start3A_409 = tpu.memref_slice %arg22[%mul3A_404, %dma_start3A_408] : memref<10000x48xf32, #tpu.memory_space<vmem_shared>> -> memref<40x48xf32, #tpu.memory_space<vmem_shared>>
      %dma_start3A_410 = arith.constant 0 : i32
      %dma_start3A_411 = tpu.memref_slice %arg22[%mul3A_404, %dma_start3A_410] : memref<10000x48xf32, #tpu.memory_space<vmem_shared>> -> memref<40x48xf32, #tpu.memory_space<vmem_shared>>
      %dma_start3A_412 = arith.constant 0 : i32
      %dma_start3A_413 = arith.constant 0 : i32
      %dma_start3A_414 = tpu.memref_slice %arg14[%dma_start3A_412, %dma_start3A_413] : memref<50x48xf32, #tpu.memory_space<vmem>> -> memref<40x48xf32, #tpu.memory_space<vmem>>
      tpu.enqueue_dma source(%dma_start3A_414 : memref<40x48xf32, #tpu.memory_space<vmem>>) target(%dma_start3A_411 : memref<40x48xf32, #tpu.memory_space<vmem_shared>>) target_semaphore(%arg49 : memref<!tpu.dma_semaphore, #tpu.memory_space<semaphore_mem>>)
    } else {
    }
    %add3A_124 = arith.constant 0 : i32
    %add3A_125 = arith.addi %arg1, %add3A_124 : i32
    %lt3A_126 = arith.constant 250 : i32
    %lt3A_127 = arith.cmpi slt, %add3A_125, %lt3A_126 : i32
    %convert_element_type3A_128 = arith.extui %lt3A_127 : i1 to i32
    %cond3A_129 = arith.constant 0 : i32
    %cond3A_130 = arith.cmpi ne, %convert_element_type3A_128, %cond3A_129 : i32
    scf.if %cond3A_130 {
      %dma_wait3A_403 = arith.constant 0 : i32
      %dma_wait3A_404 = arith.constant 0 : i32
      %dma_wait3A_405 = tpu.memref_slice %arg14[%dma_wait3A_403, %dma_wait3A_404] : memref<50x48xf32, #tpu.memory_space<vmem>> -> memref<40x48xf32, #tpu.memory_space<vmem>>
      %dma_wait3A_406 = arith.constant 0 : i32
      %dma_wait3A_407 = arith.constant 0 : i32
      %dma_wait3A_408 = tpu.memref_slice %arg22[%dma_wait3A_406, %dma_wait3A_407] : memref<10000x48xf32, #tpu.memory_space<vmem_shared>> -> memref<40x48xf32, #tpu.memory_space<vmem_shared>>
      %dma_wait3A_409 = arith.constant 0 : i32
      %dma_wait3A_410 = arith.constant 0 : i32
      %dma_wait3A_411 = tpu.memref_slice %arg22[%dma_wait3A_409, %dma_wait3A_410] : memref<10000x48xf32, #tpu.memory_space<vmem_shared>> -> memref<40x48xf32, #tpu.memory_space<vmem_shared>>
      %dma_wait3A_412 = arith.constant 0 : i32
      %dma_wait3A_413 = arith.constant 0 : i32
      %dma_wait3A_414 = tpu.memref_slice %arg14[%dma_wait3A_412, %dma_wait3A_413] : memref<50x48xf32, #tpu.memory_space<vmem>> -> memref<40x48xf32, #tpu.memory_space<vmem>>
      tpu.wait_dma2 semaphore(%arg49 : memref<!tpu.dma_semaphore, #tpu.memory_space<semaphore_mem>>) src(%dma_wait3A_414 : memref<40x48xf32, #tpu.memory_space<vmem>>) dst(%dma_wait3A_411 : memref<40x48xf32, #tpu.memory_space<vmem_shared>>)
    } else {
    }
    %add3A_131 = arith.constant 16 : i32
    %add3A_132 = arith.addi %arg1, %add3A_131 : i32
    %lt3A_133 = arith.constant 250 : i32
    %lt3A_134 = arith.cmpi slt, %add3A_132, %lt3A_133 : i32
    %convert_element_type3A_135 = arith.extui %lt3A_134 : i1 to i32
    %cond3A_136 = arith.constant 0 : i32
    %cond3A_137 = arith.cmpi ne, %convert_element_type3A_135, %cond3A_136 : i32
    scf.if %cond3A_137 {
      %dma_wait3A_403 = arith.constant 0 : i32
      %dma_wait3A_404 = arith.constant 0 : i32
      %dma_wait3A_405 = tpu.memref_slice %arg14[%dma_wait3A_403, %dma_wait3A_404] : memref<50x48xf32, #tpu.memory_space<vmem>> -> memref<40x48xf32, #tpu.memory_space<vmem>>
      %dma_wait3A_406 = arith.constant 0 : i32
      %dma_wait3A_407 = arith.constant 0 : i32
      %dma_wait3A_408 = tpu.memref_slice %arg22[%dma_wait3A_406, %dma_wait3A_407] : memref<10000x48xf32, #tpu.memory_space<vmem_shared>> -> memref<40x48xf32, #tpu.memory_space<vmem_shared>>
      %dma_wait3A_409 = arith.constant 0 : i32
      %dma_wait3A_410 = arith.constant 0 : i32
      %dma_wait3A_411 = tpu.memref_slice %arg22[%dma_wait3A_409, %dma_wait3A_410] : memref<10000x48xf32, #tpu.memory_space<vmem_shared>> -> memref<40x48xf32, #tpu.memory_space<vmem_shared>>
      %dma_wait3A_412 = arith.constant 0 : i32
      %dma_wait3A_413 = arith.constant 0 : i32
      %dma_wait3A_414 = tpu.memref_slice %arg14[%dma_wait3A_412, %dma_wait3A_413] : memref<50x48xf32, #tpu.memory_space<vmem>> -> memref<40x48xf32, #tpu.memory_space<vmem>>
      tpu.wait_dma2 semaphore(%arg49 : memref<!tpu.dma_semaphore, #tpu.memory_space<semaphore_mem>>) src(%dma_wait3A_414 : memref<40x48xf32, #tpu.memory_space<vmem>>) dst(%dma_wait3A_411 : memref<40x48xf32, #tpu.memory_space<vmem_shared>>)
    } else {
    }
    %add3A_138 = arith.constant 32 : i32
    %add3A_139 = arith.addi %arg1, %add3A_138 : i32
    %lt3A_140 = arith.constant 250 : i32
    %lt3A_141 = arith.cmpi slt, %add3A_139, %lt3A_140 : i32
    %convert_element_type3A_142 = arith.extui %lt3A_141 : i1 to i32
    %cond3A_143 = arith.constant 0 : i32
    %cond3A_144 = arith.cmpi ne, %convert_element_type3A_142, %cond3A_143 : i32
    scf.if %cond3A_144 {
      %dma_wait3A_403 = arith.constant 0 : i32
      %dma_wait3A_404 = arith.constant 0 : i32
      %dma_wait3A_405 = tpu.memref_slice %arg14[%dma_wait3A_403, %dma_wait3A_404] : memref<50x48xf32, #tpu.memory_space<vmem>> -> memref<40x48xf32, #tpu.memory_space<vmem>>
      %dma_wait3A_406 = arith.constant 0 : i32
      %dma_wait3A_407 = arith.constant 0 : i32
      %dma_wait3A_408 = tpu.memref_slice %arg22[%dma_wait3A_406, %dma_wait3A_407] : memref<10000x48xf32, #tpu.memory_space<vmem_shared>> -> memref<40x48xf32, #tpu.memory_space<vmem_shared>>
      %dma_wait3A_409 = arith.constant 0 : i32
      %dma_wait3A_410 = arith.constant 0 : i32
      %dma_wait3A_411 = tpu.memref_slice %arg22[%dma_wait3A_409, %dma_wait3A_410] : memref<10000x48xf32, #tpu.memory_space<vmem_shared>> -> memref<40x48xf32, #tpu.memory_space<vmem_shared>>
      %dma_wait3A_412 = arith.constant 0 : i32
      %dma_wait3A_413 = arith.constant 0 : i32
      %dma_wait3A_414 = tpu.memref_slice %arg14[%dma_wait3A_412, %dma_wait3A_413] : memref<50x48xf32, #tpu.memory_space<vmem>> -> memref<40x48xf32, #tpu.memory_space<vmem>>
      tpu.wait_dma2 semaphore(%arg49 : memref<!tpu.dma_semaphore, #tpu.memory_space<semaphore_mem>>) src(%dma_wait3A_414 : memref<40x48xf32, #tpu.memory_space<vmem>>) dst(%dma_wait3A_411 : memref<40x48xf32, #tpu.memory_space<vmem_shared>>)
    } else {
    }
    %add3A_145 = arith.constant 48 : i32
    %add3A_146 = arith.addi %arg1, %add3A_145 : i32
    %lt3A_147 = arith.constant 250 : i32
    %lt3A_148 = arith.cmpi slt, %add3A_146, %lt3A_147 : i32
    %convert_element_type3A_149 = arith.extui %lt3A_148 : i1 to i32
    %cond3A_150 = arith.constant 0 : i32
    %cond3A_151 = arith.cmpi ne, %convert_element_type3A_149, %cond3A_150 : i32
    scf.if %cond3A_151 {
      %dma_wait3A_403 = arith.constant 0 : i32
      %dma_wait3A_404 = arith.constant 0 : i32
      %dma_wait3A_405 = tpu.memref_slice %arg14[%dma_wait3A_403, %dma_wait3A_404] : memref<50x48xf32, #tpu.memory_space<vmem>> -> memref<40x48xf32, #tpu.memory_space<vmem>>
      %dma_wait3A_406 = arith.constant 0 : i32
      %dma_wait3A_407 = arith.constant 0 : i32
      %dma_wait3A_408 = tpu.memref_slice %arg22[%dma_wait3A_406, %dma_wait3A_407] : memref<10000x48xf32, #tpu.memory_space<vmem_shared>> -> memref<40x48xf32, #tpu.memory_space<vmem_shared>>
      %dma_wait3A_409 = arith.constant 0 : i32
      %dma_wait3A_410 = arith.constant 0 : i32
      %dma_wait3A_411 = tpu.memref_slice %arg22[%dma_wait3A_409, %dma_wait3A_410] : memref<10000x48xf32, #tpu.memory_space<vmem_shared>> -> memref<40x48xf32, #tpu.memory_space<vmem_shared>>
      %dma_wait3A_412 = arith.constant 0 : i32
      %dma_wait3A_413 = arith.constant 0 : i32
      %dma_wait3A_414 = tpu.memref_slice %arg14[%dma_wait3A_412, %dma_wait3A_413] : memref<50x48xf32, #tpu.memory_space<vmem>> -> memref<40x48xf32, #tpu.memory_space<vmem>>
      tpu.wait_dma2 semaphore(%arg49 : memref<!tpu.dma_semaphore, #tpu.memory_space<semaphore_mem>>) src(%dma_wait3A_414 : memref<40x48xf32, #tpu.memory_space<vmem>>) dst(%dma_wait3A_411 : memref<40x48xf32, #tpu.memory_space<vmem_shared>>)
    } else {
    }
    %add3A_152 = arith.constant 64 : i32
    %add3A_153 = arith.addi %arg1, %add3A_152 : i32
    %lt3A_154 = arith.constant 250 : i32
    %lt3A_155 = arith.cmpi slt, %add3A_153, %lt3A_154 : i32
    %convert_element_type3A_156 = arith.extui %lt3A_155 : i1 to i32
    %cond3A_157 = arith.constant 0 : i32
    %cond3A_158 = arith.cmpi ne, %convert_element_type3A_156, %cond3A_157 : i32
    scf.if %cond3A_158 {
      %dma_wait3A_403 = arith.constant 0 : i32
      %dma_wait3A_404 = arith.constant 0 : i32
      %dma_wait3A_405 = tpu.memref_slice %arg14[%dma_wait3A_403, %dma_wait3A_404] : memref<50x48xf32, #tpu.memory_space<vmem>> -> memref<40x48xf32, #tpu.memory_space<vmem>>
      %dma_wait3A_406 = arith.constant 0 : i32
      %dma_wait3A_407 = arith.constant 0 : i32
      %dma_wait3A_408 = tpu.memref_slice %arg22[%dma_wait3A_406, %dma_wait3A_407] : memref<10000x48xf32, #tpu.memory_space<vmem_shared>> -> memref<40x48xf32, #tpu.memory_space<vmem_shared>>
      %dma_wait3A_409 = arith.constant 0 : i32
      %dma_wait3A_410 = arith.constant 0 : i32
      %dma_wait3A_411 = tpu.memref_slice %arg22[%dma_wait3A_409, %dma_wait3A_410] : memref<10000x48xf32, #tpu.memory_space<vmem_shared>> -> memref<40x48xf32, #tpu.memory_space<vmem_shared>>
      %dma_wait3A_412 = arith.constant 0 : i32
      %dma_wait3A_413 = arith.constant 0 : i32
      %dma_wait3A_414 = tpu.memref_slice %arg14[%dma_wait3A_412, %dma_wait3A_413] : memref<50x48xf32, #tpu.memory_space<vmem>> -> memref<40x48xf32, #tpu.memory_space<vmem>>
      tpu.wait_dma2 semaphore(%arg49 : memref<!tpu.dma_semaphore, #tpu.memory_space<semaphore_mem>>) src(%dma_wait3A_414 : memref<40x48xf32, #tpu.memory_space<vmem>>) dst(%dma_wait3A_411 : memref<40x48xf32, #tpu.memory_space<vmem_shared>>)
    } else {
    }
    %add3A_159 = arith.constant 80 : i32
    %add3A_160 = arith.addi %arg1, %add3A_159 : i32
    %lt3A_161 = arith.constant 250 : i32
    %lt3A_162 = arith.cmpi slt, %add3A_160, %lt3A_161 : i32
    %convert_element_type3A_163 = arith.extui %lt3A_162 : i1 to i32
    %cond3A_164 = arith.constant 0 : i32
    %cond3A_165 = arith.cmpi ne, %convert_element_type3A_163, %cond3A_164 : i32
    scf.if %cond3A_165 {
      %dma_wait3A_403 = arith.constant 0 : i32
      %dma_wait3A_404 = arith.constant 0 : i32
      %dma_wait3A_405 = tpu.memref_slice %arg14[%dma_wait3A_403, %dma_wait3A_404] : memref<50x48xf32, #tpu.memory_space<vmem>> -> memref<40x48xf32, #tpu.memory_space<vmem>>
      %dma_wait3A_406 = arith.constant 0 : i32
      %dma_wait3A_407 = arith.constant 0 : i32
      %dma_wait3A_408 = tpu.memref_slice %arg22[%dma_wait3A_406, %dma_wait3A_407] : memref<10000x48xf32, #tpu.memory_space<vmem_shared>> -> memref<40x48xf32, #tpu.memory_space<vmem_shared>>
      %dma_wait3A_409 = arith.constant 0 : i32
      %dma_wait3A_410 = arith.constant 0 : i32
      %dma_wait3A_411 = tpu.memref_slice %arg22[%dma_wait3A_409, %dma_wait3A_410] : memref<10000x48xf32, #tpu.memory_space<vmem_shared>> -> memref<40x48xf32, #tpu.memory_space<vmem_shared>>
      %dma_wait3A_412 = arith.constant 0 : i32
      %dma_wait3A_413 = arith.constant 0 : i32
      %dma_wait3A_414 = tpu.memref_slice %arg14[%dma_wait3A_412, %dma_wait3A_413] : memref<50x48xf32, #tpu.memory_space<vmem>> -> memref<40x48xf32, #tpu.memory_space<vmem>>
      tpu.wait_dma2 semaphore(%arg49 : memref<!tpu.dma_semaphore, #tpu.memory_space<semaphore_mem>>) src(%dma_wait3A_414 : memref<40x48xf32, #tpu.memory_space<vmem>>) dst(%dma_wait3A_411 : memref<40x48xf32, #tpu.memory_space<vmem_shared>>)
    } else {
    }
    %add3A_166 = arith.constant 96 : i32
    %add3A_167 = arith.addi %arg1, %add3A_166 : i32
    %lt3A_168 = arith.constant 250 : i32
    %lt3A_169 = arith.cmpi slt, %add3A_167, %lt3A_168 : i32
    %convert_element_type3A_170 = arith.extui %lt3A_169 : i1 to i32
    %cond3A_171 = arith.constant 0 : i32
    %cond3A_172 = arith.cmpi ne, %convert_element_type3A_170, %cond3A_171 : i32
    scf.if %cond3A_172 {
      %dma_wait3A_403 = arith.constant 0 : i32
      %dma_wait3A_404 = arith.constant 0 : i32
      %dma_wait3A_405 = tpu.memref_slice %arg14[%dma_wait3A_403, %dma_wait3A_404] : memref<50x48xf32, #tpu.memory_space<vmem>> -> memref<40x48xf32, #tpu.memory_space<vmem>>
      %dma_wait3A_406 = arith.constant 0 : i32
      %dma_wait3A_407 = arith.constant 0 : i32
      %dma_wait3A_408 = tpu.memref_slice %arg22[%dma_wait3A_406, %dma_wait3A_407] : memref<10000x48xf32, #tpu.memory_space<vmem_shared>> -> memref<40x48xf32, #tpu.memory_space<vmem_shared>>
      %dma_wait3A_409 = arith.constant 0 : i32
      %dma_wait3A_410 = arith.constant 0 : i32
      %dma_wait3A_411 = tpu.memref_slice %arg22[%dma_wait3A_409, %dma_wait3A_410] : memref<10000x48xf32, #tpu.memory_space<vmem_shared>> -> memref<40x48xf32, #tpu.memory_space<vmem_shared>>
      %dma_wait3A_412 = arith.constant 0 : i32
      %dma_wait3A_413 = arith.constant 0 : i32
      %dma_wait3A_414 = tpu.memref_slice %arg14[%dma_wait3A_412, %dma_wait3A_413] : memref<50x48xf32, #tpu.memory_space<vmem>> -> memref<40x48xf32, #tpu.memory_space<vmem>>
      tpu.wait_dma2 semaphore(%arg49 : memref<!tpu.dma_semaphore, #tpu.memory_space<semaphore_mem>>) src(%dma_wait3A_414 : memref<40x48xf32, #tpu.memory_space<vmem>>) dst(%dma_wait3A_411 : memref<40x48xf32, #tpu.memory_space<vmem_shared>>)
    } else {
    }
    %add3A_173 = arith.constant 112 : i32
    %add3A_174 = arith.addi %arg1, %add3A_173 : i32
    %lt3A_175 = arith.constant 250 : i32
    %lt3A_176 = arith.cmpi slt, %add3A_174, %lt3A_175 : i32
    %convert_element_type3A_177 = arith.extui %lt3A_176 : i1 to i32
    %cond3A_178 = arith.constant 0 : i32
    %cond3A_179 = arith.cmpi ne, %convert_element_type3A_177, %cond3A_178 : i32
    scf.if %cond3A_179 {
      %dma_wait3A_403 = arith.constant 0 : i32
      %dma_wait3A_404 = arith.constant 0 : i32
      %dma_wait3A_405 = tpu.memref_slice %arg14[%dma_wait3A_403, %dma_wait3A_404] : memref<50x48xf32, #tpu.memory_space<vmem>> -> memref<40x48xf32, #tpu.memory_space<vmem>>
      %dma_wait3A_406 = arith.constant 0 : i32
      %dma_wait3A_407 = arith.constant 0 : i32
      %dma_wait3A_408 = tpu.memref_slice %arg22[%dma_wait3A_406, %dma_wait3A_407] : memref<10000x48xf32, #tpu.memory_space<vmem_shared>> -> memref<40x48xf32, #tpu.memory_space<vmem_shared>>
      %dma_wait3A_409 = arith.constant 0 : i32
      %dma_wait3A_410 = arith.constant 0 : i32
      %dma_wait3A_411 = tpu.memref_slice %arg22[%dma_wait3A_409, %dma_wait3A_410] : memref<10000x48xf32, #tpu.memory_space<vmem_shared>> -> memref<40x48xf32, #tpu.memory_space<vmem_shared>>
      %dma_wait3A_412 = arith.constant 0 : i32
      %dma_wait3A_413 = arith.constant 0 : i32
      %dma_wait3A_414 = tpu.memref_slice %arg14[%dma_wait3A_412, %dma_wait3A_413] : memref<50x48xf32, #tpu.memory_space<vmem>> -> memref<40x48xf32, #tpu.memory_space<vmem>>
      tpu.wait_dma2 semaphore(%arg49 : memref<!tpu.dma_semaphore, #tpu.memory_space<semaphore_mem>>) src(%dma_wait3A_414 : memref<40x48xf32, #tpu.memory_space<vmem>>) dst(%dma_wait3A_411 : memref<40x48xf32, #tpu.memory_space<vmem_shared>>)
    } else {
    }
    %add3A_180 = arith.constant 128 : i32
    %add3A_181 = arith.addi %arg1, %add3A_180 : i32
    %lt3A_182 = arith.constant 250 : i32
    %lt3A_183 = arith.cmpi slt, %add3A_181, %lt3A_182 : i32
    %convert_element_type3A_184 = arith.extui %lt3A_183 : i1 to i32
    %cond3A_185 = arith.constant 0 : i32
    %cond3A_186 = arith.cmpi ne, %convert_element_type3A_184, %cond3A_185 : i32
    scf.if %cond3A_186 {
      %dma_wait3A_403 = arith.constant 0 : i32
      %dma_wait3A_404 = arith.constant 0 : i32
      %dma_wait3A_405 = tpu.memref_slice %arg14[%dma_wait3A_403, %dma_wait3A_404] : memref<50x48xf32, #tpu.memory_space<vmem>> -> memref<40x48xf32, #tpu.memory_space<vmem>>
      %dma_wait3A_406 = arith.constant 0 : i32
      %dma_wait3A_407 = arith.constant 0 : i32
      %dma_wait3A_408 = tpu.memref_slice %arg22[%dma_wait3A_406, %dma_wait3A_407] : memref<10000x48xf32, #tpu.memory_space<vmem_shared>> -> memref<40x48xf32, #tpu.memory_space<vmem_shared>>
      %dma_wait3A_409 = arith.constant 0 : i32
      %dma_wait3A_410 = arith.constant 0 : i32
      %dma_wait3A_411 = tpu.memref_slice %arg22[%dma_wait3A_409, %dma_wait3A_410] : memref<10000x48xf32, #tpu.memory_space<vmem_shared>> -> memref<40x48xf32, #tpu.memory_space<vmem_shared>>
      %dma_wait3A_412 = arith.constant 0 : i32
      %dma_wait3A_413 = arith.constant 0 : i32
      %dma_wait3A_414 = tpu.memref_slice %arg14[%dma_wait3A_412, %dma_wait3A_413] : memref<50x48xf32, #tpu.memory_space<vmem>> -> memref<40x48xf32, #tpu.memory_space<vmem>>
      tpu.wait_dma2 semaphore(%arg49 : memref<!tpu.dma_semaphore, #tpu.memory_space<semaphore_mem>>) src(%dma_wait3A_414 : memref<40x48xf32, #tpu.memory_space<vmem>>) dst(%dma_wait3A_411 : memref<40x48xf32, #tpu.memory_space<vmem_shared>>)
    } else {
    }
    %add3A_187 = arith.constant 144 : i32
    %add3A_188 = arith.addi %arg1, %add3A_187 : i32
    %lt3A_189 = arith.constant 250 : i32
    %lt3A_190 = arith.cmpi slt, %add3A_188, %lt3A_189 : i32
    %convert_element_type3A_191 = arith.extui %lt3A_190 : i1 to i32
    %cond3A_192 = arith.constant 0 : i32
    %cond3A_193 = arith.cmpi ne, %convert_element_type3A_191, %cond3A_192 : i32
    scf.if %cond3A_193 {
      %dma_wait3A_403 = arith.constant 0 : i32
      %dma_wait3A_404 = arith.constant 0 : i32
      %dma_wait3A_405 = tpu.memref_slice %arg14[%dma_wait3A_403, %dma_wait3A_404] : memref<50x48xf32, #tpu.memory_space<vmem>> -> memref<40x48xf32, #tpu.memory_space<vmem>>
      %dma_wait3A_406 = arith.constant 0 : i32
      %dma_wait3A_407 = arith.constant 0 : i32
      %dma_wait3A_408 = tpu.memref_slice %arg22[%dma_wait3A_406, %dma_wait3A_407] : memref<10000x48xf32, #tpu.memory_space<vmem_shared>> -> memref<40x48xf32, #tpu.memory_space<vmem_shared>>
      %dma_wait3A_409 = arith.constant 0 : i32
      %dma_wait3A_410 = arith.constant 0 : i32
      %dma_wait3A_411 = tpu.memref_slice %arg22[%dma_wait3A_409, %dma_wait3A_410] : memref<10000x48xf32, #tpu.memory_space<vmem_shared>> -> memref<40x48xf32, #tpu.memory_space<vmem_shared>>
      %dma_wait3A_412 = arith.constant 0 : i32
      %dma_wait3A_413 = arith.constant 0 : i32
      %dma_wait3A_414 = tpu.memref_slice %arg14[%dma_wait3A_412, %dma_wait3A_413] : memref<50x48xf32, #tpu.memory_space<vmem>> -> memref<40x48xf32, #tpu.memory_space<vmem>>
      tpu.wait_dma2 semaphore(%arg49 : memref<!tpu.dma_semaphore, #tpu.memory_space<semaphore_mem>>) src(%dma_wait3A_414 : memref<40x48xf32, #tpu.memory_space<vmem>>) dst(%dma_wait3A_411 : memref<40x48xf32, #tpu.memory_space<vmem_shared>>)
    } else {
    }
    %add3A_194 = arith.constant 160 : i32
    %add3A_195 = arith.addi %arg1, %add3A_194 : i32
    %lt3A_196 = arith.constant 250 : i32
    %lt3A_197 = arith.cmpi slt, %add3A_195, %lt3A_196 : i32
    %convert_element_type3A_198 = arith.extui %lt3A_197 : i1 to i32
    %cond3A_199 = arith.constant 0 : i32
    %cond3A_200 = arith.cmpi ne, %convert_element_type3A_198, %cond3A_199 : i32
    scf.if %cond3A_200 {
      %dma_wait3A_403 = arith.constant 0 : i32
      %dma_wait3A_404 = arith.constant 0 : i32
      %dma_wait3A_405 = tpu.memref_slice %arg14[%dma_wait3A_403, %dma_wait3A_404] : memref<50x48xf32, #tpu.memory_space<vmem>> -> memref<40x48xf32, #tpu.memory_space<vmem>>
      %dma_wait3A_406 = arith.constant 0 : i32
      %dma_wait3A_407 = arith.constant 0 : i32
      %dma_wait3A_408 = tpu.memref_slice %arg22[%dma_wait3A_406, %dma_wait3A_407] : memref<10000x48xf32, #tpu.memory_space<vmem_shared>> -> memref<40x48xf32, #tpu.memory_space<vmem_shared>>
      %dma_wait3A_409 = arith.constant 0 : i32
      %dma_wait3A_410 = arith.constant 0 : i32
      %dma_wait3A_411 = tpu.memref_slice %arg22[%dma_wait3A_409, %dma_wait3A_410] : memref<10000x48xf32, #tpu.memory_space<vmem_shared>> -> memref<40x48xf32, #tpu.memory_space<vmem_shared>>
      %dma_wait3A_412 = arith.constant 0 : i32
      %dma_wait3A_413 = arith.constant 0 : i32
      %dma_wait3A_414 = tpu.memref_slice %arg14[%dma_wait3A_412, %dma_wait3A_413] : memref<50x48xf32, #tpu.memory_space<vmem>> -> memref<40x48xf32, #tpu.memory_space<vmem>>
      tpu.wait_dma2 semaphore(%arg49 : memref<!tpu.dma_semaphore, #tpu.memory_space<semaphore_mem>>) src(%dma_wait3A_414 : memref<40x48xf32, #tpu.memory_space<vmem>>) dst(%dma_wait3A_411 : memref<40x48xf32, #tpu.memory_space<vmem_shared>>)
    } else {
    }
    %add3A_201 = arith.constant 176 : i32
    %add3A_202 = arith.addi %arg1, %add3A_201 : i32
    %lt3A_203 = arith.constant 250 : i32
    %lt3A_204 = arith.cmpi slt, %add3A_202, %lt3A_203 : i32
    %convert_element_type3A_205 = arith.extui %lt3A_204 : i1 to i32
    %cond3A_206 = arith.constant 0 : i32
    %cond3A_207 = arith.cmpi ne, %convert_element_type3A_205, %cond3A_206 : i32
    scf.if %cond3A_207 {
      %dma_wait3A_403 = arith.constant 0 : i32
      %dma_wait3A_404 = arith.constant 0 : i32
      %dma_wait3A_405 = tpu.memref_slice %arg14[%dma_wait3A_403, %dma_wait3A_404] : memref<50x48xf32, #tpu.memory_space<vmem>> -> memref<40x48xf32, #tpu.memory_space<vmem>>
      %dma_wait3A_406 = arith.constant 0 : i32
      %dma_wait3A_407 = arith.constant 0 : i32
      %dma_wait3A_408 = tpu.memref_slice %arg22[%dma_wait3A_406, %dma_wait3A_407] : memref<10000x48xf32, #tpu.memory_space<vmem_shared>> -> memref<40x48xf32, #tpu.memory_space<vmem_shared>>
      %dma_wait3A_409 = arith.constant 0 : i32
      %dma_wait3A_410 = arith.constant 0 : i32
      %dma_wait3A_411 = tpu.memref_slice %arg22[%dma_wait3A_409, %dma_wait3A_410] : memref<10000x48xf32, #tpu.memory_space<vmem_shared>> -> memref<40x48xf32, #tpu.memory_space<vmem_shared>>
      %dma_wait3A_412 = arith.constant 0 : i32
      %dma_wait3A_413 = arith.constant 0 : i32
      %dma_wait3A_414 = tpu.memref_slice %arg14[%dma_wait3A_412, %dma_wait3A_413] : memref<50x48xf32, #tpu.memory_space<vmem>> -> memref<40x48xf32, #tpu.memory_space<vmem>>
      tpu.wait_dma2 semaphore(%arg49 : memref<!tpu.dma_semaphore, #tpu.memory_space<semaphore_mem>>) src(%dma_wait3A_414 : memref<40x48xf32, #tpu.memory_space<vmem>>) dst(%dma_wait3A_411 : memref<40x48xf32, #tpu.memory_space<vmem_shared>>)
    } else {
    }
    %add3A_208 = arith.constant 192 : i32
    %add3A_209 = arith.addi %arg1, %add3A_208 : i32
    %lt3A_210 = arith.constant 250 : i32
    %lt3A_211 = arith.cmpi slt, %add3A_209, %lt3A_210 : i32
    %convert_element_type3A_212 = arith.extui %lt3A_211 : i1 to i32
    %cond3A_213 = arith.constant 0 : i32
    %cond3A_214 = arith.cmpi ne, %convert_element_type3A_212, %cond3A_213 : i32
    scf.if %cond3A_214 {
      %dma_wait3A_403 = arith.constant 0 : i32
      %dma_wait3A_404 = arith.constant 0 : i32
      %dma_wait3A_405 = tpu.memref_slice %arg14[%dma_wait3A_403, %dma_wait3A_404] : memref<50x48xf32, #tpu.memory_space<vmem>> -> memref<40x48xf32, #tpu.memory_space<vmem>>
      %dma_wait3A_406 = arith.constant 0 : i32
      %dma_wait3A_407 = arith.constant 0 : i32
      %dma_wait3A_408 = tpu.memref_slice %arg22[%dma_wait3A_406, %dma_wait3A_407] : memref<10000x48xf32, #tpu.memory_space<vmem_shared>> -> memref<40x48xf32, #tpu.memory_space<vmem_shared>>
      %dma_wait3A_409 = arith.constant 0 : i32
      %dma_wait3A_410 = arith.constant 0 : i32
      %dma_wait3A_411 = tpu.memref_slice %arg22[%dma_wait3A_409, %dma_wait3A_410] : memref<10000x48xf32, #tpu.memory_space<vmem_shared>> -> memref<40x48xf32, #tpu.memory_space<vmem_shared>>
      %dma_wait3A_412 = arith.constant 0 : i32
      %dma_wait3A_413 = arith.constant 0 : i32
      %dma_wait3A_414 = tpu.memref_slice %arg14[%dma_wait3A_412, %dma_wait3A_413] : memref<50x48xf32, #tpu.memory_space<vmem>> -> memref<40x48xf32, #tpu.memory_space<vmem>>
      tpu.wait_dma2 semaphore(%arg49 : memref<!tpu.dma_semaphore, #tpu.memory_space<semaphore_mem>>) src(%dma_wait3A_414 : memref<40x48xf32, #tpu.memory_space<vmem>>) dst(%dma_wait3A_411 : memref<40x48xf32, #tpu.memory_space<vmem_shared>>)
    } else {
    }
    %add3A_215 = arith.constant 208 : i32
    %add3A_216 = arith.addi %arg1, %add3A_215 : i32
    %lt3A_217 = arith.constant 250 : i32
    %lt3A_218 = arith.cmpi slt, %add3A_216, %lt3A_217 : i32
    %convert_element_type3A_219 = arith.extui %lt3A_218 : i1 to i32
    %cond3A_220 = arith.constant 0 : i32
    %cond3A_221 = arith.cmpi ne, %convert_element_type3A_219, %cond3A_220 : i32
    scf.if %cond3A_221 {
      %dma_wait3A_403 = arith.constant 0 : i32
      %dma_wait3A_404 = arith.constant 0 : i32
      %dma_wait3A_405 = tpu.memref_slice %arg14[%dma_wait3A_403, %dma_wait3A_404] : memref<50x48xf32, #tpu.memory_space<vmem>> -> memref<40x48xf32, #tpu.memory_space<vmem>>
      %dma_wait3A_406 = arith.constant 0 : i32
      %dma_wait3A_407 = arith.constant 0 : i32
      %dma_wait3A_408 = tpu.memref_slice %arg22[%dma_wait3A_406, %dma_wait3A_407] : memref<10000x48xf32, #tpu.memory_space<vmem_shared>> -> memref<40x48xf32, #tpu.memory_space<vmem_shared>>
      %dma_wait3A_409 = arith.constant 0 : i32
      %dma_wait3A_410 = arith.constant 0 : i32
      %dma_wait3A_411 = tpu.memref_slice %arg22[%dma_wait3A_409, %dma_wait3A_410] : memref<10000x48xf32, #tpu.memory_space<vmem_shared>> -> memref<40x48xf32, #tpu.memory_space<vmem_shared>>
      %dma_wait3A_412 = arith.constant 0 : i32
      %dma_wait3A_413 = arith.constant 0 : i32
      %dma_wait3A_414 = tpu.memref_slice %arg14[%dma_wait3A_412, %dma_wait3A_413] : memref<50x48xf32, #tpu.memory_space<vmem>> -> memref<40x48xf32, #tpu.memory_space<vmem>>
      tpu.wait_dma2 semaphore(%arg49 : memref<!tpu.dma_semaphore, #tpu.memory_space<semaphore_mem>>) src(%dma_wait3A_414 : memref<40x48xf32, #tpu.memory_space<vmem>>) dst(%dma_wait3A_411 : memref<40x48xf32, #tpu.memory_space<vmem_shared>>)
    } else {
    }
    %add3A_222 = arith.constant 224 : i32
    %add3A_223 = arith.addi %arg1, %add3A_222 : i32
    %lt3A_224 = arith.constant 250 : i32
    %lt3A_225 = arith.cmpi slt, %add3A_223, %lt3A_224 : i32
    %convert_element_type3A_226 = arith.extui %lt3A_225 : i1 to i32
    %cond3A_227 = arith.constant 0 : i32
    %cond3A_228 = arith.cmpi ne, %convert_element_type3A_226, %cond3A_227 : i32
    scf.if %cond3A_228 {
      %dma_wait3A_403 = arith.constant 0 : i32
      %dma_wait3A_404 = arith.constant 0 : i32
      %dma_wait3A_405 = tpu.memref_slice %arg14[%dma_wait3A_403, %dma_wait3A_404] : memref<50x48xf32, #tpu.memory_space<vmem>> -> memref<40x48xf32, #tpu.memory_space<vmem>>
      %dma_wait3A_406 = arith.constant 0 : i32
      %dma_wait3A_407 = arith.constant 0 : i32
      %dma_wait3A_408 = tpu.memref_slice %arg22[%dma_wait3A_406, %dma_wait3A_407] : memref<10000x48xf32, #tpu.memory_space<vmem_shared>> -> memref<40x48xf32, #tpu.memory_space<vmem_shared>>
      %dma_wait3A_409 = arith.constant 0 : i32
      %dma_wait3A_410 = arith.constant 0 : i32
      %dma_wait3A_411 = tpu.memref_slice %arg22[%dma_wait3A_409, %dma_wait3A_410] : memref<10000x48xf32, #tpu.memory_space<vmem_shared>> -> memref<40x48xf32, #tpu.memory_space<vmem_shared>>
      %dma_wait3A_412 = arith.constant 0 : i32
      %dma_wait3A_413 = arith.constant 0 : i32
      %dma_wait3A_414 = tpu.memref_slice %arg14[%dma_wait3A_412, %dma_wait3A_413] : memref<50x48xf32, #tpu.memory_space<vmem>> -> memref<40x48xf32, #tpu.memory_space<vmem>>
      tpu.wait_dma2 semaphore(%arg49 : memref<!tpu.dma_semaphore, #tpu.memory_space<semaphore_mem>>) src(%dma_wait3A_414 : memref<40x48xf32, #tpu.memory_space<vmem>>) dst(%dma_wait3A_411 : memref<40x48xf32, #tpu.memory_space<vmem_shared>>)
    } else {
    }
    %add3A_229 = arith.constant 240 : i32
    %add3A_230 = arith.addi %arg1, %add3A_229 : i32
    %lt3A_231 = arith.constant 250 : i32
    %lt3A_232 = arith.cmpi slt, %add3A_230, %lt3A_231 : i32
    %convert_element_type3A_233 = arith.extui %lt3A_232 : i1 to i32
    %cond3A_234 = arith.constant 0 : i32
    %cond3A_235 = arith.cmpi ne, %convert_element_type3A_233, %cond3A_234 : i32
    scf.if %cond3A_235 {
      %dma_wait3A_403 = arith.constant 0 : i32
      %dma_wait3A_404 = arith.constant 0 : i32
      %dma_wait3A_405 = tpu.memref_slice %arg14[%dma_wait3A_403, %dma_wait3A_404] : memref<50x48xf32, #tpu.memory_space<vmem>> -> memref<40x48xf32, #tpu.memory_space<vmem>>
      %dma_wait3A_406 = arith.constant 0 : i32
      %dma_wait3A_407 = arith.constant 0 : i32
      %dma_wait3A_408 = tpu.memref_slice %arg22[%dma_wait3A_406, %dma_wait3A_407] : memref<10000x48xf32, #tpu.memory_space<vmem_shared>> -> memref<40x48xf32, #tpu.memory_space<vmem_shared>>
      %dma_wait3A_409 = arith.constant 0 : i32
      %dma_wait3A_410 = arith.constant 0 : i32
      %dma_wait3A_411 = tpu.memref_slice %arg22[%dma_wait3A_409, %dma_wait3A_410] : memref<10000x48xf32, #tpu.memory_space<vmem_shared>> -> memref<40x48xf32, #tpu.memory_space<vmem_shared>>
      %dma_wait3A_412 = arith.constant 0 : i32
      %dma_wait3A_413 = arith.constant 0 : i32
      %dma_wait3A_414 = tpu.memref_slice %arg14[%dma_wait3A_412, %dma_wait3A_413] : memref<50x48xf32, #tpu.memory_space<vmem>> -> memref<40x48xf32, #tpu.memory_space<vmem>>
      tpu.wait_dma2 semaphore(%arg49 : memref<!tpu.dma_semaphore, #tpu.memory_space<semaphore_mem>>) src(%dma_wait3A_414 : memref<40x48xf32, #tpu.memory_space<vmem>>) dst(%dma_wait3A_411 : memref<40x48xf32, #tpu.memory_space<vmem_shared>>)
    } else {
    }
    %mul3A_236 = arith.constant 625 : i32
    %mul3A_237 = arith.muli %arg1, %mul3A_236 : i32
    %mul3A_238 = arith.constant 625 : i32
    %mul3A_239 = arith.muli %arg1, %mul3A_238 : i32
    "tpu.region"() ({
      %run_scoped3A = tpu.sem_alloc : memref<!tpu.dma_semaphore, #tpu.memory_space<semaphore_mem>>
      %dma_start3A_403 = arith.constant 0 : i32
      %dma_start3A_404 = tpu.memref_slice %arg23[%mul3A_239, %dma_start3A_403] : memref<10000x48xf32, #tpu.memory_space<vmem_shared>> -> memref<625x48xf32, #tpu.memory_space<vmem_shared>>
      %dma_start3A_405 = arith.constant 0 : i32
      %dma_start3A_406 = tpu.memref_slice %arg2[%mul3A_237, %dma_start3A_405] : memref<10000x48xf32, #tpu.memory_space<hbm>> -> memref<625x48xf32, #tpu.memory_space<hbm>>
      tpu.enqueue_dma source(%dma_start3A_406 : memref<625x48xf32, #tpu.memory_space<hbm>>) target(%dma_start3A_404 : memref<625x48xf32, #tpu.memory_space<vmem_shared>>) target_semaphore(%run_scoped3A : memref<!tpu.dma_semaphore, #tpu.memory_space<semaphore_mem>>)
      %dma_wait3A_407 = arith.constant 0 : i32
      %dma_wait3A_408 = tpu.memref_slice %arg23[%mul3A_239, %dma_wait3A_407] : memref<10000x48xf32, #tpu.memory_space<vmem_shared>> -> memref<625x48xf32, #tpu.memory_space<vmem_shared>>
      %dma_wait3A_409 = arith.constant 0 : i32
      %dma_wait3A_410 = tpu.memref_slice %arg2[%mul3A_237, %dma_wait3A_409] : memref<10000x48xf32, #tpu.memory_space<hbm>> -> memref<625x48xf32, #tpu.memory_space<hbm>>
      tpu.wait_dma2 semaphore(%run_scoped3A : memref<!tpu.dma_semaphore, #tpu.memory_space<semaphore_mem>>) src(%dma_wait3A_410 : memref<625x48xf32, #tpu.memory_space<hbm>>) dst(%dma_wait3A_408 : memref<625x48xf32, #tpu.memory_space<vmem_shared>>)
      tpu.yield
    }) : () -> ()
    %dma_wait3A = arith.constant 1 : i32
    %dma_wait3A_240 = arith.constant 0 : i32
    %dma_wait3A_241 = arith.constant 0 : i32
    %dma_wait3A_242 = tpu.memref_slice %arg3[%dma_wait3A, %add3A, %dma_wait3A_240, %dma_wait3A_241] : memref<2x32x200x50xi32, #tpu.memory_space<hbm>> -> memref<1x1x200x50xi32, #tpu.memory_space<hbm>>
    %dma_wait3A_243 = tpu.memref_squeeze %dma_wait3A_242 : memref<1x1x200x50xi32, #tpu.memory_space<hbm>> -> memref<200x50xi32, #tpu.memory_space<hbm>>
    %dma_wait3A_244 = arith.constant 0 : i32
    %dma_wait3A_245 = arith.constant 0 : i32
    %dma_wait3A_246 = tpu.memref_slice %arg3[%dma_wait3A, %add3A, %dma_wait3A_244, %dma_wait3A_245] : memref<2x32x200x50xi32, #tpu.memory_space<hbm>> -> memref<1x1x200x50xi32, #tpu.memory_space<hbm>>
    %dma_wait3A_247 = tpu.memref_squeeze %dma_wait3A_246 : memref<1x1x200x50xi32, #tpu.memory_space<hbm>> -> memref<200x50xi32, #tpu.memory_space<hbm>>
    tpu.wait_dma2 semaphore(%arg48 : memref<!tpu.dma_semaphore, #tpu.memory_space<semaphore_mem>>) src(%dma_wait3A_247 : memref<200x50xi32, #tpu.memory_space<hbm>>) dst(%arg5 : memref<200x50xi32, #tpu.memory_space<vmem>>)
    %barrier3A = arith.constant 0 : index
    tpu.barrier barrier_id(%barrier3A)
    %dma_start3A_248 = arith.constant 0 : i32
    %dma_start3A_249 = arith.constant 0 : i32
    %dma_start3A_250 = arith.constant 0 : i32
    %dma_start3A_251 = tpu.memref_slice %arg3[%dma_start3A_248, %add3A, %dma_start3A_249, %dma_start3A_250] : memref<2x32x200x50xi32, #tpu.memory_space<hbm>> -> memref<1x1x1x50xi32, #tpu.memory_space<hbm>>
    %dma_start3A_252 = tpu.memref_squeeze %dma_start3A_251 : memref<1x1x1x50xi32, #tpu.memory_space<hbm>> -> memref<50xi32, #tpu.memory_space<hbm>>
    %dma_start3A_253 = arith.constant 0 : i32
    %dma_start3A_254 = tpu.memref_slice %arg3[%dma_start3A_248, %add3A, %dma_start3A_249, %dma_start3A_253] : memref<2x32x200x50xi32, #tpu.memory_space<hbm>> -> memref<1x1x1x50xi32, #tpu.memory_space<hbm>>
    %dma_start3A_255 = tpu.memref_squeeze %dma_start3A_254 : memref<1x1x1x50xi32, #tpu.memory_space<hbm>> -> memref<50xi32, #tpu.memory_space<hbm>>
    tpu.enqueue_dma source(%dma_start3A_255 : memref<50xi32, #tpu.memory_space<hbm>>) target(%arg6 : memref<50xi32, #tpu.memory_space<vmem>>) target_semaphore(%arg40 : memref<!tpu.dma_semaphore, #tpu.memory_space<semaphore_mem>>)
    %dma_start3A_256 = arith.constant 0 : i32
    %dma_start3A_257 = arith.constant 1 : i32
    %dma_start3A_258 = arith.constant 0 : i32
    %dma_start3A_259 = tpu.memref_slice %arg3[%dma_start3A_256, %add3A, %dma_start3A_257, %dma_start3A_258] : memref<2x32x200x50xi32, #tpu.memory_space<hbm>> -> memref<1x1x1x50xi32, #tpu.memory_space<hbm>>
    %dma_start3A_260 = tpu.memref_squeeze %dma_start3A_259 : memref<1x1x1x50xi32, #tpu.memory_space<hbm>> -> memref<50xi32, #tpu.memory_space<hbm>>
    %dma_start3A_261 = arith.constant 0 : i32
    %dma_start3A_262 = tpu.memref_slice %arg3[%dma_start3A_256, %add3A, %dma_start3A_257, %dma_start3A_261] : memref<2x32x200x50xi32, #tpu.memory_space<hbm>> -> memref<1x1x1x50xi32, #tpu.memory_space<hbm>>
    %dma_start3A_263 = tpu.memref_squeeze %dma_start3A_262 : memref<1x1x1x50xi32, #tpu.memory_space<hbm>> -> memref<50xi32, #tpu.memory_space<hbm>>
    tpu.enqueue_dma source(%dma_start3A_263 : memref<50xi32, #tpu.memory_space<hbm>>) target(%arg7 : memref<50xi32, #tpu.memory_space<vmem>>) target_semaphore(%arg41 : memref<!tpu.dma_semaphore, #tpu.memory_space<semaphore_mem>>)
    %dma_start3A_264 = arith.constant 0 : i32
    %dma_start3A_265 = arith.constant 2 : i32
    %dma_start3A_266 = arith.constant 0 : i32
    %dma_start3A_267 = tpu.memref_slice %arg3[%dma_start3A_264, %add3A, %dma_start3A_265, %dma_start3A_266] : memref<2x32x200x50xi32, #tpu.memory_space<hbm>> -> memref<1x1x1x50xi32, #tpu.memory_space<hbm>>
    %dma_start3A_268 = tpu.memref_squeeze %dma_start3A_267 : memref<1x1x1x50xi32, #tpu.memory_space<hbm>> -> memref<50xi32, #tpu.memory_space<hbm>>
    %dma_start3A_269 = arith.constant 0 : i32
    %dma_start3A_270 = tpu.memref_slice %arg3[%dma_start3A_264, %add3A, %dma_start3A_265, %dma_start3A_269] : memref<2x32x200x50xi32, #tpu.memory_space<hbm>> -> memref<1x1x1x50xi32, #tpu.memory_space<hbm>>
    %dma_start3A_271 = tpu.memref_squeeze %dma_start3A_270 : memref<1x1x1x50xi32, #tpu.memory_space<hbm>> -> memref<50xi32, #tpu.memory_space<hbm>>
    tpu.enqueue_dma source(%dma_start3A_271 : memref<50xi32, #tpu.memory_space<hbm>>) target(%arg8 : memref<50xi32, #tpu.memory_space<vmem>>) target_semaphore(%arg42 : memref<!tpu.dma_semaphore, #tpu.memory_space<semaphore_mem>>)
    %dma_start3A_272 = arith.constant 0 : i32
    %dma_start3A_273 = arith.constant 3 : i32
    %dma_start3A_274 = arith.constant 0 : i32
    %dma_start3A_275 = tpu.memref_slice %arg3[%dma_start3A_272, %add3A, %dma_start3A_273, %dma_start3A_274] : memref<2x32x200x50xi32, #tpu.memory_space<hbm>> -> memref<1x1x1x50xi32, #tpu.memory_space<hbm>>
    %dma_start3A_276 = tpu.memref_squeeze %dma_start3A_275 : memref<1x1x1x50xi32, #tpu.memory_space<hbm>> -> memref<50xi32, #tpu.memory_space<hbm>>
    %dma_start3A_277 = arith.constant 0 : i32
    %dma_start3A_278 = tpu.memref_slice %arg3[%dma_start3A_272, %add3A, %dma_start3A_273, %dma_start3A_277] : memref<2x32x200x50xi32, #tpu.memory_space<hbm>> -> memref<1x1x1x50xi32, #tpu.memory_space<hbm>>
    %dma_start3A_279 = tpu.memref_squeeze %dma_start3A_278 : memref<1x1x1x50xi32, #tpu.memory_space<hbm>> -> memref<50xi32, #tpu.memory_space<hbm>>
    tpu.enqueue_dma source(%dma_start3A_279 : memref<50xi32, #tpu.memory_space<hbm>>) target(%arg9 : memref<50xi32, #tpu.memory_space<vmem>>) target_semaphore(%arg43 : memref<!tpu.dma_semaphore, #tpu.memory_space<semaphore_mem>>)
    %dma_start3A_280 = arith.constant 0 : i32
    %dma_start3A_281 = arith.constant 4 : i32
    %dma_start3A_282 = arith.constant 0 : i32
    %dma_start3A_283 = tpu.memref_slice %arg3[%dma_start3A_280, %add3A, %dma_start3A_281, %dma_start3A_282] : memref<2x32x200x50xi32, #tpu.memory_space<hbm>> -> memref<1x1x1x50xi32, #tpu.memory_space<hbm>>
    %dma_start3A_284 = tpu.memref_squeeze %dma_start3A_283 : memref<1x1x1x50xi32, #tpu.memory_space<hbm>> -> memref<50xi32, #tpu.memory_space<hbm>>
    %dma_start3A_285 = arith.constant 0 : i32
    %dma_start3A_286 = tpu.memref_slice %arg3[%dma_start3A_280, %add3A, %dma_start3A_281, %dma_start3A_285] : memref<2x32x200x50xi32, #tpu.memory_space<hbm>> -> memref<1x1x1x50xi32, #tpu.memory_space<hbm>>
    %dma_start3A_287 = tpu.memref_squeeze %dma_start3A_286 : memref<1x1x1x50xi32, #tpu.memory_space<hbm>> -> memref<50xi32, #tpu.memory_space<hbm>>
    tpu.enqueue_dma source(%dma_start3A_287 : memref<50xi32, #tpu.memory_space<hbm>>) target(%arg10 : memref<50xi32, #tpu.memory_space<vmem>>) target_semaphore(%arg44 : memref<!tpu.dma_semaphore, #tpu.memory_space<semaphore_mem>>)
    %dma_start3A_288 = arith.constant 0 : i32
    %dma_start3A_289 = arith.constant 5 : i32
    %dma_start3A_290 = arith.constant 0 : i32
    %dma_start3A_291 = tpu.memref_slice %arg3[%dma_start3A_288, %add3A, %dma_start3A_289, %dma_start3A_290] : memref<2x32x200x50xi32, #tpu.memory_space<hbm>> -> memref<1x1x1x50xi32, #tpu.memory_space<hbm>>
    %dma_start3A_292 = tpu.memref_squeeze %dma_start3A_291 : memref<1x1x1x50xi32, #tpu.memory_space<hbm>> -> memref<50xi32, #tpu.memory_space<hbm>>
    %dma_start3A_293 = arith.constant 0 : i32
    %dma_start3A_294 = tpu.memref_slice %arg3[%dma_start3A_288, %add3A, %dma_start3A_289, %dma_start3A_293] : memref<2x32x200x50xi32, #tpu.memory_space<hbm>> -> memref<1x1x1x50xi32, #tpu.memory_space<hbm>>
    %dma_start3A_295 = tpu.memref_squeeze %dma_start3A_294 : memref<1x1x1x50xi32, #tpu.memory_space<hbm>> -> memref<50xi32, #tpu.memory_space<hbm>>
    tpu.enqueue_dma source(%dma_start3A_295 : memref<50xi32, #tpu.memory_space<hbm>>) target(%arg11 : memref<50xi32, #tpu.memory_space<vmem>>) target_semaphore(%arg45 : memref<!tpu.dma_semaphore, #tpu.memory_space<semaphore_mem>>)
    %dma_start3A_296 = arith.constant 0 : i32
    %dma_start3A_297 = arith.constant 6 : i32
    %dma_start3A_298 = arith.constant 0 : i32
    %dma_start3A_299 = tpu.memref_slice %arg3[%dma_start3A_296, %add3A, %dma_start3A_297, %dma_start3A_298] : memref<2x32x200x50xi32, #tpu.memory_space<hbm>> -> memref<1x1x1x50xi32, #tpu.memory_space<hbm>>
    %dma_start3A_300 = tpu.memref_squeeze %dma_start3A_299 : memref<1x1x1x50xi32, #tpu.memory_space<hbm>> -> memref<50xi32, #tpu.memory_space<hbm>>
    %dma_start3A_301 = arith.constant 0 : i32
    %dma_start3A_302 = tpu.memref_slice %arg3[%dma_start3A_296, %add3A, %dma_start3A_297, %dma_start3A_301] : memref<2x32x200x50xi32, #tpu.memory_space<hbm>> -> memref<1x1x1x50xi32, #tpu.memory_space<hbm>>
    %dma_start3A_303 = tpu.memref_squeeze %dma_start3A_302 : memref<1x1x1x50xi32, #tpu.memory_space<hbm>> -> memref<50xi32, #tpu.memory_space<hbm>>
    tpu.enqueue_dma source(%dma_start3A_303 : memref<50xi32, #tpu.memory_space<hbm>>) target(%arg12 : memref<50xi32, #tpu.memory_space<vmem>>) target_semaphore(%arg46 : memref<!tpu.dma_semaphore, #tpu.memory_space<semaphore_mem>>)
    %dma_start3A_304 = arith.constant 0 : i32
    %dma_start3A_305 = arith.constant 7 : i32
    %dma_start3A_306 = arith.constant 0 : i32
    %dma_start3A_307 = tpu.memref_slice %arg3[%dma_start3A_304, %add3A, %dma_start3A_305, %dma_start3A_306] : memref<2x32x200x50xi32, #tpu.memory_space<hbm>> -> memref<1x1x1x50xi32, #tpu.memory_space<hbm>>
    %dma_start3A_308 = tpu.memref_squeeze %dma_start3A_307 : memref<1x1x1x50xi32, #tpu.memory_space<hbm>> -> memref<50xi32, #tpu.memory_space<hbm>>
    %dma_start3A_309 = arith.constant 0 : i32
    %dma_start3A_310 = tpu.memref_slice %arg3[%dma_start3A_304, %add3A, %dma_start3A_305, %dma_start3A_309] : memref<2x32x200x50xi32, #tpu.memory_space<hbm>> -> memref<1x1x1x50xi32, #tpu.memory_space<hbm>>
    %dma_start3A_311 = tpu.memref_squeeze %dma_start3A_310 : memref<1x1x1x50xi32, #tpu.memory_space<hbm>> -> memref<50xi32, #tpu.memory_space<hbm>>
    tpu.enqueue_dma source(%dma_start3A_311 : memref<50xi32, #tpu.memory_space<hbm>>) target(%arg13 : memref<50xi32, #tpu.memory_space<vmem>>) target_semaphore(%arg47 : memref<!tpu.dma_semaphore, #tpu.memory_space<semaphore_mem>>)
    %dma_wait3A_312 = arith.constant 0 : i32
    %dma_wait3A_313 = arith.constant 0 : i32
    %dma_wait3A_314 = arith.constant 0 : i32
    %dma_wait3A_315 = tpu.memref_slice %arg3[%dma_wait3A_312, %add3A, %dma_wait3A_313, %dma_wait3A_314] : memref<2x32x200x50xi32, #tpu.memory_space<hbm>> -> memref<1x1x1x50xi32, #tpu.memory_space<hbm>>
    %dma_wait3A_316 = tpu.memref_squeeze %dma_wait3A_315 : memref<1x1x1x50xi32, #tpu.memory_space<hbm>> -> memref<50xi32, #tpu.memory_space<hbm>>
    %dma_wait3A_317 = arith.constant 0 : i32
    %dma_wait3A_318 = tpu.memref_slice %arg3[%dma_wait3A_312, %add3A, %dma_wait3A_313, %dma_wait3A_317] : memref<2x32x200x50xi32, #tpu.memory_space<hbm>> -> memref<1x1x1x50xi32, #tpu.memory_space<hbm>>
    %dma_wait3A_319 = tpu.memref_squeeze %dma_wait3A_318 : memref<1x1x1x50xi32, #tpu.memory_space<hbm>> -> memref<50xi32, #tpu.memory_space<hbm>>
    tpu.wait_dma2 semaphore(%arg40 : memref<!tpu.dma_semaphore, #tpu.memory_space<semaphore_mem>>) src(%dma_wait3A_319 : memref<50xi32, #tpu.memory_space<hbm>>) dst(%arg6 : memref<50xi32, #tpu.memory_space<vmem>>)
    %dma_start3A_320 = arith.constant 0 : i32
    %dma_start3A_321 = arith.constant 0 : i32
    %dma_start3A_322 = tpu.memref_slice %arg23[%dma_start3A_320, %dma_start3A_321] : memref<10000x48xf32, #tpu.memory_space<vmem_shared>> -> memref<10000x48xf32, #tpu.memory_space<vmem_shared>>
    tpu.enqueue_indirect_dma source(%dma_start3A_322 : memref<10000x48xf32, #tpu.memory_space<vmem_shared>>) target(%arg14 : memref<50x48xf32, #tpu.memory_space<vmem>>) offsets(%arg6 : memref<50xi32, #tpu.memory_space<vmem>>) semaphore(%arg24 : memref<!tpu.dma_semaphore, #tpu.memory_space<semaphore_mem>>)
    %dma_wait3A_323 = arith.constant 0 : i32
    %dma_wait3A_324 = arith.constant 1 : i32
    %dma_wait3A_325 = arith.constant 0 : i32
    %dma_wait3A_326 = tpu.memref_slice %arg3[%dma_wait3A_323, %add3A, %dma_wait3A_324, %dma_wait3A_325] : memref<2x32x200x50xi32, #tpu.memory_space<hbm>> -> memref<1x1x1x50xi32, #tpu.memory_space<hbm>>
    %dma_wait3A_327 = tpu.memref_squeeze %dma_wait3A_326 : memref<1x1x1x50xi32, #tpu.memory_space<hbm>> -> memref<50xi32, #tpu.memory_space<hbm>>
    %dma_wait3A_328 = arith.constant 0 : i32
    %dma_wait3A_329 = tpu.memref_slice %arg3[%dma_wait3A_323, %add3A, %dma_wait3A_324, %dma_wait3A_328] : memref<2x32x200x50xi32, #tpu.memory_space<hbm>> -> memref<1x1x1x50xi32, #tpu.memory_space<hbm>>
    %dma_wait3A_330 = tpu.memref_squeeze %dma_wait3A_329 : memref<1x1x1x50xi32, #tpu.memory_space<hbm>> -> memref<50xi32, #tpu.memory_space<hbm>>
    tpu.wait_dma2 semaphore(%arg41 : memref<!tpu.dma_semaphore, #tpu.memory_space<semaphore_mem>>) src(%dma_wait3A_330 : memref<50xi32, #tpu.memory_space<hbm>>) dst(%arg7 : memref<50xi32, #tpu.memory_space<vmem>>)
    %dma_start3A_331 = arith.constant 0 : i32
    %dma_start3A_332 = arith.constant 0 : i32
    %dma_start3A_333 = tpu.memref_slice %arg23[%dma_start3A_331, %dma_start3A_332] : memref<10000x48xf32, #tpu.memory_space<vmem_shared>> -> memref<10000x48xf32, #tpu.memory_space<vmem_shared>>
    tpu.enqueue_indirect_dma source(%dma_start3A_333 : memref<10000x48xf32, #tpu.memory_space<vmem_shared>>) target(%arg15 : memref<50x48xf32, #tpu.memory_space<vmem>>) offsets(%arg7 : memref<50xi32, #tpu.memory_space<vmem>>) semaphore(%arg25 : memref<!tpu.dma_semaphore, #tpu.memory_space<semaphore_mem>>)
    %dma_wait3A_334 = arith.constant 0 : i32
    %dma_wait3A_335 = arith.constant 2 : i32
    %dma_wait3A_336 = arith.constant 0 : i32
    %dma_wait3A_337 = tpu.memref_slice %arg3[%dma_wait3A_334, %add3A, %dma_wait3A_335, %dma_wait3A_336] : memref<2x32x200x50xi32, #tpu.memory_space<hbm>> -> memref<1x1x1x50xi32, #tpu.memory_space<hbm>>
    %dma_wait3A_338 = tpu.memref_squeeze %dma_wait3A_337 : memref<1x1x1x50xi32, #tpu.memory_space<hbm>> -> memref<50xi32, #tpu.memory_space<hbm>>
    %dma_wait3A_339 = arith.constant 0 : i32
    %dma_wait3A_340 = tpu.memref_slice %arg3[%dma_wait3A_334, %add3A, %dma_wait3A_335, %dma_wait3A_339] : memref<2x32x200x50xi32, #tpu.memory_space<hbm>> -> memref<1x1x1x50xi32, #tpu.memory_space<hbm>>
    %dma_wait3A_341 = tpu.memref_squeeze %dma_wait3A_340 : memref<1x1x1x50xi32, #tpu.memory_space<hbm>> -> memref<50xi32, #tpu.memory_space<hbm>>
    tpu.wait_dma2 semaphore(%arg42 : memref<!tpu.dma_semaphore, #tpu.memory_space<semaphore_mem>>) src(%dma_wait3A_341 : memref<50xi32, #tpu.memory_space<hbm>>) dst(%arg8 : memref<50xi32, #tpu.memory_space<vmem>>)
    %dma_start3A_342 = arith.constant 0 : i32
    %dma_start3A_343 = arith.constant 0 : i32
    %dma_start3A_344 = tpu.memref_slice %arg23[%dma_start3A_342, %dma_start3A_343] : memref<10000x48xf32, #tpu.memory_space<vmem_shared>> -> memref<10000x48xf32, #tpu.memory_space<vmem_shared>>
    tpu.enqueue_indirect_dma source(%dma_start3A_344 : memref<10000x48xf32, #tpu.memory_space<vmem_shared>>) target(%arg16 : memref<50x48xf32, #tpu.memory_space<vmem>>) offsets(%arg8 : memref<50xi32, #tpu.memory_space<vmem>>) semaphore(%arg26 : memref<!tpu.dma_semaphore, #tpu.memory_space<semaphore_mem>>)
    %dma_wait3A_345 = arith.constant 0 : i32
    %dma_wait3A_346 = arith.constant 3 : i32
    %dma_wait3A_347 = arith.constant 0 : i32
    %dma_wait3A_348 = tpu.memref_slice %arg3[%dma_wait3A_345, %add3A, %dma_wait3A_346, %dma_wait3A_347] : memref<2x32x200x50xi32, #tpu.memory_space<hbm>> -> memref<1x1x1x50xi32, #tpu.memory_space<hbm>>
    %dma_wait3A_349 = tpu.memref_squeeze %dma_wait3A_348 : memref<1x1x1x50xi32, #tpu.memory_space<hbm>> -> memref<50xi32, #tpu.memory_space<hbm>>
    %dma_wait3A_350 = arith.constant 0 : i32
    %dma_wait3A_351 = tpu.memref_slice %arg3[%dma_wait3A_345, %add3A, %dma_wait3A_346, %dma_wait3A_350] : memref<2x32x200x50xi32, #tpu.memory_space<hbm>> -> memref<1x1x1x50xi32, #tpu.memory_space<hbm>>
    %dma_wait3A_352 = tpu.memref_squeeze %dma_wait3A_351 : memref<1x1x1x50xi32, #tpu.memory_space<hbm>> -> memref<50xi32, #tpu.memory_space<hbm>>
    tpu.wait_dma2 semaphore(%arg43 : memref<!tpu.dma_semaphore, #tpu.memory_space<semaphore_mem>>) src(%dma_wait3A_352 : memref<50xi32, #tpu.memory_space<hbm>>) dst(%arg9 : memref<50xi32, #tpu.memory_space<vmem>>)
    %dma_start3A_353 = arith.constant 0 : i32
    %dma_start3A_354 = arith.constant 0 : i32
    %dma_start3A_355 = tpu.memref_slice %arg23[%dma_start3A_353, %dma_start3A_354] : memref<10000x48xf32, #tpu.memory_space<vmem_shared>> -> memref<10000x48xf32, #tpu.memory_space<vmem_shared>>
    tpu.enqueue_indirect_dma source(%dma_start3A_355 : memref<10000x48xf32, #tpu.memory_space<vmem_shared>>) target(%arg17 : memref<50x48xf32, #tpu.memory_space<vmem>>) offsets(%arg9 : memref<50xi32, #tpu.memory_space<vmem>>) semaphore(%arg27 : memref<!tpu.dma_semaphore, #tpu.memory_space<semaphore_mem>>)
    %dma_wait3A_356 = arith.constant 0 : i32
    %dma_wait3A_357 = arith.constant 4 : i32
    %dma_wait3A_358 = arith.constant 0 : i32
    %dma_wait3A_359 = tpu.memref_slice %arg3[%dma_wait3A_356, %add3A, %dma_wait3A_357, %dma_wait3A_358] : memref<2x32x200x50xi32, #tpu.memory_space<hbm>> -> memref<1x1x1x50xi32, #tpu.memory_space<hbm>>
    %dma_wait3A_360 = tpu.memref_squeeze %dma_wait3A_359 : memref<1x1x1x50xi32, #tpu.memory_space<hbm>> -> memref<50xi32, #tpu.memory_space<hbm>>
    %dma_wait3A_361 = arith.constant 0 : i32
    %dma_wait3A_362 = tpu.memref_slice %arg3[%dma_wait3A_356, %add3A, %dma_wait3A_357, %dma_wait3A_361] : memref<2x32x200x50xi32, #tpu.memory_space<hbm>> -> memref<1x1x1x50xi32, #tpu.memory_space<hbm>>
    %dma_wait3A_363 = tpu.memref_squeeze %dma_wait3A_362 : memref<1x1x1x50xi32, #tpu.memory_space<hbm>> -> memref<50xi32, #tpu.memory_space<hbm>>
    tpu.wait_dma2 semaphore(%arg44 : memref<!tpu.dma_semaphore, #tpu.memory_space<semaphore_mem>>) src(%dma_wait3A_363 : memref<50xi32, #tpu.memory_space<hbm>>) dst(%arg10 : memref<50xi32, #tpu.memory_space<vmem>>)
    %dma_start3A_364 = arith.constant 0 : i32
    %dma_start3A_365 = arith.constant 0 : i32
    %dma_start3A_366 = tpu.memref_slice %arg23[%dma_start3A_364, %dma_start3A_365] : memref<10000x48xf32, #tpu.memory_space<vmem_shared>> -> memref<10000x48xf32, #tpu.memory_space<vmem_shared>>
    tpu.enqueue_indirect_dma source(%dma_start3A_366 : memref<10000x48xf32, #tpu.memory_space<vmem_shared>>) target(%arg18 : memref<50x48xf32, #tpu.memory_space<vmem>>) offsets(%arg10 : memref<50xi32, #tpu.memory_space<vmem>>) semaphore(%arg28 : memref<!tpu.dma_semaphore, #tpu.memory_space<semaphore_mem>>)
    %dma_wait3A_367 = arith.constant 0 : i32
    %dma_wait3A_368 = arith.constant 5 : i32
    %dma_wait3A_369 = arith.constant 0 : i32
    %dma_wait3A_370 = tpu.memref_slice %arg3[%dma_wait3A_367, %add3A, %dma_wait3A_368, %dma_wait3A_369] : memref<2x32x200x50xi32, #tpu.memory_space<hbm>> -> memref<1x1x1x50xi32, #tpu.memory_space<hbm>>
    %dma_wait3A_371 = tpu.memref_squeeze %dma_wait3A_370 : memref<1x1x1x50xi32, #tpu.memory_space<hbm>> -> memref<50xi32, #tpu.memory_space<hbm>>
    %dma_wait3A_372 = arith.constant 0 : i32
    %dma_wait3A_373 = tpu.memref_slice %arg3[%dma_wait3A_367, %add3A, %dma_wait3A_368, %dma_wait3A_372] : memref<2x32x200x50xi32, #tpu.memory_space<hbm>> -> memref<1x1x1x50xi32, #tpu.memory_space<hbm>>
    %dma_wait3A_374 = tpu.memref_squeeze %dma_wait3A_373 : memref<1x1x1x50xi32, #tpu.memory_space<hbm>> -> memref<50xi32, #tpu.memory_space<hbm>>
    tpu.wait_dma2 semaphore(%arg45 : memref<!tpu.dma_semaphore, #tpu.memory_space<semaphore_mem>>) src(%dma_wait3A_374 : memref<50xi32, #tpu.memory_space<hbm>>) dst(%arg11 : memref<50xi32, #tpu.memory_space<vmem>>)
    %dma_start3A_375 = arith.constant 0 : i32
    %dma_start3A_376 = arith.constant 0 : i32
    %dma_start3A_377 = tpu.memref_slice %arg23[%dma_start3A_375, %dma_start3A_376] : memref<10000x48xf32, #tpu.memory_space<vmem_shared>> -> memref<10000x48xf32, #tpu.memory_space<vmem_shared>>
    tpu.enqueue_indirect_dma source(%dma_start3A_377 : memref<10000x48xf32, #tpu.memory_space<vmem_shared>>) target(%arg19 : memref<50x48xf32, #tpu.memory_space<vmem>>) offsets(%arg11 : memref<50xi32, #tpu.memory_space<vmem>>) semaphore(%arg29 : memref<!tpu.dma_semaphore, #tpu.memory_space<semaphore_mem>>)
    %scan3A_378 = arith.constant 0 : i32
    %scan3A_379 = arith.constant 0 : i32
    %scan3A_380 = arith.constant 25 : i32
    %scan3A_381 = arith.addi %scan3A_379, %scan3A_380 : i32
    %scan3A_382 = arith.constant 1 : i32
    scf.for %scan3A_403 = %scan3A_379 to %scan3A_381 step %scan3A_382  : i32 {
      %mul3A_404 = arith.constant 8 : i32
      %mul3A_405 = arith.muli %mul3A_404, %scan3A_403 : i32
      %add3A_406 = arith.constant 0 : i32
      %add3A_407 = arith.addi %mul3A_405, %add3A_406 : i32
      %dma_wait3A_408 = arith.constant 0 : i32
      %dma_wait3A_409 = arith.constant 0 : i32
      %dma_wait3A_410 = tpu.memref_slice %arg23[%dma_wait3A_408, %dma_wait3A_409] : memref<10000x48xf32, #tpu.memory_space<vmem_shared>> -> memref<10000x48xf32, #tpu.memory_space<vmem_shared>>
      tpu.wait_indirect_dma semaphore(%arg24 : memref<!tpu.dma_semaphore, #tpu.memory_space<semaphore_mem>>) src(%dma_wait3A_410 : memref<10000x48xf32, #tpu.memory_space<vmem_shared>>) dst(%arg14 : memref<50x48xf32, #tpu.memory_space<vmem>>)
      %gt3A = arith.constant 0 : i32
      %gt3A_411 = arith.cmpi sgt, %scan3A_403, %gt3A : i32
      %convert_element_type3A_412 = arith.extui %gt3A_411 : i1 to i32
      %cond3A_413 = arith.constant 0 : i32
      %cond3A_414 = arith.cmpi ne, %convert_element_type3A_412, %cond3A_413 : i32
      scf.if %cond3A_414 {
        %dma_wait3A_645 = arith.constant 0 : i32
        %dma_wait3A_646 = tpu.memref_slice %arg5[%add3A_407, %dma_wait3A_645] : memref<200x50xi32, #tpu.memory_space<vmem>> -> memref<1x50xi32, #tpu.memory_space<vmem>>
        %dma_wait3A_647 = tpu.memref_squeeze %dma_wait3A_646 : memref<1x50xi32, #tpu.memory_space<vmem>> -> memref<50xi32, #tpu.memory_space<vmem>>
        %dma_wait3A_648 = arith.constant 0 : i32
        %dma_wait3A_649 = arith.constant 0 : i32
        %dma_wait3A_650 = tpu.memref_slice %arg22[%dma_wait3A_648, %dma_wait3A_649] : memref<10000x48xf32, #tpu.memory_space<vmem_shared>> -> memref<10000x48xf32, #tpu.memory_space<vmem_shared>>
        tpu.wait_indirect_dma semaphore(%arg38 : memref<!tpu.dma_semaphore, #tpu.memory_space<semaphore_mem>>) src(%arg20 : memref<50x48xf32, #tpu.memory_space<vmem>>) dst(%dma_wait3A_650 : memref<10000x48xf32, #tpu.memory_space<vmem_shared>>)
      } else {
      }
      %dma_start3A_415 = arith.constant 0 : i32
      %dma_start3A_416 = tpu.memref_slice %arg5[%add3A_407, %dma_start3A_415] : memref<200x50xi32, #tpu.memory_space<vmem>> -> memref<1x50xi32, #tpu.memory_space<vmem>>
      %dma_start3A_417 = tpu.memref_squeeze %dma_start3A_416 : memref<1x50xi32, #tpu.memory_space<vmem>> -> memref<50xi32, #tpu.memory_space<vmem>>
      %dma_start3A_418 = arith.constant 0 : i32
      %dma_start3A_419 = arith.constant 0 : i32
      %dma_start3A_420 = tpu.memref_slice %arg22[%dma_start3A_418, %dma_start3A_419] : memref<10000x48xf32, #tpu.memory_space<vmem_shared>> -> memref<10000x48xf32, #tpu.memory_space<vmem_shared>>
      tpu.enqueue_indirect_dma source(%arg14 : memref<50x48xf32, #tpu.memory_space<vmem>>) target(%dma_start3A_420 : memref<10000x48xf32, #tpu.memory_space<vmem_shared>>) offsets(%dma_start3A_417 : memref<50xi32, #tpu.memory_space<vmem>>) semaphore(%arg32 : memref<!tpu.dma_semaphore, #tpu.memory_space<semaphore_mem>>) {add = true}
      %dma_wait3A_421 = arith.constant 0 : i32
      %dma_wait3A_422 = arith.constant 0 : i32
      %dma_wait3A_423 = arith.constant 0 : i32
      %dma_wait3A_424 = tpu.memref_slice %arg3[%dma_wait3A_421, %add3A, %dma_wait3A_422, %dma_wait3A_423] : memref<2x32x200x50xi32, #tpu.memory_space<hbm>> -> memref<1x1x1x50xi32, #tpu.memory_space<hbm>>
      %dma_wait3A_425 = tpu.memref_squeeze %dma_wait3A_424 : memref<1x1x1x50xi32, #tpu.memory_space<hbm>> -> memref<50xi32, #tpu.memory_space<hbm>>
      %dma_wait3A_426 = arith.constant 0 : i32
      %dma_wait3A_427 = tpu.memref_slice %arg3[%dma_wait3A_421, %add3A, %dma_wait3A_422, %dma_wait3A_426] : memref<2x32x200x50xi32, #tpu.memory_space<hbm>> -> memref<1x1x1x50xi32, #tpu.memory_space<hbm>>
      %dma_wait3A_428 = tpu.memref_squeeze %dma_wait3A_427 : memref<1x1x1x50xi32, #tpu.memory_space<hbm>> -> memref<50xi32, #tpu.memory_space<hbm>>
      tpu.wait_dma2 semaphore(%arg46 : memref<!tpu.dma_semaphore, #tpu.memory_space<semaphore_mem>>) src(%dma_wait3A_428 : memref<50xi32, #tpu.memory_space<hbm>>) dst(%arg12 : memref<50xi32, #tpu.memory_space<vmem>>)
      %dma_start3A_429 = arith.constant 0 : i32
      %dma_start3A_430 = arith.constant 0 : i32
      %dma_start3A_431 = tpu.memref_slice %arg23[%dma_start3A_429, %dma_start3A_430] : memref<10000x48xf32, #tpu.memory_space<vmem_shared>> -> memref<10000x48xf32, #tpu.memory_space<vmem_shared>>
      tpu.enqueue_indirect_dma source(%dma_start3A_431 : memref<10000x48xf32, #tpu.memory_space<vmem_shared>>) target(%arg20 : memref<50x48xf32, #tpu.memory_space<vmem>>) offsets(%arg12 : memref<50xi32, #tpu.memory_space<vmem>>) semaphore(%arg30 : memref<!tpu.dma_semaphore, #tpu.memory_space<semaphore_mem>>)
      %lt3A_432 = arith.constant 24 : i32
      %lt3A_433 = arith.cmpi slt, %scan3A_403, %lt3A_432 : i32
      %convert_element_type3A_434 = arith.extui %lt3A_433 : i1 to i32
      %cond3A_435 = arith.constant 0 : i32
      %cond3A_436 = arith.cmpi ne, %convert_element_type3A_434, %cond3A_435 : i32
      scf.if %cond3A_436 {
        %add3A_645 = arith.constant 6 : i32
        %add3A_646 = arith.addi %add3A_407, %add3A_645 : i32
        %add3A_647 = arith.constant 2 : i32
        %add3A_648 = arith.addi %add3A_646, %add3A_647 : i32
        %dma_start3A_649 = arith.constant 0 : i32
        %dma_start3A_650 = arith.constant 0 : i32
        %dma_start3A_651 = tpu.memref_slice %arg3[%dma_start3A_649, %add3A, %add3A_648, %dma_start3A_650] : memref<2x32x200x50xi32, #tpu.memory_space<hbm>> -> memref<1x1x1x50xi32, #tpu.memory_space<hbm>>
        %dma_start3A_652 = tpu.memref_squeeze %dma_start3A_651 : memref<1x1x1x50xi32, #tpu.memory_space<hbm>> -> memref<50xi32, #tpu.memory_space<hbm>>
        %dma_start3A_653 = arith.constant 0 : i32
        %dma_start3A_654 = tpu.memref_slice %arg3[%dma_start3A_649, %add3A, %add3A_648, %dma_start3A_653] : memref<2x32x200x50xi32, #tpu.memory_space<hbm>> -> memref<1x1x1x50xi32, #tpu.memory_space<hbm>>
        %dma_start3A_655 = tpu.memref_squeeze %dma_start3A_654 : memref<1x1x1x50xi32, #tpu.memory_space<hbm>> -> memref<50xi32, #tpu.memory_space<hbm>>
        tpu.enqueue_dma source(%dma_start3A_655 : memref<50xi32, #tpu.memory_space<hbm>>) target(%arg6 : memref<50xi32, #tpu.memory_space<vmem>>) target_semaphore(%arg40 : memref<!tpu.dma_semaphore, #tpu.memory_space<semaphore_mem>>)
      } else {
      }
      %mul3A_437 = arith.constant 8 : i32
      %mul3A_438 = arith.muli %mul3A_437, %scan3A_403 : i32
      %add3A_439 = arith.constant 1 : i32
      %add3A_440 = arith.addi %mul3A_438, %add3A_439 : i32
      %dma_wait3A_441 = arith.constant 0 : i32
      %dma_wait3A_442 = arith.constant 0 : i32
      %dma_wait3A_443 = tpu.memref_slice %arg23[%dma_wait3A_441, %dma_wait3A_442] : memref<10000x48xf32, #tpu.memory_space<vmem_shared>> -> memref<10000x48xf32, #tpu.memory_space<vmem_shared>>
      tpu.wait_indirect_dma semaphore(%arg25 : memref<!tpu.dma_semaphore, #tpu.memory_space<semaphore_mem>>) src(%dma_wait3A_443 : memref<10000x48xf32, #tpu.memory_space<vmem_shared>>) dst(%arg15 : memref<50x48xf32, #tpu.memory_space<vmem>>)
      %gt3A_444 = arith.constant 0 : i32
      %gt3A_445 = arith.cmpi sgt, %scan3A_403, %gt3A_444 : i32
      %convert_element_type3A_446 = arith.extui %gt3A_445 : i1 to i32
      %cond3A_447 = arith.constant 0 : i32
      %cond3A_448 = arith.cmpi ne, %convert_element_type3A_446, %cond3A_447 : i32
      scf.if %cond3A_448 {
        %dma_wait3A_645 = arith.constant 0 : i32
        %dma_wait3A_646 = tpu.memref_slice %arg5[%add3A_440, %dma_wait3A_645] : memref<200x50xi32, #tpu.memory_space<vmem>> -> memref<1x50xi32, #tpu.memory_space<vmem>>
        %dma_wait3A_647 = tpu.memref_squeeze %dma_wait3A_646 : memref<1x50xi32, #tpu.memory_space<vmem>> -> memref<50xi32, #tpu.memory_space<vmem>>
        %dma_wait3A_648 = arith.constant 0 : i32
        %dma_wait3A_649 = arith.constant 0 : i32
        %dma_wait3A_650 = tpu.memref_slice %arg22[%dma_wait3A_648, %dma_wait3A_649] : memref<10000x48xf32, #tpu.memory_space<vmem_shared>> -> memref<10000x48xf32, #tpu.memory_space<vmem_shared>>
        tpu.wait_indirect_dma semaphore(%arg39 : memref<!tpu.dma_semaphore, #tpu.memory_space<semaphore_mem>>) src(%arg21 : memref<50x48xf32, #tpu.memory_space<vmem>>) dst(%dma_wait3A_650 : memref<10000x48xf32, #tpu.memory_space<vmem_shared>>)
      } else {
      }
      %dma_start3A_449 = arith.constant 0 : i32
      %dma_start3A_450 = tpu.memref_slice %arg5[%add3A_440, %dma_start3A_449] : memref<200x50xi32, #tpu.memory_space<vmem>> -> memref<1x50xi32, #tpu.memory_space<vmem>>
      %dma_start3A_451 = tpu.memref_squeeze %dma_start3A_450 : memref<1x50xi32, #tpu.memory_space<vmem>> -> memref<50xi32, #tpu.memory_space<vmem>>
      %dma_start3A_452 = arith.constant 0 : i32
      %dma_start3A_453 = arith.constant 0 : i32
      %dma_start3A_454 = tpu.memref_slice %arg22[%dma_start3A_452, %dma_start3A_453] : memref<10000x48xf32, #tpu.memory_space<vmem_shared>> -> memref<10000x48xf32, #tpu.memory_space<vmem_shared>>
      tpu.enqueue_indirect_dma source(%arg15 : memref<50x48xf32, #tpu.memory_space<vmem>>) target(%dma_start3A_454 : memref<10000x48xf32, #tpu.memory_space<vmem_shared>>) offsets(%dma_start3A_451 : memref<50xi32, #tpu.memory_space<vmem>>) semaphore(%arg33 : memref<!tpu.dma_semaphore, #tpu.memory_space<semaphore_mem>>) {add = true}
      %dma_wait3A_455 = arith.constant 0 : i32
      %dma_wait3A_456 = arith.constant 0 : i32
      %dma_wait3A_457 = arith.constant 0 : i32
      %dma_wait3A_458 = tpu.memref_slice %arg3[%dma_wait3A_455, %add3A, %dma_wait3A_456, %dma_wait3A_457] : memref<2x32x200x50xi32, #tpu.memory_space<hbm>> -> memref<1x1x1x50xi32, #tpu.memory_space<hbm>>
      %dma_wait3A_459 = tpu.memref_squeeze %dma_wait3A_458 : memref<1x1x1x50xi32, #tpu.memory_space<hbm>> -> memref<50xi32, #tpu.memory_space<hbm>>
      %dma_wait3A_460 = arith.constant 0 : i32
      %dma_wait3A_461 = tpu.memref_slice %arg3[%dma_wait3A_455, %add3A, %dma_wait3A_456, %dma_wait3A_460] : memref<2x32x200x50xi32, #tpu.memory_space<hbm>> -> memref<1x1x1x50xi32, #tpu.memory_space<hbm>>
      %dma_wait3A_462 = tpu.memref_squeeze %dma_wait3A_461 : memref<1x1x1x50xi32, #tpu.memory_space<hbm>> -> memref<50xi32, #tpu.memory_space<hbm>>
      tpu.wait_dma2 semaphore(%arg47 : memref<!tpu.dma_semaphore, #tpu.memory_space<semaphore_mem>>) src(%dma_wait3A_462 : memref<50xi32, #tpu.memory_space<hbm>>) dst(%arg13 : memref<50xi32, #tpu.memory_space<vmem>>)
      %dma_start3A_463 = arith.constant 0 : i32
      %dma_start3A_464 = arith.constant 0 : i32
      %dma_start3A_465 = tpu.memref_slice %arg23[%dma_start3A_463, %dma_start3A_464] : memref<10000x48xf32, #tpu.memory_space<vmem_shared>> -> memref<10000x48xf32, #tpu.memory_space<vmem_shared>>
      tpu.enqueue_indirect_dma source(%dma_start3A_465 : memref<10000x48xf32, #tpu.memory_space<vmem_shared>>) target(%arg21 : memref<50x48xf32, #tpu.memory_space<vmem>>) offsets(%arg13 : memref<50xi32, #tpu.memory_space<vmem>>) semaphore(%arg31 : memref<!tpu.dma_semaphore, #tpu.memory_space<semaphore_mem>>)
      %lt3A_466 = arith.constant 24 : i32
      %lt3A_467 = arith.cmpi slt, %scan3A_403, %lt3A_466 : i32
      %convert_element_type3A_468 = arith.extui %lt3A_467 : i1 to i32
      %cond3A_469 = arith.constant 0 : i32
      %cond3A_470 = arith.cmpi ne, %convert_element_type3A_468, %cond3A_469 : i32
      scf.if %cond3A_470 {
        %add3A_645 = arith.constant 6 : i32
        %add3A_646 = arith.addi %add3A_440, %add3A_645 : i32
        %add3A_647 = arith.constant 2 : i32
        %add3A_648 = arith.addi %add3A_646, %add3A_647 : i32
        %dma_start3A_649 = arith.constant 0 : i32
        %dma_start3A_650 = arith.constant 0 : i32
        %dma_start3A_651 = tpu.memref_slice %arg3[%dma_start3A_649, %add3A, %add3A_648, %dma_start3A_650] : memref<2x32x200x50xi32, #tpu.memory_space<hbm>> -> memref<1x1x1x50xi32, #tpu.memory_space<hbm>>
        %dma_start3A_652 = tpu.memref_squeeze %dma_start3A_651 : memref<1x1x1x50xi32, #tpu.memory_space<hbm>> -> memref<50xi32, #tpu.memory_space<hbm>>
        %dma_start3A_653 = arith.constant 0 : i32
        %dma_start3A_654 = tpu.memref_slice %arg3[%dma_start3A_649, %add3A, %add3A_648, %dma_start3A_653] : memref<2x32x200x50xi32, #tpu.memory_space<hbm>> -> memref<1x1x1x50xi32, #tpu.memory_space<hbm>>
        %dma_start3A_655 = tpu.memref_squeeze %dma_start3A_654 : memref<1x1x1x50xi32, #tpu.memory_space<hbm>> -> memref<50xi32, #tpu.memory_space<hbm>>
        tpu.enqueue_dma source(%dma_start3A_655 : memref<50xi32, #tpu.memory_space<hbm>>) target(%arg7 : memref<50xi32, #tpu.memory_space<vmem>>) target_semaphore(%arg41 : memref<!tpu.dma_semaphore, #tpu.memory_space<semaphore_mem>>)
      } else {
      }
      %mul3A_471 = arith.constant 8 : i32
      %mul3A_472 = arith.muli %mul3A_471, %scan3A_403 : i32
      %add3A_473 = arith.constant 2 : i32
      %add3A_474 = arith.addi %mul3A_472, %add3A_473 : i32
      %dma_wait3A_475 = arith.constant 0 : i32
      %dma_wait3A_476 = arith.constant 0 : i32
      %dma_wait3A_477 = tpu.memref_slice %arg23[%dma_wait3A_475, %dma_wait3A_476] : memref<10000x48xf32, #tpu.memory_space<vmem_shared>> -> memref<10000x48xf32, #tpu.memory_space<vmem_shared>>
      tpu.wait_indirect_dma semaphore(%arg26 : memref<!tpu.dma_semaphore, #tpu.memory_space<semaphore_mem>>) src(%dma_wait3A_477 : memref<10000x48xf32, #tpu.memory_space<vmem_shared>>) dst(%arg16 : memref<50x48xf32, #tpu.memory_space<vmem>>)
      %dma_wait3A_478 = arith.constant 0 : i32
      %dma_wait3A_479 = tpu.memref_slice %arg5[%add3A_474, %dma_wait3A_478] : memref<200x50xi32, #tpu.memory_space<vmem>> -> memref<1x50xi32, #tpu.memory_space<vmem>>
      %dma_wait3A_480 = tpu.memref_squeeze %dma_wait3A_479 : memref<1x50xi32, #tpu.memory_space<vmem>> -> memref<50xi32, #tpu.memory_space<vmem>>
      %dma_wait3A_481 = arith.constant 0 : i32
      %dma_wait3A_482 = arith.constant 0 : i32
      %dma_wait3A_483 = tpu.memref_slice %arg22[%dma_wait3A_481, %dma_wait3A_482] : memref<10000x48xf32, #tpu.memory_space<vmem_shared>> -> memref<10000x48xf32, #tpu.memory_space<vmem_shared>>
      tpu.wait_indirect_dma semaphore(%arg32 : memref<!tpu.dma_semaphore, #tpu.memory_space<semaphore_mem>>) src(%arg14 : memref<50x48xf32, #tpu.memory_space<vmem>>) dst(%dma_wait3A_483 : memref<10000x48xf32, #tpu.memory_space<vmem_shared>>)
      %dma_start3A_484 = arith.constant 0 : i32
      %dma_start3A_485 = tpu.memref_slice %arg5[%add3A_474, %dma_start3A_484] : memref<200x50xi32, #tpu.memory_space<vmem>> -> memref<1x50xi32, #tpu.memory_space<vmem>>
      %dma_start3A_486 = tpu.memref_squeeze %dma_start3A_485 : memref<1x50xi32, #tpu.memory_space<vmem>> -> memref<50xi32, #tpu.memory_space<vmem>>
      %dma_start3A_487 = arith.constant 0 : i32
      %dma_start3A_488 = arith.constant 0 : i32
      %dma_start3A_489 = tpu.memref_slice %arg22[%dma_start3A_487, %dma_start3A_488] : memref<10000x48xf32, #tpu.memory_space<vmem_shared>> -> memref<10000x48xf32, #tpu.memory_space<vmem_shared>>
      tpu.enqueue_indirect_dma source(%arg16 : memref<50x48xf32, #tpu.memory_space<vmem>>) target(%dma_start3A_489 : memref<10000x48xf32, #tpu.memory_space<vmem_shared>>) offsets(%dma_start3A_486 : memref<50xi32, #tpu.memory_space<vmem>>) semaphore(%arg34 : memref<!tpu.dma_semaphore, #tpu.memory_space<semaphore_mem>>) {add = true}
      %lt3A_490 = arith.constant 24 : i32
      %lt3A_491 = arith.cmpi slt, %scan3A_403, %lt3A_490 : i32
      %convert_element_type3A_492 = arith.extui %lt3A_491 : i1 to i32
      %cond3A_493 = arith.constant 0 : i32
      %cond3A_494 = arith.cmpi ne, %convert_element_type3A_492, %cond3A_493 : i32
      scf.if %cond3A_494 {
        %dma_wait3A_645 = arith.constant 0 : i32
        %dma_wait3A_646 = arith.constant 0 : i32
        %dma_wait3A_647 = arith.constant 0 : i32
        %dma_wait3A_648 = tpu.memref_slice %arg3[%dma_wait3A_645, %add3A, %dma_wait3A_646, %dma_wait3A_647] : memref<2x32x200x50xi32, #tpu.memory_space<hbm>> -> memref<1x1x1x50xi32, #tpu.memory_space<hbm>>
        %dma_wait3A_649 = tpu.memref_squeeze %dma_wait3A_648 : memref<1x1x1x50xi32, #tpu.memory_space<hbm>> -> memref<50xi32, #tpu.memory_space<hbm>>
        %dma_wait3A_650 = arith.constant 0 : i32
        %dma_wait3A_651 = tpu.memref_slice %arg3[%dma_wait3A_645, %add3A, %dma_wait3A_646, %dma_wait3A_650] : memref<2x32x200x50xi32, #tpu.memory_space<hbm>> -> memref<1x1x1x50xi32, #tpu.memory_space<hbm>>
        %dma_wait3A_652 = tpu.memref_squeeze %dma_wait3A_651 : memref<1x1x1x50xi32, #tpu.memory_space<hbm>> -> memref<50xi32, #tpu.memory_space<hbm>>
        tpu.wait_dma2 semaphore(%arg40 : memref<!tpu.dma_semaphore, #tpu.memory_space<semaphore_mem>>) src(%dma_wait3A_652 : memref<50xi32, #tpu.memory_space<hbm>>) dst(%arg6 : memref<50xi32, #tpu.memory_space<vmem>>)
        %dma_start3A_653 = arith.constant 0 : i32
        %dma_start3A_654 = arith.constant 0 : i32
        %dma_start3A_655 = tpu.memref_slice %arg23[%dma_start3A_653, %dma_start3A_654] : memref<10000x48xf32, #tpu.memory_space<vmem_shared>> -> memref<10000x48xf32, #tpu.memory_space<vmem_shared>>
        tpu.enqueue_indirect_dma source(%dma_start3A_655 : memref<10000x48xf32, #tpu.memory_space<vmem_shared>>) target(%arg14 : memref<50x48xf32, #tpu.memory_space<vmem>>) offsets(%arg6 : memref<50xi32, #tpu.memory_space<vmem>>) semaphore(%arg24 : memref<!tpu.dma_semaphore, #tpu.memory_space<semaphore_mem>>)
      } else {
      }
      %lt3A_495 = arith.constant 24 : i32
      %lt3A_496 = arith.cmpi slt, %scan3A_403, %lt3A_495 : i32
      %convert_element_type3A_497 = arith.extui %lt3A_496 : i1 to i32
      %cond3A_498 = arith.constant 0 : i32
      %cond3A_499 = arith.cmpi ne, %convert_element_type3A_497, %cond3A_498 : i32
      scf.if %cond3A_499 {
        %add3A_645 = arith.constant 6 : i32
        %add3A_646 = arith.addi %add3A_474, %add3A_645 : i32
        %add3A_647 = arith.constant 2 : i32
        %add3A_648 = arith.addi %add3A_646, %add3A_647 : i32
        %dma_start3A_649 = arith.constant 0 : i32
        %dma_start3A_650 = arith.constant 0 : i32
        %dma_start3A_651 = tpu.memref_slice %arg3[%dma_start3A_649, %add3A, %add3A_648, %dma_start3A_650] : memref<2x32x200x50xi32, #tpu.memory_space<hbm>> -> memref<1x1x1x50xi32, #tpu.memory_space<hbm>>
        %dma_start3A_652 = tpu.memref_squeeze %dma_start3A_651 : memref<1x1x1x50xi32, #tpu.memory_space<hbm>> -> memref<50xi32, #tpu.memory_space<hbm>>
        %dma_start3A_653 = arith.constant 0 : i32
        %dma_start3A_654 = tpu.memref_slice %arg3[%dma_start3A_649, %add3A, %add3A_648, %dma_start3A_653] : memref<2x32x200x50xi32, #tpu.memory_space<hbm>> -> memref<1x1x1x50xi32, #tpu.memory_space<hbm>>
        %dma_start3A_655 = tpu.memref_squeeze %dma_start3A_654 : memref<1x1x1x50xi32, #tpu.memory_space<hbm>> -> memref<50xi32, #tpu.memory_space<hbm>>
        tpu.enqueue_dma source(%dma_start3A_655 : memref<50xi32, #tpu.memory_space<hbm>>) target(%arg8 : memref<50xi32, #tpu.memory_space<vmem>>) target_semaphore(%arg42 : memref<!tpu.dma_semaphore, #tpu.memory_space<semaphore_mem>>)
      } else {
      }
      %mul3A_500 = arith.constant 8 : i32
      %mul3A_501 = arith.muli %mul3A_500, %scan3A_403 : i32
      %add3A_502 = arith.constant 3 : i32
      %add3A_503 = arith.addi %mul3A_501, %add3A_502 : i32
      %dma_wait3A_504 = arith.constant 0 : i32
      %dma_wait3A_505 = arith.constant 0 : i32
      %dma_wait3A_506 = tpu.memref_slice %arg23[%dma_wait3A_504, %dma_wait3A_505] : memref<10000x48xf32, #tpu.memory_space<vmem_shared>> -> memref<10000x48xf32, #tpu.memory_space<vmem_shared>>
      tpu.wait_indirect_dma semaphore(%arg27 : memref<!tpu.dma_semaphore, #tpu.memory_space<semaphore_mem>>) src(%dma_wait3A_506 : memref<10000x48xf32, #tpu.memory_space<vmem_shared>>) dst(%arg17 : memref<50x48xf32, #tpu.memory_space<vmem>>)
      %dma_wait3A_507 = arith.constant 0 : i32
      %dma_wait3A_508 = tpu.memref_slice %arg5[%add3A_503, %dma_wait3A_507] : memref<200x50xi32, #tpu.memory_space<vmem>> -> memref<1x50xi32, #tpu.memory_space<vmem>>
      %dma_wait3A_509 = tpu.memref_squeeze %dma_wait3A_508 : memref<1x50xi32, #tpu.memory_space<vmem>> -> memref<50xi32, #tpu.memory_space<vmem>>
      %dma_wait3A_510 = arith.constant 0 : i32
      %dma_wait3A_511 = arith.constant 0 : i32
      %dma_wait3A_512 = tpu.memref_slice %arg22[%dma_wait3A_510, %dma_wait3A_511] : memref<10000x48xf32, #tpu.memory_space<vmem_shared>> -> memref<10000x48xf32, #tpu.memory_space<vmem_shared>>
      tpu.wait_indirect_dma semaphore(%arg33 : memref<!tpu.dma_semaphore, #tpu.memory_space<semaphore_mem>>) src(%arg15 : memref<50x48xf32, #tpu.memory_space<vmem>>) dst(%dma_wait3A_512 : memref<10000x48xf32, #tpu.memory_space<vmem_shared>>)
      %dma_start3A_513 = arith.constant 0 : i32
      %dma_start3A_514 = tpu.memref_slice %arg5[%add3A_503, %dma_start3A_513] : memref<200x50xi32, #tpu.memory_space<vmem>> -> memref<1x50xi32, #tpu.memory_space<vmem>>
      %dma_start3A_515 = tpu.memref_squeeze %dma_start3A_514 : memref<1x50xi32, #tpu.memory_space<vmem>> -> memref<50xi32, #tpu.memory_space<vmem>>
      %dma_start3A_516 = arith.constant 0 : i32
      %dma_start3A_517 = arith.constant 0 : i32
      %dma_start3A_518 = tpu.memref_slice %arg22[%dma_start3A_516, %dma_start3A_517] : memref<10000x48xf32, #tpu.memory_space<vmem_shared>> -> memref<10000x48xf32, #tpu.memory_space<vmem_shared>>
      tpu.enqueue_indirect_dma source(%arg17 : memref<50x48xf32, #tpu.memory_space<vmem>>) target(%dma_start3A_518 : memref<10000x48xf32, #tpu.memory_space<vmem_shared>>) offsets(%dma_start3A_515 : memref<50xi32, #tpu.memory_space<vmem>>) semaphore(%arg35 : memref<!tpu.dma_semaphore, #tpu.memory_space<semaphore_mem>>) {add = true}
      %lt3A_519 = arith.constant 24 : i32
      %lt3A_520 = arith.cmpi slt, %scan3A_403, %lt3A_519 : i32
      %convert_element_type3A_521 = arith.extui %lt3A_520 : i1 to i32
      %cond3A_522 = arith.constant 0 : i32
      %cond3A_523 = arith.cmpi ne, %convert_element_type3A_521, %cond3A_522 : i32
      scf.if %cond3A_523 {
        %dma_wait3A_645 = arith.constant 0 : i32
        %dma_wait3A_646 = arith.constant 0 : i32
        %dma_wait3A_647 = arith.constant 0 : i32
        %dma_wait3A_648 = tpu.memref_slice %arg3[%dma_wait3A_645, %add3A, %dma_wait3A_646, %dma_wait3A_647] : memref<2x32x200x50xi32, #tpu.memory_space<hbm>> -> memref<1x1x1x50xi32, #tpu.memory_space<hbm>>
        %dma_wait3A_649 = tpu.memref_squeeze %dma_wait3A_648 : memref<1x1x1x50xi32, #tpu.memory_space<hbm>> -> memref<50xi32, #tpu.memory_space<hbm>>
        %dma_wait3A_650 = arith.constant 0 : i32
        %dma_wait3A_651 = tpu.memref_slice %arg3[%dma_wait3A_645, %add3A, %dma_wait3A_646, %dma_wait3A_650] : memref<2x32x200x50xi32, #tpu.memory_space<hbm>> -> memref<1x1x1x50xi32, #tpu.memory_space<hbm>>
        %dma_wait3A_652 = tpu.memref_squeeze %dma_wait3A_651 : memref<1x1x1x50xi32, #tpu.memory_space<hbm>> -> memref<50xi32, #tpu.memory_space<hbm>>
        tpu.wait_dma2 semaphore(%arg41 : memref<!tpu.dma_semaphore, #tpu.memory_space<semaphore_mem>>) src(%dma_wait3A_652 : memref<50xi32, #tpu.memory_space<hbm>>) dst(%arg7 : memref<50xi32, #tpu.memory_space<vmem>>)
        %dma_start3A_653 = arith.constant 0 : i32
        %dma_start3A_654 = arith.constant 0 : i32
        %dma_start3A_655 = tpu.memref_slice %arg23[%dma_start3A_653, %dma_start3A_654] : memref<10000x48xf32, #tpu.memory_space<vmem_shared>> -> memref<10000x48xf32, #tpu.memory_space<vmem_shared>>
        tpu.enqueue_indirect_dma source(%dma_start3A_655 : memref<10000x48xf32, #tpu.memory_space<vmem_shared>>) target(%arg15 : memref<50x48xf32, #tpu.memory_space<vmem>>) offsets(%arg7 : memref<50xi32, #tpu.memory_space<vmem>>) semaphore(%arg25 : memref<!tpu.dma_semaphore, #tpu.memory_space<semaphore_mem>>)
      } else {
      }
      %lt3A_524 = arith.constant 24 : i32
      %lt3A_525 = arith.cmpi slt, %scan3A_403, %lt3A_524 : i32
      %convert_element_type3A_526 = arith.extui %lt3A_525 : i1 to i32
      %cond3A_527 = arith.constant 0 : i32
      %cond3A_528 = arith.cmpi ne, %convert_element_type3A_526, %cond3A_527 : i32
      scf.if %cond3A_528 {
        %add3A_645 = arith.constant 6 : i32
        %add3A_646 = arith.addi %add3A_503, %add3A_645 : i32
        %add3A_647 = arith.constant 2 : i32
        %add3A_648 = arith.addi %add3A_646, %add3A_647 : i32
        %dma_start3A_649 = arith.constant 0 : i32
        %dma_start3A_650 = arith.constant 0 : i32
        %dma_start3A_651 = tpu.memref_slice %arg3[%dma_start3A_649, %add3A, %add3A_648, %dma_start3A_650] : memref<2x32x200x50xi32, #tpu.memory_space<hbm>> -> memref<1x1x1x50xi32, #tpu.memory_space<hbm>>
        %dma_start3A_652 = tpu.memref_squeeze %dma_start3A_651 : memref<1x1x1x50xi32, #tpu.memory_space<hbm>> -> memref<50xi32, #tpu.memory_space<hbm>>
        %dma_start3A_653 = arith.constant 0 : i32
        %dma_start3A_654 = tpu.memref_slice %arg3[%dma_start3A_649, %add3A, %add3A_648, %dma_start3A_653] : memref<2x32x200x50xi32, #tpu.memory_space<hbm>> -> memref<1x1x1x50xi32, #tpu.memory_space<hbm>>
        %dma_start3A_655 = tpu.memref_squeeze %dma_start3A_654 : memref<1x1x1x50xi32, #tpu.memory_space<hbm>> -> memref<50xi32, #tpu.memory_space<hbm>>
        tpu.enqueue_dma source(%dma_start3A_655 : memref<50xi32, #tpu.memory_space<hbm>>) target(%arg9 : memref<50xi32, #tpu.memory_space<vmem>>) target_semaphore(%arg43 : memref<!tpu.dma_semaphore, #tpu.memory_space<semaphore_mem>>)
      } else {
      }
      %mul3A_529 = arith.constant 8 : i32
      %mul3A_530 = arith.muli %mul3A_529, %scan3A_403 : i32
      %add3A_531 = arith.constant 4 : i32
      %add3A_532 = arith.addi %mul3A_530, %add3A_531 : i32
      %dma_wait3A_533 = arith.constant 0 : i32
      %dma_wait3A_534 = arith.constant 0 : i32
      %dma_wait3A_535 = tpu.memref_slice %arg23[%dma_wait3A_533, %dma_wait3A_534] : memref<10000x48xf32, #tpu.memory_space<vmem_shared>> -> memref<10000x48xf32, #tpu.memory_space<vmem_shared>>
      tpu.wait_indirect_dma semaphore(%arg28 : memref<!tpu.dma_semaphore, #tpu.memory_space<semaphore_mem>>) src(%dma_wait3A_535 : memref<10000x48xf32, #tpu.memory_space<vmem_shared>>) dst(%arg18 : memref<50x48xf32, #tpu.memory_space<vmem>>)
      %dma_wait3A_536 = arith.constant 0 : i32
      %dma_wait3A_537 = tpu.memref_slice %arg5[%add3A_532, %dma_wait3A_536] : memref<200x50xi32, #tpu.memory_space<vmem>> -> memref<1x50xi32, #tpu.memory_space<vmem>>
      %dma_wait3A_538 = tpu.memref_squeeze %dma_wait3A_537 : memref<1x50xi32, #tpu.memory_space<vmem>> -> memref<50xi32, #tpu.memory_space<vmem>>
      %dma_wait3A_539 = arith.constant 0 : i32
      %dma_wait3A_540 = arith.constant 0 : i32
      %dma_wait3A_541 = tpu.memref_slice %arg22[%dma_wait3A_539, %dma_wait3A_540] : memref<10000x48xf32, #tpu.memory_space<vmem_shared>> -> memref<10000x48xf32, #tpu.memory_space<vmem_shared>>
      tpu.wait_indirect_dma semaphore(%arg34 : memref<!tpu.dma_semaphore, #tpu.memory_space<semaphore_mem>>) src(%arg16 : memref<50x48xf32, #tpu.memory_space<vmem>>) dst(%dma_wait3A_541 : memref<10000x48xf32, #tpu.memory_space<vmem_shared>>)
      %dma_start3A_542 = arith.constant 0 : i32
      %dma_start3A_543 = tpu.memref_slice %arg5[%add3A_532, %dma_start3A_542] : memref<200x50xi32, #tpu.memory_space<vmem>> -> memref<1x50xi32, #tpu.memory_space<vmem>>
      %dma_start3A_544 = tpu.memref_squeeze %dma_start3A_543 : memref<1x50xi32, #tpu.memory_space<vmem>> -> memref<50xi32, #tpu.memory_space<vmem>>
      %dma_start3A_545 = arith.constant 0 : i32
      %dma_start3A_546 = arith.constant 0 : i32
      %dma_start3A_547 = tpu.memref_slice %arg22[%dma_start3A_545, %dma_start3A_546] : memref<10000x48xf32, #tpu.memory_space<vmem_shared>> -> memref<10000x48xf32, #tpu.memory_space<vmem_shared>>
      tpu.enqueue_indirect_dma source(%arg18 : memref<50x48xf32, #tpu.memory_space<vmem>>) target(%dma_start3A_547 : memref<10000x48xf32, #tpu.memory_space<vmem_shared>>) offsets(%dma_start3A_544 : memref<50xi32, #tpu.memory_space<vmem>>) semaphore(%arg36 : memref<!tpu.dma_semaphore, #tpu.memory_space<semaphore_mem>>) {add = true}
      %lt3A_548 = arith.constant 24 : i32
      %lt3A_549 = arith.cmpi slt, %scan3A_403, %lt3A_548 : i32
      %convert_element_type3A_550 = arith.extui %lt3A_549 : i1 to i32
      %cond3A_551 = arith.constant 0 : i32
      %cond3A_552 = arith.cmpi ne, %convert_element_type3A_550, %cond3A_551 : i32
      scf.if %cond3A_552 {
        %dma_wait3A_645 = arith.constant 0 : i32
        %dma_wait3A_646 = arith.constant 0 : i32
        %dma_wait3A_647 = arith.constant 0 : i32
        %dma_wait3A_648 = tpu.memref_slice %arg3[%dma_wait3A_645, %add3A, %dma_wait3A_646, %dma_wait3A_647] : memref<2x32x200x50xi32, #tpu.memory_space<hbm>> -> memref<1x1x1x50xi32, #tpu.memory_space<hbm>>
        %dma_wait3A_649 = tpu.memref_squeeze %dma_wait3A_648 : memref<1x1x1x50xi32, #tpu.memory_space<hbm>> -> memref<50xi32, #tpu.memory_space<hbm>>
        %dma_wait3A_650 = arith.constant 0 : i32
        %dma_wait3A_651 = tpu.memref_slice %arg3[%dma_wait3A_645, %add3A, %dma_wait3A_646, %dma_wait3A_650] : memref<2x32x200x50xi32, #tpu.memory_space<hbm>> -> memref<1x1x1x50xi32, #tpu.memory_space<hbm>>
        %dma_wait3A_652 = tpu.memref_squeeze %dma_wait3A_651 : memref<1x1x1x50xi32, #tpu.memory_space<hbm>> -> memref<50xi32, #tpu.memory_space<hbm>>
        tpu.wait_dma2 semaphore(%arg42 : memref<!tpu.dma_semaphore, #tpu.memory_space<semaphore_mem>>) src(%dma_wait3A_652 : memref<50xi32, #tpu.memory_space<hbm>>) dst(%arg8 : memref<50xi32, #tpu.memory_space<vmem>>)
        %dma_start3A_653 = arith.constant 0 : i32
        %dma_start3A_654 = arith.constant 0 : i32
        %dma_start3A_655 = tpu.memref_slice %arg23[%dma_start3A_653, %dma_start3A_654] : memref<10000x48xf32, #tpu.memory_space<vmem_shared>> -> memref<10000x48xf32, #tpu.memory_space<vmem_shared>>
        tpu.enqueue_indirect_dma source(%dma_start3A_655 : memref<10000x48xf32, #tpu.memory_space<vmem_shared>>) target(%arg16 : memref<50x48xf32, #tpu.memory_space<vmem>>) offsets(%arg8 : memref<50xi32, #tpu.memory_space<vmem>>) semaphore(%arg26 : memref<!tpu.dma_semaphore, #tpu.memory_space<semaphore_mem>>)
      } else {
      }
      %lt3A_553 = arith.constant 24 : i32
      %lt3A_554 = arith.cmpi slt, %scan3A_403, %lt3A_553 : i32
      %convert_element_type3A_555 = arith.extui %lt3A_554 : i1 to i32
      %cond3A_556 = arith.constant 0 : i32
      %cond3A_557 = arith.cmpi ne, %convert_element_type3A_555, %cond3A_556 : i32
      scf.if %cond3A_557 {
        %add3A_645 = arith.constant 6 : i32
        %add3A_646 = arith.addi %add3A_532, %add3A_645 : i32
        %add3A_647 = arith.constant 2 : i32
        %add3A_648 = arith.addi %add3A_646, %add3A_647 : i32
        %dma_start3A_649 = arith.constant 0 : i32
        %dma_start3A_650 = arith.constant 0 : i32
        %dma_start3A_651 = tpu.memref_slice %arg3[%dma_start3A_649, %add3A, %add3A_648, %dma_start3A_650] : memref<2x32x200x50xi32, #tpu.memory_space<hbm>> -> memref<1x1x1x50xi32, #tpu.memory_space<hbm>>
        %dma_start3A_652 = tpu.memref_squeeze %dma_start3A_651 : memref<1x1x1x50xi32, #tpu.memory_space<hbm>> -> memref<50xi32, #tpu.memory_space<hbm>>
        %dma_start3A_653 = arith.constant 0 : i32
        %dma_start3A_654 = tpu.memref_slice %arg3[%dma_start3A_649, %add3A, %add3A_648, %dma_start3A_653] : memref<2x32x200x50xi32, #tpu.memory_space<hbm>> -> memref<1x1x1x50xi32, #tpu.memory_space<hbm>>
        %dma_start3A_655 = tpu.memref_squeeze %dma_start3A_654 : memref<1x1x1x50xi32, #tpu.memory_space<hbm>> -> memref<50xi32, #tpu.memory_space<hbm>>
        tpu.enqueue_dma source(%dma_start3A_655 : memref<50xi32, #tpu.memory_space<hbm>>) target(%arg10 : memref<50xi32, #tpu.memory_space<vmem>>) target_semaphore(%arg44 : memref<!tpu.dma_semaphore, #tpu.memory_space<semaphore_mem>>)
      } else {
      }
      %mul3A_558 = arith.constant 8 : i32
      %mul3A_559 = arith.muli %mul3A_558, %scan3A_403 : i32
      %add3A_560 = arith.constant 5 : i32
      %add3A_561 = arith.addi %mul3A_559, %add3A_560 : i32
      %dma_wait3A_562 = arith.constant 0 : i32
      %dma_wait3A_563 = arith.constant 0 : i32
      %dma_wait3A_564 = tpu.memref_slice %arg23[%dma_wait3A_562, %dma_wait3A_563] : memref<10000x48xf32, #tpu.memory_space<vmem_shared>> -> memref<10000x48xf32, #tpu.memory_space<vmem_shared>>
      tpu.wait_indirect_dma semaphore(%arg29 : memref<!tpu.dma_semaphore, #tpu.memory_space<semaphore_mem>>) src(%dma_wait3A_564 : memref<10000x48xf32, #tpu.memory_space<vmem_shared>>) dst(%arg19 : memref<50x48xf32, #tpu.memory_space<vmem>>)
      %dma_wait3A_565 = arith.constant 0 : i32
      %dma_wait3A_566 = tpu.memref_slice %arg5[%add3A_561, %dma_wait3A_565] : memref<200x50xi32, #tpu.memory_space<vmem>> -> memref<1x50xi32, #tpu.memory_space<vmem>>
      %dma_wait3A_567 = tpu.memref_squeeze %dma_wait3A_566 : memref<1x50xi32, #tpu.memory_space<vmem>> -> memref<50xi32, #tpu.memory_space<vmem>>
      %dma_wait3A_568 = arith.constant 0 : i32
      %dma_wait3A_569 = arith.constant 0 : i32
      %dma_wait3A_570 = tpu.memref_slice %arg22[%dma_wait3A_568, %dma_wait3A_569] : memref<10000x48xf32, #tpu.memory_space<vmem_shared>> -> memref<10000x48xf32, #tpu.memory_space<vmem_shared>>
      tpu.wait_indirect_dma semaphore(%arg35 : memref<!tpu.dma_semaphore, #tpu.memory_space<semaphore_mem>>) src(%arg17 : memref<50x48xf32, #tpu.memory_space<vmem>>) dst(%dma_wait3A_570 : memref<10000x48xf32, #tpu.memory_space<vmem_shared>>)
      %dma_start3A_571 = arith.constant 0 : i32
      %dma_start3A_572 = tpu.memref_slice %arg5[%add3A_561, %dma_start3A_571] : memref<200x50xi32, #tpu.memory_space<vmem>> -> memref<1x50xi32, #tpu.memory_space<vmem>>
      %dma_start3A_573 = tpu.memref_squeeze %dma_start3A_572 : memref<1x50xi32, #tpu.memory_space<vmem>> -> memref<50xi32, #tpu.memory_space<vmem>>
      %dma_start3A_574 = arith.constant 0 : i32
      %dma_start3A_575 = arith.constant 0 : i32
      %dma_start3A_576 = tpu.memref_slice %arg22[%dma_start3A_574, %dma_start3A_575] : memref<10000x48xf32, #tpu.memory_space<vmem_shared>> -> memref<10000x48xf32, #tpu.memory_space<vmem_shared>>
      tpu.enqueue_indirect_dma source(%arg19 : memref<50x48xf32, #tpu.memory_space<vmem>>) target(%dma_start3A_576 : memref<10000x48xf32, #tpu.memory_space<vmem_shared>>) offsets(%dma_start3A_573 : memref<50xi32, #tpu.memory_space<vmem>>) semaphore(%arg37 : memref<!tpu.dma_semaphore, #tpu.memory_space<semaphore_mem>>) {add = true}
      %lt3A_577 = arith.constant 24 : i32
      %lt3A_578 = arith.cmpi slt, %scan3A_403, %lt3A_577 : i32
      %convert_element_type3A_579 = arith.extui %lt3A_578 : i1 to i32
      %cond3A_580 = arith.constant 0 : i32
      %cond3A_581 = arith.cmpi ne, %convert_element_type3A_579, %cond3A_580 : i32
      scf.if %cond3A_581 {
        %dma_wait3A_645 = arith.constant 0 : i32
        %dma_wait3A_646 = arith.constant 0 : i32
        %dma_wait3A_647 = arith.constant 0 : i32
        %dma_wait3A_648 = tpu.memref_slice %arg3[%dma_wait3A_645, %add3A, %dma_wait3A_646, %dma_wait3A_647] : memref<2x32x200x50xi32, #tpu.memory_space<hbm>> -> memref<1x1x1x50xi32, #tpu.memory_space<hbm>>
        %dma_wait3A_649 = tpu.memref_squeeze %dma_wait3A_648 : memref<1x1x1x50xi32, #tpu.memory_space<hbm>> -> memref<50xi32, #tpu.memory_space<hbm>>
        %dma_wait3A_650 = arith.constant 0 : i32
        %dma_wait3A_651 = tpu.memref_slice %arg3[%dma_wait3A_645, %add3A, %dma_wait3A_646, %dma_wait3A_650] : memref<2x32x200x50xi32, #tpu.memory_space<hbm>> -> memref<1x1x1x50xi32, #tpu.memory_space<hbm>>
        %dma_wait3A_652 = tpu.memref_squeeze %dma_wait3A_651 : memref<1x1x1x50xi32, #tpu.memory_space<hbm>> -> memref<50xi32, #tpu.memory_space<hbm>>
        tpu.wait_dma2 semaphore(%arg43 : memref<!tpu.dma_semaphore, #tpu.memory_space<semaphore_mem>>) src(%dma_wait3A_652 : memref<50xi32, #tpu.memory_space<hbm>>) dst(%arg9 : memref<50xi32, #tpu.memory_space<vmem>>)
        %dma_start3A_653 = arith.constant 0 : i32
        %dma_start3A_654 = arith.constant 0 : i32
        %dma_start3A_655 = tpu.memref_slice %arg23[%dma_start3A_653, %dma_start3A_654] : memref<10000x48xf32, #tpu.memory_space<vmem_shared>> -> memref<10000x48xf32, #tpu.memory_space<vmem_shared>>
        tpu.enqueue_indirect_dma source(%dma_start3A_655 : memref<10000x48xf32, #tpu.memory_space<vmem_shared>>) target(%arg17 : memref<50x48xf32, #tpu.memory_space<vmem>>) offsets(%arg9 : memref<50xi32, #tpu.memory_space<vmem>>) semaphore(%arg27 : memref<!tpu.dma_semaphore, #tpu.memory_space<semaphore_mem>>)
      } else {
      }
      %lt3A_582 = arith.constant 24 : i32
      %lt3A_583 = arith.cmpi slt, %scan3A_403, %lt3A_582 : i32
      %convert_element_type3A_584 = arith.extui %lt3A_583 : i1 to i32
      %cond3A_585 = arith.constant 0 : i32
      %cond3A_586 = arith.cmpi ne, %convert_element_type3A_584, %cond3A_585 : i32
      scf.if %cond3A_586 {
        %add3A_645 = arith.constant 6 : i32
        %add3A_646 = arith.addi %add3A_561, %add3A_645 : i32
        %add3A_647 = arith.constant 2 : i32
        %add3A_648 = arith.addi %add3A_646, %add3A_647 : i32
        %dma_start3A_649 = arith.constant 0 : i32
        %dma_start3A_650 = arith.constant 0 : i32
        %dma_start3A_651 = tpu.memref_slice %arg3[%dma_start3A_649, %add3A, %add3A_648, %dma_start3A_650] : memref<2x32x200x50xi32, #tpu.memory_space<hbm>> -> memref<1x1x1x50xi32, #tpu.memory_space<hbm>>
        %dma_start3A_652 = tpu.memref_squeeze %dma_start3A_651 : memref<1x1x1x50xi32, #tpu.memory_space<hbm>> -> memref<50xi32, #tpu.memory_space<hbm>>
        %dma_start3A_653 = arith.constant 0 : i32
        %dma_start3A_654 = tpu.memref_slice %arg3[%dma_start3A_649, %add3A, %add3A_648, %dma_start3A_653] : memref<2x32x200x50xi32, #tpu.memory_space<hbm>> -> memref<1x1x1x50xi32, #tpu.memory_space<hbm>>
        %dma_start3A_655 = tpu.memref_squeeze %dma_start3A_654 : memref<1x1x1x50xi32, #tpu.memory_space<hbm>> -> memref<50xi32, #tpu.memory_space<hbm>>
        tpu.enqueue_dma source(%dma_start3A_655 : memref<50xi32, #tpu.memory_space<hbm>>) target(%arg11 : memref<50xi32, #tpu.memory_space<vmem>>) target_semaphore(%arg45 : memref<!tpu.dma_semaphore, #tpu.memory_space<semaphore_mem>>)
      } else {
      }
      %mul3A_587 = arith.constant 8 : i32
      %mul3A_588 = arith.muli %mul3A_587, %scan3A_403 : i32
      %add3A_589 = arith.constant 6 : i32
      %add3A_590 = arith.addi %mul3A_588, %add3A_589 : i32
      %dma_wait3A_591 = arith.constant 0 : i32
      %dma_wait3A_592 = arith.constant 0 : i32
      %dma_wait3A_593 = tpu.memref_slice %arg23[%dma_wait3A_591, %dma_wait3A_592] : memref<10000x48xf32, #tpu.memory_space<vmem_shared>> -> memref<10000x48xf32, #tpu.memory_space<vmem_shared>>
      tpu.wait_indirect_dma semaphore(%arg30 : memref<!tpu.dma_semaphore, #tpu.memory_space<semaphore_mem>>) src(%dma_wait3A_593 : memref<10000x48xf32, #tpu.memory_space<vmem_shared>>) dst(%arg20 : memref<50x48xf32, #tpu.memory_space<vmem>>)
      %dma_wait3A_594 = arith.constant 0 : i32
      %dma_wait3A_595 = tpu.memref_slice %arg5[%add3A_590, %dma_wait3A_594] : memref<200x50xi32, #tpu.memory_space<vmem>> -> memref<1x50xi32, #tpu.memory_space<vmem>>
      %dma_wait3A_596 = tpu.memref_squeeze %dma_wait3A_595 : memref<1x50xi32, #tpu.memory_space<vmem>> -> memref<50xi32, #tpu.memory_space<vmem>>
      %dma_wait3A_597 = arith.constant 0 : i32
      %dma_wait3A_598 = arith.constant 0 : i32
      %dma_wait3A_599 = tpu.memref_slice %arg22[%dma_wait3A_597, %dma_wait3A_598] : memref<10000x48xf32, #tpu.memory_space<vmem_shared>> -> memref<10000x48xf32, #tpu.memory_space<vmem_shared>>
      tpu.wait_indirect_dma semaphore(%arg36 : memref<!tpu.dma_semaphore, #tpu.memory_space<semaphore_mem>>) src(%arg18 : memref<50x48xf32, #tpu.memory_space<vmem>>) dst(%dma_wait3A_599 : memref<10000x48xf32, #tpu.memory_space<vmem_shared>>)
      %dma_start3A_600 = arith.constant 0 : i32
      %dma_start3A_601 = tpu.memref_slice %arg5[%add3A_590, %dma_start3A_600] : memref<200x50xi32, #tpu.memory_space<vmem>> -> memref<1x50xi32, #tpu.memory_space<vmem>>
      %dma_start3A_602 = tpu.memref_squeeze %dma_start3A_601 : memref<1x50xi32, #tpu.memory_space<vmem>> -> memref<50xi32, #tpu.memory_space<vmem>>
      %dma_start3A_603 = arith.constant 0 : i32
      %dma_start3A_604 = arith.constant 0 : i32
      %dma_start3A_605 = tpu.memref_slice %arg22[%dma_start3A_603, %dma_start3A_604] : memref<10000x48xf32, #tpu.memory_space<vmem_shared>> -> memref<10000x48xf32, #tpu.memory_space<vmem_shared>>
      tpu.enqueue_indirect_dma source(%arg20 : memref<50x48xf32, #tpu.memory_space<vmem>>) target(%dma_start3A_605 : memref<10000x48xf32, #tpu.memory_space<vmem_shared>>) offsets(%dma_start3A_602 : memref<50xi32, #tpu.memory_space<vmem>>) semaphore(%arg38 : memref<!tpu.dma_semaphore, #tpu.memory_space<semaphore_mem>>) {add = true}
      %lt3A_606 = arith.constant 24 : i32
      %lt3A_607 = arith.cmpi slt, %scan3A_403, %lt3A_606 : i32
      %convert_element_type3A_608 = arith.extui %lt3A_607 : i1 to i32
      %cond3A_609 = arith.constant 0 : i32
      %cond3A_610 = arith.cmpi ne, %convert_element_type3A_608, %cond3A_609 : i32
      scf.if %cond3A_610 {
        %dma_wait3A_645 = arith.constant 0 : i32
        %dma_wait3A_646 = arith.constant 0 : i32
        %dma_wait3A_647 = arith.constant 0 : i32
        %dma_wait3A_648 = tpu.memref_slice %arg3[%dma_wait3A_645, %add3A, %dma_wait3A_646, %dma_wait3A_647] : memref<2x32x200x50xi32, #tpu.memory_space<hbm>> -> memref<1x1x1x50xi32, #tpu.memory_space<hbm>>
        %dma_wait3A_649 = tpu.memref_squeeze %dma_wait3A_648 : memref<1x1x1x50xi32, #tpu.memory_space<hbm>> -> memref<50xi32, #tpu.memory_space<hbm>>
        %dma_wait3A_650 = arith.constant 0 : i32
        %dma_wait3A_651 = tpu.memref_slice %arg3[%dma_wait3A_645, %add3A, %dma_wait3A_646, %dma_wait3A_650] : memref<2x32x200x50xi32, #tpu.memory_space<hbm>> -> memref<1x1x1x50xi32, #tpu.memory_space<hbm>>
        %dma_wait3A_652 = tpu.memref_squeeze %dma_wait3A_651 : memref<1x1x1x50xi32, #tpu.memory_space<hbm>> -> memref<50xi32, #tpu.memory_space<hbm>>
        tpu.wait_dma2 semaphore(%arg44 : memref<!tpu.dma_semaphore, #tpu.memory_space<semaphore_mem>>) src(%dma_wait3A_652 : memref<50xi32, #tpu.memory_space<hbm>>) dst(%arg10 : memref<50xi32, #tpu.memory_space<vmem>>)
        %dma_start3A_653 = arith.constant 0 : i32
        %dma_start3A_654 = arith.constant 0 : i32
        %dma_start3A_655 = tpu.memref_slice %arg23[%dma_start3A_653, %dma_start3A_654] : memref<10000x48xf32, #tpu.memory_space<vmem_shared>> -> memref<10000x48xf32, #tpu.memory_space<vmem_shared>>
        tpu.enqueue_indirect_dma source(%dma_start3A_655 : memref<10000x48xf32, #tpu.memory_space<vmem_shared>>) target(%arg18 : memref<50x48xf32, #tpu.memory_space<vmem>>) offsets(%arg10 : memref<50xi32, #tpu.memory_space<vmem>>) semaphore(%arg28 : memref<!tpu.dma_semaphore, #tpu.memory_space<semaphore_mem>>)
      } else {
      }
      %lt3A_611 = arith.constant 24 : i32
      %lt3A_612 = arith.cmpi slt, %scan3A_403, %lt3A_611 : i32
      %convert_element_type3A_613 = arith.extui %lt3A_612 : i1 to i32
      %cond3A_614 = arith.constant 0 : i32
      %cond3A_615 = arith.cmpi ne, %convert_element_type3A_613, %cond3A_614 : i32
      scf.if %cond3A_615 {
        %add3A_645 = arith.constant 6 : i32
        %add3A_646 = arith.addi %add3A_590, %add3A_645 : i32
        %add3A_647 = arith.constant 2 : i32
        %add3A_648 = arith.addi %add3A_646, %add3A_647 : i32
        %dma_start3A_649 = arith.constant 0 : i32
        %dma_start3A_650 = arith.constant 0 : i32
        %dma_start3A_651 = tpu.memref_slice %arg3[%dma_start3A_649, %add3A, %add3A_648, %dma_start3A_650] : memref<2x32x200x50xi32, #tpu.memory_space<hbm>> -> memref<1x1x1x50xi32, #tpu.memory_space<hbm>>
        %dma_start3A_652 = tpu.memref_squeeze %dma_start3A_651 : memref<1x1x1x50xi32, #tpu.memory_space<hbm>> -> memref<50xi32, #tpu.memory_space<hbm>>
        %dma_start3A_653 = arith.constant 0 : i32
        %dma_start3A_654 = tpu.memref_slice %arg3[%dma_start3A_649, %add3A, %add3A_648, %dma_start3A_653] : memref<2x32x200x50xi32, #tpu.memory_space<hbm>> -> memref<1x1x1x50xi32, #tpu.memory_space<hbm>>
        %dma_start3A_655 = tpu.memref_squeeze %dma_start3A_654 : memref<1x1x1x50xi32, #tpu.memory_space<hbm>> -> memref<50xi32, #tpu.memory_space<hbm>>
        tpu.enqueue_dma source(%dma_start3A_655 : memref<50xi32, #tpu.memory_space<hbm>>) target(%arg12 : memref<50xi32, #tpu.memory_space<vmem>>) target_semaphore(%arg46 : memref<!tpu.dma_semaphore, #tpu.memory_space<semaphore_mem>>)
      } else {
      }
      %mul3A_616 = arith.constant 8 : i32
      %mul3A_617 = arith.muli %mul3A_616, %scan3A_403 : i32
      %add3A_618 = arith.constant 7 : i32
      %add3A_619 = arith.addi %mul3A_617, %add3A_618 : i32
      %dma_wait3A_620 = arith.constant 0 : i32
      %dma_wait3A_621 = arith.constant 0 : i32
      %dma_wait3A_622 = tpu.memref_slice %arg23[%dma_wait3A_620, %dma_wait3A_621] : memref<10000x48xf32, #tpu.memory_space<vmem_shared>> -> memref<10000x48xf32, #tpu.memory_space<vmem_shared>>
      tpu.wait_indirect_dma semaphore(%arg31 : memref<!tpu.dma_semaphore, #tpu.memory_space<semaphore_mem>>) src(%dma_wait3A_622 : memref<10000x48xf32, #tpu.memory_space<vmem_shared>>) dst(%arg21 : memref<50x48xf32, #tpu.memory_space<vmem>>)
      %dma_wait3A_623 = arith.constant 0 : i32
      %dma_wait3A_624 = tpu.memref_slice %arg5[%add3A_619, %dma_wait3A_623] : memref<200x50xi32, #tpu.memory_space<vmem>> -> memref<1x50xi32, #tpu.memory_space<vmem>>
      %dma_wait3A_625 = tpu.memref_squeeze %dma_wait3A_624 : memref<1x50xi32, #tpu.memory_space<vmem>> -> memref<50xi32, #tpu.memory_space<vmem>>
      %dma_wait3A_626 = arith.constant 0 : i32
      %dma_wait3A_627 = arith.constant 0 : i32
      %dma_wait3A_628 = tpu.memref_slice %arg22[%dma_wait3A_626, %dma_wait3A_627] : memref<10000x48xf32, #tpu.memory_space<vmem_shared>> -> memref<10000x48xf32, #tpu.memory_space<vmem_shared>>
      tpu.wait_indirect_dma semaphore(%arg37 : memref<!tpu.dma_semaphore, #tpu.memory_space<semaphore_mem>>) src(%arg19 : memref<50x48xf32, #tpu.memory_space<vmem>>) dst(%dma_wait3A_628 : memref<10000x48xf32, #tpu.memory_space<vmem_shared>>)
      %dma_start3A_629 = arith.constant 0 : i32
      %dma_start3A_630 = tpu.memref_slice %arg5[%add3A_619, %dma_start3A_629] : memref<200x50xi32, #tpu.memory_space<vmem>> -> memref<1x50xi32, #tpu.memory_space<vmem>>
      %dma_start3A_631 = tpu.memref_squeeze %dma_start3A_630 : memref<1x50xi32, #tpu.memory_space<vmem>> -> memref<50xi32, #tpu.memory_space<vmem>>
      %dma_start3A_632 = arith.constant 0 : i32
      %dma_start3A_633 = arith.constant 0 : i32
      %dma_start3A_634 = tpu.memref_slice %arg22[%dma_start3A_632, %dma_start3A_633] : memref<10000x48xf32, #tpu.memory_space<vmem_shared>> -> memref<10000x48xf32, #tpu.memory_space<vmem_shared>>
      tpu.enqueue_indirect_dma source(%arg21 : memref<50x48xf32, #tpu.memory_space<vmem>>) target(%dma_start3A_634 : memref<10000x48xf32, #tpu.memory_space<vmem_shared>>) offsets(%dma_start3A_631 : memref<50xi32, #tpu.memory_space<vmem>>) semaphore(%arg39 : memref<!tpu.dma_semaphore, #tpu.memory_space<semaphore_mem>>) {add = true}
      %lt3A_635 = arith.constant 24 : i32
      %lt3A_636 = arith.cmpi slt, %scan3A_403, %lt3A_635 : i32
      %convert_element_type3A_637 = arith.extui %lt3A_636 : i1 to i32
      %cond3A_638 = arith.constant 0 : i32
      %cond3A_639 = arith.cmpi ne, %convert_element_type3A_637, %cond3A_638 : i32
      scf.if %cond3A_639 {
        %dma_wait3A_645 = arith.constant 0 : i32
        %dma_wait3A_646 = arith.constant 0 : i32
        %dma_wait3A_647 = arith.constant 0 : i32
        %dma_wait3A_648 = tpu.memref_slice %arg3[%dma_wait3A_645, %add3A, %dma_wait3A_646, %dma_wait3A_647] : memref<2x32x200x50xi32, #tpu.memory_space<hbm>> -> memref<1x1x1x50xi32, #tpu.memory_space<hbm>>
        %dma_wait3A_649 = tpu.memref_squeeze %dma_wait3A_648 : memref<1x1x1x50xi32, #tpu.memory_space<hbm>> -> memref<50xi32, #tpu.memory_space<hbm>>
        %dma_wait3A_650 = arith.constant 0 : i32
        %dma_wait3A_651 = tpu.memref_slice %arg3[%dma_wait3A_645, %add3A, %dma_wait3A_646, %dma_wait3A_650] : memref<2x32x200x50xi32, #tpu.memory_space<hbm>> -> memref<1x1x1x50xi32, #tpu.memory_space<hbm>>
        %dma_wait3A_652 = tpu.memref_squeeze %dma_wait3A_651 : memref<1x1x1x50xi32, #tpu.memory_space<hbm>> -> memref<50xi32, #tpu.memory_space<hbm>>
        tpu.wait_dma2 semaphore(%arg45 : memref<!tpu.dma_semaphore, #tpu.memory_space<semaphore_mem>>) src(%dma_wait3A_652 : memref<50xi32, #tpu.memory_space<hbm>>) dst(%arg11 : memref<50xi32, #tpu.memory_space<vmem>>)
        %dma_start3A_653 = arith.constant 0 : i32
        %dma_start3A_654 = arith.constant 0 : i32
        %dma_start3A_655 = tpu.memref_slice %arg23[%dma_start3A_653, %dma_start3A_654] : memref<10000x48xf32, #tpu.memory_space<vmem_shared>> -> memref<10000x48xf32, #tpu.memory_space<vmem_shared>>
        tpu.enqueue_indirect_dma source(%dma_start3A_655 : memref<10000x48xf32, #tpu.memory_space<vmem_shared>>) target(%arg19 : memref<50x48xf32, #tpu.memory_space<vmem>>) offsets(%arg11 : memref<50xi32, #tpu.memory_space<vmem>>) semaphore(%arg29 : memref<!tpu.dma_semaphore, #tpu.memory_space<semaphore_mem>>)
      } else {
      }
      %lt3A_640 = arith.constant 24 : i32
      %lt3A_641 = arith.cmpi slt, %scan3A_403, %lt3A_640 : i32
      %convert_element_type3A_642 = arith.extui %lt3A_641 : i1 to i32
      %cond3A_643 = arith.constant 0 : i32
      %cond3A_644 = arith.cmpi ne, %convert_element_type3A_642, %cond3A_643 : i32
      scf.if %cond3A_644 {
        %add3A_645 = arith.constant 6 : i32
        %add3A_646 = arith.addi %add3A_619, %add3A_645 : i32
        %add3A_647 = arith.constant 2 : i32
        %add3A_648 = arith.addi %add3A_646, %add3A_647 : i32
        %dma_start3A_649 = arith.constant 0 : i32
        %dma_start3A_650 = arith.constant 0 : i32
        %dma_start3A_651 = tpu.memref_slice %arg3[%dma_start3A_649, %add3A, %add3A_648, %dma_start3A_650] : memref<2x32x200x50xi32, #tpu.memory_space<hbm>> -> memref<1x1x1x50xi32, #tpu.memory_space<hbm>>
        %dma_start3A_652 = tpu.memref_squeeze %dma_start3A_651 : memref<1x1x1x50xi32, #tpu.memory_space<hbm>> -> memref<50xi32, #tpu.memory_space<hbm>>
        %dma_start3A_653 = arith.constant 0 : i32
        %dma_start3A_654 = tpu.memref_slice %arg3[%dma_start3A_649, %add3A, %add3A_648, %dma_start3A_653] : memref<2x32x200x50xi32, #tpu.memory_space<hbm>> -> memref<1x1x1x50xi32, #tpu.memory_space<hbm>>
        %dma_start3A_655 = tpu.memref_squeeze %dma_start3A_654 : memref<1x1x1x50xi32, #tpu.memory_space<hbm>> -> memref<50xi32, #tpu.memory_space<hbm>>
        tpu.enqueue_dma source(%dma_start3A_655 : memref<50xi32, #tpu.memory_space<hbm>>) target(%arg13 : memref<50xi32, #tpu.memory_space<vmem>>) target_semaphore(%arg47 : memref<!tpu.dma_semaphore, #tpu.memory_space<semaphore_mem>>)
      } else {
      }
    }
    %scan3A_383 = arith.constant 25 : i32
    %dma_wait3A_384 = arith.constant 199 : i32
    %dma_wait3A_385 = arith.constant 0 : i32
    %dma_wait3A_386 = tpu.memref_slice %arg5[%dma_wait3A_384, %dma_wait3A_385] : memref<200x50xi32, #tpu.memory_space<vmem>> -> memref<1x50xi32, #tpu.memory_space<vmem>>
    %dma_wait3A_387 = tpu.memref_squeeze %dma_wait3A_386 : memref<1x50xi32, #tpu.memory_space<vmem>> -> memref<50xi32, #tpu.memory_space<vmem>>
    %dma_wait3A_388 = arith.constant 0 : i32
    %dma_wait3A_389 = arith.constant 0 : i32
    %dma_wait3A_390 = tpu.memref_slice %arg22[%dma_wait3A_388, %dma_wait3A_389] : memref<10000x48xf32, #tpu.memory_space<vmem_shared>> -> memref<10000x48xf32, #tpu.memory_space<vmem_shared>>
    tpu.wait_indirect_dma semaphore(%arg38 : memref<!tpu.dma_semaphore, #tpu.memory_space<semaphore_mem>>) src(%arg20 : memref<50x48xf32, #tpu.memory_space<vmem>>) dst(%dma_wait3A_390 : memref<10000x48xf32, #tpu.memory_space<vmem_shared>>)
    %dma_wait3A_391 = arith.constant 199 : i32
    %dma_wait3A_392 = arith.constant 0 : i32
    %dma_wait3A_393 = tpu.memref_slice %arg5[%dma_wait3A_391, %dma_wait3A_392] : memref<200x50xi32, #tpu.memory_space<vmem>> -> memref<1x50xi32, #tpu.memory_space<vmem>>
    %dma_wait3A_394 = tpu.memref_squeeze %dma_wait3A_393 : memref<1x50xi32, #tpu.memory_space<vmem>> -> memref<50xi32, #tpu.memory_space<vmem>>
    %dma_wait3A_395 = arith.constant 0 : i32
    %dma_wait3A_396 = arith.constant 0 : i32
    %dma_wait3A_397 = tpu.memref_slice %arg22[%dma_wait3A_395, %dma_wait3A_396] : memref<10000x48xf32, #tpu.memory_space<vmem_shared>> -> memref<10000x48xf32, #tpu.memory_space<vmem_shared>>
    tpu.wait_indirect_dma semaphore(%arg39 : memref<!tpu.dma_semaphore, #tpu.memory_space<semaphore_mem>>) src(%arg21 : memref<50x48xf32, #tpu.memory_space<vmem>>) dst(%dma_wait3A_397 : memref<10000x48xf32, #tpu.memory_space<vmem_shared>>)
    %barrier3A_398 = arith.constant 0 : index
    tpu.barrier barrier_id(%barrier3A_398)
    %mul3A_399 = arith.constant 625 : i32
    %mul3A_400 = arith.muli %arg1, %mul3A_399 : i32
    %mul3A_401 = arith.constant 625 : i32
    %mul3A_402 = arith.muli %arg1, %mul3A_401 : i32
    "tpu.region"() ({
      %run_scoped3A = tpu.sem_alloc : memref<!tpu.dma_semaphore, #tpu.memory_space<semaphore_mem>>
      %dma_start3A_403 = arith.constant 0 : i32
      %dma_start3A_404 = tpu.memref_slice %arg4[%arg0, %mul3A_402, %dma_start3A_403] : memref<2x10000x48xf32, #tpu.memory_space<hbm>> -> memref<1x625x48xf32, #tpu.memory_space<hbm>>
      %dma_start3A_405 = tpu.memref_squeeze %dma_start3A_404 : memref<1x625x48xf32, #tpu.memory_space<hbm>> -> memref<625x48xf32, #tpu.memory_space<hbm>>
      %dma_start3A_406 = arith.constant 0 : i32
      %dma_start3A_407 = tpu.memref_slice %arg22[%mul3A_400, %dma_start3A_406] : memref<10000x48xf32, #tpu.memory_space<vmem_shared>> -> memref<625x48xf32, #tpu.memory_space<vmem_shared>>
      tpu.enqueue_dma source(%dma_start3A_407 : memref<625x48xf32, #tpu.memory_space<vmem_shared>>) target(%dma_start3A_405 : memref<625x48xf32, #tpu.memory_space<hbm>>) target_semaphore(%run_scoped3A : memref<!tpu.dma_semaphore, #tpu.memory_space<semaphore_mem>>)
      %dma_wait3A_408 = arith.constant 0 : i32
      %dma_wait3A_409 = tpu.memref_slice %arg4[%arg0, %mul3A_402, %dma_wait3A_408] : memref<2x10000x48xf32, #tpu.memory_space<hbm>> -> memref<1x625x48xf32, #tpu.memory_space<hbm>>
      %dma_wait3A_410 = tpu.memref_squeeze %dma_wait3A_409 : memref<1x625x48xf32, #tpu.memory_space<hbm>> -> memref<625x48xf32, #tpu.memory_space<hbm>>
      %dma_wait3A_411 = arith.constant 0 : i32
      %dma_wait3A_412 = tpu.memref_slice %arg22[%mul3A_400, %dma_wait3A_411] : memref<10000x48xf32, #tpu.memory_space<vmem_shared>> -> memref<625x48xf32, #tpu.memory_space<vmem_shared>>
      tpu.wait_dma2 semaphore(%run_scoped3A : memref<!tpu.dma_semaphore, #tpu.memory_space<semaphore_mem>>) src(%dma_wait3A_412 : memref<625x48xf32, #tpu.memory_space<vmem_shared>>) dst(%dma_wait3A_410 : memref<625x48xf32, #tpu.memory_space<hbm>>)
      tpu.yield
    }) : () -> ()
    return
  }
}

#map = affine_map<(d0, d1) -> (0, 0)>
#map1 = affine_map<(d0, d1) -> (0, 0, 0, 0)>
#map2 = affine_map<(d0, d1) -> (0, 0, 0)>
module attributes {stable_mosaic.version = 14 : i64} {
  func.func @spmm_k(%arg0: i32, %arg1: i32, %arg2: memref<10000x128xf32, #tpu.memory_space<hbm>>, %arg3: memref<2x32x200x50xi32, #tpu.memory_space<hbm>>, %arg4: memref<2x10000x128xf32, #tpu.memory_space<hbm>>, %arg5: memref<200x50xi32, #tpu.memory_space<vmem>>, %arg6: memref<50xi32, #tpu.memory_space<vmem>>, %arg7: memref<50xi32, #tpu.memory_space<vmem>>, %arg8: memref<50xi32, #tpu.memory_space<vmem>>, %arg9: memref<50xi32, #tpu.memory_space<vmem>>, %arg10: memref<50xi32, #tpu.memory_space<vmem>>, %arg11: memref<50x128xf32, #tpu.memory_space<vmem>>, %arg12: memref<50x128xf32, #tpu.memory_space<vmem>>, %arg13: memref<50x128xf32, #tpu.memory_space<vmem>>, %arg14: memref<50x128xf32, #tpu.memory_space<vmem>>, %arg15: memref<50x128xf32, #tpu.memory_space<vmem>>, %arg16: memref<10000x128xf32, #tpu.memory_space<vmem_shared>>, %arg17: memref<!tpu.dma_semaphore, #tpu.memory_space<semaphore_mem>>, %arg18: memref<!tpu.dma_semaphore, #tpu.memory_space<semaphore_mem>>, %arg19: memref<!tpu.dma_semaphore, #tpu.memory_space<semaphore_mem>>, %arg20: memref<!tpu.dma_semaphore, #tpu.memory_space<semaphore_mem>>, %arg21: memref<!tpu.dma_semaphore, #tpu.memory_space<semaphore_mem>>, %arg22: memref<!tpu.dma_semaphore, #tpu.memory_space<semaphore_mem>>, %arg23: memref<!tpu.dma_semaphore, #tpu.memory_space<semaphore_mem>>, %arg24: memref<!tpu.dma_semaphore, #tpu.memory_space<semaphore_mem>>, %arg25: memref<!tpu.dma_semaphore, #tpu.memory_space<semaphore_mem>>, %arg26: memref<!tpu.dma_semaphore, #tpu.memory_space<semaphore_mem>>, %arg27: memref<!tpu.dma_semaphore, #tpu.memory_space<semaphore_mem>>, %arg28: memref<!tpu.dma_semaphore, #tpu.memory_space<semaphore_mem>>, %arg29: memref<!tpu.dma_semaphore, #tpu.memory_space<semaphore_mem>>, %arg30: memref<!tpu.dma_semaphore, #tpu.memory_space<semaphore_mem>>, %arg31: memref<!tpu.dma_semaphore, #tpu.memory_space<semaphore_mem>>, %arg32: memref<!tpu.dma_semaphore, #tpu.memory_space<semaphore_mem>>, %arg33: memref<!tpu.dma_semaphore, #tpu.memory_space<semaphore_mem>>) attributes {dimension_semantics = [#tpu.dimension_semantics<core_parallel>, #tpu.dimension_semantics<subcore_parallel>], iteration_bounds = array<i64: 2, 16>, scalar_prefetch = 0 : i64, scratch_operands = 29 : i64, tpu.core_type = #tpu.core_type<sc_vector_subcore>, window_params = [{transform_indices = #map}, {transform_indices = #map1}, {transform_indices = #map2}]} {
    %mul3A = arith.constant 16 : i32
    %mul3A_0 = arith.muli %arg0, %mul3A : i32
    %add3A = arith.addi %mul3A_0, %arg1 : i32
    %broadcast_in_dim3A = arith.constant 0.000000e+00 : f32
    %broadcast_in_dim3A_1 = vector.broadcast %broadcast_in_dim3A : f32 to vector<16xf32>
    %dma_start3A = arith.constant 1 : i32
    %dma_start3A_2 = arith.constant 0 : i32
    %dma_start3A_3 = arith.constant 0 : i32
    %dma_start3A_4 = tpu.memref_slice %arg3[%dma_start3A, %add3A, %dma_start3A_2, %dma_start3A_3] : memref<2x32x200x50xi32, #tpu.memory_space<hbm>> -> memref<1x1x200x50xi32, #tpu.memory_space<hbm>>
    %dma_start3A_5 = tpu.memref_squeeze %dma_start3A_4 : memref<1x1x200x50xi32, #tpu.memory_space<hbm>> -> memref<200x50xi32, #tpu.memory_space<hbm>>
    %dma_start3A_6 = arith.constant 0 : i32
    %dma_start3A_7 = arith.constant 0 : i32
    %dma_start3A_8 = tpu.memref_slice %arg3[%dma_start3A, %add3A, %dma_start3A_6, %dma_start3A_7] : memref<2x32x200x50xi32, #tpu.memory_space<hbm>> -> memref<1x1x200x50xi32, #tpu.memory_space<hbm>>
    %dma_start3A_9 = tpu.memref_squeeze %dma_start3A_8 : memref<1x1x200x50xi32, #tpu.memory_space<hbm>> -> memref<200x50xi32, #tpu.memory_space<hbm>>
    tpu.enqueue_dma source(%dma_start3A_9 : memref<200x50xi32, #tpu.memory_space<hbm>>) target(%arg5 : memref<200x50xi32, #tpu.memory_space<vmem>>) target_semaphore(%arg32 : memref<!tpu.dma_semaphore, #tpu.memory_space<semaphore_mem>>)
    %scan3A = arith.constant 0 : i32
    %scan3A_10 = arith.constant 0 : i32
    %scan3A_11 = arith.constant 40 : i32
    %scan3A_12 = arith.addi %scan3A_10, %scan3A_11 : i32
    %scan3A_13 = arith.constant 1 : i32
    scf.for %scan3A_342 = %scan3A_10 to %scan3A_12 step %scan3A_13  : i32 {
      %swap3A = arith.index_cast %scan3A_342 : i32 to index
      %swap3A_343 = arith.constant 0 : index
      %swap3A_344 = tpu.vector_load %arg11[%swap3A, %swap3A_343] {strides = array<i32>} : memref<50x128xf32, #tpu.memory_space<vmem>>, vector<1x16xf32>,
      %swap3A_345 = vector.shape_cast %swap3A_344 : vector<1x16xf32> to vector<16xf32>
      %swap3A_346 = vector.shape_cast %broadcast_in_dim3A_1 : vector<16xf32> to vector<1x16xf32>
      tpu.vector_store %arg11[%swap3A, %swap3A_343], %swap3A_346 {strides = array<i32>} : memref<50x128xf32, #tpu.memory_space<vmem>>, vector<1x16xf32>,
      %swap3A_347 = arith.index_cast %scan3A_342 : i32 to index
      %swap3A_348 = arith.constant 16 : index
      %swap3A_349 = tpu.vector_load %arg11[%swap3A_347, %swap3A_348] {strides = array<i32>} : memref<50x128xf32, #tpu.memory_space<vmem>>, vector<1x16xf32>,
      %swap3A_350 = vector.shape_cast %swap3A_349 : vector<1x16xf32> to vector<16xf32>
      %swap3A_351 = vector.shape_cast %broadcast_in_dim3A_1 : vector<16xf32> to vector<1x16xf32>
      tpu.vector_store %arg11[%swap3A_347, %swap3A_348], %swap3A_351 {strides = array<i32>} : memref<50x128xf32, #tpu.memory_space<vmem>>, vector<1x16xf32>,
      %swap3A_352 = arith.index_cast %scan3A_342 : i32 to index
      %swap3A_353 = arith.constant 32 : index
      %swap3A_354 = tpu.vector_load %arg11[%swap3A_352, %swap3A_353] {strides = array<i32>} : memref<50x128xf32, #tpu.memory_space<vmem>>, vector<1x16xf32>,
      %swap3A_355 = vector.shape_cast %swap3A_354 : vector<1x16xf32> to vector<16xf32>
      %swap3A_356 = vector.shape_cast %broadcast_in_dim3A_1 : vector<16xf32> to vector<1x16xf32>
      tpu.vector_store %arg11[%swap3A_352, %swap3A_353], %swap3A_356 {strides = array<i32>} : memref<50x128xf32, #tpu.memory_space<vmem>>, vector<1x16xf32>,
      %swap3A_357 = arith.index_cast %scan3A_342 : i32 to index
      %swap3A_358 = arith.constant 48 : index
      %swap3A_359 = tpu.vector_load %arg11[%swap3A_357, %swap3A_358] {strides = array<i32>} : memref<50x128xf32, #tpu.memory_space<vmem>>, vector<1x16xf32>,
      %swap3A_360 = vector.shape_cast %swap3A_359 : vector<1x16xf32> to vector<16xf32>
      %swap3A_361 = vector.shape_cast %broadcast_in_dim3A_1 : vector<16xf32> to vector<1x16xf32>
      tpu.vector_store %arg11[%swap3A_357, %swap3A_358], %swap3A_361 {strides = array<i32>} : memref<50x128xf32, #tpu.memory_space<vmem>>, vector<1x16xf32>,
      %swap3A_362 = arith.index_cast %scan3A_342 : i32 to index
      %swap3A_363 = arith.constant 64 : index
      %swap3A_364 = tpu.vector_load %arg11[%swap3A_362, %swap3A_363] {strides = array<i32>} : memref<50x128xf32, #tpu.memory_space<vmem>>, vector<1x16xf32>,
      %swap3A_365 = vector.shape_cast %swap3A_364 : vector<1x16xf32> to vector<16xf32>
      %swap3A_366 = vector.shape_cast %broadcast_in_dim3A_1 : vector<16xf32> to vector<1x16xf32>
      tpu.vector_store %arg11[%swap3A_362, %swap3A_363], %swap3A_366 {strides = array<i32>} : memref<50x128xf32, #tpu.memory_space<vmem>>, vector<1x16xf32>,
      %swap3A_367 = arith.index_cast %scan3A_342 : i32 to index
      %swap3A_368 = arith.constant 80 : index
      %swap3A_369 = tpu.vector_load %arg11[%swap3A_367, %swap3A_368] {strides = array<i32>} : memref<50x128xf32, #tpu.memory_space<vmem>>, vector<1x16xf32>,
      %swap3A_370 = vector.shape_cast %swap3A_369 : vector<1x16xf32> to vector<16xf32>
      %swap3A_371 = vector.shape_cast %broadcast_in_dim3A_1 : vector<16xf32> to vector<1x16xf32>
      tpu.vector_store %arg11[%swap3A_367, %swap3A_368], %swap3A_371 {strides = array<i32>} : memref<50x128xf32, #tpu.memory_space<vmem>>, vector<1x16xf32>,
      %swap3A_372 = arith.index_cast %scan3A_342 : i32 to index
      %swap3A_373 = arith.constant 96 : index
      %swap3A_374 = tpu.vector_load %arg11[%swap3A_372, %swap3A_373] {strides = array<i32>} : memref<50x128xf32, #tpu.memory_space<vmem>>, vector<1x16xf32>,
      %swap3A_375 = vector.shape_cast %swap3A_374 : vector<1x16xf32> to vector<16xf32>
      %swap3A_376 = vector.shape_cast %broadcast_in_dim3A_1 : vector<16xf32> to vector<1x16xf32>
      tpu.vector_store %arg11[%swap3A_372, %swap3A_373], %swap3A_376 {strides = array<i32>} : memref<50x128xf32, #tpu.memory_space<vmem>>, vector<1x16xf32>,
      %swap3A_377 = arith.index_cast %scan3A_342 : i32 to index
      %swap3A_378 = arith.constant 112 : index
      %swap3A_379 = tpu.vector_load %arg11[%swap3A_377, %swap3A_378] {strides = array<i32>} : memref<50x128xf32, #tpu.memory_space<vmem>>, vector<1x16xf32>,
      %swap3A_380 = vector.shape_cast %swap3A_379 : vector<1x16xf32> to vector<16xf32>
      %swap3A_381 = vector.shape_cast %broadcast_in_dim3A_1 : vector<16xf32> to vector<1x16xf32>
      tpu.vector_store %arg11[%swap3A_377, %swap3A_378], %swap3A_381 {strides = array<i32>} : memref<50x128xf32, #tpu.memory_space<vmem>>, vector<1x16xf32>,
    }
    %scan3A_14 = arith.constant 40 : i32
    %add3A_15 = arith.constant 0 : i32
    %add3A_16 = arith.addi %arg1, %add3A_15 : i32
    %lt3A = arith.constant 250 : i32
    %lt3A_17 = arith.cmpi slt, %add3A_16, %lt3A : i32
    %convert_element_type3A = arith.extui %lt3A_17 : i1 to i32
    %cond3A = arith.constant 0 : i32
    %cond3A_18 = arith.cmpi ne, %convert_element_type3A, %cond3A : i32
    scf.if %cond3A_18 {
      %mul3A_342 = arith.constant 40 : i32
      %mul3A_343 = arith.muli %add3A_16, %mul3A_342 : i32
      %dma_start3A_344 = arith.constant 0 : i32
      %dma_start3A_345 = arith.constant 0 : i32
      %dma_start3A_346 = tpu.memref_slice %arg11[%dma_start3A_344, %dma_start3A_345] : memref<50x128xf32, #tpu.memory_space<vmem>> -> memref<40x128xf32, #tpu.memory_space<vmem>>
      %dma_start3A_347 = arith.constant 0 : i32
      %dma_start3A_348 = tpu.memref_slice %arg16[%mul3A_343, %dma_start3A_347] : memref<10000x128xf32, #tpu.memory_space<vmem_shared>> -> memref<40x128xf32, #tpu.memory_space<vmem_shared>>
      %dma_start3A_349 = arith.constant 0 : i32
      %dma_start3A_350 = tpu.memref_slice %arg16[%mul3A_343, %dma_start3A_349] : memref<10000x128xf32, #tpu.memory_space<vmem_shared>> -> memref<40x128xf32, #tpu.memory_space<vmem_shared>>
      %dma_start3A_351 = arith.constant 0 : i32
      %dma_start3A_352 = arith.constant 0 : i32
      %dma_start3A_353 = tpu.memref_slice %arg11[%dma_start3A_351, %dma_start3A_352] : memref<50x128xf32, #tpu.memory_space<vmem>> -> memref<40x128xf32, #tpu.memory_space<vmem>>
      tpu.enqueue_dma source(%dma_start3A_353 : memref<40x128xf32, #tpu.memory_space<vmem>>) target(%dma_start3A_350 : memref<40x128xf32, #tpu.memory_space<vmem_shared>>) target_semaphore(%arg33 : memref<!tpu.dma_semaphore, #tpu.memory_space<semaphore_mem>>)
    } else {
    }
    %add3A_19 = arith.constant 16 : i32
    %add3A_20 = arith.addi %arg1, %add3A_19 : i32
    %lt3A_21 = arith.constant 250 : i32
    %lt3A_22 = arith.cmpi slt, %add3A_20, %lt3A_21 : i32
    %convert_element_type3A_23 = arith.extui %lt3A_22 : i1 to i32
    %cond3A_24 = arith.constant 0 : i32
    %cond3A_25 = arith.cmpi ne, %convert_element_type3A_23, %cond3A_24 : i32
    scf.if %cond3A_25 {
      %mul3A_342 = arith.constant 40 : i32
      %mul3A_343 = arith.muli %add3A_20, %mul3A_342 : i32
      %dma_start3A_344 = arith.constant 0 : i32
      %dma_start3A_345 = arith.constant 0 : i32
      %dma_start3A_346 = tpu.memref_slice %arg11[%dma_start3A_344, %dma_start3A_345] : memref<50x128xf32, #tpu.memory_space<vmem>> -> memref<40x128xf32, #tpu.memory_space<vmem>>
      %dma_start3A_347 = arith.constant 0 : i32
      %dma_start3A_348 = tpu.memref_slice %arg16[%mul3A_343, %dma_start3A_347] : memref<10000x128xf32, #tpu.memory_space<vmem_shared>> -> memref<40x128xf32, #tpu.memory_space<vmem_shared>>
      %dma_start3A_349 = arith.constant 0 : i32
      %dma_start3A_350 = tpu.memref_slice %arg16[%mul3A_343, %dma_start3A_349] : memref<10000x128xf32, #tpu.memory_space<vmem_shared>> -> memref<40x128xf32, #tpu.memory_space<vmem_shared>>
      %dma_start3A_351 = arith.constant 0 : i32
      %dma_start3A_352 = arith.constant 0 : i32
      %dma_start3A_353 = tpu.memref_slice %arg11[%dma_start3A_351, %dma_start3A_352] : memref<50x128xf32, #tpu.memory_space<vmem>> -> memref<40x128xf32, #tpu.memory_space<vmem>>
      tpu.enqueue_dma source(%dma_start3A_353 : memref<40x128xf32, #tpu.memory_space<vmem>>) target(%dma_start3A_350 : memref<40x128xf32, #tpu.memory_space<vmem_shared>>) target_semaphore(%arg33 : memref<!tpu.dma_semaphore, #tpu.memory_space<semaphore_mem>>)
    } else {
    }
    %add3A_26 = arith.constant 32 : i32
    %add3A_27 = arith.addi %arg1, %add3A_26 : i32
    %lt3A_28 = arith.constant 250 : i32
    %lt3A_29 = arith.cmpi slt, %add3A_27, %lt3A_28 : i32
    %convert_element_type3A_30 = arith.extui %lt3A_29 : i1 to i32
    %cond3A_31 = arith.constant 0 : i32
    %cond3A_32 = arith.cmpi ne, %convert_element_type3A_30, %cond3A_31 : i32
    scf.if %cond3A_32 {
      %mul3A_342 = arith.constant 40 : i32
      %mul3A_343 = arith.muli %add3A_27, %mul3A_342 : i32
      %dma_start3A_344 = arith.constant 0 : i32
      %dma_start3A_345 = arith.constant 0 : i32
      %dma_start3A_346 = tpu.memref_slice %arg11[%dma_start3A_344, %dma_start3A_345] : memref<50x128xf32, #tpu.memory_space<vmem>> -> memref<40x128xf32, #tpu.memory_space<vmem>>
      %dma_start3A_347 = arith.constant 0 : i32
      %dma_start3A_348 = tpu.memref_slice %arg16[%mul3A_343, %dma_start3A_347] : memref<10000x128xf32, #tpu.memory_space<vmem_shared>> -> memref<40x128xf32, #tpu.memory_space<vmem_shared>>
      %dma_start3A_349 = arith.constant 0 : i32
      %dma_start3A_350 = tpu.memref_slice %arg16[%mul3A_343, %dma_start3A_349] : memref<10000x128xf32, #tpu.memory_space<vmem_shared>> -> memref<40x128xf32, #tpu.memory_space<vmem_shared>>
      %dma_start3A_351 = arith.constant 0 : i32
      %dma_start3A_352 = arith.constant 0 : i32
      %dma_start3A_353 = tpu.memref_slice %arg11[%dma_start3A_351, %dma_start3A_352] : memref<50x128xf32, #tpu.memory_space<vmem>> -> memref<40x128xf32, #tpu.memory_space<vmem>>
      tpu.enqueue_dma source(%dma_start3A_353 : memref<40x128xf32, #tpu.memory_space<vmem>>) target(%dma_start3A_350 : memref<40x128xf32, #tpu.memory_space<vmem_shared>>) target_semaphore(%arg33 : memref<!tpu.dma_semaphore, #tpu.memory_space<semaphore_mem>>)
    } else {
    }
    %add3A_33 = arith.constant 48 : i32
    %add3A_34 = arith.addi %arg1, %add3A_33 : i32
    %lt3A_35 = arith.constant 250 : i32
    %lt3A_36 = arith.cmpi slt, %add3A_34, %lt3A_35 : i32
    %convert_element_type3A_37 = arith.extui %lt3A_36 : i1 to i32
    %cond3A_38 = arith.constant 0 : i32
    %cond3A_39 = arith.cmpi ne, %convert_element_type3A_37, %cond3A_38 : i32
    scf.if %cond3A_39 {
      %mul3A_342 = arith.constant 40 : i32
      %mul3A_343 = arith.muli %add3A_34, %mul3A_342 : i32
      %dma_start3A_344 = arith.constant 0 : i32
      %dma_start3A_345 = arith.constant 0 : i32
      %dma_start3A_346 = tpu.memref_slice %arg11[%dma_start3A_344, %dma_start3A_345] : memref<50x128xf32, #tpu.memory_space<vmem>> -> memref<40x128xf32, #tpu.memory_space<vmem>>
      %dma_start3A_347 = arith.constant 0 : i32
      %dma_start3A_348 = tpu.memref_slice %arg16[%mul3A_343, %dma_start3A_347] : memref<10000x128xf32, #tpu.memory_space<vmem_shared>> -> memref<40x128xf32, #tpu.memory_space<vmem_shared>>
      %dma_start3A_349 = arith.constant 0 : i32
      %dma_start3A_350 = tpu.memref_slice %arg16[%mul3A_343, %dma_start3A_349] : memref<10000x128xf32, #tpu.memory_space<vmem_shared>> -> memref<40x128xf32, #tpu.memory_space<vmem_shared>>
      %dma_start3A_351 = arith.constant 0 : i32
      %dma_start3A_352 = arith.constant 0 : i32
      %dma_start3A_353 = tpu.memref_slice %arg11[%dma_start3A_351, %dma_start3A_352] : memref<50x128xf32, #tpu.memory_space<vmem>> -> memref<40x128xf32, #tpu.memory_space<vmem>>
      tpu.enqueue_dma source(%dma_start3A_353 : memref<40x128xf32, #tpu.memory_space<vmem>>) target(%dma_start3A_350 : memref<40x128xf32, #tpu.memory_space<vmem_shared>>) target_semaphore(%arg33 : memref<!tpu.dma_semaphore, #tpu.memory_space<semaphore_mem>>)
    } else {
    }
    %add3A_40 = arith.constant 64 : i32
    %add3A_41 = arith.addi %arg1, %add3A_40 : i32
    %lt3A_42 = arith.constant 250 : i32
    %lt3A_43 = arith.cmpi slt, %add3A_41, %lt3A_42 : i32
    %convert_element_type3A_44 = arith.extui %lt3A_43 : i1 to i32
    %cond3A_45 = arith.constant 0 : i32
    %cond3A_46 = arith.cmpi ne, %convert_element_type3A_44, %cond3A_45 : i32
    scf.if %cond3A_46 {
      %mul3A_342 = arith.constant 40 : i32
      %mul3A_343 = arith.muli %add3A_41, %mul3A_342 : i32
      %dma_start3A_344 = arith.constant 0 : i32
      %dma_start3A_345 = arith.constant 0 : i32
      %dma_start3A_346 = tpu.memref_slice %arg11[%dma_start3A_344, %dma_start3A_345] : memref<50x128xf32, #tpu.memory_space<vmem>> -> memref<40x128xf32, #tpu.memory_space<vmem>>
      %dma_start3A_347 = arith.constant 0 : i32
      %dma_start3A_348 = tpu.memref_slice %arg16[%mul3A_343, %dma_start3A_347] : memref<10000x128xf32, #tpu.memory_space<vmem_shared>> -> memref<40x128xf32, #tpu.memory_space<vmem_shared>>
      %dma_start3A_349 = arith.constant 0 : i32
      %dma_start3A_350 = tpu.memref_slice %arg16[%mul3A_343, %dma_start3A_349] : memref<10000x128xf32, #tpu.memory_space<vmem_shared>> -> memref<40x128xf32, #tpu.memory_space<vmem_shared>>
      %dma_start3A_351 = arith.constant 0 : i32
      %dma_start3A_352 = arith.constant 0 : i32
      %dma_start3A_353 = tpu.memref_slice %arg11[%dma_start3A_351, %dma_start3A_352] : memref<50x128xf32, #tpu.memory_space<vmem>> -> memref<40x128xf32, #tpu.memory_space<vmem>>
      tpu.enqueue_dma source(%dma_start3A_353 : memref<40x128xf32, #tpu.memory_space<vmem>>) target(%dma_start3A_350 : memref<40x128xf32, #tpu.memory_space<vmem_shared>>) target_semaphore(%arg33 : memref<!tpu.dma_semaphore, #tpu.memory_space<semaphore_mem>>)
    } else {
    }
    %add3A_47 = arith.constant 80 : i32
    %add3A_48 = arith.addi %arg1, %add3A_47 : i32
    %lt3A_49 = arith.constant 250 : i32
    %lt3A_50 = arith.cmpi slt, %add3A_48, %lt3A_49 : i32
    %convert_element_type3A_51 = arith.extui %lt3A_50 : i1 to i32
    %cond3A_52 = arith.constant 0 : i32
    %cond3A_53 = arith.cmpi ne, %convert_element_type3A_51, %cond3A_52 : i32
    scf.if %cond3A_53 {
      %mul3A_342 = arith.constant 40 : i32
      %mul3A_343 = arith.muli %add3A_48, %mul3A_342 : i32
      %dma_start3A_344 = arith.constant 0 : i32
      %dma_start3A_345 = arith.constant 0 : i32
      %dma_start3A_346 = tpu.memref_slice %arg11[%dma_start3A_344, %dma_start3A_345] : memref<50x128xf32, #tpu.memory_space<vmem>> -> memref<40x128xf32, #tpu.memory_space<vmem>>
      %dma_start3A_347 = arith.constant 0 : i32
      %dma_start3A_348 = tpu.memref_slice %arg16[%mul3A_343, %dma_start3A_347] : memref<10000x128xf32, #tpu.memory_space<vmem_shared>> -> memref<40x128xf32, #tpu.memory_space<vmem_shared>>
      %dma_start3A_349 = arith.constant 0 : i32
      %dma_start3A_350 = tpu.memref_slice %arg16[%mul3A_343, %dma_start3A_349] : memref<10000x128xf32, #tpu.memory_space<vmem_shared>> -> memref<40x128xf32, #tpu.memory_space<vmem_shared>>
      %dma_start3A_351 = arith.constant 0 : i32
      %dma_start3A_352 = arith.constant 0 : i32
      %dma_start3A_353 = tpu.memref_slice %arg11[%dma_start3A_351, %dma_start3A_352] : memref<50x128xf32, #tpu.memory_space<vmem>> -> memref<40x128xf32, #tpu.memory_space<vmem>>
      tpu.enqueue_dma source(%dma_start3A_353 : memref<40x128xf32, #tpu.memory_space<vmem>>) target(%dma_start3A_350 : memref<40x128xf32, #tpu.memory_space<vmem_shared>>) target_semaphore(%arg33 : memref<!tpu.dma_semaphore, #tpu.memory_space<semaphore_mem>>)
    } else {
    }
    %add3A_54 = arith.constant 96 : i32
    %add3A_55 = arith.addi %arg1, %add3A_54 : i32
    %lt3A_56 = arith.constant 250 : i32
    %lt3A_57 = arith.cmpi slt, %add3A_55, %lt3A_56 : i32
    %convert_element_type3A_58 = arith.extui %lt3A_57 : i1 to i32
    %cond3A_59 = arith.constant 0 : i32
    %cond3A_60 = arith.cmpi ne, %convert_element_type3A_58, %cond3A_59 : i32
    scf.if %cond3A_60 {
      %mul3A_342 = arith.constant 40 : i32
      %mul3A_343 = arith.muli %add3A_55, %mul3A_342 : i32
      %dma_start3A_344 = arith.constant 0 : i32
      %dma_start3A_345 = arith.constant 0 : i32
      %dma_start3A_346 = tpu.memref_slice %arg11[%dma_start3A_344, %dma_start3A_345] : memref<50x128xf32, #tpu.memory_space<vmem>> -> memref<40x128xf32, #tpu.memory_space<vmem>>
      %dma_start3A_347 = arith.constant 0 : i32
      %dma_start3A_348 = tpu.memref_slice %arg16[%mul3A_343, %dma_start3A_347] : memref<10000x128xf32, #tpu.memory_space<vmem_shared>> -> memref<40x128xf32, #tpu.memory_space<vmem_shared>>
      %dma_start3A_349 = arith.constant 0 : i32
      %dma_start3A_350 = tpu.memref_slice %arg16[%mul3A_343, %dma_start3A_349] : memref<10000x128xf32, #tpu.memory_space<vmem_shared>> -> memref<40x128xf32, #tpu.memory_space<vmem_shared>>
      %dma_start3A_351 = arith.constant 0 : i32
      %dma_start3A_352 = arith.constant 0 : i32
      %dma_start3A_353 = tpu.memref_slice %arg11[%dma_start3A_351, %dma_start3A_352] : memref<50x128xf32, #tpu.memory_space<vmem>> -> memref<40x128xf32, #tpu.memory_space<vmem>>
      tpu.enqueue_dma source(%dma_start3A_353 : memref<40x128xf32, #tpu.memory_space<vmem>>) target(%dma_start3A_350 : memref<40x128xf32, #tpu.memory_space<vmem_shared>>) target_semaphore(%arg33 : memref<!tpu.dma_semaphore, #tpu.memory_space<semaphore_mem>>)
    } else {
    }
    %add3A_61 = arith.constant 112 : i32
    %add3A_62 = arith.addi %arg1, %add3A_61 : i32
    %lt3A_63 = arith.constant 250 : i32
    %lt3A_64 = arith.cmpi slt, %add3A_62, %lt3A_63 : i32
    %convert_element_type3A_65 = arith.extui %lt3A_64 : i1 to i32
    %cond3A_66 = arith.constant 0 : i32
    %cond3A_67 = arith.cmpi ne, %convert_element_type3A_65, %cond3A_66 : i32
    scf.if %cond3A_67 {
      %mul3A_342 = arith.constant 40 : i32
      %mul3A_343 = arith.muli %add3A_62, %mul3A_342 : i32
      %dma_start3A_344 = arith.constant 0 : i32
      %dma_start3A_345 = arith.constant 0 : i32
      %dma_start3A_346 = tpu.memref_slice %arg11[%dma_start3A_344, %dma_start3A_345] : memref<50x128xf32, #tpu.memory_space<vmem>> -> memref<40x128xf32, #tpu.memory_space<vmem>>
      %dma_start3A_347 = arith.constant 0 : i32
      %dma_start3A_348 = tpu.memref_slice %arg16[%mul3A_343, %dma_start3A_347] : memref<10000x128xf32, #tpu.memory_space<vmem_shared>> -> memref<40x128xf32, #tpu.memory_space<vmem_shared>>
      %dma_start3A_349 = arith.constant 0 : i32
      %dma_start3A_350 = tpu.memref_slice %arg16[%mul3A_343, %dma_start3A_349] : memref<10000x128xf32, #tpu.memory_space<vmem_shared>> -> memref<40x128xf32, #tpu.memory_space<vmem_shared>>
      %dma_start3A_351 = arith.constant 0 : i32
      %dma_start3A_352 = arith.constant 0 : i32
      %dma_start3A_353 = tpu.memref_slice %arg11[%dma_start3A_351, %dma_start3A_352] : memref<50x128xf32, #tpu.memory_space<vmem>> -> memref<40x128xf32, #tpu.memory_space<vmem>>
      tpu.enqueue_dma source(%dma_start3A_353 : memref<40x128xf32, #tpu.memory_space<vmem>>) target(%dma_start3A_350 : memref<40x128xf32, #tpu.memory_space<vmem_shared>>) target_semaphore(%arg33 : memref<!tpu.dma_semaphore, #tpu.memory_space<semaphore_mem>>)
    } else {
    }
    %add3A_68 = arith.constant 128 : i32
    %add3A_69 = arith.addi %arg1, %add3A_68 : i32
    %lt3A_70 = arith.constant 250 : i32
    %lt3A_71 = arith.cmpi slt, %add3A_69, %lt3A_70 : i32
    %convert_element_type3A_72 = arith.extui %lt3A_71 : i1 to i32
    %cond3A_73 = arith.constant 0 : i32
    %cond3A_74 = arith.cmpi ne, %convert_element_type3A_72, %cond3A_73 : i32
    scf.if %cond3A_74 {
      %mul3A_342 = arith.constant 40 : i32
      %mul3A_343 = arith.muli %add3A_69, %mul3A_342 : i32
      %dma_start3A_344 = arith.constant 0 : i32
      %dma_start3A_345 = arith.constant 0 : i32
      %dma_start3A_346 = tpu.memref_slice %arg11[%dma_start3A_344, %dma_start3A_345] : memref<50x128xf32, #tpu.memory_space<vmem>> -> memref<40x128xf32, #tpu.memory_space<vmem>>
      %dma_start3A_347 = arith.constant 0 : i32
      %dma_start3A_348 = tpu.memref_slice %arg16[%mul3A_343, %dma_start3A_347] : memref<10000x128xf32, #tpu.memory_space<vmem_shared>> -> memref<40x128xf32, #tpu.memory_space<vmem_shared>>
      %dma_start3A_349 = arith.constant 0 : i32
      %dma_start3A_350 = tpu.memref_slice %arg16[%mul3A_343, %dma_start3A_349] : memref<10000x128xf32, #tpu.memory_space<vmem_shared>> -> memref<40x128xf32, #tpu.memory_space<vmem_shared>>
      %dma_start3A_351 = arith.constant 0 : i32
      %dma_start3A_352 = arith.constant 0 : i32
      %dma_start3A_353 = tpu.memref_slice %arg11[%dma_start3A_351, %dma_start3A_352] : memref<50x128xf32, #tpu.memory_space<vmem>> -> memref<40x128xf32, #tpu.memory_space<vmem>>
      tpu.enqueue_dma source(%dma_start3A_353 : memref<40x128xf32, #tpu.memory_space<vmem>>) target(%dma_start3A_350 : memref<40x128xf32, #tpu.memory_space<vmem_shared>>) target_semaphore(%arg33 : memref<!tpu.dma_semaphore, #tpu.memory_space<semaphore_mem>>)
    } else {
    }
    %add3A_75 = arith.constant 144 : i32
    %add3A_76 = arith.addi %arg1, %add3A_75 : i32
    %lt3A_77 = arith.constant 250 : i32
    %lt3A_78 = arith.cmpi slt, %add3A_76, %lt3A_77 : i32
    %convert_element_type3A_79 = arith.extui %lt3A_78 : i1 to i32
    %cond3A_80 = arith.constant 0 : i32
    %cond3A_81 = arith.cmpi ne, %convert_element_type3A_79, %cond3A_80 : i32
    scf.if %cond3A_81 {
      %mul3A_342 = arith.constant 40 : i32
      %mul3A_343 = arith.muli %add3A_76, %mul3A_342 : i32
      %dma_start3A_344 = arith.constant 0 : i32
      %dma_start3A_345 = arith.constant 0 : i32
      %dma_start3A_346 = tpu.memref_slice %arg11[%dma_start3A_344, %dma_start3A_345] : memref<50x128xf32, #tpu.memory_space<vmem>> -> memref<40x128xf32, #tpu.memory_space<vmem>>
      %dma_start3A_347 = arith.constant 0 : i32
      %dma_start3A_348 = tpu.memref_slice %arg16[%mul3A_343, %dma_start3A_347] : memref<10000x128xf32, #tpu.memory_space<vmem_shared>> -> memref<40x128xf32, #tpu.memory_space<vmem_shared>>
      %dma_start3A_349 = arith.constant 0 : i32
      %dma_start3A_350 = tpu.memref_slice %arg16[%mul3A_343, %dma_start3A_349] : memref<10000x128xf32, #tpu.memory_space<vmem_shared>> -> memref<40x128xf32, #tpu.memory_space<vmem_shared>>
      %dma_start3A_351 = arith.constant 0 : i32
      %dma_start3A_352 = arith.constant 0 : i32
      %dma_start3A_353 = tpu.memref_slice %arg11[%dma_start3A_351, %dma_start3A_352] : memref<50x128xf32, #tpu.memory_space<vmem>> -> memref<40x128xf32, #tpu.memory_space<vmem>>
      tpu.enqueue_dma source(%dma_start3A_353 : memref<40x128xf32, #tpu.memory_space<vmem>>) target(%dma_start3A_350 : memref<40x128xf32, #tpu.memory_space<vmem_shared>>) target_semaphore(%arg33 : memref<!tpu.dma_semaphore, #tpu.memory_space<semaphore_mem>>)
    } else {
    }
    %add3A_82 = arith.constant 160 : i32
    %add3A_83 = arith.addi %arg1, %add3A_82 : i32
    %lt3A_84 = arith.constant 250 : i32
    %lt3A_85 = arith.cmpi slt, %add3A_83, %lt3A_84 : i32
    %convert_element_type3A_86 = arith.extui %lt3A_85 : i1 to i32
    %cond3A_87 = arith.constant 0 : i32
    %cond3A_88 = arith.cmpi ne, %convert_element_type3A_86, %cond3A_87 : i32
    scf.if %cond3A_88 {
      %mul3A_342 = arith.constant 40 : i32
      %mul3A_343 = arith.muli %add3A_83, %mul3A_342 : i32
      %dma_start3A_344 = arith.constant 0 : i32
      %dma_start3A_345 = arith.constant 0 : i32
      %dma_start3A_346 = tpu.memref_slice %arg11[%dma_start3A_344, %dma_start3A_345] : memref<50x128xf32, #tpu.memory_space<vmem>> -> memref<40x128xf32, #tpu.memory_space<vmem>>
      %dma_start3A_347 = arith.constant 0 : i32
      %dma_start3A_348 = tpu.memref_slice %arg16[%mul3A_343, %dma_start3A_347] : memref<10000x128xf32, #tpu.memory_space<vmem_shared>> -> memref<40x128xf32, #tpu.memory_space<vmem_shared>>
      %dma_start3A_349 = arith.constant 0 : i32
      %dma_start3A_350 = tpu.memref_slice %arg16[%mul3A_343, %dma_start3A_349] : memref<10000x128xf32, #tpu.memory_space<vmem_shared>> -> memref<40x128xf32, #tpu.memory_space<vmem_shared>>
      %dma_start3A_351 = arith.constant 0 : i32
      %dma_start3A_352 = arith.constant 0 : i32
      %dma_start3A_353 = tpu.memref_slice %arg11[%dma_start3A_351, %dma_start3A_352] : memref<50x128xf32, #tpu.memory_space<vmem>> -> memref<40x128xf32, #tpu.memory_space<vmem>>
      tpu.enqueue_dma source(%dma_start3A_353 : memref<40x128xf32, #tpu.memory_space<vmem>>) target(%dma_start3A_350 : memref<40x128xf32, #tpu.memory_space<vmem_shared>>) target_semaphore(%arg33 : memref<!tpu.dma_semaphore, #tpu.memory_space<semaphore_mem>>)
    } else {
    }
    %add3A_89 = arith.constant 176 : i32
    %add3A_90 = arith.addi %arg1, %add3A_89 : i32
    %lt3A_91 = arith.constant 250 : i32
    %lt3A_92 = arith.cmpi slt, %add3A_90, %lt3A_91 : i32
    %convert_element_type3A_93 = arith.extui %lt3A_92 : i1 to i32
    %cond3A_94 = arith.constant 0 : i32
    %cond3A_95 = arith.cmpi ne, %convert_element_type3A_93, %cond3A_94 : i32
    scf.if %cond3A_95 {
      %mul3A_342 = arith.constant 40 : i32
      %mul3A_343 = arith.muli %add3A_90, %mul3A_342 : i32
      %dma_start3A_344 = arith.constant 0 : i32
      %dma_start3A_345 = arith.constant 0 : i32
      %dma_start3A_346 = tpu.memref_slice %arg11[%dma_start3A_344, %dma_start3A_345] : memref<50x128xf32, #tpu.memory_space<vmem>> -> memref<40x128xf32, #tpu.memory_space<vmem>>
      %dma_start3A_347 = arith.constant 0 : i32
      %dma_start3A_348 = tpu.memref_slice %arg16[%mul3A_343, %dma_start3A_347] : memref<10000x128xf32, #tpu.memory_space<vmem_shared>> -> memref<40x128xf32, #tpu.memory_space<vmem_shared>>
      %dma_start3A_349 = arith.constant 0 : i32
      %dma_start3A_350 = tpu.memref_slice %arg16[%mul3A_343, %dma_start3A_349] : memref<10000x128xf32, #tpu.memory_space<vmem_shared>> -> memref<40x128xf32, #tpu.memory_space<vmem_shared>>
      %dma_start3A_351 = arith.constant 0 : i32
      %dma_start3A_352 = arith.constant 0 : i32
      %dma_start3A_353 = tpu.memref_slice %arg11[%dma_start3A_351, %dma_start3A_352] : memref<50x128xf32, #tpu.memory_space<vmem>> -> memref<40x128xf32, #tpu.memory_space<vmem>>
      tpu.enqueue_dma source(%dma_start3A_353 : memref<40x128xf32, #tpu.memory_space<vmem>>) target(%dma_start3A_350 : memref<40x128xf32, #tpu.memory_space<vmem_shared>>) target_semaphore(%arg33 : memref<!tpu.dma_semaphore, #tpu.memory_space<semaphore_mem>>)
    } else {
    }
    %add3A_96 = arith.constant 192 : i32
    %add3A_97 = arith.addi %arg1, %add3A_96 : i32
    %lt3A_98 = arith.constant 250 : i32
    %lt3A_99 = arith.cmpi slt, %add3A_97, %lt3A_98 : i32
    %convert_element_type3A_100 = arith.extui %lt3A_99 : i1 to i32
    %cond3A_101 = arith.constant 0 : i32
    %cond3A_102 = arith.cmpi ne, %convert_element_type3A_100, %cond3A_101 : i32
    scf.if %cond3A_102 {
      %mul3A_342 = arith.constant 40 : i32
      %mul3A_343 = arith.muli %add3A_97, %mul3A_342 : i32
      %dma_start3A_344 = arith.constant 0 : i32
      %dma_start3A_345 = arith.constant 0 : i32
      %dma_start3A_346 = tpu.memref_slice %arg11[%dma_start3A_344, %dma_start3A_345] : memref<50x128xf32, #tpu.memory_space<vmem>> -> memref<40x128xf32, #tpu.memory_space<vmem>>
      %dma_start3A_347 = arith.constant 0 : i32
      %dma_start3A_348 = tpu.memref_slice %arg16[%mul3A_343, %dma_start3A_347] : memref<10000x128xf32, #tpu.memory_space<vmem_shared>> -> memref<40x128xf32, #tpu.memory_space<vmem_shared>>
      %dma_start3A_349 = arith.constant 0 : i32
      %dma_start3A_350 = tpu.memref_slice %arg16[%mul3A_343, %dma_start3A_349] : memref<10000x128xf32, #tpu.memory_space<vmem_shared>> -> memref<40x128xf32, #tpu.memory_space<vmem_shared>>
      %dma_start3A_351 = arith.constant 0 : i32
      %dma_start3A_352 = arith.constant 0 : i32
      %dma_start3A_353 = tpu.memref_slice %arg11[%dma_start3A_351, %dma_start3A_352] : memref<50x128xf32, #tpu.memory_space<vmem>> -> memref<40x128xf32, #tpu.memory_space<vmem>>
      tpu.enqueue_dma source(%dma_start3A_353 : memref<40x128xf32, #tpu.memory_space<vmem>>) target(%dma_start3A_350 : memref<40x128xf32, #tpu.memory_space<vmem_shared>>) target_semaphore(%arg33 : memref<!tpu.dma_semaphore, #tpu.memory_space<semaphore_mem>>)
    } else {
    }
    %add3A_103 = arith.constant 208 : i32
    %add3A_104 = arith.addi %arg1, %add3A_103 : i32
    %lt3A_105 = arith.constant 250 : i32
    %lt3A_106 = arith.cmpi slt, %add3A_104, %lt3A_105 : i32
    %convert_element_type3A_107 = arith.extui %lt3A_106 : i1 to i32
    %cond3A_108 = arith.constant 0 : i32
    %cond3A_109 = arith.cmpi ne, %convert_element_type3A_107, %cond3A_108 : i32
    scf.if %cond3A_109 {
      %mul3A_342 = arith.constant 40 : i32
      %mul3A_343 = arith.muli %add3A_104, %mul3A_342 : i32
      %dma_start3A_344 = arith.constant 0 : i32
      %dma_start3A_345 = arith.constant 0 : i32
      %dma_start3A_346 = tpu.memref_slice %arg11[%dma_start3A_344, %dma_start3A_345] : memref<50x128xf32, #tpu.memory_space<vmem>> -> memref<40x128xf32, #tpu.memory_space<vmem>>
      %dma_start3A_347 = arith.constant 0 : i32
      %dma_start3A_348 = tpu.memref_slice %arg16[%mul3A_343, %dma_start3A_347] : memref<10000x128xf32, #tpu.memory_space<vmem_shared>> -> memref<40x128xf32, #tpu.memory_space<vmem_shared>>
      %dma_start3A_349 = arith.constant 0 : i32
      %dma_start3A_350 = tpu.memref_slice %arg16[%mul3A_343, %dma_start3A_349] : memref<10000x128xf32, #tpu.memory_space<vmem_shared>> -> memref<40x128xf32, #tpu.memory_space<vmem_shared>>
      %dma_start3A_351 = arith.constant 0 : i32
      %dma_start3A_352 = arith.constant 0 : i32
      %dma_start3A_353 = tpu.memref_slice %arg11[%dma_start3A_351, %dma_start3A_352] : memref<50x128xf32, #tpu.memory_space<vmem>> -> memref<40x128xf32, #tpu.memory_space<vmem>>
      tpu.enqueue_dma source(%dma_start3A_353 : memref<40x128xf32, #tpu.memory_space<vmem>>) target(%dma_start3A_350 : memref<40x128xf32, #tpu.memory_space<vmem_shared>>) target_semaphore(%arg33 : memref<!tpu.dma_semaphore, #tpu.memory_space<semaphore_mem>>)
    } else {
    }
    %add3A_110 = arith.constant 224 : i32
    %add3A_111 = arith.addi %arg1, %add3A_110 : i32
    %lt3A_112 = arith.constant 250 : i32
    %lt3A_113 = arith.cmpi slt, %add3A_111, %lt3A_112 : i32
    %convert_element_type3A_114 = arith.extui %lt3A_113 : i1 to i32
    %cond3A_115 = arith.constant 0 : i32
    %cond3A_116 = arith.cmpi ne, %convert_element_type3A_114, %cond3A_115 : i32
    scf.if %cond3A_116 {
      %mul3A_342 = arith.constant 40 : i32
      %mul3A_343 = arith.muli %add3A_111, %mul3A_342 : i32
      %dma_start3A_344 = arith.constant 0 : i32
      %dma_start3A_345 = arith.constant 0 : i32
      %dma_start3A_346 = tpu.memref_slice %arg11[%dma_start3A_344, %dma_start3A_345] : memref<50x128xf32, #tpu.memory_space<vmem>> -> memref<40x128xf32, #tpu.memory_space<vmem>>
      %dma_start3A_347 = arith.constant 0 : i32
      %dma_start3A_348 = tpu.memref_slice %arg16[%mul3A_343, %dma_start3A_347] : memref<10000x128xf32, #tpu.memory_space<vmem_shared>> -> memref<40x128xf32, #tpu.memory_space<vmem_shared>>
      %dma_start3A_349 = arith.constant 0 : i32
      %dma_start3A_350 = tpu.memref_slice %arg16[%mul3A_343, %dma_start3A_349] : memref<10000x128xf32, #tpu.memory_space<vmem_shared>> -> memref<40x128xf32, #tpu.memory_space<vmem_shared>>
      %dma_start3A_351 = arith.constant 0 : i32
      %dma_start3A_352 = arith.constant 0 : i32
      %dma_start3A_353 = tpu.memref_slice %arg11[%dma_start3A_351, %dma_start3A_352] : memref<50x128xf32, #tpu.memory_space<vmem>> -> memref<40x128xf32, #tpu.memory_space<vmem>>
      tpu.enqueue_dma source(%dma_start3A_353 : memref<40x128xf32, #tpu.memory_space<vmem>>) target(%dma_start3A_350 : memref<40x128xf32, #tpu.memory_space<vmem_shared>>) target_semaphore(%arg33 : memref<!tpu.dma_semaphore, #tpu.memory_space<semaphore_mem>>)
    } else {
    }
    %add3A_117 = arith.constant 240 : i32
    %add3A_118 = arith.addi %arg1, %add3A_117 : i32
    %lt3A_119 = arith.constant 250 : i32
    %lt3A_120 = arith.cmpi slt, %add3A_118, %lt3A_119 : i32
    %convert_element_type3A_121 = arith.extui %lt3A_120 : i1 to i32
    %cond3A_122 = arith.constant 0 : i32
    %cond3A_123 = arith.cmpi ne, %convert_element_type3A_121, %cond3A_122 : i32
    scf.if %cond3A_123 {
      %mul3A_342 = arith.constant 40 : i32
      %mul3A_343 = arith.muli %add3A_118, %mul3A_342 : i32
      %dma_start3A_344 = arith.constant 0 : i32
      %dma_start3A_345 = arith.constant 0 : i32
      %dma_start3A_346 = tpu.memref_slice %arg11[%dma_start3A_344, %dma_start3A_345] : memref<50x128xf32, #tpu.memory_space<vmem>> -> memref<40x128xf32, #tpu.memory_space<vmem>>
      %dma_start3A_347 = arith.constant 0 : i32
      %dma_start3A_348 = tpu.memref_slice %arg16[%mul3A_343, %dma_start3A_347] : memref<10000x128xf32, #tpu.memory_space<vmem_shared>> -> memref<40x128xf32, #tpu.memory_space<vmem_shared>>
      %dma_start3A_349 = arith.constant 0 : i32
      %dma_start3A_350 = tpu.memref_slice %arg16[%mul3A_343, %dma_start3A_349] : memref<10000x128xf32, #tpu.memory_space<vmem_shared>> -> memref<40x128xf32, #tpu.memory_space<vmem_shared>>
      %dma_start3A_351 = arith.constant 0 : i32
      %dma_start3A_352 = arith.constant 0 : i32
      %dma_start3A_353 = tpu.memref_slice %arg11[%dma_start3A_351, %dma_start3A_352] : memref<50x128xf32, #tpu.memory_space<vmem>> -> memref<40x128xf32, #tpu.memory_space<vmem>>
      tpu.enqueue_dma source(%dma_start3A_353 : memref<40x128xf32, #tpu.memory_space<vmem>>) target(%dma_start3A_350 : memref<40x128xf32, #tpu.memory_space<vmem_shared>>) target_semaphore(%arg33 : memref<!tpu.dma_semaphore, #tpu.memory_space<semaphore_mem>>)
    } else {
    }
    %add3A_124 = arith.constant 0 : i32
    %add3A_125 = arith.addi %arg1, %add3A_124 : i32
    %lt3A_126 = arith.constant 250 : i32
    %lt3A_127 = arith.cmpi slt, %add3A_125, %lt3A_126 : i32
    %convert_element_type3A_128 = arith.extui %lt3A_127 : i1 to i32
    %cond3A_129 = arith.constant 0 : i32
    %cond3A_130 = arith.cmpi ne, %convert_element_type3A_128, %cond3A_129 : i32
    scf.if %cond3A_130 {
      %dma_wait3A_342 = arith.constant 0 : i32
      %dma_wait3A_343 = arith.constant 0 : i32
      %dma_wait3A_344 = tpu.memref_slice %arg11[%dma_wait3A_342, %dma_wait3A_343] : memref<50x128xf32, #tpu.memory_space<vmem>> -> memref<40x128xf32, #tpu.memory_space<vmem>>
      %dma_wait3A_345 = arith.constant 0 : i32
      %dma_wait3A_346 = arith.constant 0 : i32
      %dma_wait3A_347 = tpu.memref_slice %arg16[%dma_wait3A_345, %dma_wait3A_346] : memref<10000x128xf32, #tpu.memory_space<vmem_shared>> -> memref<40x128xf32, #tpu.memory_space<vmem_shared>>
      %dma_wait3A_348 = arith.constant 0 : i32
      %dma_wait3A_349 = arith.constant 0 : i32
      %dma_wait3A_350 = tpu.memref_slice %arg16[%dma_wait3A_348, %dma_wait3A_349] : memref<10000x128xf32, #tpu.memory_space<vmem_shared>> -> memref<40x128xf32, #tpu.memory_space<vmem_shared>>
      %dma_wait3A_351 = arith.constant 0 : i32
      %dma_wait3A_352 = arith.constant 0 : i32
      %dma_wait3A_353 = tpu.memref_slice %arg11[%dma_wait3A_351, %dma_wait3A_352] : memref<50x128xf32, #tpu.memory_space<vmem>> -> memref<40x128xf32, #tpu.memory_space<vmem>>
      tpu.wait_dma2 semaphore(%arg33 : memref<!tpu.dma_semaphore, #tpu.memory_space<semaphore_mem>>) src(%dma_wait3A_353 : memref<40x128xf32, #tpu.memory_space<vmem>>) dst(%dma_wait3A_350 : memref<40x128xf32, #tpu.memory_space<vmem_shared>>)
    } else {
    }
    %add3A_131 = arith.constant 16 : i32
    %add3A_132 = arith.addi %arg1, %add3A_131 : i32
    %lt3A_133 = arith.constant 250 : i32
    %lt3A_134 = arith.cmpi slt, %add3A_132, %lt3A_133 : i32
    %convert_element_type3A_135 = arith.extui %lt3A_134 : i1 to i32
    %cond3A_136 = arith.constant 0 : i32
    %cond3A_137 = arith.cmpi ne, %convert_element_type3A_135, %cond3A_136 : i32
    scf.if %cond3A_137 {
      %dma_wait3A_342 = arith.constant 0 : i32
      %dma_wait3A_343 = arith.constant 0 : i32
      %dma_wait3A_344 = tpu.memref_slice %arg11[%dma_wait3A_342, %dma_wait3A_343] : memref<50x128xf32, #tpu.memory_space<vmem>> -> memref<40x128xf32, #tpu.memory_space<vmem>>
      %dma_wait3A_345 = arith.constant 0 : i32
      %dma_wait3A_346 = arith.constant 0 : i32
      %dma_wait3A_347 = tpu.memref_slice %arg16[%dma_wait3A_345, %dma_wait3A_346] : memref<10000x128xf32, #tpu.memory_space<vmem_shared>> -> memref<40x128xf32, #tpu.memory_space<vmem_shared>>
      %dma_wait3A_348 = arith.constant 0 : i32
      %dma_wait3A_349 = arith.constant 0 : i32
      %dma_wait3A_350 = tpu.memref_slice %arg16[%dma_wait3A_348, %dma_wait3A_349] : memref<10000x128xf32, #tpu.memory_space<vmem_shared>> -> memref<40x128xf32, #tpu.memory_space<vmem_shared>>
      %dma_wait3A_351 = arith.constant 0 : i32
      %dma_wait3A_352 = arith.constant 0 : i32
      %dma_wait3A_353 = tpu.memref_slice %arg11[%dma_wait3A_351, %dma_wait3A_352] : memref<50x128xf32, #tpu.memory_space<vmem>> -> memref<40x128xf32, #tpu.memory_space<vmem>>
      tpu.wait_dma2 semaphore(%arg33 : memref<!tpu.dma_semaphore, #tpu.memory_space<semaphore_mem>>) src(%dma_wait3A_353 : memref<40x128xf32, #tpu.memory_space<vmem>>) dst(%dma_wait3A_350 : memref<40x128xf32, #tpu.memory_space<vmem_shared>>)
    } else {
    }
    %add3A_138 = arith.constant 32 : i32
    %add3A_139 = arith.addi %arg1, %add3A_138 : i32
    %lt3A_140 = arith.constant 250 : i32
    %lt3A_141 = arith.cmpi slt, %add3A_139, %lt3A_140 : i32
    %convert_element_type3A_142 = arith.extui %lt3A_141 : i1 to i32
    %cond3A_143 = arith.constant 0 : i32
    %cond3A_144 = arith.cmpi ne, %convert_element_type3A_142, %cond3A_143 : i32
    scf.if %cond3A_144 {
      %dma_wait3A_342 = arith.constant 0 : i32
      %dma_wait3A_343 = arith.constant 0 : i32
      %dma_wait3A_344 = tpu.memref_slice %arg11[%dma_wait3A_342, %dma_wait3A_343] : memref<50x128xf32, #tpu.memory_space<vmem>> -> memref<40x128xf32, #tpu.memory_space<vmem>>
      %dma_wait3A_345 = arith.constant 0 : i32
      %dma_wait3A_346 = arith.constant 0 : i32
      %dma_wait3A_347 = tpu.memref_slice %arg16[%dma_wait3A_345, %dma_wait3A_346] : memref<10000x128xf32, #tpu.memory_space<vmem_shared>> -> memref<40x128xf32, #tpu.memory_space<vmem_shared>>
      %dma_wait3A_348 = arith.constant 0 : i32
      %dma_wait3A_349 = arith.constant 0 : i32
      %dma_wait3A_350 = tpu.memref_slice %arg16[%dma_wait3A_348, %dma_wait3A_349] : memref<10000x128xf32, #tpu.memory_space<vmem_shared>> -> memref<40x128xf32, #tpu.memory_space<vmem_shared>>
      %dma_wait3A_351 = arith.constant 0 : i32
      %dma_wait3A_352 = arith.constant 0 : i32
      %dma_wait3A_353 = tpu.memref_slice %arg11[%dma_wait3A_351, %dma_wait3A_352] : memref<50x128xf32, #tpu.memory_space<vmem>> -> memref<40x128xf32, #tpu.memory_space<vmem>>
      tpu.wait_dma2 semaphore(%arg33 : memref<!tpu.dma_semaphore, #tpu.memory_space<semaphore_mem>>) src(%dma_wait3A_353 : memref<40x128xf32, #tpu.memory_space<vmem>>) dst(%dma_wait3A_350 : memref<40x128xf32, #tpu.memory_space<vmem_shared>>)
    } else {
    }
    %add3A_145 = arith.constant 48 : i32
    %add3A_146 = arith.addi %arg1, %add3A_145 : i32
    %lt3A_147 = arith.constant 250 : i32
    %lt3A_148 = arith.cmpi slt, %add3A_146, %lt3A_147 : i32
    %convert_element_type3A_149 = arith.extui %lt3A_148 : i1 to i32
    %cond3A_150 = arith.constant 0 : i32
    %cond3A_151 = arith.cmpi ne, %convert_element_type3A_149, %cond3A_150 : i32
    scf.if %cond3A_151 {
      %dma_wait3A_342 = arith.constant 0 : i32
      %dma_wait3A_343 = arith.constant 0 : i32
      %dma_wait3A_344 = tpu.memref_slice %arg11[%dma_wait3A_342, %dma_wait3A_343] : memref<50x128xf32, #tpu.memory_space<vmem>> -> memref<40x128xf32, #tpu.memory_space<vmem>>
      %dma_wait3A_345 = arith.constant 0 : i32
      %dma_wait3A_346 = arith.constant 0 : i32
      %dma_wait3A_347 = tpu.memref_slice %arg16[%dma_wait3A_345, %dma_wait3A_346] : memref<10000x128xf32, #tpu.memory_space<vmem_shared>> -> memref<40x128xf32, #tpu.memory_space<vmem_shared>>
      %dma_wait3A_348 = arith.constant 0 : i32
      %dma_wait3A_349 = arith.constant 0 : i32
      %dma_wait3A_350 = tpu.memref_slice %arg16[%dma_wait3A_348, %dma_wait3A_349] : memref<10000x128xf32, #tpu.memory_space<vmem_shared>> -> memref<40x128xf32, #tpu.memory_space<vmem_shared>>
      %dma_wait3A_351 = arith.constant 0 : i32
      %dma_wait3A_352 = arith.constant 0 : i32
      %dma_wait3A_353 = tpu.memref_slice %arg11[%dma_wait3A_351, %dma_wait3A_352] : memref<50x128xf32, #tpu.memory_space<vmem>> -> memref<40x128xf32, #tpu.memory_space<vmem>>
      tpu.wait_dma2 semaphore(%arg33 : memref<!tpu.dma_semaphore, #tpu.memory_space<semaphore_mem>>) src(%dma_wait3A_353 : memref<40x128xf32, #tpu.memory_space<vmem>>) dst(%dma_wait3A_350 : memref<40x128xf32, #tpu.memory_space<vmem_shared>>)
    } else {
    }
    %add3A_152 = arith.constant 64 : i32
    %add3A_153 = arith.addi %arg1, %add3A_152 : i32
    %lt3A_154 = arith.constant 250 : i32
    %lt3A_155 = arith.cmpi slt, %add3A_153, %lt3A_154 : i32
    %convert_element_type3A_156 = arith.extui %lt3A_155 : i1 to i32
    %cond3A_157 = arith.constant 0 : i32
    %cond3A_158 = arith.cmpi ne, %convert_element_type3A_156, %cond3A_157 : i32
    scf.if %cond3A_158 {
      %dma_wait3A_342 = arith.constant 0 : i32
      %dma_wait3A_343 = arith.constant 0 : i32
      %dma_wait3A_344 = tpu.memref_slice %arg11[%dma_wait3A_342, %dma_wait3A_343] : memref<50x128xf32, #tpu.memory_space<vmem>> -> memref<40x128xf32, #tpu.memory_space<vmem>>
      %dma_wait3A_345 = arith.constant 0 : i32
      %dma_wait3A_346 = arith.constant 0 : i32
      %dma_wait3A_347 = tpu.memref_slice %arg16[%dma_wait3A_345, %dma_wait3A_346] : memref<10000x128xf32, #tpu.memory_space<vmem_shared>> -> memref<40x128xf32, #tpu.memory_space<vmem_shared>>
      %dma_wait3A_348 = arith.constant 0 : i32
      %dma_wait3A_349 = arith.constant 0 : i32
      %dma_wait3A_350 = tpu.memref_slice %arg16[%dma_wait3A_348, %dma_wait3A_349] : memref<10000x128xf32, #tpu.memory_space<vmem_shared>> -> memref<40x128xf32, #tpu.memory_space<vmem_shared>>
      %dma_wait3A_351 = arith.constant 0 : i32
      %dma_wait3A_352 = arith.constant 0 : i32
      %dma_wait3A_353 = tpu.memref_slice %arg11[%dma_wait3A_351, %dma_wait3A_352] : memref<50x128xf32, #tpu.memory_space<vmem>> -> memref<40x128xf32, #tpu.memory_space<vmem>>
      tpu.wait_dma2 semaphore(%arg33 : memref<!tpu.dma_semaphore, #tpu.memory_space<semaphore_mem>>) src(%dma_wait3A_353 : memref<40x128xf32, #tpu.memory_space<vmem>>) dst(%dma_wait3A_350 : memref<40x128xf32, #tpu.memory_space<vmem_shared>>)
    } else {
    }
    %add3A_159 = arith.constant 80 : i32
    %add3A_160 = arith.addi %arg1, %add3A_159 : i32
    %lt3A_161 = arith.constant 250 : i32
    %lt3A_162 = arith.cmpi slt, %add3A_160, %lt3A_161 : i32
    %convert_element_type3A_163 = arith.extui %lt3A_162 : i1 to i32
    %cond3A_164 = arith.constant 0 : i32
    %cond3A_165 = arith.cmpi ne, %convert_element_type3A_163, %cond3A_164 : i32
    scf.if %cond3A_165 {
      %dma_wait3A_342 = arith.constant 0 : i32
      %dma_wait3A_343 = arith.constant 0 : i32
      %dma_wait3A_344 = tpu.memref_slice %arg11[%dma_wait3A_342, %dma_wait3A_343] : memref<50x128xf32, #tpu.memory_space<vmem>> -> memref<40x128xf32, #tpu.memory_space<vmem>>
      %dma_wait3A_345 = arith.constant 0 : i32
      %dma_wait3A_346 = arith.constant 0 : i32
      %dma_wait3A_347 = tpu.memref_slice %arg16[%dma_wait3A_345, %dma_wait3A_346] : memref<10000x128xf32, #tpu.memory_space<vmem_shared>> -> memref<40x128xf32, #tpu.memory_space<vmem_shared>>
      %dma_wait3A_348 = arith.constant 0 : i32
      %dma_wait3A_349 = arith.constant 0 : i32
      %dma_wait3A_350 = tpu.memref_slice %arg16[%dma_wait3A_348, %dma_wait3A_349] : memref<10000x128xf32, #tpu.memory_space<vmem_shared>> -> memref<40x128xf32, #tpu.memory_space<vmem_shared>>
      %dma_wait3A_351 = arith.constant 0 : i32
      %dma_wait3A_352 = arith.constant 0 : i32
      %dma_wait3A_353 = tpu.memref_slice %arg11[%dma_wait3A_351, %dma_wait3A_352] : memref<50x128xf32, #tpu.memory_space<vmem>> -> memref<40x128xf32, #tpu.memory_space<vmem>>
      tpu.wait_dma2 semaphore(%arg33 : memref<!tpu.dma_semaphore, #tpu.memory_space<semaphore_mem>>) src(%dma_wait3A_353 : memref<40x128xf32, #tpu.memory_space<vmem>>) dst(%dma_wait3A_350 : memref<40x128xf32, #tpu.memory_space<vmem_shared>>)
    } else {
    }
    %add3A_166 = arith.constant 96 : i32
    %add3A_167 = arith.addi %arg1, %add3A_166 : i32
    %lt3A_168 = arith.constant 250 : i32
    %lt3A_169 = arith.cmpi slt, %add3A_167, %lt3A_168 : i32
    %convert_element_type3A_170 = arith.extui %lt3A_169 : i1 to i32
    %cond3A_171 = arith.constant 0 : i32
    %cond3A_172 = arith.cmpi ne, %convert_element_type3A_170, %cond3A_171 : i32
    scf.if %cond3A_172 {
      %dma_wait3A_342 = arith.constant 0 : i32
      %dma_wait3A_343 = arith.constant 0 : i32
      %dma_wait3A_344 = tpu.memref_slice %arg11[%dma_wait3A_342, %dma_wait3A_343] : memref<50x128xf32, #tpu.memory_space<vmem>> -> memref<40x128xf32, #tpu.memory_space<vmem>>
      %dma_wait3A_345 = arith.constant 0 : i32
      %dma_wait3A_346 = arith.constant 0 : i32
      %dma_wait3A_347 = tpu.memref_slice %arg16[%dma_wait3A_345, %dma_wait3A_346] : memref<10000x128xf32, #tpu.memory_space<vmem_shared>> -> memref<40x128xf32, #tpu.memory_space<vmem_shared>>
      %dma_wait3A_348 = arith.constant 0 : i32
      %dma_wait3A_349 = arith.constant 0 : i32
      %dma_wait3A_350 = tpu.memref_slice %arg16[%dma_wait3A_348, %dma_wait3A_349] : memref<10000x128xf32, #tpu.memory_space<vmem_shared>> -> memref<40x128xf32, #tpu.memory_space<vmem_shared>>
      %dma_wait3A_351 = arith.constant 0 : i32
      %dma_wait3A_352 = arith.constant 0 : i32
      %dma_wait3A_353 = tpu.memref_slice %arg11[%dma_wait3A_351, %dma_wait3A_352] : memref<50x128xf32, #tpu.memory_space<vmem>> -> memref<40x128xf32, #tpu.memory_space<vmem>>
      tpu.wait_dma2 semaphore(%arg33 : memref<!tpu.dma_semaphore, #tpu.memory_space<semaphore_mem>>) src(%dma_wait3A_353 : memref<40x128xf32, #tpu.memory_space<vmem>>) dst(%dma_wait3A_350 : memref<40x128xf32, #tpu.memory_space<vmem_shared>>)
    } else {
    }
    %add3A_173 = arith.constant 112 : i32
    %add3A_174 = arith.addi %arg1, %add3A_173 : i32
    %lt3A_175 = arith.constant 250 : i32
    %lt3A_176 = arith.cmpi slt, %add3A_174, %lt3A_175 : i32
    %convert_element_type3A_177 = arith.extui %lt3A_176 : i1 to i32
    %cond3A_178 = arith.constant 0 : i32
    %cond3A_179 = arith.cmpi ne, %convert_element_type3A_177, %cond3A_178 : i32
    scf.if %cond3A_179 {
      %dma_wait3A_342 = arith.constant 0 : i32
      %dma_wait3A_343 = arith.constant 0 : i32
      %dma_wait3A_344 = tpu.memref_slice %arg11[%dma_wait3A_342, %dma_wait3A_343] : memref<50x128xf32, #tpu.memory_space<vmem>> -> memref<40x128xf32, #tpu.memory_space<vmem>>
      %dma_wait3A_345 = arith.constant 0 : i32
      %dma_wait3A_346 = arith.constant 0 : i32
      %dma_wait3A_347 = tpu.memref_slice %arg16[%dma_wait3A_345, %dma_wait3A_346] : memref<10000x128xf32, #tpu.memory_space<vmem_shared>> -> memref<40x128xf32, #tpu.memory_space<vmem_shared>>
      %dma_wait3A_348 = arith.constant 0 : i32
      %dma_wait3A_349 = arith.constant 0 : i32
      %dma_wait3A_350 = tpu.memref_slice %arg16[%dma_wait3A_348, %dma_wait3A_349] : memref<10000x128xf32, #tpu.memory_space<vmem_shared>> -> memref<40x128xf32, #tpu.memory_space<vmem_shared>>
      %dma_wait3A_351 = arith.constant 0 : i32
      %dma_wait3A_352 = arith.constant 0 : i32
      %dma_wait3A_353 = tpu.memref_slice %arg11[%dma_wait3A_351, %dma_wait3A_352] : memref<50x128xf32, #tpu.memory_space<vmem>> -> memref<40x128xf32, #tpu.memory_space<vmem>>
      tpu.wait_dma2 semaphore(%arg33 : memref<!tpu.dma_semaphore, #tpu.memory_space<semaphore_mem>>) src(%dma_wait3A_353 : memref<40x128xf32, #tpu.memory_space<vmem>>) dst(%dma_wait3A_350 : memref<40x128xf32, #tpu.memory_space<vmem_shared>>)
    } else {
    }
    %add3A_180 = arith.constant 128 : i32
    %add3A_181 = arith.addi %arg1, %add3A_180 : i32
    %lt3A_182 = arith.constant 250 : i32
    %lt3A_183 = arith.cmpi slt, %add3A_181, %lt3A_182 : i32
    %convert_element_type3A_184 = arith.extui %lt3A_183 : i1 to i32
    %cond3A_185 = arith.constant 0 : i32
    %cond3A_186 = arith.cmpi ne, %convert_element_type3A_184, %cond3A_185 : i32
    scf.if %cond3A_186 {
      %dma_wait3A_342 = arith.constant 0 : i32
      %dma_wait3A_343 = arith.constant 0 : i32
      %dma_wait3A_344 = tpu.memref_slice %arg11[%dma_wait3A_342, %dma_wait3A_343] : memref<50x128xf32, #tpu.memory_space<vmem>> -> memref<40x128xf32, #tpu.memory_space<vmem>>
      %dma_wait3A_345 = arith.constant 0 : i32
      %dma_wait3A_346 = arith.constant 0 : i32
      %dma_wait3A_347 = tpu.memref_slice %arg16[%dma_wait3A_345, %dma_wait3A_346] : memref<10000x128xf32, #tpu.memory_space<vmem_shared>> -> memref<40x128xf32, #tpu.memory_space<vmem_shared>>
      %dma_wait3A_348 = arith.constant 0 : i32
      %dma_wait3A_349 = arith.constant 0 : i32
      %dma_wait3A_350 = tpu.memref_slice %arg16[%dma_wait3A_348, %dma_wait3A_349] : memref<10000x128xf32, #tpu.memory_space<vmem_shared>> -> memref<40x128xf32, #tpu.memory_space<vmem_shared>>
      %dma_wait3A_351 = arith.constant 0 : i32
      %dma_wait3A_352 = arith.constant 0 : i32
      %dma_wait3A_353 = tpu.memref_slice %arg11[%dma_wait3A_351, %dma_wait3A_352] : memref<50x128xf32, #tpu.memory_space<vmem>> -> memref<40x128xf32, #tpu.memory_space<vmem>>
      tpu.wait_dma2 semaphore(%arg33 : memref<!tpu.dma_semaphore, #tpu.memory_space<semaphore_mem>>) src(%dma_wait3A_353 : memref<40x128xf32, #tpu.memory_space<vmem>>) dst(%dma_wait3A_350 : memref<40x128xf32, #tpu.memory_space<vmem_shared>>)
    } else {
    }
    %add3A_187 = arith.constant 144 : i32
    %add3A_188 = arith.addi %arg1, %add3A_187 : i32
    %lt3A_189 = arith.constant 250 : i32
    %lt3A_190 = arith.cmpi slt, %add3A_188, %lt3A_189 : i32
    %convert_element_type3A_191 = arith.extui %lt3A_190 : i1 to i32
    %cond3A_192 = arith.constant 0 : i32
    %cond3A_193 = arith.cmpi ne, %convert_element_type3A_191, %cond3A_192 : i32
    scf.if %cond3A_193 {
      %dma_wait3A_342 = arith.constant 0 : i32
      %dma_wait3A_343 = arith.constant 0 : i32
      %dma_wait3A_344 = tpu.memref_slice %arg11[%dma_wait3A_342, %dma_wait3A_343] : memref<50x128xf32, #tpu.memory_space<vmem>> -> memref<40x128xf32, #tpu.memory_space<vmem>>
      %dma_wait3A_345 = arith.constant 0 : i32
      %dma_wait3A_346 = arith.constant 0 : i32
      %dma_wait3A_347 = tpu.memref_slice %arg16[%dma_wait3A_345, %dma_wait3A_346] : memref<10000x128xf32, #tpu.memory_space<vmem_shared>> -> memref<40x128xf32, #tpu.memory_space<vmem_shared>>
      %dma_wait3A_348 = arith.constant 0 : i32
      %dma_wait3A_349 = arith.constant 0 : i32
      %dma_wait3A_350 = tpu.memref_slice %arg16[%dma_wait3A_348, %dma_wait3A_349] : memref<10000x128xf32, #tpu.memory_space<vmem_shared>> -> memref<40x128xf32, #tpu.memory_space<vmem_shared>>
      %dma_wait3A_351 = arith.constant 0 : i32
      %dma_wait3A_352 = arith.constant 0 : i32
      %dma_wait3A_353 = tpu.memref_slice %arg11[%dma_wait3A_351, %dma_wait3A_352] : memref<50x128xf32, #tpu.memory_space<vmem>> -> memref<40x128xf32, #tpu.memory_space<vmem>>
      tpu.wait_dma2 semaphore(%arg33 : memref<!tpu.dma_semaphore, #tpu.memory_space<semaphore_mem>>) src(%dma_wait3A_353 : memref<40x128xf32, #tpu.memory_space<vmem>>) dst(%dma_wait3A_350 : memref<40x128xf32, #tpu.memory_space<vmem_shared>>)
    } else {
    }
    %add3A_194 = arith.constant 160 : i32
    %add3A_195 = arith.addi %arg1, %add3A_194 : i32
    %lt3A_196 = arith.constant 250 : i32
    %lt3A_197 = arith.cmpi slt, %add3A_195, %lt3A_196 : i32
    %convert_element_type3A_198 = arith.extui %lt3A_197 : i1 to i32
    %cond3A_199 = arith.constant 0 : i32
    %cond3A_200 = arith.cmpi ne, %convert_element_type3A_198, %cond3A_199 : i32
    scf.if %cond3A_200 {
      %dma_wait3A_342 = arith.constant 0 : i32
      %dma_wait3A_343 = arith.constant 0 : i32
      %dma_wait3A_344 = tpu.memref_slice %arg11[%dma_wait3A_342, %dma_wait3A_343] : memref<50x128xf32, #tpu.memory_space<vmem>> -> memref<40x128xf32, #tpu.memory_space<vmem>>
      %dma_wait3A_345 = arith.constant 0 : i32
      %dma_wait3A_346 = arith.constant 0 : i32
      %dma_wait3A_347 = tpu.memref_slice %arg16[%dma_wait3A_345, %dma_wait3A_346] : memref<10000x128xf32, #tpu.memory_space<vmem_shared>> -> memref<40x128xf32, #tpu.memory_space<vmem_shared>>
      %dma_wait3A_348 = arith.constant 0 : i32
      %dma_wait3A_349 = arith.constant 0 : i32
      %dma_wait3A_350 = tpu.memref_slice %arg16[%dma_wait3A_348, %dma_wait3A_349] : memref<10000x128xf32, #tpu.memory_space<vmem_shared>> -> memref<40x128xf32, #tpu.memory_space<vmem_shared>>
      %dma_wait3A_351 = arith.constant 0 : i32
      %dma_wait3A_352 = arith.constant 0 : i32
      %dma_wait3A_353 = tpu.memref_slice %arg11[%dma_wait3A_351, %dma_wait3A_352] : memref<50x128xf32, #tpu.memory_space<vmem>> -> memref<40x128xf32, #tpu.memory_space<vmem>>
      tpu.wait_dma2 semaphore(%arg33 : memref<!tpu.dma_semaphore, #tpu.memory_space<semaphore_mem>>) src(%dma_wait3A_353 : memref<40x128xf32, #tpu.memory_space<vmem>>) dst(%dma_wait3A_350 : memref<40x128xf32, #tpu.memory_space<vmem_shared>>)
    } else {
    }
    %add3A_201 = arith.constant 176 : i32
    %add3A_202 = arith.addi %arg1, %add3A_201 : i32
    %lt3A_203 = arith.constant 250 : i32
    %lt3A_204 = arith.cmpi slt, %add3A_202, %lt3A_203 : i32
    %convert_element_type3A_205 = arith.extui %lt3A_204 : i1 to i32
    %cond3A_206 = arith.constant 0 : i32
    %cond3A_207 = arith.cmpi ne, %convert_element_type3A_205, %cond3A_206 : i32
    scf.if %cond3A_207 {
      %dma_wait3A_342 = arith.constant 0 : i32
      %dma_wait3A_343 = arith.constant 0 : i32
      %dma_wait3A_344 = tpu.memref_slice %arg11[%dma_wait3A_342, %dma_wait3A_343] : memref<50x128xf32, #tpu.memory_space<vmem>> -> memref<40x128xf32, #tpu.memory_space<vmem>>
      %dma_wait3A_345 = arith.constant 0 : i32
      %dma_wait3A_346 = arith.constant 0 : i32
      %dma_wait3A_347 = tpu.memref_slice %arg16[%dma_wait3A_345, %dma_wait3A_346] : memref<10000x128xf32, #tpu.memory_space<vmem_shared>> -> memref<40x128xf32, #tpu.memory_space<vmem_shared>>
      %dma_wait3A_348 = arith.constant 0 : i32
      %dma_wait3A_349 = arith.constant 0 : i32
      %dma_wait3A_350 = tpu.memref_slice %arg16[%dma_wait3A_348, %dma_wait3A_349] : memref<10000x128xf32, #tpu.memory_space<vmem_shared>> -> memref<40x128xf32, #tpu.memory_space<vmem_shared>>
      %dma_wait3A_351 = arith.constant 0 : i32
      %dma_wait3A_352 = arith.constant 0 : i32
      %dma_wait3A_353 = tpu.memref_slice %arg11[%dma_wait3A_351, %dma_wait3A_352] : memref<50x128xf32, #tpu.memory_space<vmem>> -> memref<40x128xf32, #tpu.memory_space<vmem>>
      tpu.wait_dma2 semaphore(%arg33 : memref<!tpu.dma_semaphore, #tpu.memory_space<semaphore_mem>>) src(%dma_wait3A_353 : memref<40x128xf32, #tpu.memory_space<vmem>>) dst(%dma_wait3A_350 : memref<40x128xf32, #tpu.memory_space<vmem_shared>>)
    } else {
    }
    %add3A_208 = arith.constant 192 : i32
    %add3A_209 = arith.addi %arg1, %add3A_208 : i32
    %lt3A_210 = arith.constant 250 : i32
    %lt3A_211 = arith.cmpi slt, %add3A_209, %lt3A_210 : i32
    %convert_element_type3A_212 = arith.extui %lt3A_211 : i1 to i32
    %cond3A_213 = arith.constant 0 : i32
    %cond3A_214 = arith.cmpi ne, %convert_element_type3A_212, %cond3A_213 : i32
    scf.if %cond3A_214 {
      %dma_wait3A_342 = arith.constant 0 : i32
      %dma_wait3A_343 = arith.constant 0 : i32
      %dma_wait3A_344 = tpu.memref_slice %arg11[%dma_wait3A_342, %dma_wait3A_343] : memref<50x128xf32, #tpu.memory_space<vmem>> -> memref<40x128xf32, #tpu.memory_space<vmem>>
      %dma_wait3A_345 = arith.constant 0 : i32
      %dma_wait3A_346 = arith.constant 0 : i32
      %dma_wait3A_347 = tpu.memref_slice %arg16[%dma_wait3A_345, %dma_wait3A_346] : memref<10000x128xf32, #tpu.memory_space<vmem_shared>> -> memref<40x128xf32, #tpu.memory_space<vmem_shared>>
      %dma_wait3A_348 = arith.constant 0 : i32
      %dma_wait3A_349 = arith.constant 0 : i32
      %dma_wait3A_350 = tpu.memref_slice %arg16[%dma_wait3A_348, %dma_wait3A_349] : memref<10000x128xf32, #tpu.memory_space<vmem_shared>> -> memref<40x128xf32, #tpu.memory_space<vmem_shared>>
      %dma_wait3A_351 = arith.constant 0 : i32
      %dma_wait3A_352 = arith.constant 0 : i32
      %dma_wait3A_353 = tpu.memref_slice %arg11[%dma_wait3A_351, %dma_wait3A_352] : memref<50x128xf32, #tpu.memory_space<vmem>> -> memref<40x128xf32, #tpu.memory_space<vmem>>
      tpu.wait_dma2 semaphore(%arg33 : memref<!tpu.dma_semaphore, #tpu.memory_space<semaphore_mem>>) src(%dma_wait3A_353 : memref<40x128xf32, #tpu.memory_space<vmem>>) dst(%dma_wait3A_350 : memref<40x128xf32, #tpu.memory_space<vmem_shared>>)
    } else {
    }
    %add3A_215 = arith.constant 208 : i32
    %add3A_216 = arith.addi %arg1, %add3A_215 : i32
    %lt3A_217 = arith.constant 250 : i32
    %lt3A_218 = arith.cmpi slt, %add3A_216, %lt3A_217 : i32
    %convert_element_type3A_219 = arith.extui %lt3A_218 : i1 to i32
    %cond3A_220 = arith.constant 0 : i32
    %cond3A_221 = arith.cmpi ne, %convert_element_type3A_219, %cond3A_220 : i32
    scf.if %cond3A_221 {
      %dma_wait3A_342 = arith.constant 0 : i32
      %dma_wait3A_343 = arith.constant 0 : i32
      %dma_wait3A_344 = tpu.memref_slice %arg11[%dma_wait3A_342, %dma_wait3A_343] : memref<50x128xf32, #tpu.memory_space<vmem>> -> memref<40x128xf32, #tpu.memory_space<vmem>>
      %dma_wait3A_345 = arith.constant 0 : i32
      %dma_wait3A_346 = arith.constant 0 : i32
      %dma_wait3A_347 = tpu.memref_slice %arg16[%dma_wait3A_345, %dma_wait3A_346] : memref<10000x128xf32, #tpu.memory_space<vmem_shared>> -> memref<40x128xf32, #tpu.memory_space<vmem_shared>>
      %dma_wait3A_348 = arith.constant 0 : i32
      %dma_wait3A_349 = arith.constant 0 : i32
      %dma_wait3A_350 = tpu.memref_slice %arg16[%dma_wait3A_348, %dma_wait3A_349] : memref<10000x128xf32, #tpu.memory_space<vmem_shared>> -> memref<40x128xf32, #tpu.memory_space<vmem_shared>>
      %dma_wait3A_351 = arith.constant 0 : i32
      %dma_wait3A_352 = arith.constant 0 : i32
      %dma_wait3A_353 = tpu.memref_slice %arg11[%dma_wait3A_351, %dma_wait3A_352] : memref<50x128xf32, #tpu.memory_space<vmem>> -> memref<40x128xf32, #tpu.memory_space<vmem>>
      tpu.wait_dma2 semaphore(%arg33 : memref<!tpu.dma_semaphore, #tpu.memory_space<semaphore_mem>>) src(%dma_wait3A_353 : memref<40x128xf32, #tpu.memory_space<vmem>>) dst(%dma_wait3A_350 : memref<40x128xf32, #tpu.memory_space<vmem_shared>>)
    } else {
    }
    %add3A_222 = arith.constant 224 : i32
    %add3A_223 = arith.addi %arg1, %add3A_222 : i32
    %lt3A_224 = arith.constant 250 : i32
    %lt3A_225 = arith.cmpi slt, %add3A_223, %lt3A_224 : i32
    %convert_element_type3A_226 = arith.extui %lt3A_225 : i1 to i32
    %cond3A_227 = arith.constant 0 : i32
    %cond3A_228 = arith.cmpi ne, %convert_element_type3A_226, %cond3A_227 : i32
    scf.if %cond3A_228 {
      %dma_wait3A_342 = arith.constant 0 : i32
      %dma_wait3A_343 = arith.constant 0 : i32
      %dma_wait3A_344 = tpu.memref_slice %arg11[%dma_wait3A_342, %dma_wait3A_343] : memref<50x128xf32, #tpu.memory_space<vmem>> -> memref<40x128xf32, #tpu.memory_space<vmem>>
      %dma_wait3A_345 = arith.constant 0 : i32
      %dma_wait3A_346 = arith.constant 0 : i32
      %dma_wait3A_347 = tpu.memref_slice %arg16[%dma_wait3A_345, %dma_wait3A_346] : memref<10000x128xf32, #tpu.memory_space<vmem_shared>> -> memref<40x128xf32, #tpu.memory_space<vmem_shared>>
      %dma_wait3A_348 = arith.constant 0 : i32
      %dma_wait3A_349 = arith.constant 0 : i32
      %dma_wait3A_350 = tpu.memref_slice %arg16[%dma_wait3A_348, %dma_wait3A_349] : memref<10000x128xf32, #tpu.memory_space<vmem_shared>> -> memref<40x128xf32, #tpu.memory_space<vmem_shared>>
      %dma_wait3A_351 = arith.constant 0 : i32
      %dma_wait3A_352 = arith.constant 0 : i32
      %dma_wait3A_353 = tpu.memref_slice %arg11[%dma_wait3A_351, %dma_wait3A_352] : memref<50x128xf32, #tpu.memory_space<vmem>> -> memref<40x128xf32, #tpu.memory_space<vmem>>
      tpu.wait_dma2 semaphore(%arg33 : memref<!tpu.dma_semaphore, #tpu.memory_space<semaphore_mem>>) src(%dma_wait3A_353 : memref<40x128xf32, #tpu.memory_space<vmem>>) dst(%dma_wait3A_350 : memref<40x128xf32, #tpu.memory_space<vmem_shared>>)
    } else {
    }
    %add3A_229 = arith.constant 240 : i32
    %add3A_230 = arith.addi %arg1, %add3A_229 : i32
    %lt3A_231 = arith.constant 250 : i32
    %lt3A_232 = arith.cmpi slt, %add3A_230, %lt3A_231 : i32
    %convert_element_type3A_233 = arith.extui %lt3A_232 : i1 to i32
    %cond3A_234 = arith.constant 0 : i32
    %cond3A_235 = arith.cmpi ne, %convert_element_type3A_233, %cond3A_234 : i32
    scf.if %cond3A_235 {
      %dma_wait3A_342 = arith.constant 0 : i32
      %dma_wait3A_343 = arith.constant 0 : i32
      %dma_wait3A_344 = tpu.memref_slice %arg11[%dma_wait3A_342, %dma_wait3A_343] : memref<50x128xf32, #tpu.memory_space<vmem>> -> memref<40x128xf32, #tpu.memory_space<vmem>>
      %dma_wait3A_345 = arith.constant 0 : i32
      %dma_wait3A_346 = arith.constant 0 : i32
      %dma_wait3A_347 = tpu.memref_slice %arg16[%dma_wait3A_345, %dma_wait3A_346] : memref<10000x128xf32, #tpu.memory_space<vmem_shared>> -> memref<40x128xf32, #tpu.memory_space<vmem_shared>>
      %dma_wait3A_348 = arith.constant 0 : i32
      %dma_wait3A_349 = arith.constant 0 : i32
      %dma_wait3A_350 = tpu.memref_slice %arg16[%dma_wait3A_348, %dma_wait3A_349] : memref<10000x128xf32, #tpu.memory_space<vmem_shared>> -> memref<40x128xf32, #tpu.memory_space<vmem_shared>>
      %dma_wait3A_351 = arith.constant 0 : i32
      %dma_wait3A_352 = arith.constant 0 : i32
      %dma_wait3A_353 = tpu.memref_slice %arg11[%dma_wait3A_351, %dma_wait3A_352] : memref<50x128xf32, #tpu.memory_space<vmem>> -> memref<40x128xf32, #tpu.memory_space<vmem>>
      tpu.wait_dma2 semaphore(%arg33 : memref<!tpu.dma_semaphore, #tpu.memory_space<semaphore_mem>>) src(%dma_wait3A_353 : memref<40x128xf32, #tpu.memory_space<vmem>>) dst(%dma_wait3A_350 : memref<40x128xf32, #tpu.memory_space<vmem_shared>>)
    } else {
    }
    %dma_wait3A = arith.constant 1 : i32
    %dma_wait3A_236 = arith.constant 0 : i32
    %dma_wait3A_237 = arith.constant 0 : i32
    %dma_wait3A_238 = tpu.memref_slice %arg3[%dma_wait3A, %add3A, %dma_wait3A_236, %dma_wait3A_237] : memref<2x32x200x50xi32, #tpu.memory_space<hbm>> -> memref<1x1x200x50xi32, #tpu.memory_space<hbm>>
    %dma_wait3A_239 = tpu.memref_squeeze %dma_wait3A_238 : memref<1x1x200x50xi32, #tpu.memory_space<hbm>> -> memref<200x50xi32, #tpu.memory_space<hbm>>
    %dma_wait3A_240 = arith.constant 0 : i32
    %dma_wait3A_241 = arith.constant 0 : i32
    %dma_wait3A_242 = tpu.memref_slice %arg3[%dma_wait3A, %add3A, %dma_wait3A_240, %dma_wait3A_241] : memref<2x32x200x50xi32, #tpu.memory_space<hbm>> -> memref<1x1x200x50xi32, #tpu.memory_space<hbm>>
    %dma_wait3A_243 = tpu.memref_squeeze %dma_wait3A_242 : memref<1x1x200x50xi32, #tpu.memory_space<hbm>> -> memref<200x50xi32, #tpu.memory_space<hbm>>
    tpu.wait_dma2 semaphore(%arg32 : memref<!tpu.dma_semaphore, #tpu.memory_space<semaphore_mem>>) src(%dma_wait3A_243 : memref<200x50xi32, #tpu.memory_space<hbm>>) dst(%arg5 : memref<200x50xi32, #tpu.memory_space<vmem>>)
    %barrier3A = arith.constant 0 : index
    tpu.barrier barrier_id(%barrier3A)
    %dma_start3A_244 = arith.constant 0 : i32
    %dma_start3A_245 = arith.constant 0 : i32
    %dma_start3A_246 = arith.constant 0 : i32
    %dma_start3A_247 = tpu.memref_slice %arg3[%dma_start3A_244, %add3A, %dma_start3A_245, %dma_start3A_246] : memref<2x32x200x50xi32, #tpu.memory_space<hbm>> -> memref<1x1x1x50xi32, #tpu.memory_space<hbm>>
    %dma_start3A_248 = tpu.memref_squeeze %dma_start3A_247 : memref<1x1x1x50xi32, #tpu.memory_space<hbm>> -> memref<50xi32, #tpu.memory_space<hbm>>
    %dma_start3A_249 = arith.constant 0 : i32
    %dma_start3A_250 = tpu.memref_slice %arg3[%dma_start3A_244, %add3A, %dma_start3A_245, %dma_start3A_249] : memref<2x32x200x50xi32, #tpu.memory_space<hbm>> -> memref<1x1x1x50xi32, #tpu.memory_space<hbm>>
    %dma_start3A_251 = tpu.memref_squeeze %dma_start3A_250 : memref<1x1x1x50xi32, #tpu.memory_space<hbm>> -> memref<50xi32, #tpu.memory_space<hbm>>
    tpu.enqueue_dma source(%dma_start3A_251 : memref<50xi32, #tpu.memory_space<hbm>>) target(%arg6 : memref<50xi32, #tpu.memory_space<vmem>>) target_semaphore(%arg27 : memref<!tpu.dma_semaphore, #tpu.memory_space<semaphore_mem>>)
    %dma_start3A_252 = arith.constant 0 : i32
    %dma_start3A_253 = arith.constant 1 : i32
    %dma_start3A_254 = arith.constant 0 : i32
    %dma_start3A_255 = tpu.memref_slice %arg3[%dma_start3A_252, %add3A, %dma_start3A_253, %dma_start3A_254] : memref<2x32x200x50xi32, #tpu.memory_space<hbm>> -> memref<1x1x1x50xi32, #tpu.memory_space<hbm>>
    %dma_start3A_256 = tpu.memref_squeeze %dma_start3A_255 : memref<1x1x1x50xi32, #tpu.memory_space<hbm>> -> memref<50xi32, #tpu.memory_space<hbm>>
    %dma_start3A_257 = arith.constant 0 : i32
    %dma_start3A_258 = tpu.memref_slice %arg3[%dma_start3A_252, %add3A, %dma_start3A_253, %dma_start3A_257] : memref<2x32x200x50xi32, #tpu.memory_space<hbm>> -> memref<1x1x1x50xi32, #tpu.memory_space<hbm>>
    %dma_start3A_259 = tpu.memref_squeeze %dma_start3A_258 : memref<1x1x1x50xi32, #tpu.memory_space<hbm>> -> memref<50xi32, #tpu.memory_space<hbm>>
    tpu.enqueue_dma source(%dma_start3A_259 : memref<50xi32, #tpu.memory_space<hbm>>) target(%arg7 : memref<50xi32, #tpu.memory_space<vmem>>) target_semaphore(%arg28 : memref<!tpu.dma_semaphore, #tpu.memory_space<semaphore_mem>>)
    %dma_start3A_260 = arith.constant 0 : i32
    %dma_start3A_261 = arith.constant 2 : i32
    %dma_start3A_262 = arith.constant 0 : i32
    %dma_start3A_263 = tpu.memref_slice %arg3[%dma_start3A_260, %add3A, %dma_start3A_261, %dma_start3A_262] : memref<2x32x200x50xi32, #tpu.memory_space<hbm>> -> memref<1x1x1x50xi32, #tpu.memory_space<hbm>>
    %dma_start3A_264 = tpu.memref_squeeze %dma_start3A_263 : memref<1x1x1x50xi32, #tpu.memory_space<hbm>> -> memref<50xi32, #tpu.memory_space<hbm>>
    %dma_start3A_265 = arith.constant 0 : i32
    %dma_start3A_266 = tpu.memref_slice %arg3[%dma_start3A_260, %add3A, %dma_start3A_261, %dma_start3A_265] : memref<2x32x200x50xi32, #tpu.memory_space<hbm>> -> memref<1x1x1x50xi32, #tpu.memory_space<hbm>>
    %dma_start3A_267 = tpu.memref_squeeze %dma_start3A_266 : memref<1x1x1x50xi32, #tpu.memory_space<hbm>> -> memref<50xi32, #tpu.memory_space<hbm>>
    tpu.enqueue_dma source(%dma_start3A_267 : memref<50xi32, #tpu.memory_space<hbm>>) target(%arg8 : memref<50xi32, #tpu.memory_space<vmem>>) target_semaphore(%arg29 : memref<!tpu.dma_semaphore, #tpu.memory_space<semaphore_mem>>)
    %dma_start3A_268 = arith.constant 0 : i32
    %dma_start3A_269 = arith.constant 3 : i32
    %dma_start3A_270 = arith.constant 0 : i32
    %dma_start3A_271 = tpu.memref_slice %arg3[%dma_start3A_268, %add3A, %dma_start3A_269, %dma_start3A_270] : memref<2x32x200x50xi32, #tpu.memory_space<hbm>> -> memref<1x1x1x50xi32, #tpu.memory_space<hbm>>
    %dma_start3A_272 = tpu.memref_squeeze %dma_start3A_271 : memref<1x1x1x50xi32, #tpu.memory_space<hbm>> -> memref<50xi32, #tpu.memory_space<hbm>>
    %dma_start3A_273 = arith.constant 0 : i32
    %dma_start3A_274 = tpu.memref_slice %arg3[%dma_start3A_268, %add3A, %dma_start3A_269, %dma_start3A_273] : memref<2x32x200x50xi32, #tpu.memory_space<hbm>> -> memref<1x1x1x50xi32, #tpu.memory_space<hbm>>
    %dma_start3A_275 = tpu.memref_squeeze %dma_start3A_274 : memref<1x1x1x50xi32, #tpu.memory_space<hbm>> -> memref<50xi32, #tpu.memory_space<hbm>>
    tpu.enqueue_dma source(%dma_start3A_275 : memref<50xi32, #tpu.memory_space<hbm>>) target(%arg9 : memref<50xi32, #tpu.memory_space<vmem>>) target_semaphore(%arg30 : memref<!tpu.dma_semaphore, #tpu.memory_space<semaphore_mem>>)
    %dma_start3A_276 = arith.constant 0 : i32
    %dma_start3A_277 = arith.constant 4 : i32
    %dma_start3A_278 = arith.constant 0 : i32
    %dma_start3A_279 = tpu.memref_slice %arg3[%dma_start3A_276, %add3A, %dma_start3A_277, %dma_start3A_278] : memref<2x32x200x50xi32, #tpu.memory_space<hbm>> -> memref<1x1x1x50xi32, #tpu.memory_space<hbm>>
    %dma_start3A_280 = tpu.memref_squeeze %dma_start3A_279 : memref<1x1x1x50xi32, #tpu.memory_space<hbm>> -> memref<50xi32, #tpu.memory_space<hbm>>
    %dma_start3A_281 = arith.constant 0 : i32
    %dma_start3A_282 = tpu.memref_slice %arg3[%dma_start3A_276, %add3A, %dma_start3A_277, %dma_start3A_281] : memref<2x32x200x50xi32, #tpu.memory_space<hbm>> -> memref<1x1x1x50xi32, #tpu.memory_space<hbm>>
    %dma_start3A_283 = tpu.memref_squeeze %dma_start3A_282 : memref<1x1x1x50xi32, #tpu.memory_space<hbm>> -> memref<50xi32, #tpu.memory_space<hbm>>
    tpu.enqueue_dma source(%dma_start3A_283 : memref<50xi32, #tpu.memory_space<hbm>>) target(%arg10 : memref<50xi32, #tpu.memory_space<vmem>>) target_semaphore(%arg31 : memref<!tpu.dma_semaphore, #tpu.memory_space<semaphore_mem>>)
    %dma_wait3A_284 = arith.constant 0 : i32
    %dma_wait3A_285 = arith.constant 0 : i32
    %dma_wait3A_286 = arith.constant 0 : i32
    %dma_wait3A_287 = tpu.memref_slice %arg3[%dma_wait3A_284, %add3A, %dma_wait3A_285, %dma_wait3A_286] : memref<2x32x200x50xi32, #tpu.memory_space<hbm>> -> memref<1x1x1x50xi32, #tpu.memory_space<hbm>>
    %dma_wait3A_288 = tpu.memref_squeeze %dma_wait3A_287 : memref<1x1x1x50xi32, #tpu.memory_space<hbm>> -> memref<50xi32, #tpu.memory_space<hbm>>
    %dma_wait3A_289 = arith.constant 0 : i32
    %dma_wait3A_290 = tpu.memref_slice %arg3[%dma_wait3A_284, %add3A, %dma_wait3A_285, %dma_wait3A_289] : memref<2x32x200x50xi32, #tpu.memory_space<hbm>> -> memref<1x1x1x50xi32, #tpu.memory_space<hbm>>
    %dma_wait3A_291 = tpu.memref_squeeze %dma_wait3A_290 : memref<1x1x1x50xi32, #tpu.memory_space<hbm>> -> memref<50xi32, #tpu.memory_space<hbm>>
    tpu.wait_dma2 semaphore(%arg27 : memref<!tpu.dma_semaphore, #tpu.memory_space<semaphore_mem>>) src(%dma_wait3A_291 : memref<50xi32, #tpu.memory_space<hbm>>) dst(%arg6 : memref<50xi32, #tpu.memory_space<vmem>>)
    %dma_start3A_292 = arith.constant 0 : i32
    %dma_start3A_293 = arith.constant 0 : i32
    %dma_start3A_294 = tpu.memref_slice %arg2[%dma_start3A_292, %dma_start3A_293] : memref<10000x128xf32, #tpu.memory_space<hbm>> -> memref<10000x128xf32, #tpu.memory_space<hbm>>
    tpu.enqueue_indirect_dma source(%dma_start3A_294 : memref<10000x128xf32, #tpu.memory_space<hbm>>) target(%arg11 : memref<50x128xf32, #tpu.memory_space<vmem>>) offsets(%arg6 : memref<50xi32, #tpu.memory_space<vmem>>) semaphore(%arg17 : memref<!tpu.dma_semaphore, #tpu.memory_space<semaphore_mem>>)
    %dma_wait3A_295 = arith.constant 0 : i32
    %dma_wait3A_296 = arith.constant 1 : i32
    %dma_wait3A_297 = arith.constant 0 : i32
    %dma_wait3A_298 = tpu.memref_slice %arg3[%dma_wait3A_295, %add3A, %dma_wait3A_296, %dma_wait3A_297] : memref<2x32x200x50xi32, #tpu.memory_space<hbm>> -> memref<1x1x1x50xi32, #tpu.memory_space<hbm>>
    %dma_wait3A_299 = tpu.memref_squeeze %dma_wait3A_298 : memref<1x1x1x50xi32, #tpu.memory_space<hbm>> -> memref<50xi32, #tpu.memory_space<hbm>>
    %dma_wait3A_300 = arith.constant 0 : i32
    %dma_wait3A_301 = tpu.memref_slice %arg3[%dma_wait3A_295, %add3A, %dma_wait3A_296, %dma_wait3A_300] : memref<2x32x200x50xi32, #tpu.memory_space<hbm>> -> memref<1x1x1x50xi32, #tpu.memory_space<hbm>>
    %dma_wait3A_302 = tpu.memref_squeeze %dma_wait3A_301 : memref<1x1x1x50xi32, #tpu.memory_space<hbm>> -> memref<50xi32, #tpu.memory_space<hbm>>
    tpu.wait_dma2 semaphore(%arg28 : memref<!tpu.dma_semaphore, #tpu.memory_space<semaphore_mem>>) src(%dma_wait3A_302 : memref<50xi32, #tpu.memory_space<hbm>>) dst(%arg7 : memref<50xi32, #tpu.memory_space<vmem>>)
    %dma_start3A_303 = arith.constant 0 : i32
    %dma_start3A_304 = arith.constant 0 : i32
    %dma_start3A_305 = tpu.memref_slice %arg2[%dma_start3A_303, %dma_start3A_304] : memref<10000x128xf32, #tpu.memory_space<hbm>> -> memref<10000x128xf32, #tpu.memory_space<hbm>>
    tpu.enqueue_indirect_dma source(%dma_start3A_305 : memref<10000x128xf32, #tpu.memory_space<hbm>>) target(%arg12 : memref<50x128xf32, #tpu.memory_space<vmem>>) offsets(%arg7 : memref<50xi32, #tpu.memory_space<vmem>>) semaphore(%arg18 : memref<!tpu.dma_semaphore, #tpu.memory_space<semaphore_mem>>)
    %dma_wait3A_306 = arith.constant 0 : i32
    %dma_wait3A_307 = arith.constant 2 : i32
    %dma_wait3A_308 = arith.constant 0 : i32
    %dma_wait3A_309 = tpu.memref_slice %arg3[%dma_wait3A_306, %add3A, %dma_wait3A_307, %dma_wait3A_308] : memref<2x32x200x50xi32, #tpu.memory_space<hbm>> -> memref<1x1x1x50xi32, #tpu.memory_space<hbm>>
    %dma_wait3A_310 = tpu.memref_squeeze %dma_wait3A_309 : memref<1x1x1x50xi32, #tpu.memory_space<hbm>> -> memref<50xi32, #tpu.memory_space<hbm>>
    %dma_wait3A_311 = arith.constant 0 : i32
    %dma_wait3A_312 = tpu.memref_slice %arg3[%dma_wait3A_306, %add3A, %dma_wait3A_307, %dma_wait3A_311] : memref<2x32x200x50xi32, #tpu.memory_space<hbm>> -> memref<1x1x1x50xi32, #tpu.memory_space<hbm>>
    %dma_wait3A_313 = tpu.memref_squeeze %dma_wait3A_312 : memref<1x1x1x50xi32, #tpu.memory_space<hbm>> -> memref<50xi32, #tpu.memory_space<hbm>>
    tpu.wait_dma2 semaphore(%arg29 : memref<!tpu.dma_semaphore, #tpu.memory_space<semaphore_mem>>) src(%dma_wait3A_313 : memref<50xi32, #tpu.memory_space<hbm>>) dst(%arg8 : memref<50xi32, #tpu.memory_space<vmem>>)
    %dma_start3A_314 = arith.constant 0 : i32
    %dma_start3A_315 = arith.constant 0 : i32
    %dma_start3A_316 = tpu.memref_slice %arg2[%dma_start3A_314, %dma_start3A_315] : memref<10000x128xf32, #tpu.memory_space<hbm>> -> memref<10000x128xf32, #tpu.memory_space<hbm>>
    tpu.enqueue_indirect_dma source(%dma_start3A_316 : memref<10000x128xf32, #tpu.memory_space<hbm>>) target(%arg13 : memref<50x128xf32, #tpu.memory_space<vmem>>) offsets(%arg8 : memref<50xi32, #tpu.memory_space<vmem>>) semaphore(%arg19 : memref<!tpu.dma_semaphore, #tpu.memory_space<semaphore_mem>>)
    %scan3A_317 = arith.constant 0 : i32
    %scan3A_318 = arith.constant 0 : i32
    %scan3A_319 = arith.constant 40 : i32
    %scan3A_320 = arith.addi %scan3A_318, %scan3A_319 : i32
    %scan3A_321 = arith.constant 1 : i32
    scf.for %scan3A_342 = %scan3A_318 to %scan3A_320 step %scan3A_321  : i32 {
      %mul3A_343 = arith.constant 5 : i32
      %mul3A_344 = arith.muli %mul3A_343, %scan3A_342 : i32
      %add3A_345 = arith.constant 0 : i32
      %add3A_346 = arith.addi %mul3A_344, %add3A_345 : i32
      %dma_wait3A_347 = arith.constant 0 : i32
      %dma_wait3A_348 = arith.constant 0 : i32
      %dma_wait3A_349 = tpu.memref_slice %arg2[%dma_wait3A_347, %dma_wait3A_348] : memref<10000x128xf32, #tpu.memory_space<hbm>> -> memref<10000x128xf32, #tpu.memory_space<hbm>>
      tpu.wait_indirect_dma semaphore(%arg17 : memref<!tpu.dma_semaphore, #tpu.memory_space<semaphore_mem>>) src(%dma_wait3A_349 : memref<10000x128xf32, #tpu.memory_space<hbm>>) dst(%arg11 : memref<50x128xf32, #tpu.memory_space<vmem>>)
      %gt3A = arith.constant 0 : i32
      %gt3A_350 = arith.cmpi sgt, %scan3A_342, %gt3A : i32
      %convert_element_type3A_351 = arith.extui %gt3A_350 : i1 to i32
      %cond3A_352 = arith.constant 0 : i32
      %cond3A_353 = arith.cmpi ne, %convert_element_type3A_351, %cond3A_352 : i32
      scf.if %cond3A_353 {
        %dma_wait3A_497 = arith.constant 0 : i32
        %dma_wait3A_498 = tpu.memref_slice %arg5[%add3A_346, %dma_wait3A_497] : memref<200x50xi32, #tpu.memory_space<vmem>> -> memref<1x50xi32, #tpu.memory_space<vmem>>
        %dma_wait3A_499 = tpu.memref_squeeze %dma_wait3A_498 : memref<1x50xi32, #tpu.memory_space<vmem>> -> memref<50xi32, #tpu.memory_space<vmem>>
        %dma_wait3A_500 = arith.constant 0 : i32
        %dma_wait3A_501 = arith.constant 0 : i32
        %dma_wait3A_502 = tpu.memref_slice %arg16[%dma_wait3A_500, %dma_wait3A_501] : memref<10000x128xf32, #tpu.memory_space<vmem_shared>> -> memref<10000x128xf32, #tpu.memory_space<vmem_shared>>
        tpu.wait_indirect_dma semaphore(%arg25 : memref<!tpu.dma_semaphore, #tpu.memory_space<semaphore_mem>>) src(%arg14 : memref<50x128xf32, #tpu.memory_space<vmem>>) dst(%dma_wait3A_502 : memref<10000x128xf32, #tpu.memory_space<vmem_shared>>)
      } else {
      }
      %dma_start3A_354 = arith.constant 0 : i32
      %dma_start3A_355 = tpu.memref_slice %arg5[%add3A_346, %dma_start3A_354] : memref<200x50xi32, #tpu.memory_space<vmem>> -> memref<1x50xi32, #tpu.memory_space<vmem>>
      %dma_start3A_356 = tpu.memref_squeeze %dma_start3A_355 : memref<1x50xi32, #tpu.memory_space<vmem>> -> memref<50xi32, #tpu.memory_space<vmem>>
      %dma_start3A_357 = arith.constant 0 : i32
      %dma_start3A_358 = arith.constant 0 : i32
      %dma_start3A_359 = tpu.memref_slice %arg16[%dma_start3A_357, %dma_start3A_358] : memref<10000x128xf32, #tpu.memory_space<vmem_shared>> -> memref<10000x128xf32, #tpu.memory_space<vmem_shared>>
      tpu.enqueue_indirect_dma source(%arg11 : memref<50x128xf32, #tpu.memory_space<vmem>>) target(%dma_start3A_359 : memref<10000x128xf32, #tpu.memory_space<vmem_shared>>) offsets(%dma_start3A_356 : memref<50xi32, #tpu.memory_space<vmem>>) semaphore(%arg22 : memref<!tpu.dma_semaphore, #tpu.memory_space<semaphore_mem>>) {add = true}
      %dma_wait3A_360 = arith.constant 0 : i32
      %dma_wait3A_361 = arith.constant 0 : i32
      %dma_wait3A_362 = arith.constant 0 : i32
      %dma_wait3A_363 = tpu.memref_slice %arg3[%dma_wait3A_360, %add3A, %dma_wait3A_361, %dma_wait3A_362] : memref<2x32x200x50xi32, #tpu.memory_space<hbm>> -> memref<1x1x1x50xi32, #tpu.memory_space<hbm>>
      %dma_wait3A_364 = tpu.memref_squeeze %dma_wait3A_363 : memref<1x1x1x50xi32, #tpu.memory_space<hbm>> -> memref<50xi32, #tpu.memory_space<hbm>>
      %dma_wait3A_365 = arith.constant 0 : i32
      %dma_wait3A_366 = tpu.memref_slice %arg3[%dma_wait3A_360, %add3A, %dma_wait3A_361, %dma_wait3A_365] : memref<2x32x200x50xi32, #tpu.memory_space<hbm>> -> memref<1x1x1x50xi32, #tpu.memory_space<hbm>>
      %dma_wait3A_367 = tpu.memref_squeeze %dma_wait3A_366 : memref<1x1x1x50xi32, #tpu.memory_space<hbm>> -> memref<50xi32, #tpu.memory_space<hbm>>
      tpu.wait_dma2 semaphore(%arg30 : memref<!tpu.dma_semaphore, #tpu.memory_space<semaphore_mem>>) src(%dma_wait3A_367 : memref<50xi32, #tpu.memory_space<hbm>>) dst(%arg9 : memref<50xi32, #tpu.memory_space<vmem>>)
      %dma_start3A_368 = arith.constant 0 : i32
      %dma_start3A_369 = arith.constant 0 : i32
      %dma_start3A_370 = tpu.memref_slice %arg2[%dma_start3A_368, %dma_start3A_369] : memref<10000x128xf32, #tpu.memory_space<hbm>> -> memref<10000x128xf32, #tpu.memory_space<hbm>>
      tpu.enqueue_indirect_dma source(%dma_start3A_370 : memref<10000x128xf32, #tpu.memory_space<hbm>>) target(%arg14 : memref<50x128xf32, #tpu.memory_space<vmem>>) offsets(%arg9 : memref<50xi32, #tpu.memory_space<vmem>>) semaphore(%arg20 : memref<!tpu.dma_semaphore, #tpu.memory_space<semaphore_mem>>)
      %lt3A_371 = arith.constant 39 : i32
      %lt3A_372 = arith.cmpi slt, %scan3A_342, %lt3A_371 : i32
      %convert_element_type3A_373 = arith.extui %lt3A_372 : i1 to i32
      %cond3A_374 = arith.constant 0 : i32
      %cond3A_375 = arith.cmpi ne, %convert_element_type3A_373, %cond3A_374 : i32
      scf.if %cond3A_375 {
        %add3A_497 = arith.constant 3 : i32
        %add3A_498 = arith.addi %add3A_346, %add3A_497 : i32
        %add3A_499 = arith.constant 2 : i32
        %add3A_500 = arith.addi %add3A_498, %add3A_499 : i32
        %dma_start3A_501 = arith.constant 0 : i32
        %dma_start3A_502 = arith.constant 0 : i32
        %dma_start3A_503 = tpu.memref_slice %arg3[%dma_start3A_501, %add3A, %add3A_500, %dma_start3A_502] : memref<2x32x200x50xi32, #tpu.memory_space<hbm>> -> memref<1x1x1x50xi32, #tpu.memory_space<hbm>>
        %dma_start3A_504 = tpu.memref_squeeze %dma_start3A_503 : memref<1x1x1x50xi32, #tpu.memory_space<hbm>> -> memref<50xi32, #tpu.memory_space<hbm>>
        %dma_start3A_505 = arith.constant 0 : i32
        %dma_start3A_506 = tpu.memref_slice %arg3[%dma_start3A_501, %add3A, %add3A_500, %dma_start3A_505] : memref<2x32x200x50xi32, #tpu.memory_space<hbm>> -> memref<1x1x1x50xi32, #tpu.memory_space<hbm>>
        %dma_start3A_507 = tpu.memref_squeeze %dma_start3A_506 : memref<1x1x1x50xi32, #tpu.memory_space<hbm>> -> memref<50xi32, #tpu.memory_space<hbm>>
        tpu.enqueue_dma source(%dma_start3A_507 : memref<50xi32, #tpu.memory_space<hbm>>) target(%arg6 : memref<50xi32, #tpu.memory_space<vmem>>) target_semaphore(%arg27 : memref<!tpu.dma_semaphore, #tpu.memory_space<semaphore_mem>>)
      } else {
      }
      %mul3A_376 = arith.constant 5 : i32
      %mul3A_377 = arith.muli %mul3A_376, %scan3A_342 : i32
      %add3A_378 = arith.constant 1 : i32
      %add3A_379 = arith.addi %mul3A_377, %add3A_378 : i32
      %dma_wait3A_380 = arith.constant 0 : i32
      %dma_wait3A_381 = arith.constant 0 : i32
      %dma_wait3A_382 = tpu.memref_slice %arg2[%dma_wait3A_380, %dma_wait3A_381] : memref<10000x128xf32, #tpu.memory_space<hbm>> -> memref<10000x128xf32, #tpu.memory_space<hbm>>
      tpu.wait_indirect_dma semaphore(%arg18 : memref<!tpu.dma_semaphore, #tpu.memory_space<semaphore_mem>>) src(%dma_wait3A_382 : memref<10000x128xf32, #tpu.memory_space<hbm>>) dst(%arg12 : memref<50x128xf32, #tpu.memory_space<vmem>>)
      %gt3A_383 = arith.constant 0 : i32
      %gt3A_384 = arith.cmpi sgt, %scan3A_342, %gt3A_383 : i32
      %convert_element_type3A_385 = arith.extui %gt3A_384 : i1 to i32
      %cond3A_386 = arith.constant 0 : i32
      %cond3A_387 = arith.cmpi ne, %convert_element_type3A_385, %cond3A_386 : i32
      scf.if %cond3A_387 {
        %dma_wait3A_497 = arith.constant 0 : i32
        %dma_wait3A_498 = tpu.memref_slice %arg5[%add3A_379, %dma_wait3A_497] : memref<200x50xi32, #tpu.memory_space<vmem>> -> memref<1x50xi32, #tpu.memory_space<vmem>>
        %dma_wait3A_499 = tpu.memref_squeeze %dma_wait3A_498 : memref<1x50xi32, #tpu.memory_space<vmem>> -> memref<50xi32, #tpu.memory_space<vmem>>
        %dma_wait3A_500 = arith.constant 0 : i32
        %dma_wait3A_501 = arith.constant 0 : i32
        %dma_wait3A_502 = tpu.memref_slice %arg16[%dma_wait3A_500, %dma_wait3A_501] : memref<10000x128xf32, #tpu.memory_space<vmem_shared>> -> memref<10000x128xf32, #tpu.memory_space<vmem_shared>>
        tpu.wait_indirect_dma semaphore(%arg26 : memref<!tpu.dma_semaphore, #tpu.memory_space<semaphore_mem>>) src(%arg15 : memref<50x128xf32, #tpu.memory_space<vmem>>) dst(%dma_wait3A_502 : memref<10000x128xf32, #tpu.memory_space<vmem_shared>>)
      } else {
      }
      %dma_start3A_388 = arith.constant 0 : i32
      %dma_start3A_389 = tpu.memref_slice %arg5[%add3A_379, %dma_start3A_388] : memref<200x50xi32, #tpu.memory_space<vmem>> -> memref<1x50xi32, #tpu.memory_space<vmem>>
      %dma_start3A_390 = tpu.memref_squeeze %dma_start3A_389 : memref<1x50xi32, #tpu.memory_space<vmem>> -> memref<50xi32, #tpu.memory_space<vmem>>
      %dma_start3A_391 = arith.constant 0 : i32
      %dma_start3A_392 = arith.constant 0 : i32
      %dma_start3A_393 = tpu.memref_slice %arg16[%dma_start3A_391, %dma_start3A_392] : memref<10000x128xf32, #tpu.memory_space<vmem_shared>> -> memref<10000x128xf32, #tpu.memory_space<vmem_shared>>
      tpu.enqueue_indirect_dma source(%arg12 : memref<50x128xf32, #tpu.memory_space<vmem>>) target(%dma_start3A_393 : memref<10000x128xf32, #tpu.memory_space<vmem_shared>>) offsets(%dma_start3A_390 : memref<50xi32, #tpu.memory_space<vmem>>) semaphore(%arg23 : memref<!tpu.dma_semaphore, #tpu.memory_space<semaphore_mem>>) {add = true}
      %dma_wait3A_394 = arith.constant 0 : i32
      %dma_wait3A_395 = arith.constant 0 : i32
      %dma_wait3A_396 = arith.constant 0 : i32
      %dma_wait3A_397 = tpu.memref_slice %arg3[%dma_wait3A_394, %add3A, %dma_wait3A_395, %dma_wait3A_396] : memref<2x32x200x50xi32, #tpu.memory_space<hbm>> -> memref<1x1x1x50xi32, #tpu.memory_space<hbm>>
      %dma_wait3A_398 = tpu.memref_squeeze %dma_wait3A_397 : memref<1x1x1x50xi32, #tpu.memory_space<hbm>> -> memref<50xi32, #tpu.memory_space<hbm>>
      %dma_wait3A_399 = arith.constant 0 : i32
      %dma_wait3A_400 = tpu.memref_slice %arg3[%dma_wait3A_394, %add3A, %dma_wait3A_395, %dma_wait3A_399] : memref<2x32x200x50xi32, #tpu.memory_space<hbm>> -> memref<1x1x1x50xi32, #tpu.memory_space<hbm>>
      %dma_wait3A_401 = tpu.memref_squeeze %dma_wait3A_400 : memref<1x1x1x50xi32, #tpu.memory_space<hbm>> -> memref<50xi32, #tpu.memory_space<hbm>>
      tpu.wait_dma2 semaphore(%arg31 : memref<!tpu.dma_semaphore, #tpu.memory_space<semaphore_mem>>) src(%dma_wait3A_401 : memref<50xi32, #tpu.memory_space<hbm>>) dst(%arg10 : memref<50xi32, #tpu.memory_space<vmem>>)
      %dma_start3A_402 = arith.constant 0 : i32
      %dma_start3A_403 = arith.constant 0 : i32
      %dma_start3A_404 = tpu.memref_slice %arg2[%dma_start3A_402, %dma_start3A_403] : memref<10000x128xf32, #tpu.memory_space<hbm>> -> memref<10000x128xf32, #tpu.memory_space<hbm>>
      tpu.enqueue_indirect_dma source(%dma_start3A_404 : memref<10000x128xf32, #tpu.memory_space<hbm>>) target(%arg15 : memref<50x128xf32, #tpu.memory_space<vmem>>) offsets(%arg10 : memref<50xi32, #tpu.memory_space<vmem>>) semaphore(%arg21 : memref<!tpu.dma_semaphore, #tpu.memory_space<semaphore_mem>>)
      %lt3A_405 = arith.constant 39 : i32
      %lt3A_406 = arith.cmpi slt, %scan3A_342, %lt3A_405 : i32
      %convert_element_type3A_407 = arith.extui %lt3A_406 : i1 to i32
      %cond3A_408 = arith.constant 0 : i32
      %cond3A_409 = arith.cmpi ne, %convert_element_type3A_407, %cond3A_408 : i32
      scf.if %cond3A_409 {
        %add3A_497 = arith.constant 3 : i32
        %add3A_498 = arith.addi %add3A_379, %add3A_497 : i32
        %add3A_499 = arith.constant 2 : i32
        %add3A_500 = arith.addi %add3A_498, %add3A_499 : i32
        %dma_start3A_501 = arith.constant 0 : i32
        %dma_start3A_502 = arith.constant 0 : i32
        %dma_start3A_503 = tpu.memref_slice %arg3[%dma_start3A_501, %add3A, %add3A_500, %dma_start3A_502] : memref<2x32x200x50xi32, #tpu.memory_space<hbm>> -> memref<1x1x1x50xi32, #tpu.memory_space<hbm>>
        %dma_start3A_504 = tpu.memref_squeeze %dma_start3A_503 : memref<1x1x1x50xi32, #tpu.memory_space<hbm>> -> memref<50xi32, #tpu.memory_space<hbm>>
        %dma_start3A_505 = arith.constant 0 : i32
        %dma_start3A_506 = tpu.memref_slice %arg3[%dma_start3A_501, %add3A, %add3A_500, %dma_start3A_505] : memref<2x32x200x50xi32, #tpu.memory_space<hbm>> -> memref<1x1x1x50xi32, #tpu.memory_space<hbm>>
        %dma_start3A_507 = tpu.memref_squeeze %dma_start3A_506 : memref<1x1x1x50xi32, #tpu.memory_space<hbm>> -> memref<50xi32, #tpu.memory_space<hbm>>
        tpu.enqueue_dma source(%dma_start3A_507 : memref<50xi32, #tpu.memory_space<hbm>>) target(%arg7 : memref<50xi32, #tpu.memory_space<vmem>>) target_semaphore(%arg28 : memref<!tpu.dma_semaphore, #tpu.memory_space<semaphore_mem>>)
      } else {
      }
      %mul3A_410 = arith.constant 5 : i32
      %mul3A_411 = arith.muli %mul3A_410, %scan3A_342 : i32
      %add3A_412 = arith.constant 2 : i32
      %add3A_413 = arith.addi %mul3A_411, %add3A_412 : i32
      %dma_wait3A_414 = arith.constant 0 : i32
      %dma_wait3A_415 = arith.constant 0 : i32
      %dma_wait3A_416 = tpu.memref_slice %arg2[%dma_wait3A_414, %dma_wait3A_415] : memref<10000x128xf32, #tpu.memory_space<hbm>> -> memref<10000x128xf32, #tpu.memory_space<hbm>>
      tpu.wait_indirect_dma semaphore(%arg19 : memref<!tpu.dma_semaphore, #tpu.memory_space<semaphore_mem>>) src(%dma_wait3A_416 : memref<10000x128xf32, #tpu.memory_space<hbm>>) dst(%arg13 : memref<50x128xf32, #tpu.memory_space<vmem>>)
      %dma_wait3A_417 = arith.constant 0 : i32
      %dma_wait3A_418 = tpu.memref_slice %arg5[%add3A_413, %dma_wait3A_417] : memref<200x50xi32, #tpu.memory_space<vmem>> -> memref<1x50xi32, #tpu.memory_space<vmem>>
      %dma_wait3A_419 = tpu.memref_squeeze %dma_wait3A_418 : memref<1x50xi32, #tpu.memory_space<vmem>> -> memref<50xi32, #tpu.memory_space<vmem>>
      %dma_wait3A_420 = arith.constant 0 : i32
      %dma_wait3A_421 = arith.constant 0 : i32
      %dma_wait3A_422 = tpu.memref_slice %arg16[%dma_wait3A_420, %dma_wait3A_421] : memref<10000x128xf32, #tpu.memory_space<vmem_shared>> -> memref<10000x128xf32, #tpu.memory_space<vmem_shared>>
      tpu.wait_indirect_dma semaphore(%arg22 : memref<!tpu.dma_semaphore, #tpu.memory_space<semaphore_mem>>) src(%arg11 : memref<50x128xf32, #tpu.memory_space<vmem>>) dst(%dma_wait3A_422 : memref<10000x128xf32, #tpu.memory_space<vmem_shared>>)
      %dma_start3A_423 = arith.constant 0 : i32
      %dma_start3A_424 = tpu.memref_slice %arg5[%add3A_413, %dma_start3A_423] : memref<200x50xi32, #tpu.memory_space<vmem>> -> memref<1x50xi32, #tpu.memory_space<vmem>>
      %dma_start3A_425 = tpu.memref_squeeze %dma_start3A_424 : memref<1x50xi32, #tpu.memory_space<vmem>> -> memref<50xi32, #tpu.memory_space<vmem>>
      %dma_start3A_426 = arith.constant 0 : i32
      %dma_start3A_427 = arith.constant 0 : i32
      %dma_start3A_428 = tpu.memref_slice %arg16[%dma_start3A_426, %dma_start3A_427] : memref<10000x128xf32, #tpu.memory_space<vmem_shared>> -> memref<10000x128xf32, #tpu.memory_space<vmem_shared>>
      tpu.enqueue_indirect_dma source(%arg13 : memref<50x128xf32, #tpu.memory_space<vmem>>) target(%dma_start3A_428 : memref<10000x128xf32, #tpu.memory_space<vmem_shared>>) offsets(%dma_start3A_425 : memref<50xi32, #tpu.memory_space<vmem>>) semaphore(%arg24 : memref<!tpu.dma_semaphore, #tpu.memory_space<semaphore_mem>>) {add = true}
      %lt3A_429 = arith.constant 39 : i32
      %lt3A_430 = arith.cmpi slt, %scan3A_342, %lt3A_429 : i32
      %convert_element_type3A_431 = arith.extui %lt3A_430 : i1 to i32
      %cond3A_432 = arith.constant 0 : i32
      %cond3A_433 = arith.cmpi ne, %convert_element_type3A_431, %cond3A_432 : i32
      scf.if %cond3A_433 {
        %dma_wait3A_497 = arith.constant 0 : i32
        %dma_wait3A_498 = arith.constant 0 : i32
        %dma_wait3A_499 = arith.constant 0 : i32
        %dma_wait3A_500 = tpu.memref_slice %arg3[%dma_wait3A_497, %add3A, %dma_wait3A_498, %dma_wait3A_499] : memref<2x32x200x50xi32, #tpu.memory_space<hbm>> -> memref<1x1x1x50xi32, #tpu.memory_space<hbm>>
        %dma_wait3A_501 = tpu.memref_squeeze %dma_wait3A_500 : memref<1x1x1x50xi32, #tpu.memory_space<hbm>> -> memref<50xi32, #tpu.memory_space<hbm>>
        %dma_wait3A_502 = arith.constant 0 : i32
        %dma_wait3A_503 = tpu.memref_slice %arg3[%dma_wait3A_497, %add3A, %dma_wait3A_498, %dma_wait3A_502] : memref<2x32x200x50xi32, #tpu.memory_space<hbm>> -> memref<1x1x1x50xi32, #tpu.memory_space<hbm>>
        %dma_wait3A_504 = tpu.memref_squeeze %dma_wait3A_503 : memref<1x1x1x50xi32, #tpu.memory_space<hbm>> -> memref<50xi32, #tpu.memory_space<hbm>>
        tpu.wait_dma2 semaphore(%arg27 : memref<!tpu.dma_semaphore, #tpu.memory_space<semaphore_mem>>) src(%dma_wait3A_504 : memref<50xi32, #tpu.memory_space<hbm>>) dst(%arg6 : memref<50xi32, #tpu.memory_space<vmem>>)
        %dma_start3A_505 = arith.constant 0 : i32
        %dma_start3A_506 = arith.constant 0 : i32
        %dma_start3A_507 = tpu.memref_slice %arg2[%dma_start3A_505, %dma_start3A_506] : memref<10000x128xf32, #tpu.memory_space<hbm>> -> memref<10000x128xf32, #tpu.memory_space<hbm>>
        tpu.enqueue_indirect_dma source(%dma_start3A_507 : memref<10000x128xf32, #tpu.memory_space<hbm>>) target(%arg11 : memref<50x128xf32, #tpu.memory_space<vmem>>) offsets(%arg6 : memref<50xi32, #tpu.memory_space<vmem>>) semaphore(%arg17 : memref<!tpu.dma_semaphore, #tpu.memory_space<semaphore_mem>>)
      } else {
      }
      %lt3A_434 = arith.constant 39 : i32
      %lt3A_435 = arith.cmpi slt, %scan3A_342, %lt3A_434 : i32
      %convert_element_type3A_436 = arith.extui %lt3A_435 : i1 to i32
      %cond3A_437 = arith.constant 0 : i32
      %cond3A_438 = arith.cmpi ne, %convert_element_type3A_436, %cond3A_437 : i32
      scf.if %cond3A_438 {
        %add3A_497 = arith.constant 3 : i32
        %add3A_498 = arith.addi %add3A_413, %add3A_497 : i32
        %add3A_499 = arith.constant 2 : i32
        %add3A_500 = arith.addi %add3A_498, %add3A_499 : i32
        %dma_start3A_501 = arith.constant 0 : i32
        %dma_start3A_502 = arith.constant 0 : i32
        %dma_start3A_503 = tpu.memref_slice %arg3[%dma_start3A_501, %add3A, %add3A_500, %dma_start3A_502] : memref<2x32x200x50xi32, #tpu.memory_space<hbm>> -> memref<1x1x1x50xi32, #tpu.memory_space<hbm>>
        %dma_start3A_504 = tpu.memref_squeeze %dma_start3A_503 : memref<1x1x1x50xi32, #tpu.memory_space<hbm>> -> memref<50xi32, #tpu.memory_space<hbm>>
        %dma_start3A_505 = arith.constant 0 : i32
        %dma_start3A_506 = tpu.memref_slice %arg3[%dma_start3A_501, %add3A, %add3A_500, %dma_start3A_505] : memref<2x32x200x50xi32, #tpu.memory_space<hbm>> -> memref<1x1x1x50xi32, #tpu.memory_space<hbm>>
        %dma_start3A_507 = tpu.memref_squeeze %dma_start3A_506 : memref<1x1x1x50xi32, #tpu.memory_space<hbm>> -> memref<50xi32, #tpu.memory_space<hbm>>
        tpu.enqueue_dma source(%dma_start3A_507 : memref<50xi32, #tpu.memory_space<hbm>>) target(%arg8 : memref<50xi32, #tpu.memory_space<vmem>>) target_semaphore(%arg29 : memref<!tpu.dma_semaphore, #tpu.memory_space<semaphore_mem>>)
      } else {
      }
      %mul3A_439 = arith.constant 5 : i32
      %mul3A_440 = arith.muli %mul3A_439, %scan3A_342 : i32
      %add3A_441 = arith.constant 3 : i32
      %add3A_442 = arith.addi %mul3A_440, %add3A_441 : i32
      %dma_wait3A_443 = arith.constant 0 : i32
      %dma_wait3A_444 = arith.constant 0 : i32
      %dma_wait3A_445 = tpu.memref_slice %arg2[%dma_wait3A_443, %dma_wait3A_444] : memref<10000x128xf32, #tpu.memory_space<hbm>> -> memref<10000x128xf32, #tpu.memory_space<hbm>>
      tpu.wait_indirect_dma semaphore(%arg20 : memref<!tpu.dma_semaphore, #tpu.memory_space<semaphore_mem>>) src(%dma_wait3A_445 : memref<10000x128xf32, #tpu.memory_space<hbm>>) dst(%arg14 : memref<50x128xf32, #tpu.memory_space<vmem>>)
      %dma_wait3A_446 = arith.constant 0 : i32
      %dma_wait3A_447 = tpu.memref_slice %arg5[%add3A_442, %dma_wait3A_446] : memref<200x50xi32, #tpu.memory_space<vmem>> -> memref<1x50xi32, #tpu.memory_space<vmem>>
      %dma_wait3A_448 = tpu.memref_squeeze %dma_wait3A_447 : memref<1x50xi32, #tpu.memory_space<vmem>> -> memref<50xi32, #tpu.memory_space<vmem>>
      %dma_wait3A_449 = arith.constant 0 : i32
      %dma_wait3A_450 = arith.constant 0 : i32
      %dma_wait3A_451 = tpu.memref_slice %arg16[%dma_wait3A_449, %dma_wait3A_450] : memref<10000x128xf32, #tpu.memory_space<vmem_shared>> -> memref<10000x128xf32, #tpu.memory_space<vmem_shared>>
      tpu.wait_indirect_dma semaphore(%arg23 : memref<!tpu.dma_semaphore, #tpu.memory_space<semaphore_mem>>) src(%arg12 : memref<50x128xf32, #tpu.memory_space<vmem>>) dst(%dma_wait3A_451 : memref<10000x128xf32, #tpu.memory_space<vmem_shared>>)
      %dma_start3A_452 = arith.constant 0 : i32
      %dma_start3A_453 = tpu.memref_slice %arg5[%add3A_442, %dma_start3A_452] : memref<200x50xi32, #tpu.memory_space<vmem>> -> memref<1x50xi32, #tpu.memory_space<vmem>>
      %dma_start3A_454 = tpu.memref_squeeze %dma_start3A_453 : memref<1x50xi32, #tpu.memory_space<vmem>> -> memref<50xi32, #tpu.memory_space<vmem>>
      %dma_start3A_455 = arith.constant 0 : i32
      %dma_start3A_456 = arith.constant 0 : i32
      %dma_start3A_457 = tpu.memref_slice %arg16[%dma_start3A_455, %dma_start3A_456] : memref<10000x128xf32, #tpu.memory_space<vmem_shared>> -> memref<10000x128xf32, #tpu.memory_space<vmem_shared>>
      tpu.enqueue_indirect_dma source(%arg14 : memref<50x128xf32, #tpu.memory_space<vmem>>) target(%dma_start3A_457 : memref<10000x128xf32, #tpu.memory_space<vmem_shared>>) offsets(%dma_start3A_454 : memref<50xi32, #tpu.memory_space<vmem>>) semaphore(%arg25 : memref<!tpu.dma_semaphore, #tpu.memory_space<semaphore_mem>>) {add = true}
      %lt3A_458 = arith.constant 39 : i32
      %lt3A_459 = arith.cmpi slt, %scan3A_342, %lt3A_458 : i32
      %convert_element_type3A_460 = arith.extui %lt3A_459 : i1 to i32
      %cond3A_461 = arith.constant 0 : i32
      %cond3A_462 = arith.cmpi ne, %convert_element_type3A_460, %cond3A_461 : i32
      scf.if %cond3A_462 {
        %dma_wait3A_497 = arith.constant 0 : i32
        %dma_wait3A_498 = arith.constant 0 : i32
        %dma_wait3A_499 = arith.constant 0 : i32
        %dma_wait3A_500 = tpu.memref_slice %arg3[%dma_wait3A_497, %add3A, %dma_wait3A_498, %dma_wait3A_499] : memref<2x32x200x50xi32, #tpu.memory_space<hbm>> -> memref<1x1x1x50xi32, #tpu.memory_space<hbm>>
        %dma_wait3A_501 = tpu.memref_squeeze %dma_wait3A_500 : memref<1x1x1x50xi32, #tpu.memory_space<hbm>> -> memref<50xi32, #tpu.memory_space<hbm>>
        %dma_wait3A_502 = arith.constant 0 : i32
        %dma_wait3A_503 = tpu.memref_slice %arg3[%dma_wait3A_497, %add3A, %dma_wait3A_498, %dma_wait3A_502] : memref<2x32x200x50xi32, #tpu.memory_space<hbm>> -> memref<1x1x1x50xi32, #tpu.memory_space<hbm>>
        %dma_wait3A_504 = tpu.memref_squeeze %dma_wait3A_503 : memref<1x1x1x50xi32, #tpu.memory_space<hbm>> -> memref<50xi32, #tpu.memory_space<hbm>>
        tpu.wait_dma2 semaphore(%arg28 : memref<!tpu.dma_semaphore, #tpu.memory_space<semaphore_mem>>) src(%dma_wait3A_504 : memref<50xi32, #tpu.memory_space<hbm>>) dst(%arg7 : memref<50xi32, #tpu.memory_space<vmem>>)
        %dma_start3A_505 = arith.constant 0 : i32
        %dma_start3A_506 = arith.constant 0 : i32
        %dma_start3A_507 = tpu.memref_slice %arg2[%dma_start3A_505, %dma_start3A_506] : memref<10000x128xf32, #tpu.memory_space<hbm>> -> memref<10000x128xf32, #tpu.memory_space<hbm>>
        tpu.enqueue_indirect_dma source(%dma_start3A_507 : memref<10000x128xf32, #tpu.memory_space<hbm>>) target(%arg12 : memref<50x128xf32, #tpu.memory_space<vmem>>) offsets(%arg7 : memref<50xi32, #tpu.memory_space<vmem>>) semaphore(%arg18 : memref<!tpu.dma_semaphore, #tpu.memory_space<semaphore_mem>>)
      } else {
      }
      %lt3A_463 = arith.constant 39 : i32
      %lt3A_464 = arith.cmpi slt, %scan3A_342, %lt3A_463 : i32
      %convert_element_type3A_465 = arith.extui %lt3A_464 : i1 to i32
      %cond3A_466 = arith.constant 0 : i32
      %cond3A_467 = arith.cmpi ne, %convert_element_type3A_465, %cond3A_466 : i32
      scf.if %cond3A_467 {
        %add3A_497 = arith.constant 3 : i32
        %add3A_498 = arith.addi %add3A_442, %add3A_497 : i32
        %add3A_499 = arith.constant 2 : i32
        %add3A_500 = arith.addi %add3A_498, %add3A_499 : i32
        %dma_start3A_501 = arith.constant 0 : i32
        %dma_start3A_502 = arith.constant 0 : i32
        %dma_start3A_503 = tpu.memref_slice %arg3[%dma_start3A_501, %add3A, %add3A_500, %dma_start3A_502] : memref<2x32x200x50xi32, #tpu.memory_space<hbm>> -> memref<1x1x1x50xi32, #tpu.memory_space<hbm>>
        %dma_start3A_504 = tpu.memref_squeeze %dma_start3A_503 : memref<1x1x1x50xi32, #tpu.memory_space<hbm>> -> memref<50xi32, #tpu.memory_space<hbm>>
        %dma_start3A_505 = arith.constant 0 : i32
        %dma_start3A_506 = tpu.memref_slice %arg3[%dma_start3A_501, %add3A, %add3A_500, %dma_start3A_505] : memref<2x32x200x50xi32, #tpu.memory_space<hbm>> -> memref<1x1x1x50xi32, #tpu.memory_space<hbm>>
        %dma_start3A_507 = tpu.memref_squeeze %dma_start3A_506 : memref<1x1x1x50xi32, #tpu.memory_space<hbm>> -> memref<50xi32, #tpu.memory_space<hbm>>
        tpu.enqueue_dma source(%dma_start3A_507 : memref<50xi32, #tpu.memory_space<hbm>>) target(%arg9 : memref<50xi32, #tpu.memory_space<vmem>>) target_semaphore(%arg30 : memref<!tpu.dma_semaphore, #tpu.memory_space<semaphore_mem>>)
      } else {
      }
      %mul3A_468 = arith.constant 5 : i32
      %mul3A_469 = arith.muli %mul3A_468, %scan3A_342 : i32
      %add3A_470 = arith.constant 4 : i32
      %add3A_471 = arith.addi %mul3A_469, %add3A_470 : i32
      %dma_wait3A_472 = arith.constant 0 : i32
      %dma_wait3A_473 = arith.constant 0 : i32
      %dma_wait3A_474 = tpu.memref_slice %arg2[%dma_wait3A_472, %dma_wait3A_473] : memref<10000x128xf32, #tpu.memory_space<hbm>> -> memref<10000x128xf32, #tpu.memory_space<hbm>>
      tpu.wait_indirect_dma semaphore(%arg21 : memref<!tpu.dma_semaphore, #tpu.memory_space<semaphore_mem>>) src(%dma_wait3A_474 : memref<10000x128xf32, #tpu.memory_space<hbm>>) dst(%arg15 : memref<50x128xf32, #tpu.memory_space<vmem>>)
      %dma_wait3A_475 = arith.constant 0 : i32
      %dma_wait3A_476 = tpu.memref_slice %arg5[%add3A_471, %dma_wait3A_475] : memref<200x50xi32, #tpu.memory_space<vmem>> -> memref<1x50xi32, #tpu.memory_space<vmem>>
      %dma_wait3A_477 = tpu.memref_squeeze %dma_wait3A_476 : memref<1x50xi32, #tpu.memory_space<vmem>> -> memref<50xi32, #tpu.memory_space<vmem>>
      %dma_wait3A_478 = arith.constant 0 : i32
      %dma_wait3A_479 = arith.constant 0 : i32
      %dma_wait3A_480 = tpu.memref_slice %arg16[%dma_wait3A_478, %dma_wait3A_479] : memref<10000x128xf32, #tpu.memory_space<vmem_shared>> -> memref<10000x128xf32, #tpu.memory_space<vmem_shared>>
      tpu.wait_indirect_dma semaphore(%arg24 : memref<!tpu.dma_semaphore, #tpu.memory_space<semaphore_mem>>) src(%arg13 : memref<50x128xf32, #tpu.memory_space<vmem>>) dst(%dma_wait3A_480 : memref<10000x128xf32, #tpu.memory_space<vmem_shared>>)
      %dma_start3A_481 = arith.constant 0 : i32
      %dma_start3A_482 = tpu.memref_slice %arg5[%add3A_471, %dma_start3A_481] : memref<200x50xi32, #tpu.memory_space<vmem>> -> memref<1x50xi32, #tpu.memory_space<vmem>>
      %dma_start3A_483 = tpu.memref_squeeze %dma_start3A_482 : memref<1x50xi32, #tpu.memory_space<vmem>> -> memref<50xi32, #tpu.memory_space<vmem>>
      %dma_start3A_484 = arith.constant 0 : i32
      %dma_start3A_485 = arith.constant 0 : i32
      %dma_start3A_486 = tpu.memref_slice %arg16[%dma_start3A_484, %dma_start3A_485] : memref<10000x128xf32, #tpu.memory_space<vmem_shared>> -> memref<10000x128xf32, #tpu.memory_space<vmem_shared>>
      tpu.enqueue_indirect_dma source(%arg15 : memref<50x128xf32, #tpu.memory_space<vmem>>) target(%dma_start3A_486 : memref<10000x128xf32, #tpu.memory_space<vmem_shared>>) offsets(%dma_start3A_483 : memref<50xi32, #tpu.memory_space<vmem>>) semaphore(%arg26 : memref<!tpu.dma_semaphore, #tpu.memory_space<semaphore_mem>>) {add = true}
      %lt3A_487 = arith.constant 39 : i32
      %lt3A_488 = arith.cmpi slt, %scan3A_342, %lt3A_487 : i32
      %convert_element_type3A_489 = arith.extui %lt3A_488 : i1 to i32
      %cond3A_490 = arith.constant 0 : i32
      %cond3A_491 = arith.cmpi ne, %convert_element_type3A_489, %cond3A_490 : i32
      scf.if %cond3A_491 {
        %dma_wait3A_497 = arith.constant 0 : i32
        %dma_wait3A_498 = arith.constant 0 : i32
        %dma_wait3A_499 = arith.constant 0 : i32
        %dma_wait3A_500 = tpu.memref_slice %arg3[%dma_wait3A_497, %add3A, %dma_wait3A_498, %dma_wait3A_499] : memref<2x32x200x50xi32, #tpu.memory_space<hbm>> -> memref<1x1x1x50xi32, #tpu.memory_space<hbm>>
        %dma_wait3A_501 = tpu.memref_squeeze %dma_wait3A_500 : memref<1x1x1x50xi32, #tpu.memory_space<hbm>> -> memref<50xi32, #tpu.memory_space<hbm>>
        %dma_wait3A_502 = arith.constant 0 : i32
        %dma_wait3A_503 = tpu.memref_slice %arg3[%dma_wait3A_497, %add3A, %dma_wait3A_498, %dma_wait3A_502] : memref<2x32x200x50xi32, #tpu.memory_space<hbm>> -> memref<1x1x1x50xi32, #tpu.memory_space<hbm>>
        %dma_wait3A_504 = tpu.memref_squeeze %dma_wait3A_503 : memref<1x1x1x50xi32, #tpu.memory_space<hbm>> -> memref<50xi32, #tpu.memory_space<hbm>>
        tpu.wait_dma2 semaphore(%arg29 : memref<!tpu.dma_semaphore, #tpu.memory_space<semaphore_mem>>) src(%dma_wait3A_504 : memref<50xi32, #tpu.memory_space<hbm>>) dst(%arg8 : memref<50xi32, #tpu.memory_space<vmem>>)
        %dma_start3A_505 = arith.constant 0 : i32
        %dma_start3A_506 = arith.constant 0 : i32
        %dma_start3A_507 = tpu.memref_slice %arg2[%dma_start3A_505, %dma_start3A_506] : memref<10000x128xf32, #tpu.memory_space<hbm>> -> memref<10000x128xf32, #tpu.memory_space<hbm>>
        tpu.enqueue_indirect_dma source(%dma_start3A_507 : memref<10000x128xf32, #tpu.memory_space<hbm>>) target(%arg13 : memref<50x128xf32, #tpu.memory_space<vmem>>) offsets(%arg8 : memref<50xi32, #tpu.memory_space<vmem>>) semaphore(%arg19 : memref<!tpu.dma_semaphore, #tpu.memory_space<semaphore_mem>>)
      } else {
      }
      %lt3A_492 = arith.constant 39 : i32
      %lt3A_493 = arith.cmpi slt, %scan3A_342, %lt3A_492 : i32
      %convert_element_type3A_494 = arith.extui %lt3A_493 : i1 to i32
      %cond3A_495 = arith.constant 0 : i32
      %cond3A_496 = arith.cmpi ne, %convert_element_type3A_494, %cond3A_495 : i32
      scf.if %cond3A_496 {
        %add3A_497 = arith.constant 3 : i32
        %add3A_498 = arith.addi %add3A_471, %add3A_497 : i32
        %add3A_499 = arith.constant 2 : i32
        %add3A_500 = arith.addi %add3A_498, %add3A_499 : i32
        %dma_start3A_501 = arith.constant 0 : i32
        %dma_start3A_502 = arith.constant 0 : i32
        %dma_start3A_503 = tpu.memref_slice %arg3[%dma_start3A_501, %add3A, %add3A_500, %dma_start3A_502] : memref<2x32x200x50xi32, #tpu.memory_space<hbm>> -> memref<1x1x1x50xi32, #tpu.memory_space<hbm>>
        %dma_start3A_504 = tpu.memref_squeeze %dma_start3A_503 : memref<1x1x1x50xi32, #tpu.memory_space<hbm>> -> memref<50xi32, #tpu.memory_space<hbm>>
        %dma_start3A_505 = arith.constant 0 : i32
        %dma_start3A_506 = tpu.memref_slice %arg3[%dma_start3A_501, %add3A, %add3A_500, %dma_start3A_505] : memref<2x32x200x50xi32, #tpu.memory_space<hbm>> -> memref<1x1x1x50xi32, #tpu.memory_space<hbm>>
        %dma_start3A_507 = tpu.memref_squeeze %dma_start3A_506 : memref<1x1x1x50xi32, #tpu.memory_space<hbm>> -> memref<50xi32, #tpu.memory_space<hbm>>
        tpu.enqueue_dma source(%dma_start3A_507 : memref<50xi32, #tpu.memory_space<hbm>>) target(%arg10 : memref<50xi32, #tpu.memory_space<vmem>>) target_semaphore(%arg31 : memref<!tpu.dma_semaphore, #tpu.memory_space<semaphore_mem>>)
      } else {
      }
    }
    %scan3A_322 = arith.constant 40 : i32
    %dma_wait3A_323 = arith.constant 199 : i32
    %dma_wait3A_324 = arith.constant 0 : i32
    %dma_wait3A_325 = tpu.memref_slice %arg5[%dma_wait3A_323, %dma_wait3A_324] : memref<200x50xi32, #tpu.memory_space<vmem>> -> memref<1x50xi32, #tpu.memory_space<vmem>>
    %dma_wait3A_326 = tpu.memref_squeeze %dma_wait3A_325 : memref<1x50xi32, #tpu.memory_space<vmem>> -> memref<50xi32, #tpu.memory_space<vmem>>
    %dma_wait3A_327 = arith.constant 0 : i32
    %dma_wait3A_328 = arith.constant 0 : i32
    %dma_wait3A_329 = tpu.memref_slice %arg16[%dma_wait3A_327, %dma_wait3A_328] : memref<10000x128xf32, #tpu.memory_space<vmem_shared>> -> memref<10000x128xf32, #tpu.memory_space<vmem_shared>>
    tpu.wait_indirect_dma semaphore(%arg25 : memref<!tpu.dma_semaphore, #tpu.memory_space<semaphore_mem>>) src(%arg14 : memref<50x128xf32, #tpu.memory_space<vmem>>) dst(%dma_wait3A_329 : memref<10000x128xf32, #tpu.memory_space<vmem_shared>>)
    %dma_wait3A_330 = arith.constant 199 : i32
    %dma_wait3A_331 = arith.constant 0 : i32
    %dma_wait3A_332 = tpu.memref_slice %arg5[%dma_wait3A_330, %dma_wait3A_331] : memref<200x50xi32, #tpu.memory_space<vmem>> -> memref<1x50xi32, #tpu.memory_space<vmem>>
    %dma_wait3A_333 = tpu.memref_squeeze %dma_wait3A_332 : memref<1x50xi32, #tpu.memory_space<vmem>> -> memref<50xi32, #tpu.memory_space<vmem>>
    %dma_wait3A_334 = arith.constant 0 : i32
    %dma_wait3A_335 = arith.constant 0 : i32
    %dma_wait3A_336 = tpu.memref_slice %arg16[%dma_wait3A_334, %dma_wait3A_335] : memref<10000x128xf32, #tpu.memory_space<vmem_shared>> -> memref<10000x128xf32, #tpu.memory_space<vmem_shared>>
    tpu.wait_indirect_dma semaphore(%arg26 : memref<!tpu.dma_semaphore, #tpu.memory_space<semaphore_mem>>) src(%arg15 : memref<50x128xf32, #tpu.memory_space<vmem>>) dst(%dma_wait3A_336 : memref<10000x128xf32, #tpu.memory_space<vmem_shared>>)
    %barrier3A_337 = arith.constant 0 : index
    tpu.barrier barrier_id(%barrier3A_337)
    %mul3A_338 = arith.constant 625 : i32
    %mul3A_339 = arith.muli %arg1, %mul3A_338 : i32
    %mul3A_340 = arith.constant 625 : i32
    %mul3A_341 = arith.muli %arg1, %mul3A_340 : i32
    "tpu.region"() ({
      %run_scoped3A = tpu.sem_alloc : memref<!tpu.dma_semaphore, #tpu.memory_space<semaphore_mem>>
      %dma_start3A_342 = arith.constant 0 : i32
      %dma_start3A_343 = tpu.memref_slice %arg4[%arg0, %mul3A_341, %dma_start3A_342] : memref<2x10000x128xf32, #tpu.memory_space<hbm>> -> memref<1x625x128xf32, #tpu.memory_space<hbm>>
      %dma_start3A_344 = tpu.memref_squeeze %dma_start3A_343 : memref<1x625x128xf32, #tpu.memory_space<hbm>> -> memref<625x128xf32, #tpu.memory_space<hbm>>
      %dma_start3A_345 = arith.constant 0 : i32
      %dma_start3A_346 = tpu.memref_slice %arg16[%mul3A_339, %dma_start3A_345] : memref<10000x128xf32, #tpu.memory_space<vmem_shared>> -> memref<625x128xf32, #tpu.memory_space<vmem_shared>>
      tpu.enqueue_dma source(%dma_start3A_346 : memref<625x128xf32, #tpu.memory_space<vmem_shared>>) target(%dma_start3A_344 : memref<625x128xf32, #tpu.memory_space<hbm>>) target_semaphore(%run_scoped3A : memref<!tpu.dma_semaphore, #tpu.memory_space<semaphore_mem>>)
      %dma_wait3A_347 = arith.constant 0 : i32
      %dma_wait3A_348 = tpu.memref_slice %arg4[%arg0, %mul3A_341, %dma_wait3A_347] : memref<2x10000x128xf32, #tpu.memory_space<hbm>> -> memref<1x625x128xf32, #tpu.memory_space<hbm>>
      %dma_wait3A_349 = tpu.memref_squeeze %dma_wait3A_348 : memref<1x625x128xf32, #tpu.memory_space<hbm>> -> memref<625x128xf32, #tpu.memory_space<hbm>>
      %dma_wait3A_350 = arith.constant 0 : i32
      %dma_wait3A_351 = tpu.memref_slice %arg16[%mul3A_339, %dma_wait3A_350] : memref<10000x128xf32, #tpu.memory_space<vmem_shared>> -> memref<625x128xf32, #tpu.memory_space<vmem_shared>>
      tpu.wait_dma2 semaphore(%run_scoped3A : memref<!tpu.dma_semaphore, #tpu.memory_space<semaphore_mem>>) src(%dma_wait3A_351 : memref<625x128xf32, #tpu.memory_space<vmem_shared>>) dst(%dma_wait3A_349 : memref<625x128xf32, #tpu.memory_space<hbm>>)
      tpu.yield
    }) : () -> ()
    return
  }
}

#map = affine_map<(d0, d1) -> (0, 0, 0, 0)>
#map1 = affine_map<(d0, d1) -> (0, 0, 0)>
module attributes {stable_mosaic.version = 14 : i64} {
  func.func @deg_k(%arg0: i32, %arg1: i32, %arg2: memref<2x32x200x50xi32, #tpu.memory_space<hbm>>, %arg3: memref<2x10000x16xf32, #tpu.memory_space<hbm>>, %arg4: memref<200x50xi32, #tpu.memory_space<vmem>>, %arg5: memref<50x16xf32, #tpu.memory_space<vmem>>, %arg6: memref<80x16xf32, #tpu.memory_space<vmem>>, %arg7: memref<10000x16xf32, #tpu.memory_space<vmem_shared>>, %arg8: memref<!tpu.dma_semaphore, #tpu.memory_space<semaphore_mem>>, %arg9: memref<!tpu.dma_semaphore, #tpu.memory_space<semaphore_mem>>) attributes {dimension_semantics = [#tpu.dimension_semantics<core_parallel>, #tpu.dimension_semantics<subcore_parallel>], iteration_bounds = array<i64: 2, 16>, scalar_prefetch = 0 : i64, scratch_operands = 6 : i64, tpu.core_type = #tpu.core_type<sc_vector_subcore>, window_params = [{transform_indices = #map}, {transform_indices = #map1}]} {
    %mul3A = arith.constant 16 : i32
    %mul3A_0 = arith.muli %arg0, %mul3A : i32
    %add3A = arith.addi %mul3A_0, %arg1 : i32
    %broadcast_in_dim3A = arith.constant 1.000000e+00 : f32
    %broadcast_in_dim3A_1 = vector.broadcast %broadcast_in_dim3A : f32 to vector<16xf32>
    %broadcast_in_dim3A_2 = arith.constant 0.000000e+00 : f32
    %broadcast_in_dim3A_3 = vector.broadcast %broadcast_in_dim3A_2 : f32 to vector<16xf32>
    %dma_start3A = arith.constant 1 : i32
    %dma_start3A_4 = arith.constant 0 : i32
    %dma_start3A_5 = arith.constant 0 : i32
    %dma_start3A_6 = tpu.memref_slice %arg2[%dma_start3A, %add3A, %dma_start3A_4, %dma_start3A_5] : memref<2x32x200x50xi32, #tpu.memory_space<hbm>> -> memref<1x1x200x50xi32, #tpu.memory_space<hbm>>
    %dma_start3A_7 = tpu.memref_squeeze %dma_start3A_6 : memref<1x1x200x50xi32, #tpu.memory_space<hbm>> -> memref<200x50xi32, #tpu.memory_space<hbm>>
    %dma_start3A_8 = arith.constant 0 : i32
    %dma_start3A_9 = arith.constant 0 : i32
    %dma_start3A_10 = tpu.memref_slice %arg2[%dma_start3A, %add3A, %dma_start3A_8, %dma_start3A_9] : memref<2x32x200x50xi32, #tpu.memory_space<hbm>> -> memref<1x1x200x50xi32, #tpu.memory_space<hbm>>
    %dma_start3A_11 = tpu.memref_squeeze %dma_start3A_10 : memref<1x1x200x50xi32, #tpu.memory_space<hbm>> -> memref<200x50xi32, #tpu.memory_space<hbm>>
    tpu.enqueue_dma source(%dma_start3A_11 : memref<200x50xi32, #tpu.memory_space<hbm>>) target(%arg4 : memref<200x50xi32, #tpu.memory_space<vmem>>) target_semaphore(%arg8 : memref<!tpu.dma_semaphore, #tpu.memory_space<semaphore_mem>>)
    %scan3A = arith.constant 0 : i32
    %scan3A_12 = arith.constant 0 : i32
    %scan3A_13 = arith.constant 50 : i32
    %scan3A_14 = arith.addi %scan3A_12, %scan3A_13 : i32
    %scan3A_15 = arith.constant 1 : i32
    scf.for %scan3A_151 = %scan3A_12 to %scan3A_14 step %scan3A_15  : i32 {
      %swap3A = arith.index_cast %scan3A_151 : i32 to index
      %swap3A_152 = arith.constant 0 : index
      %swap3A_153 = tpu.vector_load %arg5[%swap3A, %swap3A_152] {strides = array<i32>} : memref<50x16xf32, #tpu.memory_space<vmem>>, vector<1x16xf32>,
      %swap3A_154 = vector.shape_cast %swap3A_153 : vector<1x16xf32> to vector<16xf32>
      %swap3A_155 = vector.shape_cast %broadcast_in_dim3A_1 : vector<16xf32> to vector<1x16xf32>
      tpu.vector_store %arg5[%swap3A, %swap3A_152], %swap3A_155 {strides = array<i32>} : memref<50x16xf32, #tpu.memory_space<vmem>>, vector<1x16xf32>,
    }
    %scan3A_16 = arith.constant 50 : i32
    %scan3A_17 = arith.constant 0 : i32
    %scan3A_18 = arith.constant 0 : i32
    %scan3A_19 = arith.constant 80 : i32
    %scan3A_20 = arith.addi %scan3A_18, %scan3A_19 : i32
    %scan3A_21 = arith.constant 1 : i32
    scf.for %scan3A_151 = %scan3A_18 to %scan3A_20 step %scan3A_21  : i32 {
      %swap3A = arith.index_cast %scan3A_151 : i32 to index
      %swap3A_152 = arith.constant 0 : index
      %swap3A_153 = tpu.vector_load %arg6[%swap3A, %swap3A_152] {strides = array<i32>} : memref<80x16xf32, #tpu.memory_space<vmem>>, vector<1x16xf32>,
      %swap3A_154 = vector.shape_cast %swap3A_153 : vector<1x16xf32> to vector<16xf32>
      %swap3A_155 = vector.shape_cast %broadcast_in_dim3A_3 : vector<16xf32> to vector<1x16xf32>
      tpu.vector_store %arg6[%swap3A, %swap3A_152], %swap3A_155 {strides = array<i32>} : memref<80x16xf32, #tpu.memory_space<vmem>>, vector<1x16xf32>,
    }
    %scan3A_22 = arith.constant 80 : i32
    %add3A_23 = arith.constant 0 : i32
    %add3A_24 = arith.addi %arg1, %add3A_23 : i32
    %lt3A = arith.constant 125 : i32
    %lt3A_25 = arith.cmpi slt, %add3A_24, %lt3A : i32
    %convert_element_type3A = arith.extui %lt3A_25 : i1 to i32
    %cond3A = arith.constant 0 : i32
    %cond3A_26 = arith.cmpi ne, %convert_element_type3A, %cond3A : i32
    scf.if %cond3A_26 {
      %mul3A_151 = arith.constant 80 : i32
      %mul3A_152 = arith.muli %add3A_24, %mul3A_151 : i32
      %dma_start3A_153 = arith.constant 0 : i32
      %dma_start3A_154 = tpu.memref_slice %arg7[%mul3A_152, %dma_start3A_153] : memref<10000x16xf32, #tpu.memory_space<vmem_shared>> -> memref<80x16xf32, #tpu.memory_space<vmem_shared>>
      %dma_start3A_155 = arith.constant 0 : i32
      %dma_start3A_156 = tpu.memref_slice %arg7[%mul3A_152, %dma_start3A_155] : memref<10000x16xf32, #tpu.memory_space<vmem_shared>> -> memref<80x16xf32, #tpu.memory_space<vmem_shared>>
      tpu.enqueue_dma source(%arg6 : memref<80x16xf32, #tpu.memory_space<vmem>>) target(%dma_start3A_156 : memref<80x16xf32, #tpu.memory_space<vmem_shared>>) target_semaphore(%arg9 : memref<!tpu.dma_semaphore, #tpu.memory_space<semaphore_mem>>)
    } else {
    }
    %add3A_27 = arith.constant 16 : i32
    %add3A_28 = arith.addi %arg1, %add3A_27 : i32
    %lt3A_29 = arith.constant 125 : i32
    %lt3A_30 = arith.cmpi slt, %add3A_28, %lt3A_29 : i32
    %convert_element_type3A_31 = arith.extui %lt3A_30 : i1 to i32
    %cond3A_32 = arith.constant 0 : i32
    %cond3A_33 = arith.cmpi ne, %convert_element_type3A_31, %cond3A_32 : i32
    scf.if %cond3A_33 {
      %mul3A_151 = arith.constant 80 : i32
      %mul3A_152 = arith.muli %add3A_28, %mul3A_151 : i32
      %dma_start3A_153 = arith.constant 0 : i32
      %dma_start3A_154 = tpu.memref_slice %arg7[%mul3A_152, %dma_start3A_153] : memref<10000x16xf32, #tpu.memory_space<vmem_shared>> -> memref<80x16xf32, #tpu.memory_space<vmem_shared>>
      %dma_start3A_155 = arith.constant 0 : i32
      %dma_start3A_156 = tpu.memref_slice %arg7[%mul3A_152, %dma_start3A_155] : memref<10000x16xf32, #tpu.memory_space<vmem_shared>> -> memref<80x16xf32, #tpu.memory_space<vmem_shared>>
      tpu.enqueue_dma source(%arg6 : memref<80x16xf32, #tpu.memory_space<vmem>>) target(%dma_start3A_156 : memref<80x16xf32, #tpu.memory_space<vmem_shared>>) target_semaphore(%arg9 : memref<!tpu.dma_semaphore, #tpu.memory_space<semaphore_mem>>)
    } else {
    }
    %add3A_34 = arith.constant 32 : i32
    %add3A_35 = arith.addi %arg1, %add3A_34 : i32
    %lt3A_36 = arith.constant 125 : i32
    %lt3A_37 = arith.cmpi slt, %add3A_35, %lt3A_36 : i32
    %convert_element_type3A_38 = arith.extui %lt3A_37 : i1 to i32
    %cond3A_39 = arith.constant 0 : i32
    %cond3A_40 = arith.cmpi ne, %convert_element_type3A_38, %cond3A_39 : i32
    scf.if %cond3A_40 {
      %mul3A_151 = arith.constant 80 : i32
      %mul3A_152 = arith.muli %add3A_35, %mul3A_151 : i32
      %dma_start3A_153 = arith.constant 0 : i32
      %dma_start3A_154 = tpu.memref_slice %arg7[%mul3A_152, %dma_start3A_153] : memref<10000x16xf32, #tpu.memory_space<vmem_shared>> -> memref<80x16xf32, #tpu.memory_space<vmem_shared>>
      %dma_start3A_155 = arith.constant 0 : i32
      %dma_start3A_156 = tpu.memref_slice %arg7[%mul3A_152, %dma_start3A_155] : memref<10000x16xf32, #tpu.memory_space<vmem_shared>> -> memref<80x16xf32, #tpu.memory_space<vmem_shared>>
      tpu.enqueue_dma source(%arg6 : memref<80x16xf32, #tpu.memory_space<vmem>>) target(%dma_start3A_156 : memref<80x16xf32, #tpu.memory_space<vmem_shared>>) target_semaphore(%arg9 : memref<!tpu.dma_semaphore, #tpu.memory_space<semaphore_mem>>)
    } else {
    }
    %add3A_41 = arith.constant 48 : i32
    %add3A_42 = arith.addi %arg1, %add3A_41 : i32
    %lt3A_43 = arith.constant 125 : i32
    %lt3A_44 = arith.cmpi slt, %add3A_42, %lt3A_43 : i32
    %convert_element_type3A_45 = arith.extui %lt3A_44 : i1 to i32
    %cond3A_46 = arith.constant 0 : i32
    %cond3A_47 = arith.cmpi ne, %convert_element_type3A_45, %cond3A_46 : i32
    scf.if %cond3A_47 {
      %mul3A_151 = arith.constant 80 : i32
      %mul3A_152 = arith.muli %add3A_42, %mul3A_151 : i32
      %dma_start3A_153 = arith.constant 0 : i32
      %dma_start3A_154 = tpu.memref_slice %arg7[%mul3A_152, %dma_start3A_153] : memref<10000x16xf32, #tpu.memory_space<vmem_shared>> -> memref<80x16xf32, #tpu.memory_space<vmem_shared>>
      %dma_start3A_155 = arith.constant 0 : i32
      %dma_start3A_156 = tpu.memref_slice %arg7[%mul3A_152, %dma_start3A_155] : memref<10000x16xf32, #tpu.memory_space<vmem_shared>> -> memref<80x16xf32, #tpu.memory_space<vmem_shared>>
      tpu.enqueue_dma source(%arg6 : memref<80x16xf32, #tpu.memory_space<vmem>>) target(%dma_start3A_156 : memref<80x16xf32, #tpu.memory_space<vmem_shared>>) target_semaphore(%arg9 : memref<!tpu.dma_semaphore, #tpu.memory_space<semaphore_mem>>)
    } else {
    }
    %add3A_48 = arith.constant 64 : i32
    %add3A_49 = arith.addi %arg1, %add3A_48 : i32
    %lt3A_50 = arith.constant 125 : i32
    %lt3A_51 = arith.cmpi slt, %add3A_49, %lt3A_50 : i32
    %convert_element_type3A_52 = arith.extui %lt3A_51 : i1 to i32
    %cond3A_53 = arith.constant 0 : i32
    %cond3A_54 = arith.cmpi ne, %convert_element_type3A_52, %cond3A_53 : i32
    scf.if %cond3A_54 {
      %mul3A_151 = arith.constant 80 : i32
      %mul3A_152 = arith.muli %add3A_49, %mul3A_151 : i32
      %dma_start3A_153 = arith.constant 0 : i32
      %dma_start3A_154 = tpu.memref_slice %arg7[%mul3A_152, %dma_start3A_153] : memref<10000x16xf32, #tpu.memory_space<vmem_shared>> -> memref<80x16xf32, #tpu.memory_space<vmem_shared>>
      %dma_start3A_155 = arith.constant 0 : i32
      %dma_start3A_156 = tpu.memref_slice %arg7[%mul3A_152, %dma_start3A_155] : memref<10000x16xf32, #tpu.memory_space<vmem_shared>> -> memref<80x16xf32, #tpu.memory_space<vmem_shared>>
      tpu.enqueue_dma source(%arg6 : memref<80x16xf32, #tpu.memory_space<vmem>>) target(%dma_start3A_156 : memref<80x16xf32, #tpu.memory_space<vmem_shared>>) target_semaphore(%arg9 : memref<!tpu.dma_semaphore, #tpu.memory_space<semaphore_mem>>)
    } else {
    }
    %add3A_55 = arith.constant 80 : i32
    %add3A_56 = arith.addi %arg1, %add3A_55 : i32
    %lt3A_57 = arith.constant 125 : i32
    %lt3A_58 = arith.cmpi slt, %add3A_56, %lt3A_57 : i32
    %convert_element_type3A_59 = arith.extui %lt3A_58 : i1 to i32
    %cond3A_60 = arith.constant 0 : i32
    %cond3A_61 = arith.cmpi ne, %convert_element_type3A_59, %cond3A_60 : i32
    scf.if %cond3A_61 {
      %mul3A_151 = arith.constant 80 : i32
      %mul3A_152 = arith.muli %add3A_56, %mul3A_151 : i32
      %dma_start3A_153 = arith.constant 0 : i32
      %dma_start3A_154 = tpu.memref_slice %arg7[%mul3A_152, %dma_start3A_153] : memref<10000x16xf32, #tpu.memory_space<vmem_shared>> -> memref<80x16xf32, #tpu.memory_space<vmem_shared>>
      %dma_start3A_155 = arith.constant 0 : i32
      %dma_start3A_156 = tpu.memref_slice %arg7[%mul3A_152, %dma_start3A_155] : memref<10000x16xf32, #tpu.memory_space<vmem_shared>> -> memref<80x16xf32, #tpu.memory_space<vmem_shared>>
      tpu.enqueue_dma source(%arg6 : memref<80x16xf32, #tpu.memory_space<vmem>>) target(%dma_start3A_156 : memref<80x16xf32, #tpu.memory_space<vmem_shared>>) target_semaphore(%arg9 : memref<!tpu.dma_semaphore, #tpu.memory_space<semaphore_mem>>)
    } else {
    }
    %add3A_62 = arith.constant 96 : i32
    %add3A_63 = arith.addi %arg1, %add3A_62 : i32
    %lt3A_64 = arith.constant 125 : i32
    %lt3A_65 = arith.cmpi slt, %add3A_63, %lt3A_64 : i32
    %convert_element_type3A_66 = arith.extui %lt3A_65 : i1 to i32
    %cond3A_67 = arith.constant 0 : i32
    %cond3A_68 = arith.cmpi ne, %convert_element_type3A_66, %cond3A_67 : i32
    scf.if %cond3A_68 {
      %mul3A_151 = arith.constant 80 : i32
      %mul3A_152 = arith.muli %add3A_63, %mul3A_151 : i32
      %dma_start3A_153 = arith.constant 0 : i32
      %dma_start3A_154 = tpu.memref_slice %arg7[%mul3A_152, %dma_start3A_153] : memref<10000x16xf32, #tpu.memory_space<vmem_shared>> -> memref<80x16xf32, #tpu.memory_space<vmem_shared>>
      %dma_start3A_155 = arith.constant 0 : i32
      %dma_start3A_156 = tpu.memref_slice %arg7[%mul3A_152, %dma_start3A_155] : memref<10000x16xf32, #tpu.memory_space<vmem_shared>> -> memref<80x16xf32, #tpu.memory_space<vmem_shared>>
      tpu.enqueue_dma source(%arg6 : memref<80x16xf32, #tpu.memory_space<vmem>>) target(%dma_start3A_156 : memref<80x16xf32, #tpu.memory_space<vmem_shared>>) target_semaphore(%arg9 : memref<!tpu.dma_semaphore, #tpu.memory_space<semaphore_mem>>)
    } else {
    }
    %add3A_69 = arith.constant 112 : i32
    %add3A_70 = arith.addi %arg1, %add3A_69 : i32
    %lt3A_71 = arith.constant 125 : i32
    %lt3A_72 = arith.cmpi slt, %add3A_70, %lt3A_71 : i32
    %convert_element_type3A_73 = arith.extui %lt3A_72 : i1 to i32
    %cond3A_74 = arith.constant 0 : i32
    %cond3A_75 = arith.cmpi ne, %convert_element_type3A_73, %cond3A_74 : i32
    scf.if %cond3A_75 {
      %mul3A_151 = arith.constant 80 : i32
      %mul3A_152 = arith.muli %add3A_70, %mul3A_151 : i32
      %dma_start3A_153 = arith.constant 0 : i32
      %dma_start3A_154 = tpu.memref_slice %arg7[%mul3A_152, %dma_start3A_153] : memref<10000x16xf32, #tpu.memory_space<vmem_shared>> -> memref<80x16xf32, #tpu.memory_space<vmem_shared>>
      %dma_start3A_155 = arith.constant 0 : i32
      %dma_start3A_156 = tpu.memref_slice %arg7[%mul3A_152, %dma_start3A_155] : memref<10000x16xf32, #tpu.memory_space<vmem_shared>> -> memref<80x16xf32, #tpu.memory_space<vmem_shared>>
      tpu.enqueue_dma source(%arg6 : memref<80x16xf32, #tpu.memory_space<vmem>>) target(%dma_start3A_156 : memref<80x16xf32, #tpu.memory_space<vmem_shared>>) target_semaphore(%arg9 : memref<!tpu.dma_semaphore, #tpu.memory_space<semaphore_mem>>)
    } else {
    }
    %add3A_76 = arith.constant 0 : i32
    %add3A_77 = arith.addi %arg1, %add3A_76 : i32
    %lt3A_78 = arith.constant 125 : i32
    %lt3A_79 = arith.cmpi slt, %add3A_77, %lt3A_78 : i32
    %convert_element_type3A_80 = arith.extui %lt3A_79 : i1 to i32
    %cond3A_81 = arith.constant 0 : i32
    %cond3A_82 = arith.cmpi ne, %convert_element_type3A_80, %cond3A_81 : i32
    scf.if %cond3A_82 {
      %dma_wait3A_151 = arith.constant 0 : i32
      %dma_wait3A_152 = arith.constant 0 : i32
      %dma_wait3A_153 = tpu.memref_slice %arg7[%dma_wait3A_151, %dma_wait3A_152] : memref<10000x16xf32, #tpu.memory_space<vmem_shared>> -> memref<80x16xf32, #tpu.memory_space<vmem_shared>>
      %dma_wait3A_154 = arith.constant 0 : i32
      %dma_wait3A_155 = arith.constant 0 : i32
      %dma_wait3A_156 = tpu.memref_slice %arg7[%dma_wait3A_154, %dma_wait3A_155] : memref<10000x16xf32, #tpu.memory_space<vmem_shared>> -> memref<80x16xf32, #tpu.memory_space<vmem_shared>>
      tpu.wait_dma2 semaphore(%arg9 : memref<!tpu.dma_semaphore, #tpu.memory_space<semaphore_mem>>) src(%arg6 : memref<80x16xf32, #tpu.memory_space<vmem>>) dst(%dma_wait3A_156 : memref<80x16xf32, #tpu.memory_space<vmem_shared>>)
    } else {
    }
    %add3A_83 = arith.constant 16 : i32
    %add3A_84 = arith.addi %arg1, %add3A_83 : i32
    %lt3A_85 = arith.constant 125 : i32
    %lt3A_86 = arith.cmpi slt, %add3A_84, %lt3A_85 : i32
    %convert_element_type3A_87 = arith.extui %lt3A_86 : i1 to i32
    %cond3A_88 = arith.constant 0 : i32
    %cond3A_89 = arith.cmpi ne, %convert_element_type3A_87, %cond3A_88 : i32
    scf.if %cond3A_89 {
      %dma_wait3A_151 = arith.constant 0 : i32
      %dma_wait3A_152 = arith.constant 0 : i32
      %dma_wait3A_153 = tpu.memref_slice %arg7[%dma_wait3A_151, %dma_wait3A_152] : memref<10000x16xf32, #tpu.memory_space<vmem_shared>> -> memref<80x16xf32, #tpu.memory_space<vmem_shared>>
      %dma_wait3A_154 = arith.constant 0 : i32
      %dma_wait3A_155 = arith.constant 0 : i32
      %dma_wait3A_156 = tpu.memref_slice %arg7[%dma_wait3A_154, %dma_wait3A_155] : memref<10000x16xf32, #tpu.memory_space<vmem_shared>> -> memref<80x16xf32, #tpu.memory_space<vmem_shared>>
      tpu.wait_dma2 semaphore(%arg9 : memref<!tpu.dma_semaphore, #tpu.memory_space<semaphore_mem>>) src(%arg6 : memref<80x16xf32, #tpu.memory_space<vmem>>) dst(%dma_wait3A_156 : memref<80x16xf32, #tpu.memory_space<vmem_shared>>)
    } else {
    }
    %add3A_90 = arith.constant 32 : i32
    %add3A_91 = arith.addi %arg1, %add3A_90 : i32
    %lt3A_92 = arith.constant 125 : i32
    %lt3A_93 = arith.cmpi slt, %add3A_91, %lt3A_92 : i32
    %convert_element_type3A_94 = arith.extui %lt3A_93 : i1 to i32
    %cond3A_95 = arith.constant 0 : i32
    %cond3A_96 = arith.cmpi ne, %convert_element_type3A_94, %cond3A_95 : i32
    scf.if %cond3A_96 {
      %dma_wait3A_151 = arith.constant 0 : i32
      %dma_wait3A_152 = arith.constant 0 : i32
      %dma_wait3A_153 = tpu.memref_slice %arg7[%dma_wait3A_151, %dma_wait3A_152] : memref<10000x16xf32, #tpu.memory_space<vmem_shared>> -> memref<80x16xf32, #tpu.memory_space<vmem_shared>>
      %dma_wait3A_154 = arith.constant 0 : i32
      %dma_wait3A_155 = arith.constant 0 : i32
      %dma_wait3A_156 = tpu.memref_slice %arg7[%dma_wait3A_154, %dma_wait3A_155] : memref<10000x16xf32, #tpu.memory_space<vmem_shared>> -> memref<80x16xf32, #tpu.memory_space<vmem_shared>>
      tpu.wait_dma2 semaphore(%arg9 : memref<!tpu.dma_semaphore, #tpu.memory_space<semaphore_mem>>) src(%arg6 : memref<80x16xf32, #tpu.memory_space<vmem>>) dst(%dma_wait3A_156 : memref<80x16xf32, #tpu.memory_space<vmem_shared>>)
    } else {
    }
    %add3A_97 = arith.constant 48 : i32
    %add3A_98 = arith.addi %arg1, %add3A_97 : i32
    %lt3A_99 = arith.constant 125 : i32
    %lt3A_100 = arith.cmpi slt, %add3A_98, %lt3A_99 : i32
    %convert_element_type3A_101 = arith.extui %lt3A_100 : i1 to i32
    %cond3A_102 = arith.constant 0 : i32
    %cond3A_103 = arith.cmpi ne, %convert_element_type3A_101, %cond3A_102 : i32
    scf.if %cond3A_103 {
      %dma_wait3A_151 = arith.constant 0 : i32
      %dma_wait3A_152 = arith.constant 0 : i32
      %dma_wait3A_153 = tpu.memref_slice %arg7[%dma_wait3A_151, %dma_wait3A_152] : memref<10000x16xf32, #tpu.memory_space<vmem_shared>> -> memref<80x16xf32, #tpu.memory_space<vmem_shared>>
      %dma_wait3A_154 = arith.constant 0 : i32
      %dma_wait3A_155 = arith.constant 0 : i32
      %dma_wait3A_156 = tpu.memref_slice %arg7[%dma_wait3A_154, %dma_wait3A_155] : memref<10000x16xf32, #tpu.memory_space<vmem_shared>> -> memref<80x16xf32, #tpu.memory_space<vmem_shared>>
      tpu.wait_dma2 semaphore(%arg9 : memref<!tpu.dma_semaphore, #tpu.memory_space<semaphore_mem>>) src(%arg6 : memref<80x16xf32, #tpu.memory_space<vmem>>) dst(%dma_wait3A_156 : memref<80x16xf32, #tpu.memory_space<vmem_shared>>)
    } else {
    }
    %add3A_104 = arith.constant 64 : i32
    %add3A_105 = arith.addi %arg1, %add3A_104 : i32
    %lt3A_106 = arith.constant 125 : i32
    %lt3A_107 = arith.cmpi slt, %add3A_105, %lt3A_106 : i32
    %convert_element_type3A_108 = arith.extui %lt3A_107 : i1 to i32
    %cond3A_109 = arith.constant 0 : i32
    %cond3A_110 = arith.cmpi ne, %convert_element_type3A_108, %cond3A_109 : i32
    scf.if %cond3A_110 {
      %dma_wait3A_151 = arith.constant 0 : i32
      %dma_wait3A_152 = arith.constant 0 : i32
      %dma_wait3A_153 = tpu.memref_slice %arg7[%dma_wait3A_151, %dma_wait3A_152] : memref<10000x16xf32, #tpu.memory_space<vmem_shared>> -> memref<80x16xf32, #tpu.memory_space<vmem_shared>>
      %dma_wait3A_154 = arith.constant 0 : i32
      %dma_wait3A_155 = arith.constant 0 : i32
      %dma_wait3A_156 = tpu.memref_slice %arg7[%dma_wait3A_154, %dma_wait3A_155] : memref<10000x16xf32, #tpu.memory_space<vmem_shared>> -> memref<80x16xf32, #tpu.memory_space<vmem_shared>>
      tpu.wait_dma2 semaphore(%arg9 : memref<!tpu.dma_semaphore, #tpu.memory_space<semaphore_mem>>) src(%arg6 : memref<80x16xf32, #tpu.memory_space<vmem>>) dst(%dma_wait3A_156 : memref<80x16xf32, #tpu.memory_space<vmem_shared>>)
    } else {
    }
    %add3A_111 = arith.constant 80 : i32
    %add3A_112 = arith.addi %arg1, %add3A_111 : i32
    %lt3A_113 = arith.constant 125 : i32
    %lt3A_114 = arith.cmpi slt, %add3A_112, %lt3A_113 : i32
    %convert_element_type3A_115 = arith.extui %lt3A_114 : i1 to i32
    %cond3A_116 = arith.constant 0 : i32
    %cond3A_117 = arith.cmpi ne, %convert_element_type3A_115, %cond3A_116 : i32
    scf.if %cond3A_117 {
      %dma_wait3A_151 = arith.constant 0 : i32
      %dma_wait3A_152 = arith.constant 0 : i32
      %dma_wait3A_153 = tpu.memref_slice %arg7[%dma_wait3A_151, %dma_wait3A_152] : memref<10000x16xf32, #tpu.memory_space<vmem_shared>> -> memref<80x16xf32, #tpu.memory_space<vmem_shared>>
      %dma_wait3A_154 = arith.constant 0 : i32
      %dma_wait3A_155 = arith.constant 0 : i32
      %dma_wait3A_156 = tpu.memref_slice %arg7[%dma_wait3A_154, %dma_wait3A_155] : memref<10000x16xf32, #tpu.memory_space<vmem_shared>> -> memref<80x16xf32, #tpu.memory_space<vmem_shared>>
      tpu.wait_dma2 semaphore(%arg9 : memref<!tpu.dma_semaphore, #tpu.memory_space<semaphore_mem>>) src(%arg6 : memref<80x16xf32, #tpu.memory_space<vmem>>) dst(%dma_wait3A_156 : memref<80x16xf32, #tpu.memory_space<vmem_shared>>)
    } else {
    }
    %add3A_118 = arith.constant 96 : i32
    %add3A_119 = arith.addi %arg1, %add3A_118 : i32
    %lt3A_120 = arith.constant 125 : i32
    %lt3A_121 = arith.cmpi slt, %add3A_119, %lt3A_120 : i32
    %convert_element_type3A_122 = arith.extui %lt3A_121 : i1 to i32
    %cond3A_123 = arith.constant 0 : i32
    %cond3A_124 = arith.cmpi ne, %convert_element_type3A_122, %cond3A_123 : i32
    scf.if %cond3A_124 {
      %dma_wait3A_151 = arith.constant 0 : i32
      %dma_wait3A_152 = arith.constant 0 : i32
      %dma_wait3A_153 = tpu.memref_slice %arg7[%dma_wait3A_151, %dma_wait3A_152] : memref<10000x16xf32, #tpu.memory_space<vmem_shared>> -> memref<80x16xf32, #tpu.memory_space<vmem_shared>>
      %dma_wait3A_154 = arith.constant 0 : i32
      %dma_wait3A_155 = arith.constant 0 : i32
      %dma_wait3A_156 = tpu.memref_slice %arg7[%dma_wait3A_154, %dma_wait3A_155] : memref<10000x16xf32, #tpu.memory_space<vmem_shared>> -> memref<80x16xf32, #tpu.memory_space<vmem_shared>>
      tpu.wait_dma2 semaphore(%arg9 : memref<!tpu.dma_semaphore, #tpu.memory_space<semaphore_mem>>) src(%arg6 : memref<80x16xf32, #tpu.memory_space<vmem>>) dst(%dma_wait3A_156 : memref<80x16xf32, #tpu.memory_space<vmem_shared>>)
    } else {
    }
    %add3A_125 = arith.constant 112 : i32
    %add3A_126 = arith.addi %arg1, %add3A_125 : i32
    %lt3A_127 = arith.constant 125 : i32
    %lt3A_128 = arith.cmpi slt, %add3A_126, %lt3A_127 : i32
    %convert_element_type3A_129 = arith.extui %lt3A_128 : i1 to i32
    %cond3A_130 = arith.constant 0 : i32
    %cond3A_131 = arith.cmpi ne, %convert_element_type3A_129, %cond3A_130 : i32
    scf.if %cond3A_131 {
      %dma_wait3A_151 = arith.constant 0 : i32
      %dma_wait3A_152 = arith.constant 0 : i32
      %dma_wait3A_153 = tpu.memref_slice %arg7[%dma_wait3A_151, %dma_wait3A_152] : memref<10000x16xf32, #tpu.memory_space<vmem_shared>> -> memref<80x16xf32, #tpu.memory_space<vmem_shared>>
      %dma_wait3A_154 = arith.constant 0 : i32
      %dma_wait3A_155 = arith.constant 0 : i32
      %dma_wait3A_156 = tpu.memref_slice %arg7[%dma_wait3A_154, %dma_wait3A_155] : memref<10000x16xf32, #tpu.memory_space<vmem_shared>> -> memref<80x16xf32, #tpu.memory_space<vmem_shared>>
      tpu.wait_dma2 semaphore(%arg9 : memref<!tpu.dma_semaphore, #tpu.memory_space<semaphore_mem>>) src(%arg6 : memref<80x16xf32, #tpu.memory_space<vmem>>) dst(%dma_wait3A_156 : memref<80x16xf32, #tpu.memory_space<vmem_shared>>)
    } else {
    }
    %dma_wait3A = arith.constant 1 : i32
    %dma_wait3A_132 = arith.constant 0 : i32
    %dma_wait3A_133 = arith.constant 0 : i32
    %dma_wait3A_134 = tpu.memref_slice %arg2[%dma_wait3A, %add3A, %dma_wait3A_132, %dma_wait3A_133] : memref<2x32x200x50xi32, #tpu.memory_space<hbm>> -> memref<1x1x200x50xi32, #tpu.memory_space<hbm>>
    %dma_wait3A_135 = tpu.memref_squeeze %dma_wait3A_134 : memref<1x1x200x50xi32, #tpu.memory_space<hbm>> -> memref<200x50xi32, #tpu.memory_space<hbm>>
    %dma_wait3A_136 = arith.constant 0 : i32
    %dma_wait3A_137 = arith.constant 0 : i32
    %dma_wait3A_138 = tpu.memref_slice %arg2[%dma_wait3A, %add3A, %dma_wait3A_136, %dma_wait3A_137] : memref<2x32x200x50xi32, #tpu.memory_space<hbm>> -> memref<1x1x200x50xi32, #tpu.memory_space<hbm>>
    %dma_wait3A_139 = tpu.memref_squeeze %dma_wait3A_138 : memref<1x1x200x50xi32, #tpu.memory_space<hbm>> -> memref<200x50xi32, #tpu.memory_space<hbm>>
    tpu.wait_dma2 semaphore(%arg8 : memref<!tpu.dma_semaphore, #tpu.memory_space<semaphore_mem>>) src(%dma_wait3A_139 : memref<200x50xi32, #tpu.memory_space<hbm>>) dst(%arg4 : memref<200x50xi32, #tpu.memory_space<vmem>>)
    %barrier3A = arith.constant 0 : index
    tpu.barrier barrier_id(%barrier3A)
    %scan3A_140 = arith.constant 0 : i32
    %scan3A_141 = arith.constant 0 : i32
    %scan3A_142 = arith.constant 20 : i32
    %scan3A_143 = arith.addi %scan3A_141, %scan3A_142 : i32
    %scan3A_144 = arith.constant 1 : i32
    scf.for %scan3A_151 = %scan3A_141 to %scan3A_143 step %scan3A_144  : i32 {
      %mul3A_152 = arith.constant 10 : i32
      %mul3A_153 = arith.muli %scan3A_151, %mul3A_152 : i32
      %add3A_154 = arith.constant 0 : i32
      %add3A_155 = arith.addi %mul3A_153, %add3A_154 : i32
      %dma_start3A_156 = arith.constant 0 : i32
      %dma_start3A_157 = tpu.memref_slice %arg4[%add3A_155, %dma_start3A_156] : memref<200x50xi32, #tpu.memory_space<vmem>> -> memref<1x50xi32, #tpu.memory_space<vmem>>
      %dma_start3A_158 = tpu.memref_squeeze %dma_start3A_157 : memref<1x50xi32, #tpu.memory_space<vmem>> -> memref<50xi32, #tpu.memory_space<vmem>>
      %dma_start3A_159 = arith.constant 0 : i32
      %dma_start3A_160 = arith.constant 0 : i32
      %dma_start3A_161 = tpu.memref_slice %arg7[%dma_start3A_159, %dma_start3A_160] : memref<10000x16xf32, #tpu.memory_space<vmem_shared>> -> memref<10000x16xf32, #tpu.memory_space<vmem_shared>>
      tpu.enqueue_indirect_dma source(%arg5 : memref<50x16xf32, #tpu.memory_space<vmem>>) target(%dma_start3A_161 : memref<10000x16xf32, #tpu.memory_space<vmem_shared>>) offsets(%dma_start3A_158 : memref<50xi32, #tpu.memory_space<vmem>>) semaphore(%arg9 : memref<!tpu.dma_semaphore, #tpu.memory_space<semaphore_mem>>) {add = true}
      %mul3A_162 = arith.constant 10 : i32
      %mul3A_163 = arith.muli %scan3A_151, %mul3A_162 : i32
      %add3A_164 = arith.constant 1 : i32
      %add3A_165 = arith.addi %mul3A_163, %add3A_164 : i32
      %dma_start3A_166 = arith.constant 0 : i32
      %dma_start3A_167 = tpu.memref_slice %arg4[%add3A_165, %dma_start3A_166] : memref<200x50xi32, #tpu.memory_space<vmem>> -> memref<1x50xi32, #tpu.memory_space<vmem>>
      %dma_start3A_168 = tpu.memref_squeeze %dma_start3A_167 : memref<1x50xi32, #tpu.memory_space<vmem>> -> memref<50xi32, #tpu.memory_space<vmem>>
      %dma_start3A_169 = arith.constant 0 : i32
      %dma_start3A_170 = arith.constant 0 : i32
      %dma_start3A_171 = tpu.memref_slice %arg7[%dma_start3A_169, %dma_start3A_170] : memref<10000x16xf32, #tpu.memory_space<vmem_shared>> -> memref<10000x16xf32, #tpu.memory_space<vmem_shared>>
      tpu.enqueue_indirect_dma source(%arg5 : memref<50x16xf32, #tpu.memory_space<vmem>>) target(%dma_start3A_171 : memref<10000x16xf32, #tpu.memory_space<vmem_shared>>) offsets(%dma_start3A_168 : memref<50xi32, #tpu.memory_space<vmem>>) semaphore(%arg9 : memref<!tpu.dma_semaphore, #tpu.memory_space<semaphore_mem>>) {add = true}
      %mul3A_172 = arith.constant 10 : i32
      %mul3A_173 = arith.muli %scan3A_151, %mul3A_172 : i32
      %add3A_174 = arith.constant 2 : i32
      %add3A_175 = arith.addi %mul3A_173, %add3A_174 : i32
      %dma_start3A_176 = arith.constant 0 : i32
      %dma_start3A_177 = tpu.memref_slice %arg4[%add3A_175, %dma_start3A_176] : memref<200x50xi32, #tpu.memory_space<vmem>> -> memref<1x50xi32, #tpu.memory_space<vmem>>
      %dma_start3A_178 = tpu.memref_squeeze %dma_start3A_177 : memref<1x50xi32, #tpu.memory_space<vmem>> -> memref<50xi32, #tpu.memory_space<vmem>>
      %dma_start3A_179 = arith.constant 0 : i32
      %dma_start3A_180 = arith.constant 0 : i32
      %dma_start3A_181 = tpu.memref_slice %arg7[%dma_start3A_179, %dma_start3A_180] : memref<10000x16xf32, #tpu.memory_space<vmem_shared>> -> memref<10000x16xf32, #tpu.memory_space<vmem_shared>>
      tpu.enqueue_indirect_dma source(%arg5 : memref<50x16xf32, #tpu.memory_space<vmem>>) target(%dma_start3A_181 : memref<10000x16xf32, #tpu.memory_space<vmem_shared>>) offsets(%dma_start3A_178 : memref<50xi32, #tpu.memory_space<vmem>>) semaphore(%arg9 : memref<!tpu.dma_semaphore, #tpu.memory_space<semaphore_mem>>) {add = true}
      %mul3A_182 = arith.constant 10 : i32
      %mul3A_183 = arith.muli %scan3A_151, %mul3A_182 : i32
      %add3A_184 = arith.constant 3 : i32
      %add3A_185 = arith.addi %mul3A_183, %add3A_184 : i32
      %dma_start3A_186 = arith.constant 0 : i32
      %dma_start3A_187 = tpu.memref_slice %arg4[%add3A_185, %dma_start3A_186] : memref<200x50xi32, #tpu.memory_space<vmem>> -> memref<1x50xi32, #tpu.memory_space<vmem>>
      %dma_start3A_188 = tpu.memref_squeeze %dma_start3A_187 : memref<1x50xi32, #tpu.memory_space<vmem>> -> memref<50xi32, #tpu.memory_space<vmem>>
      %dma_start3A_189 = arith.constant 0 : i32
      %dma_start3A_190 = arith.constant 0 : i32
      %dma_start3A_191 = tpu.memref_slice %arg7[%dma_start3A_189, %dma_start3A_190] : memref<10000x16xf32, #tpu.memory_space<vmem_shared>> -> memref<10000x16xf32, #tpu.memory_space<vmem_shared>>
      tpu.enqueue_indirect_dma source(%arg5 : memref<50x16xf32, #tpu.memory_space<vmem>>) target(%dma_start3A_191 : memref<10000x16xf32, #tpu.memory_space<vmem_shared>>) offsets(%dma_start3A_188 : memref<50xi32, #tpu.memory_space<vmem>>) semaphore(%arg9 : memref<!tpu.dma_semaphore, #tpu.memory_space<semaphore_mem>>) {add = true}
      %mul3A_192 = arith.constant 10 : i32
      %mul3A_193 = arith.muli %scan3A_151, %mul3A_192 : i32
      %add3A_194 = arith.constant 4 : i32
      %add3A_195 = arith.addi %mul3A_193, %add3A_194 : i32
      %dma_start3A_196 = arith.constant 0 : i32
      %dma_start3A_197 = tpu.memref_slice %arg4[%add3A_195, %dma_start3A_196] : memref<200x50xi32, #tpu.memory_space<vmem>> -> memref<1x50xi32, #tpu.memory_space<vmem>>
      %dma_start3A_198 = tpu.memref_squeeze %dma_start3A_197 : memref<1x50xi32, #tpu.memory_space<vmem>> -> memref<50xi32, #tpu.memory_space<vmem>>
      %dma_start3A_199 = arith.constant 0 : i32
      %dma_start3A_200 = arith.constant 0 : i32
      %dma_start3A_201 = tpu.memref_slice %arg7[%dma_start3A_199, %dma_start3A_200] : memref<10000x16xf32, #tpu.memory_space<vmem_shared>> -> memref<10000x16xf32, #tpu.memory_space<vmem_shared>>
      tpu.enqueue_indirect_dma source(%arg5 : memref<50x16xf32, #tpu.memory_space<vmem>>) target(%dma_start3A_201 : memref<10000x16xf32, #tpu.memory_space<vmem_shared>>) offsets(%dma_start3A_198 : memref<50xi32, #tpu.memory_space<vmem>>) semaphore(%arg9 : memref<!tpu.dma_semaphore, #tpu.memory_space<semaphore_mem>>) {add = true}
      %mul3A_202 = arith.constant 10 : i32
      %mul3A_203 = arith.muli %scan3A_151, %mul3A_202 : i32
      %add3A_204 = arith.constant 5 : i32
      %add3A_205 = arith.addi %mul3A_203, %add3A_204 : i32
      %dma_start3A_206 = arith.constant 0 : i32
      %dma_start3A_207 = tpu.memref_slice %arg4[%add3A_205, %dma_start3A_206] : memref<200x50xi32, #tpu.memory_space<vmem>> -> memref<1x50xi32, #tpu.memory_space<vmem>>
      %dma_start3A_208 = tpu.memref_squeeze %dma_start3A_207 : memref<1x50xi32, #tpu.memory_space<vmem>> -> memref<50xi32, #tpu.memory_space<vmem>>
      %dma_start3A_209 = arith.constant 0 : i32
      %dma_start3A_210 = arith.constant 0 : i32
      %dma_start3A_211 = tpu.memref_slice %arg7[%dma_start3A_209, %dma_start3A_210] : memref<10000x16xf32, #tpu.memory_space<vmem_shared>> -> memref<10000x16xf32, #tpu.memory_space<vmem_shared>>
      tpu.enqueue_indirect_dma source(%arg5 : memref<50x16xf32, #tpu.memory_space<vmem>>) target(%dma_start3A_211 : memref<10000x16xf32, #tpu.memory_space<vmem_shared>>) offsets(%dma_start3A_208 : memref<50xi32, #tpu.memory_space<vmem>>) semaphore(%arg9 : memref<!tpu.dma_semaphore, #tpu.memory_space<semaphore_mem>>) {add = true}
      %mul3A_212 = arith.constant 10 : i32
      %mul3A_213 = arith.muli %scan3A_151, %mul3A_212 : i32
      %add3A_214 = arith.constant 6 : i32
      %add3A_215 = arith.addi %mul3A_213, %add3A_214 : i32
      %dma_start3A_216 = arith.constant 0 : i32
      %dma_start3A_217 = tpu.memref_slice %arg4[%add3A_215, %dma_start3A_216] : memref<200x50xi32, #tpu.memory_space<vmem>> -> memref<1x50xi32, #tpu.memory_space<vmem>>
      %dma_start3A_218 = tpu.memref_squeeze %dma_start3A_217 : memref<1x50xi32, #tpu.memory_space<vmem>> -> memref<50xi32, #tpu.memory_space<vmem>>
      %dma_start3A_219 = arith.constant 0 : i32
      %dma_start3A_220 = arith.constant 0 : i32
      %dma_start3A_221 = tpu.memref_slice %arg7[%dma_start3A_219, %dma_start3A_220] : memref<10000x16xf32, #tpu.memory_space<vmem_shared>> -> memref<10000x16xf32, #tpu.memory_space<vmem_shared>>
      tpu.enqueue_indirect_dma source(%arg5 : memref<50x16xf32, #tpu.memory_space<vmem>>) target(%dma_start3A_221 : memref<10000x16xf32, #tpu.memory_space<vmem_shared>>) offsets(%dma_start3A_218 : memref<50xi32, #tpu.memory_space<vmem>>) semaphore(%arg9 : memref<!tpu.dma_semaphore, #tpu.memory_space<semaphore_mem>>) {add = true}
      %mul3A_222 = arith.constant 10 : i32
      %mul3A_223 = arith.muli %scan3A_151, %mul3A_222 : i32
      %add3A_224 = arith.constant 7 : i32
      %add3A_225 = arith.addi %mul3A_223, %add3A_224 : i32
      %dma_start3A_226 = arith.constant 0 : i32
      %dma_start3A_227 = tpu.memref_slice %arg4[%add3A_225, %dma_start3A_226] : memref<200x50xi32, #tpu.memory_space<vmem>> -> memref<1x50xi32, #tpu.memory_space<vmem>>
      %dma_start3A_228 = tpu.memref_squeeze %dma_start3A_227 : memref<1x50xi32, #tpu.memory_space<vmem>> -> memref<50xi32, #tpu.memory_space<vmem>>
      %dma_start3A_229 = arith.constant 0 : i32
      %dma_start3A_230 = arith.constant 0 : i32
      %dma_start3A_231 = tpu.memref_slice %arg7[%dma_start3A_229, %dma_start3A_230] : memref<10000x16xf32, #tpu.memory_space<vmem_shared>> -> memref<10000x16xf32, #tpu.memory_space<vmem_shared>>
      tpu.enqueue_indirect_dma source(%arg5 : memref<50x16xf32, #tpu.memory_space<vmem>>) target(%dma_start3A_231 : memref<10000x16xf32, #tpu.memory_space<vmem_shared>>) offsets(%dma_start3A_228 : memref<50xi32, #tpu.memory_space<vmem>>) semaphore(%arg9 : memref<!tpu.dma_semaphore, #tpu.memory_space<semaphore_mem>>) {add = true}
      %mul3A_232 = arith.constant 10 : i32
      %mul3A_233 = arith.muli %scan3A_151, %mul3A_232 : i32
      %add3A_234 = arith.constant 8 : i32
      %add3A_235 = arith.addi %mul3A_233, %add3A_234 : i32
      %dma_start3A_236 = arith.constant 0 : i32
      %dma_start3A_237 = tpu.memref_slice %arg4[%add3A_235, %dma_start3A_236] : memref<200x50xi32, #tpu.memory_space<vmem>> -> memref<1x50xi32, #tpu.memory_space<vmem>>
      %dma_start3A_238 = tpu.memref_squeeze %dma_start3A_237 : memref<1x50xi32, #tpu.memory_space<vmem>> -> memref<50xi32, #tpu.memory_space<vmem>>
      %dma_start3A_239 = arith.constant 0 : i32
      %dma_start3A_240 = arith.constant 0 : i32
      %dma_start3A_241 = tpu.memref_slice %arg7[%dma_start3A_239, %dma_start3A_240] : memref<10000x16xf32, #tpu.memory_space<vmem_shared>> -> memref<10000x16xf32, #tpu.memory_space<vmem_shared>>
      tpu.enqueue_indirect_dma source(%arg5 : memref<50x16xf32, #tpu.memory_space<vmem>>) target(%dma_start3A_241 : memref<10000x16xf32, #tpu.memory_space<vmem_shared>>) offsets(%dma_start3A_238 : memref<50xi32, #tpu.memory_space<vmem>>) semaphore(%arg9 : memref<!tpu.dma_semaphore, #tpu.memory_space<semaphore_mem>>) {add = true}
      %mul3A_242 = arith.constant 10 : i32
      %mul3A_243 = arith.muli %scan3A_151, %mul3A_242 : i32
      %add3A_244 = arith.constant 9 : i32
      %add3A_245 = arith.addi %mul3A_243, %add3A_244 : i32
      %dma_start3A_246 = arith.constant 0 : i32
      %dma_start3A_247 = tpu.memref_slice %arg4[%add3A_245, %dma_start3A_246] : memref<200x50xi32, #tpu.memory_space<vmem>> -> memref<1x50xi32, #tpu.memory_space<vmem>>
      %dma_start3A_248 = tpu.memref_squeeze %dma_start3A_247 : memref<1x50xi32, #tpu.memory_space<vmem>> -> memref<50xi32, #tpu.memory_space<vmem>>
      %dma_start3A_249 = arith.constant 0 : i32
      %dma_start3A_250 = arith.constant 0 : i32
      %dma_start3A_251 = tpu.memref_slice %arg7[%dma_start3A_249, %dma_start3A_250] : memref<10000x16xf32, #tpu.memory_space<vmem_shared>> -> memref<10000x16xf32, #tpu.memory_space<vmem_shared>>
      tpu.enqueue_indirect_dma source(%arg5 : memref<50x16xf32, #tpu.memory_space<vmem>>) target(%dma_start3A_251 : memref<10000x16xf32, #tpu.memory_space<vmem_shared>>) offsets(%dma_start3A_248 : memref<50xi32, #tpu.memory_space<vmem>>) semaphore(%arg9 : memref<!tpu.dma_semaphore, #tpu.memory_space<semaphore_mem>>) {add = true}
      %dma_wait3A_252 = arith.constant 0 : i32
      %dma_wait3A_253 = arith.constant 0 : i32
      %dma_wait3A_254 = tpu.memref_slice %arg4[%dma_wait3A_252, %dma_wait3A_253] : memref<200x50xi32, #tpu.memory_space<vmem>> -> memref<1x50xi32, #tpu.memory_space<vmem>>
      %dma_wait3A_255 = tpu.memref_squeeze %dma_wait3A_254 : memref<1x50xi32, #tpu.memory_space<vmem>> -> memref<50xi32, #tpu.memory_space<vmem>>
      %dma_wait3A_256 = arith.constant 0 : i32
      %dma_wait3A_257 = arith.constant 0 : i32
      %dma_wait3A_258 = tpu.memref_slice %arg7[%dma_wait3A_256, %dma_wait3A_257] : memref<10000x16xf32, #tpu.memory_space<vmem_shared>> -> memref<10000x16xf32, #tpu.memory_space<vmem_shared>>
      tpu.wait_indirect_dma semaphore(%arg9 : memref<!tpu.dma_semaphore, #tpu.memory_space<semaphore_mem>>) src(%arg5 : memref<50x16xf32, #tpu.memory_space<vmem>>) dst(%dma_wait3A_258 : memref<10000x16xf32, #tpu.memory_space<vmem_shared>>)
      %dma_wait3A_259 = arith.constant 0 : i32
      %dma_wait3A_260 = arith.constant 0 : i32
      %dma_wait3A_261 = tpu.memref_slice %arg4[%dma_wait3A_259, %dma_wait3A_260] : memref<200x50xi32, #tpu.memory_space<vmem>> -> memref<1x50xi32, #tpu.memory_space<vmem>>
      %dma_wait3A_262 = tpu.memref_squeeze %dma_wait3A_261 : memref<1x50xi32, #tpu.memory_space<vmem>> -> memref<50xi32, #tpu.memory_space<vmem>>
      %dma_wait3A_263 = arith.constant 0 : i32
      %dma_wait3A_264 = arith.constant 0 : i32
      %dma_wait3A_265 = tpu.memref_slice %arg7[%dma_wait3A_263, %dma_wait3A_264] : memref<10000x16xf32, #tpu.memory_space<vmem_shared>> -> memref<10000x16xf32, #tpu.memory_space<vmem_shared>>
      tpu.wait_indirect_dma semaphore(%arg9 : memref<!tpu.dma_semaphore, #tpu.memory_space<semaphore_mem>>) src(%arg5 : memref<50x16xf32, #tpu.memory_space<vmem>>) dst(%dma_wait3A_265 : memref<10000x16xf32, #tpu.memory_space<vmem_shared>>)
      %dma_wait3A_266 = arith.constant 0 : i32
      %dma_wait3A_267 = arith.constant 0 : i32
      %dma_wait3A_268 = tpu.memref_slice %arg4[%dma_wait3A_266, %dma_wait3A_267] : memref<200x50xi32, #tpu.memory_space<vmem>> -> memref<1x50xi32, #tpu.memory_space<vmem>>
      %dma_wait3A_269 = tpu.memref_squeeze %dma_wait3A_268 : memref<1x50xi32, #tpu.memory_space<vmem>> -> memref<50xi32, #tpu.memory_space<vmem>>
      %dma_wait3A_270 = arith.constant 0 : i32
      %dma_wait3A_271 = arith.constant 0 : i32
      %dma_wait3A_272 = tpu.memref_slice %arg7[%dma_wait3A_270, %dma_wait3A_271] : memref<10000x16xf32, #tpu.memory_space<vmem_shared>> -> memref<10000x16xf32, #tpu.memory_space<vmem_shared>>
      tpu.wait_indirect_dma semaphore(%arg9 : memref<!tpu.dma_semaphore, #tpu.memory_space<semaphore_mem>>) src(%arg5 : memref<50x16xf32, #tpu.memory_space<vmem>>) dst(%dma_wait3A_272 : memref<10000x16xf32, #tpu.memory_space<vmem_shared>>)
      %dma_wait3A_273 = arith.constant 0 : i32
      %dma_wait3A_274 = arith.constant 0 : i32
      %dma_wait3A_275 = tpu.memref_slice %arg4[%dma_wait3A_273, %dma_wait3A_274] : memref<200x50xi32, #tpu.memory_space<vmem>> -> memref<1x50xi32, #tpu.memory_space<vmem>>
      %dma_wait3A_276 = tpu.memref_squeeze %dma_wait3A_275 : memref<1x50xi32, #tpu.memory_space<vmem>> -> memref<50xi32, #tpu.memory_space<vmem>>
      %dma_wait3A_277 = arith.constant 0 : i32
      %dma_wait3A_278 = arith.constant 0 : i32
      %dma_wait3A_279 = tpu.memref_slice %arg7[%dma_wait3A_277, %dma_wait3A_278] : memref<10000x16xf32, #tpu.memory_space<vmem_shared>> -> memref<10000x16xf32, #tpu.memory_space<vmem_shared>>
      tpu.wait_indirect_dma semaphore(%arg9 : memref<!tpu.dma_semaphore, #tpu.memory_space<semaphore_mem>>) src(%arg5 : memref<50x16xf32, #tpu.memory_space<vmem>>) dst(%dma_wait3A_279 : memref<10000x16xf32, #tpu.memory_space<vmem_shared>>)
      %dma_wait3A_280 = arith.constant 0 : i32
      %dma_wait3A_281 = arith.constant 0 : i32
      %dma_wait3A_282 = tpu.memref_slice %arg4[%dma_wait3A_280, %dma_wait3A_281] : memref<200x50xi32, #tpu.memory_space<vmem>> -> memref<1x50xi32, #tpu.memory_space<vmem>>
      %dma_wait3A_283 = tpu.memref_squeeze %dma_wait3A_282 : memref<1x50xi32, #tpu.memory_space<vmem>> -> memref<50xi32, #tpu.memory_space<vmem>>
      %dma_wait3A_284 = arith.constant 0 : i32
      %dma_wait3A_285 = arith.constant 0 : i32
      %dma_wait3A_286 = tpu.memref_slice %arg7[%dma_wait3A_284, %dma_wait3A_285] : memref<10000x16xf32, #tpu.memory_space<vmem_shared>> -> memref<10000x16xf32, #tpu.memory_space<vmem_shared>>
      tpu.wait_indirect_dma semaphore(%arg9 : memref<!tpu.dma_semaphore, #tpu.memory_space<semaphore_mem>>) src(%arg5 : memref<50x16xf32, #tpu.memory_space<vmem>>) dst(%dma_wait3A_286 : memref<10000x16xf32, #tpu.memory_space<vmem_shared>>)
      %dma_wait3A_287 = arith.constant 0 : i32
      %dma_wait3A_288 = arith.constant 0 : i32
      %dma_wait3A_289 = tpu.memref_slice %arg4[%dma_wait3A_287, %dma_wait3A_288] : memref<200x50xi32, #tpu.memory_space<vmem>> -> memref<1x50xi32, #tpu.memory_space<vmem>>
      %dma_wait3A_290 = tpu.memref_squeeze %dma_wait3A_289 : memref<1x50xi32, #tpu.memory_space<vmem>> -> memref<50xi32, #tpu.memory_space<vmem>>
      %dma_wait3A_291 = arith.constant 0 : i32
      %dma_wait3A_292 = arith.constant 0 : i32
      %dma_wait3A_293 = tpu.memref_slice %arg7[%dma_wait3A_291, %dma_wait3A_292] : memref<10000x16xf32, #tpu.memory_space<vmem_shared>> -> memref<10000x16xf32, #tpu.memory_space<vmem_shared>>
      tpu.wait_indirect_dma semaphore(%arg9 : memref<!tpu.dma_semaphore, #tpu.memory_space<semaphore_mem>>) src(%arg5 : memref<50x16xf32, #tpu.memory_space<vmem>>) dst(%dma_wait3A_293 : memref<10000x16xf32, #tpu.memory_space<vmem_shared>>)
      %dma_wait3A_294 = arith.constant 0 : i32
      %dma_wait3A_295 = arith.constant 0 : i32
      %dma_wait3A_296 = tpu.memref_slice %arg4[%dma_wait3A_294, %dma_wait3A_295] : memref<200x50xi32, #tpu.memory_space<vmem>> -> memref<1x50xi32, #tpu.memory_space<vmem>>
      %dma_wait3A_297 = tpu.memref_squeeze %dma_wait3A_296 : memref<1x50xi32, #tpu.memory_space<vmem>> -> memref<50xi32, #tpu.memory_space<vmem>>
      %dma_wait3A_298 = arith.constant 0 : i32
      %dma_wait3A_299 = arith.constant 0 : i32
      %dma_wait3A_300 = tpu.memref_slice %arg7[%dma_wait3A_298, %dma_wait3A_299] : memref<10000x16xf32, #tpu.memory_space<vmem_shared>> -> memref<10000x16xf32, #tpu.memory_space<vmem_shared>>
      tpu.wait_indirect_dma semaphore(%arg9 : memref<!tpu.dma_semaphore, #tpu.memory_space<semaphore_mem>>) src(%arg5 : memref<50x16xf32, #tpu.memory_space<vmem>>) dst(%dma_wait3A_300 : memref<10000x16xf32, #tpu.memory_space<vmem_shared>>)
      %dma_wait3A_301 = arith.constant 0 : i32
      %dma_wait3A_302 = arith.constant 0 : i32
      %dma_wait3A_303 = tpu.memref_slice %arg4[%dma_wait3A_301, %dma_wait3A_302] : memref<200x50xi32, #tpu.memory_space<vmem>> -> memref<1x50xi32, #tpu.memory_space<vmem>>
      %dma_wait3A_304 = tpu.memref_squeeze %dma_wait3A_303 : memref<1x50xi32, #tpu.memory_space<vmem>> -> memref<50xi32, #tpu.memory_space<vmem>>
      %dma_wait3A_305 = arith.constant 0 : i32
      %dma_wait3A_306 = arith.constant 0 : i32
      %dma_wait3A_307 = tpu.memref_slice %arg7[%dma_wait3A_305, %dma_wait3A_306] : memref<10000x16xf32, #tpu.memory_space<vmem_shared>> -> memref<10000x16xf32, #tpu.memory_space<vmem_shared>>
      tpu.wait_indirect_dma semaphore(%arg9 : memref<!tpu.dma_semaphore, #tpu.memory_space<semaphore_mem>>) src(%arg5 : memref<50x16xf32, #tpu.memory_space<vmem>>) dst(%dma_wait3A_307 : memref<10000x16xf32, #tpu.memory_space<vmem_shared>>)
      %dma_wait3A_308 = arith.constant 0 : i32
      %dma_wait3A_309 = arith.constant 0 : i32
      %dma_wait3A_310 = tpu.memref_slice %arg4[%dma_wait3A_308, %dma_wait3A_309] : memref<200x50xi32, #tpu.memory_space<vmem>> -> memref<1x50xi32, #tpu.memory_space<vmem>>
      %dma_wait3A_311 = tpu.memref_squeeze %dma_wait3A_310 : memref<1x50xi32, #tpu.memory_space<vmem>> -> memref<50xi32, #tpu.memory_space<vmem>>
      %dma_wait3A_312 = arith.constant 0 : i32
      %dma_wait3A_313 = arith.constant 0 : i32
      %dma_wait3A_314 = tpu.memref_slice %arg7[%dma_wait3A_312, %dma_wait3A_313] : memref<10000x16xf32, #tpu.memory_space<vmem_shared>> -> memref<10000x16xf32, #tpu.memory_space<vmem_shared>>
      tpu.wait_indirect_dma semaphore(%arg9 : memref<!tpu.dma_semaphore, #tpu.memory_space<semaphore_mem>>) src(%arg5 : memref<50x16xf32, #tpu.memory_space<vmem>>) dst(%dma_wait3A_314 : memref<10000x16xf32, #tpu.memory_space<vmem_shared>>)
      %dma_wait3A_315 = arith.constant 0 : i32
      %dma_wait3A_316 = arith.constant 0 : i32
      %dma_wait3A_317 = tpu.memref_slice %arg4[%dma_wait3A_315, %dma_wait3A_316] : memref<200x50xi32, #tpu.memory_space<vmem>> -> memref<1x50xi32, #tpu.memory_space<vmem>>
      %dma_wait3A_318 = tpu.memref_squeeze %dma_wait3A_317 : memref<1x50xi32, #tpu.memory_space<vmem>> -> memref<50xi32, #tpu.memory_space<vmem>>
      %dma_wait3A_319 = arith.constant 0 : i32
      %dma_wait3A_320 = arith.constant 0 : i32
      %dma_wait3A_321 = tpu.memref_slice %arg7[%dma_wait3A_319, %dma_wait3A_320] : memref<10000x16xf32, #tpu.memory_space<vmem_shared>> -> memref<10000x16xf32, #tpu.memory_space<vmem_shared>>
      tpu.wait_indirect_dma semaphore(%arg9 : memref<!tpu.dma_semaphore, #tpu.memory_space<semaphore_mem>>) src(%arg5 : memref<50x16xf32, #tpu.memory_space<vmem>>) dst(%dma_wait3A_321 : memref<10000x16xf32, #tpu.memory_space<vmem_shared>>)
    }
    %scan3A_145 = arith.constant 20 : i32
    %barrier3A_146 = arith.constant 0 : index
    tpu.barrier barrier_id(%barrier3A_146)
    %mul3A_147 = arith.constant 625 : i32
    %mul3A_148 = arith.muli %arg1, %mul3A_147 : i32
    %mul3A_149 = arith.constant 625 : i32
    %mul3A_150 = arith.muli %arg1, %mul3A_149 : i32
    "tpu.region"() ({
      %run_scoped3A = tpu.sem_alloc : memref<!tpu.dma_semaphore, #tpu.memory_space<semaphore_mem>>
      %dma_start3A_151 = arith.constant 0 : i32
      %dma_start3A_152 = tpu.memref_slice %arg3[%arg0, %mul3A_150, %dma_start3A_151] : memref<2x10000x16xf32, #tpu.memory_space<hbm>> -> memref<1x625x16xf32, #tpu.memory_space<hbm>>
      %dma_start3A_153 = tpu.memref_squeeze %dma_start3A_152 : memref<1x625x16xf32, #tpu.memory_space<hbm>> -> memref<625x16xf32, #tpu.memory_space<hbm>>
      %dma_start3A_154 = arith.constant 0 : i32
      %dma_start3A_155 = tpu.memref_slice %arg7[%mul3A_148, %dma_start3A_154] : memref<10000x16xf32, #tpu.memory_space<vmem_shared>> -> memref<625x16xf32, #tpu.memory_space<vmem_shared>>
      tpu.enqueue_dma source(%dma_start3A_155 : memref<625x16xf32, #tpu.memory_space<vmem_shared>>) target(%dma_start3A_153 : memref<625x16xf32, #tpu.memory_space<hbm>>) target_semaphore(%run_scoped3A : memref<!tpu.dma_semaphore, #tpu.memory_space<semaphore_mem>>)
      %dma_wait3A_156 = arith.constant 0 : i32
      %dma_wait3A_157 = tpu.memref_slice %arg3[%arg0, %mul3A_150, %dma_wait3A_156] : memref<2x10000x16xf32, #tpu.memory_space<hbm>> -> memref<1x625x16xf32, #tpu.memory_space<hbm>>
      %dma_wait3A_158 = tpu.memref_squeeze %dma_wait3A_157 : memref<1x625x16xf32, #tpu.memory_space<hbm>> -> memref<625x16xf32, #tpu.memory_space<hbm>>
      %dma_wait3A_159 = arith.constant 0 : i32
      %dma_wait3A_160 = tpu.memref_slice %arg7[%mul3A_148, %dma_wait3A_159] : memref<10000x16xf32, #tpu.memory_space<vmem_shared>> -> memref<625x16xf32, #tpu.memory_space<vmem_shared>>
      tpu.wait_dma2 semaphore(%run_scoped3A : memref<!tpu.dma_semaphore, #tpu.memory_space<semaphore_mem>>) src(%dma_wait3A_160 : memref<625x16xf32, #tpu.memory_space<vmem_shared>>) dst(%dma_wait3A_158 : memref<625x16xf32, #tpu.memory_space<hbm>>)
      tpu.yield
    }) : () -> ()
    return
  }
}

module attributes {stable_mosaic.version = 14 : i64} {
  func.func @body(%arg0: i32, %arg1: memref<2x2000x16xf32, #tpu.memory_space<vmem>>, %arg2: memref<2000x128xf32, #tpu.memory_space<vmem>>, %arg3: memref<128x128xf32, #tpu.memory_space<vmem>>, %arg4: memref<2000x128xf32, #tpu.memory_space<vmem>>, %arg5: memref<2000x1xf32, #tpu.memory_space<vmem>>) attributes {dimension_semantics = [#tpu.dimension_semantics<arbitrary>], iteration_bounds = array<i64: 5>, scalar_prefetch = 0 : i64, scratch_operands = 0 : i64, tpu.core_type = #tpu.core_type<tc>, window_params = [{transform_indices = @transform_0, window_bounds = array<i64: 2, 2000, 16>}, {transform_indices = @transform_1, window_bounds = array<i64: 2000, 128>}, {pipeline_mode = #tpu.pipeline_mode<synchronous>, transform_indices = @transform_2, window_bounds = array<i64: 128, 128>}, {transform_indices = @transform_3, window_bounds = array<i64: 2000, 128>}, {transform_indices = @transform_4, window_bounds = array<i64: 2000, 1>}]} {
    %get3A = arith.constant 0 : index
    %get3A_0 = arith.constant 0 : index
    %get3A_1 = arith.constant 0 : index
    %get3A_2 = vector.load %arg1[%get3A, %get3A_0, %get3A_1] : memref<2x2000x16xf32, #tpu.memory_space<vmem>>, vector<1x2000x16xf32>
    %get3A_3 = vector.shape_cast %get3A_2 : vector<1x2000x16xf32> to vector<2000x16xf32>
    %slice3A = vector.extract_strided_slice %get3A_3 {offsets = [0, 0], sizes = [2000, 1], strides = [1, 1]} : vector<2000x16xf32> to vector<2000x1xf32>
    %get3A_4 = arith.constant 1 : index
    %get3A_5 = arith.constant 0 : index
    %get3A_6 = arith.constant 0 : index
    %get3A_7 = vector.load %arg1[%get3A_4, %get3A_5, %get3A_6] : memref<2x2000x16xf32, #tpu.memory_space<vmem>>, vector<1x2000x16xf32>
    %get3A_8 = vector.shape_cast %get3A_7 : vector<1x2000x16xf32> to vector<2000x16xf32>
    %slice3A_9 = vector.extract_strided_slice %get3A_8 {offsets = [0, 0], sizes = [2000, 1], strides = [1, 1]} : vector<2000x16xf32> to vector<2000x1xf32>
    %add3A = arith.addf %slice3A, %slice3A_9 : vector<2000x1xf32>
    %max3A = arith.constant 1.000000e+00 : f32
    %max3A_10 = vector.broadcast %max3A : f32 to vector<2000x1xf32>
    %max3A_11 = arith.maximumf %add3A, %max3A_10 : vector<2000x1xf32>
    %rsqrt3A = math.rsqrt %max3A_11 : vector<2000x1xf32>
    %get3A_12 = arith.constant 0 : index
    %get3A_13 = arith.constant 0 : index
    %get3A_14 = vector.load %arg2[%get3A_12, %get3A_13] : memref<2000x128xf32, #tpu.memory_space<vmem>>, vector<2000x128xf32>
    %get3A_15 = arith.constant 0 : index
    %get3A_16 = arith.constant 0 : index
    %get3A_17 = vector.load %arg3[%get3A_15, %get3A_16] : memref<128x128xf32, #tpu.memory_space<vmem>>, vector<128x128xf32>
    %dot_general3A = arith.constant dense<0.000000e+00> : vector<2000x128xf32>
    %dot_general3A_18 = tpu.matmul %get3A_14, %get3A_17, %dot_general3A {dimension_numbers = #tpu.dot_dimension_numbers<[1], [0], [0], [1], [0, 0, 1, 1], [], []>, transpose_lhs_hint = false} : vector<2000x128xf32>, vector<128x128xf32>, vector<2000x128xf32> -> vector<2000x128xf32>
    %mul3A = vector.broadcast %rsqrt3A : vector<2000x1xf32> to vector<2000x128xf32>
    %mul3A_19 = arith.mulf %dot_general3A_18, %mul3A : vector<2000x128xf32>
    %swap3A = arith.constant 0 : index
    %swap3A_20 = arith.constant 0 : index
    %swap3A_21 = vector.load %arg4[%swap3A, %swap3A_20] : memref<2000x128xf32, #tpu.memory_space<vmem>>, vector<2000x128xf32>
    tpu.vector_store %arg4[%swap3A, %swap3A_20], %mul3A_19 {strides = array<i32>} : memref<2000x128xf32, #tpu.memory_space<vmem>>, vector<2000x128xf32>,
    %swap3A_22 = arith.constant 0 : index
    %swap3A_23 = arith.constant 0 : index
    %swap3A_24 = vector.load %arg5[%swap3A_22, %swap3A_23] : memref<2000x1xf32, #tpu.memory_space<vmem>>, vector<2000x1xf32>
    tpu.vector_store %arg5[%swap3A_22, %swap3A_23], %rsqrt3A {strides = array<i32>} : memref<2000x1xf32, #tpu.memory_space<vmem>>, vector<2000x1xf32>,
    return
  }
  func.func @transform_0(%arg0: i32) -> (i32, i32, i32) {
    %c0_i32 = arith.constant 0 : i32
    %c0_i32_0 = arith.constant 0 : i32
    %c0_i32_1 = arith.constant 0 : i32
    return %c0_i32, %arg0, %c0_i32_0 : i32, i32, i32
  }
  func.func @transform_1(%arg0: i32) -> (i32, i32) {
    %c0_i32 = arith.constant 0 : i32
    %c0_i32_0 = arith.constant 0 : i32
    return %arg0, %c0_i32 : i32, i32
  }
  func.func @transform_2(%arg0: i32) -> (i32, i32) {
    %c0_i32 = arith.constant 0 : i32
    %c0_i32_0 = arith.constant 0 : i32
    %c0_i32_1 = arith.constant 0 : i32
    return %c0_i32, %c0_i32_0 : i32, i32
  }
  func.func @transform_3(%arg0: i32) -> (i32, i32) {
    %c0_i32 = arith.constant 0 : i32
    %c0_i32_0 = arith.constant 0 : i32
    return %arg0, %c0_i32 : i32, i32
  }
  func.func @transform_4(%arg0: i32) -> (i32, i32) {
    %c0_i32 = arith.constant 0 : i32
    %c0_i32_0 = arith.constant 0 : i32
    return %arg0, %c0_i32 : i32, i32
  }
}

module attributes {stable_mosaic.version = 14 : i64} {
  func.func @body(%arg0: i32, %arg1: memref<2x2000x128xf32, #tpu.memory_space<vmem>>, %arg2: memref<2000x1xf32, #tpu.memory_space<vmem>>, %arg3: memref<1x128xf32, #tpu.memory_space<vmem>>, %arg4: memref<128x48xf32, #tpu.memory_space<vmem>>, %arg5: memref<2000x48xf32, #tpu.memory_space<vmem>>) attributes {dimension_semantics = [#tpu.dimension_semantics<arbitrary>], iteration_bounds = array<i64: 5>, scalar_prefetch = 0 : i64, scratch_operands = 0 : i64, tpu.core_type = #tpu.core_type<tc>, window_params = [{transform_indices = @transform_0, window_bounds = array<i64: 2, 2000, 128>}, {transform_indices = @transform_1, window_bounds = array<i64: 2000, 1>}, {pipeline_mode = #tpu.pipeline_mode<synchronous>, transform_indices = @transform_2, window_bounds = array<i64: 1, 128>}, {pipeline_mode = #tpu.pipeline_mode<synchronous>, transform_indices = @transform_3, window_bounds = array<i64: 128, 48>}, {transform_indices = @transform_4, window_bounds = array<i64: 2000, 48>}]} {
    %get3A = arith.constant 0 : index
    %get3A_0 = arith.constant 0 : index
    %get3A_1 = vector.load %arg2[%get3A, %get3A_0] : memref<2000x1xf32, #tpu.memory_space<vmem>>, vector<2000x1xf32>
    %get3A_2 = arith.constant 0 : index
    %get3A_3 = arith.constant 0 : index
    %get3A_4 = arith.constant 0 : index
    %get3A_5 = vector.load %arg1[%get3A_2, %get3A_3, %get3A_4] : memref<2x2000x128xf32, #tpu.memory_space<vmem>>, vector<1x2000x128xf32>
    %get3A_6 = vector.shape_cast %get3A_5 : vector<1x2000x128xf32> to vector<2000x128xf32>
    %get3A_7 = arith.constant 1 : index
    %get3A_8 = arith.constant 0 : index
    %get3A_9 = arith.constant 0 : index
    %get3A_10 = vector.load %arg1[%get3A_7, %get3A_8, %get3A_9] : memref<2x2000x128xf32, #tpu.memory_space<vmem>>, vector<1x2000x128xf32>
    %get3A_11 = vector.shape_cast %get3A_10 : vector<1x2000x128xf32> to vector<2000x128xf32>
    %add3A = arith.addf %get3A_6, %get3A_11 : vector<2000x128xf32>
    %mul3A = vector.broadcast %get3A_1 : vector<2000x1xf32> to vector<2000x128xf32>
    %mul3A_12 = arith.mulf %add3A, %mul3A : vector<2000x128xf32>
    %get3A_13 = arith.constant 0 : index
    %get3A_14 = arith.constant 0 : index
    %get3A_15 = vector.load %arg3[%get3A_13, %get3A_14] : memref<1x128xf32, #tpu.memory_space<vmem>>, vector<1x128xf32>
    %add3A_16 = vector.broadcast %get3A_15 : vector<1x128xf32> to vector<2000x128xf32>
    %add3A_17 = arith.addf %mul3A_12, %add3A_16 : vector<2000x128xf32>
    %max3A = arith.constant 0.000000e+00 : f32
    %max3A_18 = vector.broadcast %max3A : f32 to vector<2000x128xf32>
    %max3A_19 = arith.maximumf %add3A_17, %max3A_18 : vector<2000x128xf32>
    %get3A_20 = arith.constant 0 : index
    %get3A_21 = arith.constant 0 : index
    %get3A_22 = vector.load %arg4[%get3A_20, %get3A_21] : memref<128x48xf32, #tpu.memory_space<vmem>>, vector<128x48xf32>
    %dot_general3A = arith.constant dense<0.000000e+00> : vector<2000x48xf32>
    %dot_general3A_23 = tpu.matmul %max3A_19, %get3A_22, %dot_general3A {dimension_numbers = #tpu.dot_dimension_numbers<[1], [0], [0], [1], [0, 0, 1, 1], [], []>, transpose_lhs_hint = false} : vector<2000x128xf32>, vector<128x48xf32>, vector<2000x48xf32> -> vector<2000x48xf32>
    %mul3A_24 = vector.broadcast %get3A_1 : vector<2000x1xf32> to vector<2000x48xf32>
    %mul3A_25 = arith.mulf %dot_general3A_23, %mul3A_24 : vector<2000x48xf32>
    %swap3A = arith.constant 0 : index
    %swap3A_26 = arith.constant 0 : index
    %swap3A_27 = vector.load %arg5[%swap3A, %swap3A_26] : memref<2000x48xf32, #tpu.memory_space<vmem>>, vector<2000x48xf32>
    tpu.vector_store %arg5[%swap3A, %swap3A_26], %mul3A_25 {strides = array<i32>} : memref<2000x48xf32, #tpu.memory_space<vmem>>, vector<2000x48xf32>,
    return
  }
  func.func @transform_0(%arg0: i32) -> (i32, i32, i32) {
    %c0_i32 = arith.constant 0 : i32
    %c0_i32_0 = arith.constant 0 : i32
    %c0_i32_1 = arith.constant 0 : i32
    return %c0_i32, %arg0, %c0_i32_0 : i32, i32, i32
  }
  func.func @transform_1(%arg0: i32) -> (i32, i32) {
    %c0_i32 = arith.constant 0 : i32
    %c0_i32_0 = arith.constant 0 : i32
    return %arg0, %c0_i32 : i32, i32
  }
  func.func @transform_2(%arg0: i32) -> (i32, i32) {
    %c0_i32 = arith.constant 0 : i32
    %c0_i32_0 = arith.constant 0 : i32
    %c0_i32_1 = arith.constant 0 : i32
    return %c0_i32, %c0_i32_0 : i32, i32
  }
  func.func @transform_3(%arg0: i32) -> (i32, i32) {
    %c0_i32 = arith.constant 0 : i32
    %c0_i32_0 = arith.constant 0 : i32
    %c0_i32_1 = arith.constant 0 : i32
    return %c0_i32, %c0_i32_0 : i32, i32
  }
  func.func @transform_4(%arg0: i32) -> (i32, i32) {
    %c0_i32 = arith.constant 0 : i32
    %c0_i32_0 = arith.constant 0 : i32
    return %arg0, %c0_i32 : i32, i32
  }
}

module attributes {stable_mosaic.version = 14 : i64} {
  func.func @body(%arg0: i32, %arg1: memref<2x2000x48xf32, #tpu.memory_space<vmem>>, %arg2: memref<2000x1xf32, #tpu.memory_space<vmem>>, %arg3: memref<1x40xf32, #tpu.memory_space<vmem>>, %arg4: memref<2000x40xf32, #tpu.memory_space<vmem>>) attributes {dimension_semantics = [#tpu.dimension_semantics<arbitrary>], iteration_bounds = array<i64: 5>, scalar_prefetch = 0 : i64, scratch_operands = 0 : i64, tpu.core_type = #tpu.core_type<tc>, window_params = [{transform_indices = @transform_0, window_bounds = array<i64: 2, 2000, 48>}, {transform_indices = @transform_1, window_bounds = array<i64: 2000, 1>}, {pipeline_mode = #tpu.pipeline_mode<synchronous>, transform_indices = @transform_2, window_bounds = array<i64: 1, 40>}, {transform_indices = @transform_3, window_bounds = array<i64: 2000, 40>}]} {
    %get3A = arith.constant 0 : index
    %get3A_0 = arith.constant 0 : index
    %get3A_1 = vector.load %arg2[%get3A, %get3A_0] : memref<2000x1xf32, #tpu.memory_space<vmem>>, vector<2000x1xf32>
    %get3A_2 = arith.constant 0 : index
    %get3A_3 = arith.constant 0 : index
    %get3A_4 = arith.constant 0 : index
    %get3A_5 = vector.load %arg1[%get3A_2, %get3A_3, %get3A_4] : memref<2x2000x48xf32, #tpu.memory_space<vmem>>, vector<1x2000x48xf32>
    %get3A_6 = vector.shape_cast %get3A_5 : vector<1x2000x48xf32> to vector<2000x48xf32>
    %get3A_7 = arith.constant 1 : index
    %get3A_8 = arith.constant 0 : index
    %get3A_9 = arith.constant 0 : index
    %get3A_10 = vector.load %arg1[%get3A_7, %get3A_8, %get3A_9] : memref<2x2000x48xf32, #tpu.memory_space<vmem>>, vector<1x2000x48xf32>
    %get3A_11 = vector.shape_cast %get3A_10 : vector<1x2000x48xf32> to vector<2000x48xf32>
    %add3A = arith.addf %get3A_6, %get3A_11 : vector<2000x48xf32>
    %slice3A = vector.extract_strided_slice %add3A {offsets = [0, 0], sizes = [2000, 40], strides = [1, 1]} : vector<2000x48xf32> to vector<2000x40xf32>
    %mul3A = vector.broadcast %get3A_1 : vector<2000x1xf32> to vector<2000x40xf32>
    %mul3A_12 = arith.mulf %slice3A, %mul3A : vector<2000x40xf32>
    %get3A_13 = arith.constant 0 : index
    %get3A_14 = arith.constant 0 : index
    %get3A_15 = vector.load %arg3[%get3A_13, %get3A_14] : memref<1x40xf32, #tpu.memory_space<vmem>>, vector<1x40xf32>
    %add3A_16 = vector.broadcast %get3A_15 : vector<1x40xf32> to vector<2000x40xf32>
    %add3A_17 = arith.addf %mul3A_12, %add3A_16 : vector<2000x40xf32>
    %reduce_max3A = arith.constant dense<0xFF800000> : vector<2000xf32>
    %reduce_max3A_18 = vector.multi_reduction <maximumf>, %add3A_17, %reduce_max3A [1] : vector<2000x40xf32> to vector<2000xf32>
    %broadcast_in_dim3A = vector.shape_cast %reduce_max3A_18 : vector<2000xf32> to vector<2000x1xf32>
    %sub3A = vector.broadcast %broadcast_in_dim3A : vector<2000x1xf32> to vector<2000x40xf32>
    %sub3A_19 = arith.subf %add3A_17, %sub3A : vector<2000x40xf32>
    %exp3A = math.exp %sub3A_19 : vector<2000x40xf32>
    %reduce_sum3A = arith.constant dense<0.000000e+00> : vector<2000xf32>
    %reduce_sum3A_20 = vector.multi_reduction <add>, %exp3A, %reduce_sum3A [1] : vector<2000x40xf32> to vector<2000xf32>
    %broadcast_in_dim3A_21 = vector.shape_cast %reduce_sum3A_20 : vector<2000xf32> to vector<2000x1xf32>
    %log3A = math.log %broadcast_in_dim3A_21 : vector<2000x1xf32>
    %add3A_22 = arith.addf %broadcast_in_dim3A, %log3A : vector<2000x1xf32>
    %sub3A_23 = vector.broadcast %add3A_22 : vector<2000x1xf32> to vector<2000x40xf32>
    %sub3A_24 = arith.subf %add3A_17, %sub3A_23 : vector<2000x40xf32>
    %swap3A = arith.constant 0 : index
    %swap3A_25 = arith.constant 0 : index
    %swap3A_26 = vector.load %arg4[%swap3A, %swap3A_25] : memref<2000x40xf32, #tpu.memory_space<vmem>>, vector<2000x40xf32>
    tpu.vector_store %arg4[%swap3A, %swap3A_25], %sub3A_24 {strides = array<i32>} : memref<2000x40xf32, #tpu.memory_space<vmem>>, vector<2000x40xf32>,
    return
  }
  func.func @transform_0(%arg0: i32) -> (i32, i32, i32) {
    %c0_i32 = arith.constant 0 : i32
    %c0_i32_0 = arith.constant 0 : i32
    %c0_i32_1 = arith.constant 0 : i32
    return %c0_i32, %arg0, %c0_i32_0 : i32, i32, i32
  }
  func.func @transform_1(%arg0: i32) -> (i32, i32) {
    %c0_i32 = arith.constant 0 : i32
    %c0_i32_0 = arith.constant 0 : i32
    return %arg0, %c0_i32 : i32, i32
  }
  func.func @transform_2(%arg0: i32) -> (i32, i32) {
    %c0_i32 = arith.constant 0 : i32
    %c0_i32_0 = arith.constant 0 : i32
    %c0_i32_1 = arith.constant 0 : i32
    return %c0_i32, %c0_i32_0 : i32, i32
  }
  func.func @transform_3(%arg0: i32) -> (i32, i32) {
    %c0_i32 = arith.constant 0 : i32
    %c0_i32_0 = arith.constant 0 : i32
    return %arg0, %c0_i32 : i32, i32
  }
}

</mosaic_0001>

<sc_bundles>
// kernel: kernel.11.cloned.1.call-start
scs
__scs_entry_jumppad:
0x0: {  	(pc) =	sbr.rel $0x88, $3  }
0x1: {  	(tag) =	ssettag $0x0;
	lr =	simm.s32 $0x1  }
0x2: {  	[smem:$0x3F9B] =	sst lr;
	_ =	strace $0xD0000000  }
0x3: {  	_ = 	snop  }
0x4: {  	_ = 	snop  }
0x5: {  	_ = 	snop  }
0x6: {  	_ = 	snop  }
0x7: {  	_ = 	snop  }
__scs_overlays_trampoline_lowered:
0x8: {  	[smem:$0x3FAA] =	sst s0  }
0x9: {  	[smem:$0x3FAB] =	sst s1  }
0xa: {  	[smem:$0x3FAC] =	sst s2  }
0xb: {  	[smem:$0x3FAD] =	sst s3  }
0xc: {  	[smem:$0x3FAE] =	sst s4  }
0xd: {  	[smem:$0x3FAF] =	sst s5  }
0xe: {  	[smem:$0x3FB0] =	sst s6  }
0xf: {  	[smem:$0x3FB1] =	sst s7  }
0x10: {  	[smem:$0x3FB2] =	sst s8  }
0x11: {  	[smem:$0x3FB3] =	sst s9;
	s0 =	simm.s32 @!p0 $0x0  }
0x12: {  	s1 =	sld [smem:$0x3F99];
	s0 =	simm.s32 @p0 $0x1  }
0x13: {  	[smem:$0x3FB4] =	sst s0;
	s0 =	simm.s32 @!p1 $0x0  }
0x14: {  	s2 =	sld [smem:$0x3F98];
	s0 =	simm.s32 @p1 $0x1  }
0x15: {  	[smem:$0x3FB5] =	sst s0;
	s0 =	simm.s32 @!p2 $0x0  }
0x16: {  	s3 =	sld [smem:$0x3FDB];
	s0 =	simm.s32 @p2 $0x1  }
0x17: {  	s4 =	simm.s32 $0x1BF5;
	[smem:$0x3FB7] =	sst s0  }
0x18: {  	s0 =	sld [smem:$0x3F9A];
	_ =	swait.ge [sflag:s4], $0x0  }
0x19: {  	s7 =	sld [smem:$0x3F9B]  }
0x1a: {  	s8 =	sadd.s32 $0xFFFFE003, lr  }
0x1b: {  	s9 =	sadd.s32 $0xFFFFFEF7, lr;
	s5 =	simm.s32 $0xFFFFFFFF;
	p2 =	slt.u32 s8, $0xFFFFF086  }
0x1c: {  	p1 =	slt.u32 s9, $0xF7A;
	s5 =	simm.s32 @!p2 $0x0  }
0x1d: {  	s5 =	simm.s32 @p1 $0x1;
	p0 =	seq.s32 s7, s2  }
0x1e: {  	s7 =	smul.u32 @!p0 $0xF7A, s2;
	p2 =	seq.s32 @!p0 s5, $0x0  }
0x1f: {  	s9 =	smul.u32 $0xF7A, s1;
	s8 =	simm.s32 @!p0 $0x1BF5;
	p2 =	por !p2, p0  }
0x20: {  	[sflag:s8] =	ssyncset.s32 @!p0 $0xFFFFF086;
	s6 =	sadd.s32 @!p0 s3, s7;
	s7 =	simm.s32 @!p0 $0x108  }
0x21: {  	s3 =	sadd.s32 s3, s9;
	s6 =	sadd.s32 @!p0 $0x88, s6;
	s7 =	simm.s32 @p2 $0x1082  }
0x22: {  	[simem:s7], [sflag:s8] =	dma.local @!p0 [hbm:s6], $0xF7A  }
0x23: {  	s9 =	sor.u32 $0xD0000000, s2;
	s6 =	simm.s32 $0x108;
	_ =	swait.ge @!p0 [sflag:s8], $0x0  }
0x24: {  	s3 =	sadd.s32 $0x88, s3;
	s6 =	simm.s32 @!p1 $0x1082;
	[sflag:s4] =	ssyncset.s32 $0xFFFFF086  }
0x25: {  	[simem:s6], [sflag:s4] =	dma.local [hbm:s3], $0xF7A  }
0x26: {  	[smem:$0x3F9B] =	sst s1;
	(tag) =	ssettag s2;
	_ =	strace s9  }
0x27: {  	s1 =	sld [smem:$0x3FAB]  }
0x28: {  	s2 =	sld [smem:$0x3FAC]  }
0x29: {  	s4 =	sld [smem:$0x3FAE]  }
0x2a: {  	p0 =	seq.s32 s5, $0x0;
	s5 =	sld [smem:$0x3FAF]  }
0x2b: {  	s6 =	sld [smem:$0x3FB0]  }
0x2c: {  	s7 =	sld [smem:$0x3FB1]  }
0x2d: {  	s3 =	simm.s32 $0x108;
	s8 =	sld [smem:$0x3FB2]  }
0x2e: {  	s3 =	simm.s32 @!p0 $0x1082;
	s9 =	sld [smem:$0x3FB3]  }
0x2f: {  	lr =	sadd.s32 s0, s3;
	s0 =	sld [smem:$0x3FAA]  }
0x30: {  	s3 =	sld [smem:$0x3FAD]  }
0x31: {  	[smem:$0x3FB6] =	sst s10  }
0x32: {  	s10 =	sld [smem:$0x3FB4];
	_ =	sdelay $0x3  }
0x33: {  	p0 =	seq.s32 s10, $0x1;
	s10 =	sld [smem:$0x3FB6];
	_ =	sdelay $0x3  }
0x34: {  	[smem:$0x3FB6] =	sst s10  }
0x35: {  	s10 =	sld [smem:$0x3FB5];
	_ =	sdelay $0x3  }
0x36: {  	p1 =	seq.s32 s10, $0x1;
	s10 =	sld [smem:$0x3FB6];
	_ =	sdelay $0x3  }
0x37: {  	[smem:$0x3FB6] =	sst s10  }
0x38: {  	s10 =	sld [smem:$0x3FB7]  }
0x39: {  	_ = 	snop;
	(pc) =	sbr.ind lr, $3  }
0x3a: {  	_ = 	snop  }
0x3b: {  	_ = 	snop  }
0x3c: {  	p2 =	seq.s32 s10, $0x1;
	s10 =	sld [smem:$0x3FB6]  }
0x3d: {  	_ =	shalt  }
0x3e: {  	_ =	shalt  }
0x3f: {  	_ =	shalt  }
0x40: {  	_ =	shalt  }
0x41: {  	_ =	shalt  }
0x42: {  	_ =	shalt  }
0x43: {  	_ =	shalt  }
0x44: {  	_ =	shalt  }
0x45: {  	_ =	shalt  }
0x46: {  	_ =	shalt  }
0x47: {  	_ =	shalt  }
0x48: {  	_ =	shalt  }
0x49: {  	_ =	shalt  }
0x4a: {  	_ =	shalt  }
0x4b: {  	_ =	shalt  }
0x4c: {  	_ =	shalt  }
0x4d: {  	_ =	shalt  }
0x4e: {  	_ =	shalt  }
0x4f: {  	_ =	shalt  }
0x50: {  	_ =	shalt  }
0x51: {  	_ =	shalt  }
0x52: {  	_ =	shalt  }
0x53: {  	_ =	shalt  }
0x54: {  	_ =	shalt  }
0x55: {  	_ =	shalt  }
0x56: {  	_ =	shalt  }
0x57: {  	_ =	shalt  }
0x58: {  	_ =	shalt  }
0x59: {  	_ =	shalt  }
0x5a: {  	_ =	shalt  }
0x5b: {  	_ =	shalt  }
0x5c: {  	_ =	shalt  }
0x5d: {  	_ =	shalt  }
0x5e: {  	_ =	shalt  }
0x5f: {  	_ =	shalt  }
0x60: {  	_ =	shalt  }
0x61: {  	_ =	shalt  }
0x62: {  	_ =	shalt  }
0x63: {  	_ =	shalt  }
0x64: {  	_ =	shalt  }
0x65: {  	_ =	shalt  }
0x66: {  	_ =	shalt  }
0x67: {  	_ =	shalt  }
0x68: {  	_ =	shalt  }
0x69: {  	_ =	shalt  }
0x6a: {  	_ =	shalt  }
0x6b: {  	_ =	shalt  }
0x6c: {  	_ =	shalt  }
0x6d: {  	_ =	shalt  }
0x6e: {  	_ =	shalt  }
0x6f: {  	_ =	shalt  }
0x70: {  	_ =	shalt  }
0x71: {  	_ =	shalt  }
0x72: {  	_ =	shalt  }
0x73: {  	_ =	shalt  }
0x74: {  	_ =	shalt  }
0x75: {  	_ =	shalt  }
0x76: {  	_ =	shalt  }
0x77: {  	_ =	shalt  }
0x78: {  	_ =	shalt  }
0x79: {  	_ =	shalt  }
0x7a: {  	_ =	shalt  }
0x7b: {  	_ =	shalt  }
0x7c: {  	_ =	shalt  }
0x7d: {  	_ =	shalt  }
0x7e: {  	_ =	shalt  }
0x7f: {  	_ =	shalt  }
0x80: {  	_ =	shalt  }
0x81: {  	_ =	shalt  }
0x82: {  	_ =	shalt  }
0x83: {  	_ =	shalt  }
0x84: {  	_ =	shalt  }
0x85: {  	_ =	shalt  }
0x86: {  	_ =	shalt  }
0x87: {  	_ =	shalt  }
.Lfunc_end0:
.L_simem_size_0:
called_computation.1_lowered:
.L_overlay_start_0:
0x88: {  	s2 =	sld [smem:$0x3FD9]  }
0x89: {  	s3 =	sld [smem:$0x3FFE];
	_ =	sdelay $0x1  }
0x8a: {  	s1 =	srdreg.scid  }
0x8b: {  	s0 =	sand.u32 $0x1, s1  }
0x8c: {  	s16 =	sshll.u32 s0, $0xA;
	s2 =	sadd.s32 s3, s2  }
0x8d: {  	s2 =	sadd.s32 s2, s16  }
0x8e: {  	[smem:$0x3FC2] =	sst s2  }
0x8f: {  	_ = 	snop  }
0x90: {  	(tm) =	ssettm $0x1  }
0x91: {  	s17 =	sld [smem:$0x3FFB];
	_ =	sdelay $0x3  }
0x92: {  	_ =	strace s17  }
0x93: {  	s2 =	sld [smem:$0x3FFC];
	_ =	sdelay $0x3  }
0x94: {  	_ =	strace s2  }
0x95: {  	s2 =	sld [smem:$0x3FFD];
	_ =	sdelay $0x3  }
0x96: {  	_ =	strace s2  }
0x97: {  	_ =	strace $0x8FFFFFFF  }
0x98: {  	s18 =	sld [smem:$0x3FDB];
	_ =	sdelay $0x1  }
0x99: {  	s19 =	simm.s32 $_scs_section_size  }
0x9a: {  	s4 =	simm.s32 $_size__tile_overlayer_lowered;
	s5 =	simm.s32 $_tile_overlayer_lowered  }
0x9b: {  	s22 =	simm.s32 $0x1BFF;
	s21 =	sshll.u32 s5, $0x1;
	s2 =	sadd.s32 s19, s18  }
0x9c: {  	s6 =	simm.s32 $0x0;
	s20 =	sshll.u32 s4, $0x1;
	s4 =	sadd.s32 s21, s2  }
0x9d: {  	[timem:s6], [sflag:s22] =	dma.local [hbm:s4], s20  }
0x9e: {  	_ =	swait.ge [sflag:s22], s20  }
0x9f: {  	s3 =	ssub.s32 $0x0, s20;
	[sflag:s22] =	ssyncset.done $0x0  }
0xa0: {  	[sflag:s22] =	ssyncadd.s32 s3;
	_ =	sdelay $0x1  }
0xa1: {  	s23 =	simm.s32 $0x1B8B  }
0xa2: {  	_ =	swait.ge [sflag:s23], $0x1  }
0xa3: {  	[sflag:s23] =	ssyncset.done $0x0  }
0xa4: {  	s25 =	simm.s32 $0x1B8E;
	s24 =	sld [smem:$0x3FFE];
	[sflag:s23] =	ssyncadd.s32 $0xFFFFFFFF  }
0xa5: {  	s26 =	simm.s32 $execute0_lowered;
	[smem:$0x3FD2] =	sst s25  }
0xa6: {  	s4 =	sshll.u32 s26, $0x1;
	_ =	strace $0x80000049;
	[dreg:$0x1] =	wrdreg $0xFFFFFFFF  }
0xa7: {  	s28 =	simm.s32 $_size_execute0_lowered;
	s2 =	sadd.s32 s2, s4;
	[dreg:$0x0] =	wrdreg $0x0  }
0xa8: {  	s4 =	sshll.u32 s28, $0x1;
	[dreg:$0x2] =	wrdreg s2  }
0xa9: {  	[dreg:$0x3] =	wrdreg s4  }
0xaa: {  	[dreg:$0x4] =	wrdreg $0xC0  }
0xab: {  	_ =	task [dreg:s6], $0x5FFFF  }
0xac: {  	[dreg:$0x1] =	wrdreg $0xFFFFFFFF  }
0xad: {  	[dreg:$0x0] =	wrdreg $0x60  }
0xae: {  	[dreg:$0x2] =	wrdreg s24  }
0xaf: {  	[dreg:$0x3] =	wrdreg $0xA9D80  }
0xb0: {  	[dreg:$0x4] =	wrdreg $0x9  }
0xb1: {  	_ =	task.clear_ibuf [dreg:s6], $0x5FFFF;
	_ =	strace $0x90000049  }
0xb2: {  	s29 =	simm.s32 $0x9;
	_ =	strace $0x8000004B  }
0xb3: {  	_ =	swait.ge [sflag:s29], $0x1  }
0xb4: {  	[sflag:s29] =	ssyncadd.s32 $0xFFFFFFFF  }
0xb5: {  	_ =	strace $0x9000004B  }
0xb6: {  	_ =	sfence  }
0xb7: {  	s30 =	sld [smem:$0x0];
	_ =	sdelay $0x2  }
0xb8: {  	s31 =	sshll.u32 s1, $0xD;
	s1 =	sshrl.u32 s1, $0x2  }
0xb9: {  	s3 =	sand.u32 $0x4000, s31;
	s1 =	sadd.s32 s1, s30  }
0xba: {  	s0 =	sor.u32 s3, s0;
	s1 =	sshll.u32 s1, $0x11  }
0xbb: {  	s0 =	sor.u32 s1, s0  }
0xbc: {  	s0 =	sadd.s32 $0x8F2B, s0  }
0xbd: {  	[sflag:s0] =	ssyncadd.remote.s32 $0x1  }
0xbe: {  	_ =	sfence.sel $0xFFFF  }
0xbf: {  	[dreg:$0x0] =	wrdreg $0xFFFFFFFF;
	(pc) =	sbr.abs _section_cstart, $3  }
0xc0: {  	[dreg:$0x1] =	wrdreg $0xFFFFFFFF  }
0xc1: {  	_ =	task.clear_ibuf [dreg:s6], $0x2FFFF;
	_ =	strace $0x9FFFFFFF  }
0xc2: {  	(tm) =	ssettm $0x7FFFFFFF  }
0xc3: {  	_ =	shalt  }
tec
execute0_lowered:
.L_overlay_start_1:
0x0: {  	(tag) =	ssettag $0x1  }
0x1: {  	s0 =	srdreg.scid;
	s1 =	rddreg [dreg:$0x0]  }
0x2: {  	s11 =	stileid.u32;
	s2 =	rddreg [dreg:$0x1];
	s3 =	simm.s32 $0x0  }
0x3: {  	s28 =	simm.s32 $0x0;
	s29 =	simm.s32 $0x2;
	s5 =	smul.u32 $0x13880, s11  }
0x4: {  	s30 =	simm.s32 $0xA;
	s31 =	simm.s32 $0xF;
	s8 =	smul.u32 $0x5000, s11  }
0x5: {  	s0 =	sand.u32 $0x1, s0;
	[smem:$0x7FF] =	sst s3;
	s22 =	smul.u32 $0x2BC0, s11  }
0x6: {  	s12 =	sadd.s32 $0x2200, s1;
	p0 =	sgt.u32 s11, $0x9;
	s4 =	smul.u32 $0x138800, s0  }
0x7: {  	s6 =	sshll.u32 s0, $0x4;
	_ =	strace $0x8000004A;
	s15 =	ssub.s32 $0x2, s0  }
0x8: {  	s0 =	smul.u32 $0x2BC00, s0;
	[dreg:$0x3] =	wrdreg s12;
	s6 =	sor.u32 s11, s6  }
0x9: {  	s8 =	sshrl.u32 s8, $0x2;
	s10 =	sshrl.u32 s15, $0x1;
	s4 =	sadd.s32 s5, s4  }
0xa: {  	s6 =	smul.u32 $0x2BC0, s6;
	s13 =	sadd.s32 s8, s2;
	s0 =	sadd.s32 s22, s0  }
0xb: {  	s5 =	sadd.s32 s5, s2;
	s17 =	sadd.s32 $0x14000, s13;
	[dreg:$0x5] =	wrdreg s13  }
0xc: {  	s7 =	sshrl.u32 s4, $0x3;
	s18 =	sadd.s32 $0x28000, s13;
	[dreg:$0x7] =	wrdreg s17  }
0xd: {  	s4 =	sadd.s32 $0x18000, s1;
	s19 =	sadd.s32 $0x3C000, s13;
	[dreg:$0x8] =	wrdreg s18  }
0xe: {  	s20 =	sadd.s32 $0x50000, s13;
	s21 =	sadd.s32 $0x64000, s13;
	[dreg:$0x9] =	wrdreg s19  }
0xf: {  	s23 =	sadd.s32 $0x78000, s13;
	s24 =	sadd.s32 $0x8C000, s13;
	[dreg:$0xa] =	wrdreg s20  }
0x10: {  	s25 =	sadd.s32 $0xA0000, s13;
	s26 =	sadd.s32 $0x1F8, s0;
	[dreg:$0xb] =	wrdreg s21  }
0x11: {  	s8 =	sadd.s32 $0x188, s0;
	s22 =	sadd.s32 $0x118000, s13;
	[dreg:$0xc] =	wrdreg s23  }
0x12: {  	s1 =	sadd.s32 s7, s1;
	s9 =	sshrl.u32 s6, $0x3;
	[dreg:$0xd] =	wrdreg s24  }
0x13: {  	s7 =	ssub.s32 s15, s10;
	s6 =	sadd.s32 $0xA8, s6;
	[dreg:$0xe] =	wrdreg s25  }
0x14: {  	s10 =	sadd.s32 $0x150, s0;
	s17 =	sadd.s32 $0xB4000, s13;
	[dreg:$0x1d] =	wrdreg s22  }
0x15: {  	s18 =	sadd.s32 $0xC8000, s13;
	s19 =	sadd.s32 $0xDC000, s13;
	[dreg:$0x18] =	wrdreg s17  }
0x16: {  	s20 =	sadd.s32 $0xF0000, s13;
	s21 =	sadd.s32 $0x104000, s13;
	[dreg:$0x19] =	wrdreg s18  }
0x17: {  	s23 =	sadd.s32 $0x12C000, s13;
	s13 =	simm.s32 $0x45D8;
	[dreg:$0x1a] =	wrdreg s19  }
0x18: {  	s22 =	simm.s32 $0x2C30;
	s9 =	sadd.s32 s12, s9;
	[dreg:$0x1b] =	wrdreg s20  }
0x19: {  	s6 =	sshrl.u32 s6, $0x3;
	s1 =	sadd.s32 $0x3F200, s1;
	[dreg:$0x1c] =	wrdreg s21  }
0x1a: {  	s3 =	smax.u32 s7, $0x1;
	s7 =	sadd.s32 $0x1C0, s0;
	[dreg:$0x1e] =	wrdreg s23  }
0x1b: {  	s15 =	sshrl.u32 s10, $0x3;
	s0 =	sadd.s32 $0x118, s0;
	[dreg:$0x10] =	wrdreg s1  }
0x1c: {  	s20 =	simm.s32 $0x32;
	s21 =	simm.s32 $0xC;
	[dreg:$0x11] =	wrdreg s3  }
0x1d: {  	s17 =	simm.s32 $0x2CD8;
	s18 =	simm.s32 $0x45D8;
	[dreg:$0x16] =	wrdreg s0  }
0x1e: {  	s16 =	sadd.s32 $0xAF00, s9;
	s6 =	sadd.s32 s12, s6;
	[dreg:$0x4] =	wrdreg s9  }
0x1f: {  	s1 =	sshrl.u32 s26, $0x3;
	s24 =	sadd.s32 $0x7, s9;
	[dreg:$0x6] =	wrdreg s16  }
0x20: {  	s25 =	sadd.s32 $0xE, s9;
	s26 =	sadd.s32 $0x1C, s9;
	[dreg:$0xf] =	wrdreg s6  }
0x21: {  	s0 =	simm.s32 $0x7;
	s9 =	simm.s32 $0x8;
	[dreg:$0x1f] =	wrdreg s24  }
0x22: {  	s1 =	sadd.s32 s1, s12;
	s6 =	sshrl.u32 s8, $0x3;
	[smem:$0x7FC] =	sst s25  }
0x23: {  	s16 =	sshrl.u32 s5, $0x3;
	[smem:$0x7FD] =	sst s26;
	s25 =	simm.s32 $0xD  }
0x24: {  	s26 =	simm.s32 $0x1;
	s24 =	simm.s32 $0xE;
	s8 =	simm.s32 $0x5  }
.Ltmp0:
0x25: {  	[dreg:$0x12] =	wrdreg s1;
	s1 =	sshrl.u32 s7, $0x3;
	(pc) =	sbr.rel .LBB2_1-.Ltmp0, $4  }
0x26: {  	s14 =	sadd.s32 s6, s12;
	[dreg:$0x17] =	wrdreg s16;
	s16 =	simm.s32 $0x2CA0  }
0x27: {  	s6 =	simm.s32 $0x90D8;
	s1 =	sadd.s32 s1, s12;
	[dreg:$0x14] =	wrdreg s14  }
0x28: {  	s7 =	simm.s32 $0x0;
	[dreg:$0x13] =	wrdreg s1;
	s1 =	sadd.s32 s15, s12  }
0x29: {  	v0 =	vimm.f32 $0.0e+00;
	s15 =	simm.s32 $0x2C68;
	[dreg:$0x15] =	wrdreg s1;
	s1 =	simm.s32 $0x4  }
.LBB2_10:
0x2a: {  	_ =	swait.ge [sflag:s8], $0x1900  }
0x2b: {  	[sflag:s8] =	ssyncset.done $0x0  }
0x2c: {  	[sflag:s8] =	ssyncadd.s32 $0xFFFFE700  }
0x2d: {  	_ =	swait.ge [sflag:s9], $0x1900  }
0x2e: {  	[sflag:s9] =	ssyncset.done $0x0  }
0x2f: {  	s5 =	sadd.s32 $0xE0, s23;
	s3 =	simm.s32 $0x9;
	[sflag:s9] =	ssyncadd.s32 $0xFFFFE700  }
0x30: {  	[spmem:s2] =	stream.indirect.scatter.add.f32 [tilespmem:s6], [sflag:$0xA], $0x80, s5, s20, $0xb8;
	[tilespmem:$0x1E258] =	vst v63  }
0x31: {  	_ =	swait.ge [sflag:s3], $0x1900  }
0x32: {  	[sflag:s3] =	ssyncset.done $0x0  }
0x33: {  	[sflag:s3] =	ssyncadd.s32 $0xFFFFE700  }
0x34: {  	_ =	swait.ge [sflag:s30], $0x1900  }
0x35: {  	[sflag:s30] =	ssyncset.done $0x0  }
0x36: {  	[sflag:s30] =	ssyncadd.s32 $0xFFFFE700  }
0x37: {  	s15 =	stileid.u32;
	[bflag:$0x0] =	sbarrier.arrive $0xFFFF  }
0x38: {  	s5 =	sshll.u32 s15, $0x6;
	s7 =	rddreg [dreg:$0x10]  }
0x39: {  	s16 =	simm.s32 $0x12;
	s5 =	sor.u32 $0x1C12, s5;
	s10 =	rddreg [dreg:$0x17]  }
0x3a: {  	[hbm:s7], [sflag:s5] =	dma.local [spmem:s10], $0x2710  }
0x3b: {  	_ =	swait.ge [sflag:s16], $0x2710  }
0x3c: {  	s19 =	sld [smem:$0x7FB];
	_ =	sdelay $0x2  }
0x3d: {  	s23 =	rddreg [dreg:$0x11];
	s7 =	sadd.s32 $0x1, s19  }
0x3e: {  	p1 =	sne.s32 s7, s23  }
.Ltmp1:
0x3f: {  	_ = 	snop;
	(pc) =	sbr.rel @!p1 .LBB2_11-.Ltmp1, $3  }
0x40: {  	_ =	sdelay $0x1  }
0x41: {  	s13 =	simm.s32 $0x45D8;
	[sflag:s16] =	ssyncset.done $0x0  }
0x42: {  	s15 =	simm.s32 $0x2C68;
	[sflag:s16] =	ssyncadd.s32 $0xFFFFD8F0;
	s16 =	simm.s32 $0x2CA0  }
.LBB2_1:
0x43: {  	s5 =	rddreg [dreg:$0x6]  }
0x44: {  	[tilespmem:s28], [sflag:$0x10] =	stream.linear.gather [hbm4b:s5+s28], $0x2BC0, $0x38;
	[tilespmem:$0x1E258] =	vst v63  }
0x45: {  	[smem:$0x7FB] =	sst s7;
	s7 =	simm.s32 $0x200;
	s5 =	simm.s32 $0x0  }
.LBB2_2:
0x46: {  	p1 =	sne.s32 s7, $0x4E00;
	[tilespmem:s5+$0x2D48] =	vst v0  }
0x47: {  	[tilespmem:s5+$0x2CD8] =	vst v0  }
0x48: {  	[tilespmem:s5+$0x2CE8] =	vst v0  }
.Ltmp2:
0x49: {  	[tilespmem:s5+$0x2CF8] =	vst v0;
	(pc) =	sbr.rel @p1 .LBB2_2-.Ltmp2, $4  }
0x4a: {  	[tilespmem:s5+$0x2D08] =	vst v0  }
0x4b: {  	[tilespmem:s5+$0x2D18] =	vst v0  }
0x4c: {  	[tilespmem:s5+$0x2D28] =	vst v0  }
0x4d: {  	[tilespmem:s5+$0x2D38] =	vst v0;
	s5 =	sshra.s32 s7, $0x2;
	s7 =	sadd.s32 $0x200, s7  }
0x4e: {  	[tilespmem:s5+$0x2D48] =	vst v0  }
0x4f: {  	[tilespmem:s5+$0x2CD8] =	vst v0  }
0x50: {  	[tilespmem:s5+$0x2CE8] =	vst v0  }
0x51: {  	[tilespmem:s5+$0x2CF8] =	vst v0  }
0x52: {  	[tilespmem:s5+$0x2D08] =	vst v0  }
0x53: {  	[tilespmem:s5+$0x2D18] =	vst v0  }
0x54: {  	[tilespmem:s5+$0x2D28] =	vst v0  }
0x55: {  	[tilespmem:s5+$0x2D38] =	vst v0;
	s3 =	rddreg [dreg:$0x5];
	s10 =	simm.s32 $0x2CD8  }
0x56: {  	[spmem:s3] =	stream.linear.scatter [tilespmem:s10], [sflag:$0x11], $0x1400, $0x38;
	[tilespmem:$0x1E258] =	vst v63  }
0x57: {  	s7 =	rddreg [dreg:$0x7]  }
0x58: {  	[spmem:s7] =	stream.linear.scatter [tilespmem:s10], [sflag:$0x11], $0x1400, $0x38;
	[tilespmem:$0x1E258] =	vst v63  }
0x59: {  	s11 =	rddreg [dreg:$0x8]  }
0x5a: {  	[spmem:s11] =	stream.linear.scatter [tilespmem:s10], [sflag:$0x11], $0x1400, $0x38;
	[tilespmem:$0x1E258] =	vst v63  }
0x5b: {  	s12 =	rddreg [dreg:$0x9]  }
0x5c: {  	[spmem:s12] =	stream.linear.scatter [tilespmem:s10], [sflag:$0x11], $0x1400, $0x38;
	[tilespmem:$0x1E258] =	vst v63  }
0x5d: {  	s14 =	rddreg [dreg:$0xa]  }
0x5e: {  	[spmem:s14] =	stream.linear.scatter [tilespmem:s10], [sflag:$0x11], $0x1400, $0x38;
	[tilespmem:$0x1E258] =	vst v63  }
0x5f: {  	s19 =	rddreg [dreg:$0xb]  }
0x60: {  	[spmem:s19] =	stream.linear.scatter [tilespmem:s10], [sflag:$0x11], $0x1400, $0x38;
	[tilespmem:$0x1E258] =	vst v63  }
0x61: {  	s23 =	rddreg [dreg:$0xc]  }
0x62: {  	[spmem:s23] =	stream.linear.scatter [tilespmem:s10], [sflag:$0x11], $0x1400, $0x38;
	[tilespmem:$0x1E258] =	vst v63  }
0x63: {  	s3 =	rddreg [dreg:$0xd]  }
0x64: {  	[spmem:s3] =	stream.linear.scatter [tilespmem:s10], [sflag:$0x11], $0x1400, $0x38;
	[tilespmem:$0x1E258] =	vst v63  }
0x65: {  	s7 =	rddreg [dreg:$0xe]  }
0x66: {  	[spmem:s7] =	stream.linear.scatter [tilespmem:s10], [sflag:$0x11], $0x1400, $0x38;
	[tilespmem:$0x1E258] =	vst v63  }
0x67: {  	s11 =	rddreg [dreg:$0x18]  }
0x68: {  	[spmem:s11] =	stream.linear.scatter [tilespmem:s10], [sflag:$0x11], $0x1400, $0x38;
	[tilespmem:$0x1E258] =	vst v63  }
0x69: {  	s12 =	rddreg [dreg:$0x19]  }
0x6a: {  	[spmem:s12] =	stream.linear.scatter [tilespmem:s10], [sflag:$0x11], $0x1400, $0x38;
	[tilespmem:$0x1E258] =	vst v63  }
0x6b: {  	s14 =	rddreg [dreg:$0x1a]  }
0x6c: {  	[spmem:s14] =	stream.linear.scatter [tilespmem:s10], [sflag:$0x11], $0x1400, $0x38;
	[tilespmem:$0x1E258] =	vst v63  }
0x6d: {  	s19 =	rddreg [dreg:$0x1b]  }
0x6e: {  	[spmem:s19] =	stream.linear.scatter [tilespmem:s10], [sflag:$0x11], $0x1400, $0x38;
	[tilespmem:$0x1E258] =	vst v63  }
0x6f: {  	s23 =	rddreg [dreg:$0x1c]  }
0x70: {  	[spmem:s23] =	stream.linear.scatter [tilespmem:s10], [sflag:$0x11], $0x1400, $0x38;
	[tilespmem:$0x1E258] =	vst v63  }
0x71: {  	s3 =	rddreg [dreg:$0x1d]  }
0x72: {  	[spmem:s3] =	stream.linear.scatter [tilespmem:s10], [sflag:$0x11], $0x1400, $0x38;
	[tilespmem:$0x1E258] =	vst v63  }
0x73: {  	s5 =	simm.s32 @!p0 $0x2CD8;
	s7 =	rddreg [dreg:$0x1e]  }
0x74: {  	[spmem:s7] =	stream.linear.scatter @!p0 [tilespmem:s5], [sflag:$0x11], $0x1400, $0x38;
	[tilespmem:$0x1E258] =	vst v63  }
0x75: {  	s7 =	simm.s32 $0x11  }
0x76: {  	_ =	swait.ge [sflag:s7], $0x1400  }
0x77: {  	[sflag:s7] =	ssyncset.done $0x0  }
0x78: {  	[sflag:s7] =	ssyncadd.s32 $0xFFFFEC00  }
0x79: {  	_ =	swait.ge [sflag:s7], $0x1400  }
0x7a: {  	[sflag:s7] =	ssyncset.done $0x0  }
0x7b: {  	[sflag:s7] =	ssyncadd.s32 $0xFFFFEC00  }
0x7c: {  	_ =	swait.ge [sflag:s7], $0x1400  }
0x7d: {  	[sflag:s7] =	ssyncset.done $0x0  }
0x7e: {  	[sflag:s7] =	ssyncadd.s32 $0xFFFFEC00  }
0x7f: {  	_ =	swait.ge [sflag:s7], $0x1400  }
0x80: {  	[sflag:s7] =	ssyncset.done $0x0  }
0x81: {  	[sflag:s7] =	ssyncadd.s32 $0xFFFFEC00  }
0x82: {  	_ =	swait.ge [sflag:s7], $0x1400  }
0x83: {  	[sflag:s7] =	ssyncset.done $0x0  }
0x84: {  	[sflag:s7] =	ssyncadd.s32 $0xFFFFEC00  }
0x85: {  	_ =	swait.ge [sflag:s7], $0x1400  }
0x86: {  	[sflag:s7] =	ssyncset.done $0x0  }
0x87: {  	[sflag:s7] =	ssyncadd.s32 $0xFFFFEC00  }
0x88: {  	_ =	swait.ge [sflag:s7], $0x1400  }
0x89: {  	[sflag:s7] =	ssyncset.done $0x0  }
0x8a: {  	[sflag:s7] =	ssyncadd.s32 $0xFFFFEC00  }
0x8b: {  	_ =	swait.ge [sflag:s7], $0x1400  }
0x8c: {  	[sflag:s7] =	ssyncset.done $0x0  }
0x8d: {  	[sflag:s7] =	ssyncadd.s32 $0xFFFFEC00  }
0x8e: {  	_ =	swait.ge [sflag:s7], $0x1400  }
0x8f: {  	[sflag:s7] =	ssyncset.done $0x0  }
0x90: {  	[sflag:s7] =	ssyncadd.s32 $0xFFFFEC00  }
0x91: {  	_ =	swait.ge [sflag:s7], $0x1400  }
0x92: {  	[sflag:s7] =	ssyncset.done $0x0  }
0x93: {  	[sflag:s7] =	ssyncadd.s32 $0xFFFFEC00  }
0x94: {  	_ =	swait.ge [sflag:s7], $0x1400  }
0x95: {  	[sflag:s7] =	ssyncset.done $0x0  }
0x96: {  	[sflag:s7] =	ssyncadd.s32 $0xFFFFEC00  }
0x97: {  	_ =	swait.ge [sflag:s7], $0x1400  }
0x98: {  	[sflag:s7] =	ssyncset.done $0x0  }
0x99: {  	[sflag:s7] =	ssyncadd.s32 $0xFFFFEC00  }
0x9a: {  	_ =	swait.ge [sflag:s7], $0x1400  }
0x9b: {  	[sflag:s7] =	ssyncset.done $0x0  }
0x9c: {  	[sflag:s7] =	ssyncadd.s32 $0xFFFFEC00  }
0x9d: {  	_ =	swait.ge [sflag:s7], $0x1400  }
0x9e: {  	[sflag:s7] =	ssyncset.done $0x0  }
0x9f: {  	[sflag:s7] =	ssyncadd.s32 $0xFFFFEC00  }
0xa0: {  	_ =	swait.ge [sflag:s7], $0x1400  }
0xa1: {  	[sflag:s7] =	ssyncset.done $0x0  }
0xa2: {  	s5 =	simm.s32 @!p0 $0x11;
	[sflag:s7] =	ssyncadd.s32 $0xFFFFEC00  }
0xa3: {  	_ =	swait.ge @!p0 [sflag:s5], $0x1400  }
0xa4: {  	[sflag:s5] =	ssyncset.done @!p0 $0x0  }
0xa5: {  	s11 =	simm.s32 $0x10;
	[sflag:s5] =	ssyncadd.s32 @!p0 $0xFFFFEC00  }
0xa6: {  	_ =	swait.ge [sflag:s11], $0x2BC0  }
0xa7: {  	[sflag:s11] =	ssyncset.done $0x0  }
0xa8: {  	[sflag:s11] =	ssyncadd.s32 $0xFFFFD440  }
0xa9: {  	[bflag:$0x0] =	sbarrier.arrive $0xFFFF  }
0xaa: {  	s12 =	rddreg [dreg:$0x4]  }
0xab: {  	s19 =	simm.s32 $0x0;
	s7 =	simm.s32 $0x2BC0;
	s14 =	rddreg [dreg:$0x1f]  }
0xac: {  	[tilespmem:s7], [sflag:$0xB] =	stream.linear.gather [hbm4b:s12+s19], $0x38, $0x38;
	[tilespmem:$0x1E258] =	vst v63  }
0xad: {  	s11 =	simm.s32 $0x2BF8;
	s23 =	sld [smem:$0x7FC]  }
0xae: {  	[tilespmem:s11], [sflag:$0xC] =	stream.linear.gather [hbm4b:s14+s19], $0x38, $0x38;
	[tilespmem:$0x1E258] =	vst v63  }
0xaf: {  	s3 =	rddreg [dreg:$0xf];
	s12 =	simm.s32 $0x2C30  }
0xb0: {  	[tilespmem:s12], [sflag:$0xD] =	stream.linear.gather [hbm4b:s23+s19], $0x38, $0x38;
	[tilespmem:$0x1E258] =	vst v63  }
0xb1: {  	s14 =	sld [smem:$0x7FD]  }
0xb2: {  	[tilespmem:s15], [sflag:$0xE] =	stream.linear.gather [hbm4b:s3+s19], $0x38, $0x38;
	[tilespmem:$0x1E258] =	vst v63  }
0xb3: {  	s3 =	simm.s32 $0xB  }
0xb4: {  	[tilespmem:s16], [sflag:$0xF] =	stream.linear.gather [hbm4b:s14+s19], $0x38, $0x38;
	[tilespmem:$0x1E258] =	vst v63  }
0xb5: {  	_ =	swait.ge [sflag:s3], $0x38  }
0xb6: {  	[sflag:s3] =	ssyncset.done $0x0  }
0xb7: {  	[sflag:s3] =	ssyncadd.s32 $0xFFFFFFC8  }
0xb8: {  	[tilespmem:s10], [sflag:$0x1] =	stream.indirect.gather [hbm4b:s4+s20], $0x80, s7, s20, $0xb8;
	[tilespmem:$0x1E258] =	vst v63  }
0xb9: {  	_ =	swait.ge [sflag:s21], $0x38  }
0xba: {  	[sflag:s21] =	ssyncset.done $0x0  }
0xbb: {  	[sflag:s21] =	ssyncadd.s32 $0xFFFFFFC8  }
0xbc: {  	[tilespmem:s13], [sflag:$0x2] =	stream.indirect.gather [hbm4b:s4+s20], $0x80, s11, s20, $0xb8;
	[tilespmem:$0x1E258] =	vst v63  }
0xbd: {  	_ =	swait.ge [sflag:s25], $0x38  }
0xbe: {  	s10 =	rddreg [dreg:$0x16]  }
0xbf: {  	s7 =	rddreg [dreg:$0x15]  }
0xc0: {  	s13 =	rddreg [dreg:$0x14]  }
0xc1: {  	[sflag:s25] =	ssyncset.done $0x0;
	s14 =	rddreg [dreg:$0x13]  }
0xc2: {  	s23 =	simm.s32 $0x5ED8;
	s5 =	rddreg [dreg:$0x12];
	[sflag:s25] =	ssyncadd.s32 $0xFFFFFFC8  }
0xc3: {  	[tilespmem:s23], [sflag:$0x3] =	stream.indirect.gather [hbm4b:s4+s20], $0x80, s12, s20, $0xb8;
	[tilespmem:$0x1E258] =	vst v63  }
.LBB2_4:
0xc4: {  	_ =	swait.ge [sflag:s26], $0x1900  }
0xc5: {  	p1 =	seq.s32 s19, $0x0;
	[sflag:s26] =	ssyncset.done $0x0  }
0xc6: {  	s23 =	simm.s32 @!p1 $0x9;
	[sflag:s26] =	ssyncadd.s32 $0xFFFFE700  }
0xc7: {  	_ =	swait.ge @!p1 [sflag:s23], $0x1900  }
0xc8: {  	[sflag:s23] =	ssyncset.done @!p1 $0x0  }
0xc9: {  	p2 =	sne.s32 s19, $0xAAA0;
	[sflag:s23] =	ssyncadd.s32 @!p1 $0xFFFFE700;
	s23 =	sshra.s32 s19, $0x2  }
0xca: {  	[spmem:s2] =	stream.indirect.scatter.add.f32 [tilespmem:s17], [sflag:$0x6], $0x80, s23, s20, $0xb8;
	[tilespmem:$0x1E258] =	vst v63  }
.Ltmp3:
0xcb: {  	_ = 	snop;
	(pc) =	sbr.rel @p2 .LBB2_6-.Ltmp3, $4  }
0xcc: {  	_ =	swait.ge [sflag:s24], $0x38  }
0xcd: {  	[sflag:s24] =	ssyncset.done $0x0  }
0xce: {  	s3 =	simm.s32 $0x77D8;
	[sflag:s24] =	ssyncadd.s32 $0xFFFFFFC8  }
0xcf: {  	[tilespmem:s3], [sflag:$0x4] =	stream.indirect.gather [hbm4b:s4+s20], $0x80, s15, s20, $0xb8;
	[tilespmem:$0x1E258] =	vst v63  }
.Ltmp4:
0xd0: {  	(pc) =	sbr.rel .LBB2_7-.Ltmp4, $4  }
0xd1: {  	_ = 	snop  }
0xd2: {  	_ =	swait.ge [sflag:s29], $0x1900  }
0xd3: {  	[sflag:s29] =	ssyncset.done $0x0  }
0xd4: {  	[sflag:s29] =	ssyncadd.s32 $0xFFFFE700  }
.LBB2_6:
0xd5: {  	s15 =	sshrl.u32 s10, $0x3;
	s11 =	rddreg [dreg:$0x3]  }
.Ltmp5:
0xd6: {  	s12 =	simm.s32 $0x2BC0;
	s15 =	sadd.s32 s11, s15;
	(pc) =	sbr.rel @p1 .LBB2_8-.Ltmp5, $4  }
0xd7: {  	[tilespmem:s12], [sflag:$0xB] =	stream.linear.gather [hbm4b:s15+s28], $0x38, $0x38;
	[tilespmem:$0x1E258] =	vst v63  }
0xd8: {  	_ =	swait.ge [sflag:s29], $0x1900  }
0xd9: {  	[sflag:s29] =	ssyncset.done $0x0  }
0xda: {  	[sflag:s29] =	ssyncadd.s32 $0xFFFFE700  }
.LBB2_7:
0xdb: {  	_ =	swait.ge [sflag:s30], $0x1900  }
0xdc: {  	[sflag:s30] =	ssyncset.done $0x0  }
0xdd: {  	[sflag:s30] =	ssyncadd.s32 $0xFFFFE700  }
.LBB2_8:
0xde: {  	s15 =	sadd.s32 $0x38, s23  }
0xdf: {  	[spmem:s2] =	stream.indirect.scatter.add.f32 [tilespmem:s18], [sflag:$0x7], $0x80, s15, s20, $0xb8;
	[tilespmem:$0x1E258] =	vst v63  }
0xe0: {  	_ =	swait.ge [sflag:s31], $0x38  }
0xe1: {  	p1 =	seq.s32 s19, $0xAAA0;
	[sflag:s31] =	ssyncset.done $0x0  }
0xe2: {  	s15 =	simm.s32 @p1 $0x3;
	[sflag:s31] =	ssyncadd.s32 $0xFFFFFFC8  }
0xe3: {  	[tilespmem:s6], [sflag:$0x5] =	stream.indirect.gather [hbm4b:s4+s20], $0x80, s16, s20, $0xb8;
	[tilespmem:$0x1E258] =	vst v63  }
0xe4: {  	_ =	swait.ge @p1 [sflag:s15], $0x1900  }
0xe5: {  	[sflag:s15] =	ssyncset.done @p1 $0x0  }
0xe6: {  	[sflag:s15] =	ssyncadd.s32 @p1 $0xFFFFE700;
	s15 =	simm.s32 @p1 $0x6  }
0xe7: {  	_ =	swait.ge @p1 [sflag:s15], $0x1900  }
0xe8: {  	[sflag:s15] =	ssyncset.done @p1 $0x0  }
0xe9: {  	[sflag:s15] =	ssyncadd.s32 @p1 $0xFFFFE700;
	s15 =	sshra.s32 @p1 s19, $0x2  }
0xea: {  	s12 =	simm.s32 @p1 $0x5ED8;
	s16 =	simm.s32 @p1 $0x32;
	s15 =	sadd.s32 @p1 $0x70, s15  }
0xeb: {  	[spmem:s2] =	stream.indirect.scatter.add.f32 @p1 [tilespmem:s12], [sflag:$0x8], $0x80, s15, s16, $0xb8;
	[tilespmem:$0x1E258] =	vst v63  }
0xec: {  	s12 =	simm.s32 @!p1 $0x0;
	s15 =	simm.s32 @!p1 $0x2BF8  }
0xed: {  	[tilespmem:s15], [sflag:$0xC] =	stream.linear.gather @!p1 [hbm4b:s7+s12], $0x38, $0x38;
	[tilespmem:$0x1E258] =	vst v63  }
0xee: {  	s15 =	simm.s32 @!p1 $0x3  }
0xef: {  	_ =	swait.ge @!p1 [sflag:s15], $0x1900  }
0xf0: {  	[sflag:s15] =	ssyncset.done @!p1 $0x0  }
0xf1: {  	[sflag:s15] =	ssyncadd.s32 @!p1 $0xFFFFE700;
	s15 =	simm.s32 @!p1 $0x6  }
0xf2: {  	_ =	swait.ge @!p1 [sflag:s15], $0x1900  }
0xf3: {  	[sflag:s15] =	ssyncset.done @!p1 $0x0  }
0xf4: {  	[sflag:s15] =	ssyncadd.s32 @!p1 $0xFFFFE700;
	s15 =	sshra.s32 @!p1 s19, $0x2  }
0xf5: {  	s11 =	simm.s32 @!p1 $0x5ED8;
	s16 =	simm.s32 @!p1 $0x32;
	s15 =	sadd.s32 @!p1 $0x70, s15  }
0xf6: {  	[spmem:s2] =	stream.indirect.scatter.add.f32 @!p1 [tilespmem:s11], [sflag:$0x8], $0x80, s15, s16, $0xb8;
	[tilespmem:$0x1E258] =	vst v63  }
0xf7: {  	s11 =	simm.s32 @!p1 $0xB  }
0xf8: {  	_ =	swait.ge @!p1 [sflag:s11], $0x38  }
0xf9: {  	[sflag:s11] =	ssyncset.done @!p1 $0x0  }
0xfa: {  	s15 =	simm.s32 @!p1 $0x2CD8;
	[sflag:s11] =	ssyncadd.s32 @!p1 $0xFFFFFFC8;
	s11 =	simm.s32 @!p1 $0x2BC0  }
0xfb: {  	[tilespmem:s15], [sflag:$0x1] =	stream.indirect.gather @!p1 [hbm4b:s4+s16], $0x80, s11, s16, $0xb8;
	[tilespmem:$0x1E258] =	vst v63  }
0xfc: {  	s11 =	simm.s32 @!p1 $0x2C30  }
0xfd: {  	[tilespmem:s11], [sflag:$0xD] =	stream.linear.gather @!p1 [hbm4b:s13+s12], $0x38, $0x38;
	[tilespmem:$0x1E258] =	vst v63  }
0xfe: {  	_ =	swait.ge [sflag:s1], $0x1900  }
0xff: {  	[sflag:s1] =	ssyncset.done $0x0  }
.Ltmp6:
0x100: {  	[sflag:s1] =	ssyncadd.s32 $0xFFFFE700;
	(pc) =	sbr.rel @p1 .LBB2_10-.Ltmp6, $4  }
0x101: {  	_ =	swait.ge [sflag:s0], $0x1900  }
0x102: {  	s3 =	simm.s32 $0x2CA0;
	[sflag:s0] =	ssyncset.done $0x0  }
0x103: {  	s15 =	sadd.s32 $0xA8, s23;
	s16 =	simm.s32 $0x77D8;
	[sflag:s0] =	ssyncadd.s32 $0xFFFFE700  }
0x104: {  	[spmem:s2] =	stream.indirect.scatter.add.f32 [tilespmem:s16], [sflag:$0x9], $0x80, s15, s20, $0xb8;
	[tilespmem:$0x1E258] =	vst v63  }
0x105: {  	_ =	swait.ge [sflag:s21], $0x38  }
0x106: {  	[sflag:s21] =	ssyncset.done $0x0  }
0x107: {  	s11 =	simm.s32 $0x2BF8;
	[sflag:s21] =	ssyncadd.s32 $0xFFFFFFC8  }
0x108: {  	[tilespmem:s18], [sflag:$0x2] =	stream.indirect.gather [hbm4b:s4+s20], $0x80, s11, s20, $0xb8;
	[tilespmem:$0x1E258] =	vst v63  }
0x109: {  	s15 =	simm.s32 $0x2C68;
	s12 =	simm.s32 $0x0  }
0x10a: {  	[tilespmem:s15], [sflag:$0xE] =	stream.linear.gather [hbm4b:s14+s12], $0x38, $0x38;
	[tilespmem:$0x1E258] =	vst v63  }
0x10b: {  	_ =	swait.ge [sflag:s8], $0x1900  }
0x10c: {  	[sflag:s8] =	ssyncset.done $0x0  }
0x10d: {  	[sflag:s8] =	ssyncadd.s32 $0xFFFFE700  }
0x10e: {  	_ =	swait.ge [sflag:s9], $0x1900  }
0x10f: {  	[sflag:s9] =	ssyncset.done $0x0  }
0x110: {  	s16 =	sadd.s32 $0xE0, s23;
	[sflag:s9] =	ssyncadd.s32 $0xFFFFE700  }
0x111: {  	[spmem:s2] =	stream.indirect.scatter.add.f32 [tilespmem:s6], [sflag:$0xA], $0x80, s16, s20, $0xb8;
	[tilespmem:$0x1E258] =	vst v63  }
0x112: {  	_ =	swait.ge [sflag:s25], $0x38  }
0x113: {  	s23 =	simm.s32 $0x5ED8;
	s28 =	simm.s32 $0x0;
	[sflag:s25] =	ssyncset.done $0x0  }
.Ltmp7:
0x114: {  	s13 =	sadd.s32 $0x23, s13;
	[sflag:s25] =	ssyncadd.s32 $0xFFFFFFC8;
	(pc) =	sbr.rel .LBB2_4-.Ltmp7, $4  }
0x115: {  	[tilespmem:s23], [sflag:$0x3] =	stream.indirect.gather [hbm4b:s4+s20], $0x80, s22, s20, $0xb8;
	[tilespmem:$0x1E258] =	vst v63  }
0x116: {  	s7 =	sadd.s32 $0x23, s7;
	s10 =	sadd.s32 $0x118, s10;
	s19 =	sadd.s32 $0x460, s19  }
0x117: {  	[tilespmem:s3], [sflag:$0xF] =	stream.linear.gather [hbm4b:s5+s12], $0x38, $0x38;
	[tilespmem:$0x1E258] =	vst v63  }
0x118: {  	s14 =	sadd.s32 $0x23, s14;
	s16 =	simm.s32 $0x2CA0;
	s5 =	sadd.s32 $0x23, s5  }
.LBB2_11:
0x119: {  	_ =	sfence.sel $0x180000  }
0x11a: {  	[bflag:$0x0] =	sbarrier.arrive $0xFFFF  }
0x11b: {  	_ =	strace $0x9000004A  }
0x11c: {  	s0 =	stileid.u32;
	[bflag:$0x2] =	sbarrier.arrive $0xFFFF  }
0x11d: {  	p0 =	sne.s32 s0, $0x0;
	s0 =	rddreg [dreg:$0x2]  }
0x11e: {  	s0 =	sadd.s32 @!p0 $0x100000, s0  }
0x11f: {  	[sflag:s0] =	ssyncadd.tile.s32 @!p0 $0x1;
	_ =	shalt  }
.Lfunc_end2:
_tile_overlayer_lowered:
.L_overlay_start_2:
0x120: {  	(tag) =	ssettag $0x2  }
0x121: {  	s0 =	rddreg [dreg:$0x0];
	s2 =	stileid.u32  }
0x122: {  	s1 =	rddreg [dreg:$0x1];
	p0 =	sne.s32 s2, $0x0  }
0x123: {  	s3 =	rddreg [dreg:$0x2];
	[bflag:$0x3] =	sbarrier.arrive $0xFFFF;
	s2 =	simm.s32 @!p0 $0x1C12  }
0x124: {  	[timem:s3], [sflag:s2] =	dma.local @!p0 [hbm:s0], s1  }
0x125: {  	s0 =	simm.s32 @!p0 $0x12  }
0x126: {  	_ =	swait.ge @!p0 [sflag:s0], s1  }
0x127: {  	s1 =	ssub.s32 @!p0 $0x0, s1;
	[sflag:s0] =	ssyncset.done @!p0 $0x0  }
0x128: {  	[sflag:s0] =	ssyncadd.s32 @!p0 s1  }
0x129: {  	[bflag:$0x3] =	sbarrier.arrive $0xFFFF  }
0x12a: {  	_ =	shalt  }

// kernel: kernel.14.cloned.1.call-start
scs
__scs_entry_jumppad:
0x0: {  	(pc) =	sbr.rel $0x88, $3  }
0x1: {  	(tag) =	ssettag $0x0;
	lr =	simm.s32 $0x1  }
0x2: {  	[smem:$0x3F9B] =	sst lr;
	_ =	strace $0xD0000000  }
0x3: {  	_ = 	snop  }
0x4: {  	_ = 	snop  }
0x5: {  	_ = 	snop  }
0x6: {  	_ = 	snop  }
0x7: {  	_ = 	snop  }
__scs_overlays_trampoline_lowered:
0x8: {  	[smem:$0x3FAA] =	sst s0  }
0x9: {  	[smem:$0x3FAB] =	sst s1  }
0xa: {  	[smem:$0x3FAC] =	sst s2  }
0xb: {  	[smem:$0x3FAD] =	sst s3  }
0xc: {  	[smem:$0x3FAE] =	sst s4  }
0xd: {  	[smem:$0x3FAF] =	sst s5  }
0xe: {  	[smem:$0x3FB0] =	sst s6  }
0xf: {  	[smem:$0x3FB1] =	sst s7  }
0x10: {  	[smem:$0x3FB2] =	sst s8  }
0x11: {  	[smem:$0x3FB3] =	sst s9;
	s0 =	simm.s32 @!p0 $0x0  }
0x12: {  	s1 =	sld [smem:$0x3F99];
	s0 =	simm.s32 @p0 $0x1  }
0x13: {  	[smem:$0x3FB4] =	sst s0;
	s0 =	simm.s32 @!p1 $0x0  }
0x14: {  	s2 =	sld [smem:$0x3F98];
	s0 =	simm.s32 @p1 $0x1  }
0x15: {  	[smem:$0x3FB5] =	sst s0;
	s0 =	simm.s32 @!p2 $0x0  }
0x16: {  	s3 =	sld [smem:$0x3FDB];
	s0 =	simm.s32 @p2 $0x1  }
0x17: {  	s4 =	simm.s32 $0x1BF5;
	[smem:$0x3FB7] =	sst s0  }
0x18: {  	s0 =	sld [smem:$0x3F9A];
	_ =	swait.ge [sflag:s4], $0x0  }
0x19: {  	s7 =	sld [smem:$0x3F9B]  }
0x1a: {  	s8 =	sadd.s32 $0xFFFFE003, lr  }
0x1b: {  	s9 =	sadd.s32 $0xFFFFFEF7, lr;
	s5 =	simm.s32 $0xFFFFFFFF;
	p2 =	slt.u32 s8, $0xFFFFF086  }
0x1c: {  	p1 =	slt.u32 s9, $0xF7A;
	s5 =	simm.s32 @!p2 $0x0  }
0x1d: {  	s5 =	simm.s32 @p1 $0x1;
	p0 =	seq.s32 s7, s2  }
0x1e: {  	s7 =	smul.u32 @!p0 $0xF7A, s2;
	p2 =	seq.s32 @!p0 s5, $0x0  }
0x1f: {  	s9 =	smul.u32 $0xF7A, s1;
	s8 =	simm.s32 @!p0 $0x1BF5;
	p2 =	por !p2, p0  }
0x20: {  	[sflag:s8] =	ssyncset.s32 @!p0 $0xFFFFF086;
	s6 =	sadd.s32 @!p0 s3, s7;
	s7 =	simm.s32 @!p0 $0x108  }
0x21: {  	s3 =	sadd.s32 s3, s9;
	s6 =	sadd.s32 @!p0 $0x88, s6;
	s7 =	simm.s32 @p2 $0x1082  }
0x22: {  	[simem:s7], [sflag:s8] =	dma.local @!p0 [hbm:s6], $0xF7A  }
0x23: {  	s9 =	sor.u32 $0xD0000000, s2;
	s6 =	simm.s32 $0x108;
	_ =	swait.ge @!p0 [sflag:s8], $0x0  }
0x24: {  	s3 =	sadd.s32 $0x88, s3;
	s6 =	simm.s32 @!p1 $0x1082;
	[sflag:s4] =	ssyncset.s32 $0xFFFFF086  }
0x25: {  	[simem:s6], [sflag:s4] =	dma.local [hbm:s3], $0xF7A  }
0x26: {  	[smem:$0x3F9B] =	sst s1;
	(tag) =	ssettag s2;
	_ =	strace s9  }
0x27: {  	s1 =	sld [smem:$0x3FAB]  }
0x28: {  	s2 =	sld [smem:$0x3FAC]  }
0x29: {  	s4 =	sld [smem:$0x3FAE]  }
0x2a: {  	p0 =	seq.s32 s5, $0x0;
	s5 =	sld [smem:$0x3FAF]  }
0x2b: {  	s6 =	sld [smem:$0x3FB0]  }
0x2c: {  	s7 =	sld [smem:$0x3FB1]  }
0x2d: {  	s3 =	simm.s32 $0x108;
	s8 =	sld [smem:$0x3FB2]  }
0x2e: {  	s3 =	simm.s32 @!p0 $0x1082;
	s9 =	sld [smem:$0x3FB3]  }
0x2f: {  	lr =	sadd.s32 s0, s3;
	s0 =	sld [smem:$0x3FAA]  }
0x30: {  	s3 =	sld [smem:$0x3FAD]  }
0x31: {  	[smem:$0x3FB6] =	sst s10  }
0x32: {  	s10 =	sld [smem:$0x3FB4];
	_ =	sdelay $0x3  }
0x33: {  	p0 =	seq.s32 s10, $0x1;
	s10 =	sld [smem:$0x3FB6];
	_ =	sdelay $0x3  }
0x34: {  	[smem:$0x3FB6] =	sst s10  }
0x35: {  	s10 =	sld [smem:$0x3FB5];
	_ =	sdelay $0x3  }
0x36: {  	p1 =	seq.s32 s10, $0x1;
	s10 =	sld [smem:$0x3FB6];
	_ =	sdelay $0x3  }
0x37: {  	[smem:$0x3FB6] =	sst s10  }
0x38: {  	s10 =	sld [smem:$0x3FB7]  }
0x39: {  	_ = 	snop;
	(pc) =	sbr.ind lr, $3  }
0x3a: {  	_ = 	snop  }
0x3b: {  	_ = 	snop  }
0x3c: {  	p2 =	seq.s32 s10, $0x1;
	s10 =	sld [smem:$0x3FB6]  }
0x3d: {  	_ =	shalt  }
0x3e: {  	_ =	shalt  }
0x3f: {  	_ =	shalt  }
0x40: {  	_ =	shalt  }
0x41: {  	_ =	shalt  }
0x42: {  	_ =	shalt  }
0x43: {  	_ =	shalt  }
0x44: {  	_ =	shalt  }
0x45: {  	_ =	shalt  }
0x46: {  	_ =	shalt  }
0x47: {  	_ =	shalt  }
0x48: {  	_ =	shalt  }
0x49: {  	_ =	shalt  }
0x4a: {  	_ =	shalt  }
0x4b: {  	_ =	shalt  }
0x4c: {  	_ =	shalt  }
0x4d: {  	_ =	shalt  }
0x4e: {  	_ =	shalt  }
0x4f: {  	_ =	shalt  }
0x50: {  	_ =	shalt  }
0x51: {  	_ =	shalt  }
0x52: {  	_ =	shalt  }
0x53: {  	_ =	shalt  }
0x54: {  	_ =	shalt  }
0x55: {  	_ =	shalt  }
0x56: {  	_ =	shalt  }
0x57: {  	_ =	shalt  }
0x58: {  	_ =	shalt  }
0x59: {  	_ =	shalt  }
0x5a: {  	_ =	shalt  }
0x5b: {  	_ =	shalt  }
0x5c: {  	_ =	shalt  }
0x5d: {  	_ =	shalt  }
0x5e: {  	_ =	shalt  }
0x5f: {  	_ =	shalt  }
0x60: {  	_ =	shalt  }
0x61: {  	_ =	shalt  }
0x62: {  	_ =	shalt  }
0x63: {  	_ =	shalt  }
0x64: {  	_ =	shalt  }
0x65: {  	_ =	shalt  }
0x66: {  	_ =	shalt  }
0x67: {  	_ =	shalt  }
0x68: {  	_ =	shalt  }
0x69: {  	_ =	shalt  }
0x6a: {  	_ =	shalt  }
0x6b: {  	_ =	shalt  }
0x6c: {  	_ =	shalt  }
0x6d: {  	_ =	shalt  }
0x6e: {  	_ =	shalt  }
0x6f: {  	_ =	shalt  }
0x70: {  	_ =	shalt  }
0x71: {  	_ =	shalt  }
0x72: {  	_ =	shalt  }
0x73: {  	_ =	shalt  }
0x74: {  	_ =	shalt  }
0x75: {  	_ =	shalt  }
0x76: {  	_ =	shalt  }
0x77: {  	_ =	shalt  }
0x78: {  	_ =	shalt  }
0x79: {  	_ =	shalt  }
0x7a: {  	_ =	shalt  }
0x7b: {  	_ =	shalt  }
0x7c: {  	_ =	shalt  }
0x7d: {  	_ =	shalt  }
0x7e: {  	_ =	shalt  }
0x7f: {  	_ =	shalt  }
0x80: {  	_ =	shalt  }
0x81: {  	_ =	shalt  }
0x82: {  	_ =	shalt  }
0x83: {  	_ =	shalt  }
0x84: {  	_ =	shalt  }
0x85: {  	_ =	shalt  }
0x86: {  	_ =	shalt  }
0x87: {  	_ =	shalt  }
.Lfunc_end0:
.L_simem_size_0:
called_computation.2_lowered:
.L_overlay_start_0:
0x88: {  	s2 =	sld [smem:$0x3FD9]  }
0x89: {  	s3 =	sld [smem:$0x3FFE];
	_ =	sdelay $0x1  }
0x8a: {  	s1 =	srdreg.scid  }
0x8b: {  	s0 =	sand.u32 $0x1, s1  }
0x8c: {  	s16 =	sshll.u32 s0, $0xA;
	s2 =	sadd.s32 s3, s2  }
0x8d: {  	s2 =	sadd.s32 s2, s16  }
0x8e: {  	[smem:$0x3FC2] =	sst s2  }
0x8f: {  	_ = 	snop  }
0x90: {  	(tm) =	ssettm $0x1  }
0x91: {  	s17 =	sld [smem:$0x3FFB];
	_ =	sdelay $0x3  }
0x92: {  	_ =	strace s17  }
0x93: {  	s2 =	sld [smem:$0x3FFC];
	_ =	sdelay $0x3  }
0x94: {  	_ =	strace s2  }
0x95: {  	s2 =	sld [smem:$0x3FFD];
	_ =	sdelay $0x3  }
0x96: {  	_ =	strace s2  }
0x97: {  	_ =	strace $0x8FFFFFFF  }
0x98: {  	s18 =	sld [smem:$0x3FDB];
	_ =	sdelay $0x1  }
0x99: {  	s19 =	simm.s32 $_scs_section_size  }
0x9a: {  	s4 =	simm.s32 $_size__tile_overlayer_lowered;
	s5 =	simm.s32 $_tile_overlayer_lowered  }
0x9b: {  	s22 =	simm.s32 $0x1BFF;
	s21 =	sshll.u32 s5, $0x1;
	s2 =	sadd.s32 s19, s18  }
0x9c: {  	s6 =	simm.s32 $0x0;
	s20 =	sshll.u32 s4, $0x1;
	s4 =	sadd.s32 s21, s2  }
0x9d: {  	[timem:s6], [sflag:s22] =	dma.local [hbm:s4], s20  }
0x9e: {  	_ =	swait.ge [sflag:s22], s20  }
0x9f: {  	s3 =	ssub.s32 $0x0, s20;
	[sflag:s22] =	ssyncset.done $0x0  }
0xa0: {  	[sflag:s22] =	ssyncadd.s32 s3;
	_ =	sdelay $0x1  }
0xa1: {  	s23 =	simm.s32 $0x1B8B  }
0xa2: {  	_ =	swait.ge [sflag:s23], $0x1  }
0xa3: {  	[sflag:s23] =	ssyncset.done $0x0  }
0xa4: {  	s25 =	simm.s32 $0x1B8E;
	s24 =	sld [smem:$0x3FFE];
	[sflag:s23] =	ssyncadd.s32 $0xFFFFFFFF  }
0xa5: {  	s26 =	simm.s32 $execute0_lowered;
	[smem:$0x3FD2] =	sst s25  }
0xa6: {  	s4 =	sshll.u32 s26, $0x1;
	_ =	strace $0x8000004C;
	[dreg:$0x1] =	wrdreg $0xFFFFFFFF  }
0xa7: {  	s28 =	simm.s32 $_size_execute0_lowered;
	s2 =	sadd.s32 s2, s4;
	[dreg:$0x0] =	wrdreg $0x0  }
0xa8: {  	s4 =	sshll.u32 s28, $0x1;
	[dreg:$0x2] =	wrdreg s2  }
0xa9: {  	[dreg:$0x3] =	wrdreg s4  }
0xaa: {  	[dreg:$0x4] =	wrdreg $0xC0  }
0xab: {  	_ =	task [dreg:s6], $0x5FFFF  }
0xac: {  	[dreg:$0x1] =	wrdreg $0xFFFFFFFF  }
0xad: {  	[dreg:$0x0] =	wrdreg $0x60  }
0xae: {  	[dreg:$0x2] =	wrdreg s24  }
0xaf: {  	[dreg:$0x3] =	wrdreg $0x78800  }
0xb0: {  	[dreg:$0x4] =	wrdreg $0xEDB00  }
0xb1: {  	[dreg:$0x5] =	wrdreg $0x9  }
0xb2: {  	_ =	task.clear_ibuf [dreg:s6], $0x6FFFF;
	_ =	strace $0x9000004C  }
0xb3: {  	s29 =	simm.s32 $0x9;
	_ =	strace $0x8000004E  }
0xb4: {  	_ =	swait.ge [sflag:s29], $0x1  }
0xb5: {  	[sflag:s29] =	ssyncadd.s32 $0xFFFFFFFF  }
0xb6: {  	_ =	strace $0x9000004E  }
0xb7: {  	_ =	sfence  }
0xb8: {  	s30 =	sld [smem:$0x0];
	_ =	sdelay $0x2  }
0xb9: {  	s31 =	sshll.u32 s1, $0xD;
	s1 =	sshrl.u32 s1, $0x2  }
0xba: {  	s3 =	sand.u32 $0x4000, s31;
	s1 =	sadd.s32 s1, s30  }
0xbb: {  	s0 =	sor.u32 s3, s0;
	s1 =	sshll.u32 s1, $0x11  }
0xbc: {  	s0 =	sor.u32 s1, s0  }
0xbd: {  	s0 =	sadd.s32 $0x8F2B, s0  }
0xbe: {  	[sflag:s0] =	ssyncadd.remote.s32 $0x1  }
0xbf: {  	_ =	sfence.sel $0xFFFF  }
0xc0: {  	[dreg:$0x0] =	wrdreg $0xFFFFFFFF;
	(pc) =	sbr.abs _section_cstart, $3  }
0xc1: {  	[dreg:$0x1] =	wrdreg $0xFFFFFFFF  }
0xc2: {  	_ =	task.clear_ibuf [dreg:s6], $0x2FFFF;
	_ =	strace $0x9FFFFFFF  }
0xc3: {  	(tm) =	ssettm $0x7FFFFFFF  }
tec
execute0_lowered:
.L_overlay_start_1:
0x0: {  	(tag) =	ssettag $0x1  }
0x1: {  	s0 =	rddreg [dreg:$0x0]  }
0x2: {  	s2 =	rddreg [dreg:$0x1];
	s11 =	stileid.u32  }
0x3: {  	s3 =	rddreg [dreg:$0x2];
	s4 =	smul.u32 $0x7530, s11  }
0x4: {  	s1 =	srdreg.scid;
	s5 =	simm.s32 $0x0;
	s8 =	smul.u32 $0x1E00, s11  }
0x5: {  	s1 =	sand.u32 $0x1, s1;
	[smem:$0x7FF] =	sst s5;
	s20 =	smul.u32 $0x2BC0, s11  }
0x6: {  	s12 =	sadd.s32 $0x2200, s0;
	p0 =	sgt.u32 s11, $0x9;
	s14 =	smul.u32 $0x75300, s1  }
0x7: {  	s6 =	sshll.u32 s1, $0x4;
	_ =	strace $0x8000004D;
	s15 =	ssub.s32 $0x2, s1  }
0x8: {  	s1 =	smul.u32 $0x2BC00, s1;
	[dreg:$0x4] =	wrdreg s12;
	s7 =	sshrl.u32 s4, $0x3  }
0x9: {  	s6 =	sor.u32 s11, s6;
	s10 =	sshrl.u32 s15, $0x1;
	s8 =	sshrl.u32 s8, $0x2  }
0xa: {  	s16 =	sadd.s32 s4, s3;
	s5 =	sadd.s32 s4, s14;
	s14 =	sadd.s32 s8, s2  }
0xb: {  	s7 =	sadd.s32 s7, s0;
	s8 =	sadd.s32 $0x7800, s14;
	[dreg:$0x7] =	wrdreg s14  }
0xc: {  	s22 =	sadd.s32 s4, s2;
	s7 =	sadd.s32 $0x18000, s7;
	[dreg:$0x8] =	wrdreg s8  }
0xd: {  	s1 =	sadd.s32 s20, s1;
	s11 =	sadd.s32 $0x1E000, s14;
	[dreg:$0x9] =	wrdreg s7  }
0xe: {  	s23 =	sadd.s32 $0x348, s1;
	s20 =	sadd.s32 $0x52800, s14;
	[dreg:$0x1b] =	wrdreg s11  }
0xf: {  	s26 =	sadd.s32 $0x2A0, s1;
	s4 =	sshrl.u32 s23, $0x3;
	[smem:$0x7F5] =	sst s20  }
0x10: {  	s5 =	sshrl.u32 s5, $0x3;
	s28 =	sshrl.u32 s26, $0x3;
	[dreg:$0xf] =	wrdreg s4  }
0x11: {  	s0 =	sadd.s32 s5, s0;
	s8 =	sshrl.u32 s16, $0x3;
	[dreg:$0x12] =	wrdreg s28  }
0x12: {  	s5 =	ssub.s32 s15, s10;
	s10 =	sadd.s32 $0x16800, s14;
	[dreg:$0x17] =	wrdreg s8  }
0x13: {  	s29 =	simm.s32 $0xA;
	s15 =	sadd.s32 $0x2D000, s14;
	[dreg:$0x1a] =	wrdreg s10  }
0x14: {  	s31 =	simm.s32 $0x6;
	s16 =	sadd.s32 $0x34800, s14;
	[dreg:$0x1d] =	wrdreg s15  }
0x15: {  	s6 =	smul.u32 $0x2BC0, s6;
	s23 =	sadd.s32 $0x69000, s14;
	[dreg:$0x1e] =	wrdreg s16  }
0x16: {  	s24 =	sadd.s32 $0x310, s1;
	s0 =	sadd.s32 $0x26C00, s0;
	[smem:$0x7F8] =	sst s23  }
0x17: {  	s17 =	sadd.s32 $0xA8, s6;
	s5 =	smax.u32 s5, $0x1;
	[dreg:$0xd] =	wrdreg s0  }
0x18: {  	s19 =	sadd.s32 $0x118, s6;
	s4 =	sshrl.u32 s24, $0x3;
	[dreg:$0xe] =	wrdreg s5  }
0x19: {  	s18 =	sshrl.u32 s17, $0x3;
	s17 =	sadd.s32 $0x3C000, s14;
	[dreg:$0x10] =	wrdreg s4  }
0x1a: {  	s21 =	sshrl.u32 s19, $0x3;
	s19 =	sadd.s32 $0x4B000, s14;
	[dreg:$0x1f] =	wrdreg s17  }
0x1b: {  	s9 =	sshrl.u32 s6, $0x3;
	s24 =	sadd.s32 $0x70800, s14;
	[smem:$0x7F4] =	sst s19  }
0x1c: {  	s25 =	sadd.s32 $0x2D8, s1;
	s13 =	sadd.s32 s12, s9;
	[smem:$0x7F9] =	sst s24  }
0x1d: {  	s6 =	sadd.s32 $0x188, s6;
	s9 =	sadd.s32 $0xAF00, s13;
	[dreg:$0x5] =	wrdreg s13  }
0x1e: {  	s6 =	sshrl.u32 s6, $0x3;
	s7 =	sadd.s32 s12, s18;
	[dreg:$0x6] =	wrdreg s9  }
0x1f: {  	s30 =	sadd.s32 $0x268, s1;
	s6 =	sadd.s32 s12, s6;
	[dreg:$0xa] =	wrdreg s7  }
0x20: {  	s11 =	simm.s32 $0xE;
	s4 =	sshrl.u32 s25, $0x3;
	[dreg:$0xc] =	wrdreg s6  }
0x21: {  	s23 =	simm.s32 $0x2D48;
	s0 =	sshrl.u32 s22, $0x3;
	[dreg:$0x11] =	wrdreg s4  }
0x22: {  	s8 =	simm.s32 $0x17;
	s18 =	sadd.s32 $0x43800, s14;
	[dreg:$0x18] =	wrdreg s0  }
0x23: {  	s15 =	simm.s32 $0x10;
	s22 =	sadd.s32 $0x61800, s14;
	[smem:$0x7F3] =	sst s18  }
0x24: {  	s10 =	simm.s32 $0x8;
	s25 =	sadd.s32 $0x7, s13;
	[smem:$0x7F7] =	sst s22  }
0x25: {  	s5 =	sadd.s32 $0x230, s1;
	s26 =	sadd.s32 $0xE, s13;
	[smem:$0x7FA] =	sst s25  }
0x26: {  	s28 =	sadd.s32 $0x1C, s13;
	s7 =	sadd.s32 s12, s21;
	[smem:$0x7FB] =	sst s26  }
0x27: {  	s4 =	sshrl.u32 s30, $0x3;
	s6 =	sadd.s32 $0x1F8, s1;
	[smem:$0x7FC] =	sst s28  }
0x28: {  	s1 =	sadd.s32 $0x1C0, s1;
	s9 =	sadd.s32 $0xF000, s14;
	[dreg:$0xb] =	wrdreg s7  }
0x29: {  	s12 =	sadd.s32 $0x25800, s14;
	s21 =	sadd.s32 $0x5A000, s14;
	[dreg:$0x13] =	wrdreg s4  }
0x2a: {  	s30 =	sadd.s32 $0x2A, s13;
	s18 =	simm.s32 $0x1B;
	[dreg:$0x16] =	wrdreg s1  }
0x2b: {  	s14 =	simm.s32 $0x32;
	s13 =	simm.s32 $0x2;
	[dreg:$0x19] =	wrdreg s9  }
.Ltmp0:
0x2c: {  	s25 =	simm.s32 $0x18;
	[dreg:$0x1c] =	wrdreg s12;
	(pc) =	sbr.rel .LBB2_1-.Ltmp0, $4  }
0x2d: {  	s0 =	simm.s32 $0x6F20;
	s4 =	sshrl.u32 s5, $0x3;
	[smem:$0x7F6] =	sst s21  }
0x2e: {  	s7 =	sshrl.u32 s6, $0x3;
	[smem:$0x7FD] =	sst s30;
	s6 =	simm.s32 $0x1  }
0x2f: {  	s1 =	simm.s32 $0x4;
	s5 =	simm.s32 $0xC;
	[dreg:$0x14] =	wrdreg s4  }
0x30: {  	v0 =	vimm.f32 $0.0e+00;
	s9 =	simm.s32 $0x0;
	[dreg:$0x15] =	wrdreg s7;
	s7 =	simm.s32 $0x16  }
.LBB2_10:
0x31: {  	s4 =	simm.s32 $0xF  }
0x32: {  	_ =	swait.ge [sflag:s4], $0x960  }
0x33: {  	[sflag:s4] =	ssyncset.done $0x0  }
0x34: {  	[sflag:s4] =	ssyncadd.s32 $0xFFFFF6A0  }
0x35: {  	_ =	swait.ge [sflag:s15], $0x960  }
0x36: {  	[sflag:s15] =	ssyncset.done $0x0  }
0x37: {  	[sflag:s15] =	ssyncadd.s32 $0xFFFFF6A0  }
0x38: {  	[bflag:$0x0] =	sbarrier.arrive $0xFFFF  }
0x39: {  	s9 =	sld [smem:$0x7F1]  }
0x3a: {  	s26 =	rddreg [dreg:$0xd]  }
0x3b: {  	s18 =	simm.s32 $0x1B;
	s12 =	rddreg [dreg:$0x18]  }
0x3c: {  	[hbm:s26], [sflag:s9] =	dma.local [spmem:s12], $0xEA6  }
0x3d: {  	_ =	swait.ge [sflag:s18], $0xEA6  }
0x3e: {  	s28 =	sld [smem:$0x7F2];
	_ =	sdelay $0x2  }
0x3f: {  	s30 =	rddreg [dreg:$0xe];
	s9 =	sadd.s32 $0x1, s28  }
0x40: {  	p1 =	sne.s32 s9, s30  }
.Ltmp1:
0x41: {  	_ = 	snop;
	(pc) =	sbr.rel @!p1 .LBB2_11-.Ltmp1, $3  }
0x42: {  	_ =	sdelay $0x1  }
0x43: {  	[sflag:s18] =	ssyncset.done $0x0  }
0x44: {  	s23 =	simm.s32 $0x2D48;
	[sflag:s18] =	ssyncadd.s32 $0xFFFFF15A  }
.LBB2_1:
0x45: {  	s4 =	simm.s32 $0x0;
	s12 =	rddreg [dreg:$0x6]  }
0x46: {  	[tilespmem:s4], [sflag:$0x19] =	stream.linear.gather [hbm4b:s12+s4], $0x2BC0, $0x38;
	[tilespmem:$0x162E0] =	vst v63  }
0x47: {  	[smem:$0x7F2] =	sst s9;
	s16 =	simm.s32 $0x0;
	s4 =	simm.s32 $0xC0  }
.LBB2_2:
0x48: {  	p1 =	sne.s32 s4, $0x1D40;
	[tilespmem:s16+$0x2DA0] =	vst v0;
	s17 =	smov.u32 s4;
	s4 =	sadd.s32 $0xC0, s4  }
.Ltmp2:
0x49: {  	[tilespmem:s16+$0x2D80] =	vst v0;
	(pc) =	sbr.rel @p1 .LBB2_2-.Ltmp2, $2  }
0x4a: {  	[tilespmem:s16+$0x2D90] =	vst v0;
	_ =	sdelay $0x2  }
0x4b: {  	s16 =	sshra.s32 s17, $0x2  }
0x4c: {  	[tilespmem:s16+$0x2DA0] =	vst v0  }
0x4d: {  	[tilespmem:s16+$0x2D80] =	vst v0;
	s4 =	rddreg [dreg:$0x7]  }
0x4e: {  	[tilespmem:s16+$0x2D90] =	vst v0;
	s17 =	simm.s32 $0x2D80;
	s28 =	rddreg [dreg:$0x8]  }
0x4f: {  	[spmem:s4] =	stream.linear.scatter [tilespmem:s17], [sflag:$0x1A], $0x780, $0x38;
	[tilespmem:$0x162E0] =	vst v63  }
0x50: {  	s9 =	rddreg [dreg:$0x19]  }
0x51: {  	[spmem:s28] =	stream.linear.scatter [tilespmem:s17], [sflag:$0x1A], $0x780, $0x38;
	[tilespmem:$0x162E0] =	vst v63  }
0x52: {  	s12 =	rddreg [dreg:$0x1a]  }
0x53: {  	[spmem:s9] =	stream.linear.scatter [tilespmem:s17], [sflag:$0x1A], $0x780, $0x38;
	[tilespmem:$0x162E0] =	vst v63  }
0x54: {  	s16 =	rddreg [dreg:$0x1b]  }
0x55: {  	[spmem:s12] =	stream.linear.scatter [tilespmem:s17], [sflag:$0x1A], $0x780, $0x38;
	[tilespmem:$0x162E0] =	vst v63  }
0x56: {  	s19 =	rddreg [dreg:$0x1c]  }
0x57: {  	[spmem:s16] =	stream.linear.scatter [tilespmem:s17], [sflag:$0x1A], $0x780, $0x38;
	[tilespmem:$0x162E0] =	vst v63  }
0x58: {  	s20 =	rddreg [dreg:$0x1d]  }
0x59: {  	[spmem:s19] =	stream.linear.scatter [tilespmem:s17], [sflag:$0x1A], $0x780, $0x38;
	[tilespmem:$0x162E0] =	vst v63  }
0x5a: {  	s21 =	rddreg [dreg:$0x1e]  }
0x5b: {  	[spmem:s20] =	stream.linear.scatter [tilespmem:s17], [sflag:$0x1A], $0x780, $0x38;
	[tilespmem:$0x162E0] =	vst v63  }
0x5c: {  	s22 =	rddreg [dreg:$0x1f]  }
0x5d: {  	[spmem:s21] =	stream.linear.scatter [tilespmem:s17], [sflag:$0x1A], $0x780, $0x38;
	[tilespmem:$0x162E0] =	vst v63  }
0x5e: {  	s24 =	sld [smem:$0x7F3]  }
0x5f: {  	[spmem:s22] =	stream.linear.scatter [tilespmem:s17], [sflag:$0x1A], $0x780, $0x38;
	[tilespmem:$0x162E0] =	vst v63  }
0x60: {  	s26 =	sld [smem:$0x7F4]  }
0x61: {  	[spmem:s24] =	stream.linear.scatter [tilespmem:s17], [sflag:$0x1A], $0x780, $0x38;
	[tilespmem:$0x162E0] =	vst v63  }
0x62: {  	s28 =	sld [smem:$0x7F5]  }
0x63: {  	[spmem:s26] =	stream.linear.scatter [tilespmem:s17], [sflag:$0x1A], $0x780, $0x38;
	[tilespmem:$0x162E0] =	vst v63  }
0x64: {  	s9 =	sld [smem:$0x7F6]  }
0x65: {  	[spmem:s28] =	stream.linear.scatter [tilespmem:s17], [sflag:$0x1A], $0x780, $0x38;
	[tilespmem:$0x162E0] =	vst v63  }
0x66: {  	s12 =	sld [smem:$0x7F7]  }
0x67: {  	[spmem:s9] =	stream.linear.scatter [tilespmem:s17], [sflag:$0x1A], $0x780, $0x38;
	[tilespmem:$0x162E0] =	vst v63  }
0x68: {  	s16 =	sld [smem:$0x7F8]  }
0x69: {  	[spmem:s12] =	stream.linear.scatter [tilespmem:s17], [sflag:$0x1A], $0x780, $0x38;
	[tilespmem:$0x162E0] =	vst v63  }
0x6a: {  	s12 =	sld [smem:$0x7F9]  }
0x6b: {  	[spmem:s16] =	stream.linear.scatter [tilespmem:s17], [sflag:$0x1A], $0x780, $0x38;
	[tilespmem:$0x162E0] =	vst v63  }
0x6c: {  	s4 =	simm.s32 @!p0 $0x2D80;
	s19 =	simm.s32 $0x1A  }
0x6d: {  	[spmem:s12] =	stream.linear.scatter @!p0 [tilespmem:s4], [sflag:$0x1A], $0x780, $0x38;
	[tilespmem:$0x162E0] =	vst v63  }
0x6e: {  	_ =	swait.ge [sflag:s19], $0x780  }
0x6f: {  	[sflag:s19] =	ssyncset.done $0x0  }
0x70: {  	[sflag:s19] =	ssyncadd.s32 $0xFFFFF880  }
0x71: {  	_ =	swait.ge [sflag:s19], $0x780  }
0x72: {  	[sflag:s19] =	ssyncset.done $0x0  }
0x73: {  	[sflag:s19] =	ssyncadd.s32 $0xFFFFF880  }
0x74: {  	_ =	swait.ge [sflag:s19], $0x780  }
0x75: {  	[sflag:s19] =	ssyncset.done $0x0  }
0x76: {  	[sflag:s19] =	ssyncadd.s32 $0xFFFFF880  }
0x77: {  	_ =	swait.ge [sflag:s19], $0x780  }
0x78: {  	[sflag:s19] =	ssyncset.done $0x0  }
0x79: {  	[sflag:s19] =	ssyncadd.s32 $0xFFFFF880  }
0x7a: {  	_ =	swait.ge [sflag:s19], $0x780  }
0x7b: {  	[sflag:s19] =	ssyncset.done $0x0  }
0x7c: {  	[sflag:s19] =	ssyncadd.s32 $0xFFFFF880  }
0x7d: {  	_ =	swait.ge [sflag:s19], $0x780  }
0x7e: {  	[sflag:s19] =	ssyncset.done $0x0  }
0x7f: {  	[sflag:s19] =	ssyncadd.s32 $0xFFFFF880  }
0x80: {  	_ =	swait.ge [sflag:s19], $0x780  }
0x81: {  	[sflag:s19] =	ssyncset.done $0x0  }
0x82: {  	[sflag:s19] =	ssyncadd.s32 $0xFFFFF880  }
0x83: {  	_ =	swait.ge [sflag:s19], $0x780  }
0x84: {  	[sflag:s19] =	ssyncset.done $0x0  }
0x85: {  	[sflag:s19] =	ssyncadd.s32 $0xFFFFF880  }
0x86: {  	_ =	swait.ge [sflag:s19], $0x780  }
0x87: {  	[sflag:s19] =	ssyncset.done $0x0  }
0x88: {  	[sflag:s19] =	ssyncadd.s32 $0xFFFFF880  }
0x89: {  	_ =	swait.ge [sflag:s19], $0x780  }
0x8a: {  	[sflag:s19] =	ssyncset.done $0x0  }
0x8b: {  	[sflag:s19] =	ssyncadd.s32 $0xFFFFF880  }
0x8c: {  	_ =	swait.ge [sflag:s19], $0x780  }
0x8d: {  	[sflag:s19] =	ssyncset.done $0x0  }
0x8e: {  	[sflag:s19] =	ssyncadd.s32 $0xFFFFF880  }
0x8f: {  	_ =	swait.ge [sflag:s19], $0x780  }
0x90: {  	[sflag:s19] =	ssyncset.done $0x0  }
0x91: {  	[sflag:s19] =	ssyncadd.s32 $0xFFFFF880  }
0x92: {  	_ =	swait.ge [sflag:s19], $0x780  }
0x93: {  	[sflag:s19] =	ssyncset.done $0x0  }
0x94: {  	[sflag:s19] =	ssyncadd.s32 $0xFFFFF880  }
0x95: {  	_ =	swait.ge [sflag:s19], $0x780  }
0x96: {  	[sflag:s19] =	ssyncset.done $0x0  }
0x97: {  	[sflag:s19] =	ssyncadd.s32 $0xFFFFF880  }
0x98: {  	_ =	swait.ge [sflag:s19], $0x780  }
0x99: {  	[sflag:s19] =	ssyncset.done $0x0  }
0x9a: {  	s4 =	simm.s32 @!p0 $0x1A;
	[sflag:s19] =	ssyncadd.s32 $0xFFFFF880  }
0x9b: {  	s20 =	stileid.u32;
	_ =	swait.ge @!p0 [sflag:s4], $0x780  }
0x9c: {  	s21 =	sshll.u32 s20, $0x6;
	s22 =	rddreg [dreg:$0x9]  }
0x9d: {  	s9 =	sor.u32 $0x1C1B, s21;
	[sflag:s4] =	ssyncset.done @!p0 $0x0;
	s24 =	rddreg [dreg:$0x17]  }
0x9e: {  	[smem:$0x7F1] =	sst s9;
	[sflag:s4] =	ssyncadd.s32 @!p0 $0xFFFFF880  }
0x9f: {  	[spmem:s24], [sflag:s9] =	dma.local [hbm:s22], $0xEA6  }
0xa0: {  	_ =	swait.ge [sflag:s18], $0xEA6  }
0xa1: {  	[sflag:s18] =	ssyncset.done $0x0  }
0xa2: {  	s26 =	simm.s32 $0x19;
	[sflag:s18] =	ssyncadd.s32 $0xFFFFF15A  }
0xa3: {  	_ =	swait.ge [sflag:s26], $0x2BC0  }
0xa4: {  	[sflag:s26] =	ssyncset.done $0x0  }
0xa5: {  	[sflag:s26] =	ssyncadd.s32 $0xFFFFD440  }
0xa6: {  	[bflag:$0x0] =	sbarrier.arrive $0xFFFF  }
0xa7: {  	s28 =	rddreg [dreg:$0x5]  }
0xa8: {  	s30 =	simm.s32 $0x0;
	s9 =	simm.s32 $0x2BC0;
	s18 =	sld [smem:$0x7FA]  }
0xa9: {  	[tilespmem:s9], [sflag:$0x11] =	stream.linear.gather [hbm4b:s28+s30], $0x38, $0x38;
	[tilespmem:$0x162E0] =	vst v63  }
0xaa: {  	s16 =	simm.s32 $0x2BF8;
	s19 =	sld [smem:$0x7FB]  }
0xab: {  	[tilespmem:s16], [sflag:$0x12] =	stream.linear.gather [hbm4b:s18+s30], $0x38, $0x38;
	[tilespmem:$0x162E0] =	vst v63  }
0xac: {  	s20 =	rddreg [dreg:$0xa];
	s18 =	simm.s32 $0x2C30  }
0xad: {  	[tilespmem:s18], [sflag:$0x13] =	stream.linear.gather [hbm4b:s19+s30], $0x38, $0x38;
	[tilespmem:$0x162E0] =	vst v63  }
0xae: {  	s21 =	sld [smem:$0x7FC];
	s19 =	simm.s32 $0x2C68  }
0xaf: {  	[tilespmem:s19], [sflag:$0x14] =	stream.linear.gather [hbm4b:s20+s30], $0x38, $0x38;
	[tilespmem:$0x162E0] =	vst v63  }
0xb0: {  	s22 =	rddreg [dreg:$0xb];
	s20 =	simm.s32 $0x2CA0  }
0xb1: {  	[tilespmem:s20], [sflag:$0x15] =	stream.linear.gather [hbm4b:s21+s30], $0x38, $0x38;
	[tilespmem:$0x162E0] =	vst v63  }
0xb2: {  	s24 =	sld [smem:$0x7FD];
	s21 =	simm.s32 $0x2CD8  }
0xb3: {  	[tilespmem:s21], [sflag:$0x16] =	stream.linear.gather [hbm4b:s22+s30], $0x38, $0x38;
	[tilespmem:$0x162E0] =	vst v63  }
0xb4: {  	s22 =	simm.s32 $0x2D10  }
0xb5: {  	[tilespmem:s22], [sflag:$0x17] =	stream.linear.gather [hbm4b:s24+s30], $0x38, $0x38;
	[tilespmem:$0x162E0] =	vst v63  }
0xb6: {  	s26 =	rddreg [dreg:$0xc];
	s28 =	simm.s32 $0x11  }
0xb7: {  	[tilespmem:s23], [sflag:$0x18] =	stream.linear.gather [hbm4b:s26+s30], $0x38, $0x38;
	[tilespmem:$0x162E0] =	vst v63  }
0xb8: {  	_ =	swait.ge [sflag:s28], $0x38  }
0xb9: {  	[sflag:s28] =	ssyncset.done $0x0  }
0xba: {  	[sflag:s28] =	ssyncadd.s32 $0xFFFFFFC8  }
0xbb: {  	[tilespmem:s17], [sflag:$0x1] =	stream.indirect.gather [spmem:s3], $0x30, s9, s14, $0xb8;
	[tilespmem:$0x162E0] =	vst v63  }
0xbc: {  	s9 =	simm.s32 $0x12  }
0xbd: {  	_ =	swait.ge [sflag:s9], $0x38  }
0xbe: {  	[sflag:s9] =	ssyncset.done $0x0  }
0xbf: {  	s12 =	simm.s32 $0x36E0;
	[sflag:s9] =	ssyncadd.s32 $0xFFFFFFC8  }
0xc0: {  	[tilespmem:s12], [sflag:$0x2] =	stream.indirect.gather [spmem:s3], $0x30, s16, s14, $0xb8;
	[tilespmem:$0x162E0] =	vst v63  }
0xc1: {  	s16 =	simm.s32 $0x13  }
0xc2: {  	_ =	swait.ge [sflag:s16], $0x38  }
0xc3: {  	[sflag:s16] =	ssyncset.done $0x0  }
0xc4: {  	s17 =	simm.s32 $0x4040;
	[sflag:s16] =	ssyncadd.s32 $0xFFFFFFC8  }
0xc5: {  	[tilespmem:s17], [sflag:$0x3] =	stream.indirect.gather [spmem:s3], $0x30, s18, s14, $0xb8;
	[tilespmem:$0x162E0] =	vst v63  }
0xc6: {  	s18 =	simm.s32 $0x14  }
0xc7: {  	_ =	swait.ge [sflag:s18], $0x38  }
0xc8: {  	[sflag:s18] =	ssyncset.done $0x0  }
0xc9: {  	s22 =	simm.s32 $0x49A0;
	s24 =	simm.s32 $0x15;
	[sflag:s18] =	ssyncadd.s32 $0xFFFFFFC8  }
0xca: {  	[tilespmem:s22], [sflag:$0x4] =	stream.indirect.gather [spmem:s3], $0x30, s19, s14, $0xb8;
	[tilespmem:$0x162E0] =	vst v63  }
0xcb: {  	_ =	swait.ge [sflag:s24], $0x38  }
0xcc: {  	[sflag:s24] =	ssyncset.done $0x0  }
0xcd: {  	s26 =	simm.s32 $0x5300;
	[sflag:s24] =	ssyncadd.s32 $0xFFFFFFC8  }
0xce: {  	[tilespmem:s26], [sflag:$0x5] =	stream.indirect.gather [spmem:s3], $0x30, s20, s14, $0xb8;
	[tilespmem:$0x162E0] =	vst v63  }
0xcf: {  	_ =	swait.ge [sflag:s7], $0x38  }
0xd0: {  	[sflag:s7] =	ssyncset.done $0x0;
	s24 =	rddreg [dreg:$0x16]  }
0xd1: {  	s28 =	simm.s32 $0x5C60;
	s26 =	rddreg [dreg:$0x4];
	[sflag:s7] =	ssyncadd.s32 $0xFFFFFFC8  }
0xd2: {  	[tilespmem:s28], [sflag:$0x6] =	stream.indirect.gather [spmem:s3], $0x30, s21, s14, $0xb8;
	[tilespmem:$0x162E0] =	vst v63  }
.LBB2_4:
0xd3: {  	_ =	swait.ge [sflag:s6], $0x960  }
0xd4: {  	p1 =	seq.s32 s30, $0x0;
	[sflag:s6] =	ssyncset.done $0x0  }
0xd5: {  	s4 =	simm.s32 @!p1 $0xF;
	[sflag:s6] =	ssyncadd.s32 $0xFFFFF6A0  }
0xd6: {  	_ =	swait.ge @!p1 [sflag:s4], $0x960  }
0xd7: {  	s12 =	simm.s32 $0x2D80;
	[sflag:s4] =	ssyncset.done @!p1 $0x0  }
0xd8: {  	p2 =	sne.s32 s30, $0xA800;
	[sflag:s4] =	ssyncadd.s32 @!p1 $0xFFFFF6A0;
	s4 =	sshra.s32 s30, $0x2  }
0xd9: {  	[spmem:s2] =	stream.indirect.scatter.add.f32 [tilespmem:s12], [sflag:$0x9], $0x30, s4, s14, $0xb8;
	[tilespmem:$0x162E0] =	vst v63  }
.Ltmp3:
0xda: {  	_ = 	snop;
	(pc) =	sbr.rel @p2 .LBB2_6-.Ltmp3, $4  }
0xdb: {  	_ =	swait.ge [sflag:s8], $0x38  }
0xdc: {  	[sflag:s8] =	ssyncset.done $0x0  }
0xdd: {  	s28 =	simm.s32 $0x2D10;
	s9 =	simm.s32 $0x65C0;
	[sflag:s8] =	ssyncadd.s32 $0xFFFFFFC8  }
0xde: {  	[tilespmem:s9], [sflag:$0x7] =	stream.indirect.gather [spmem:s3], $0x30, s28, s14, $0xb8;
	[tilespmem:$0x162E0] =	vst v63  }
.Ltmp4:
0xdf: {  	(pc) =	sbr.rel .LBB2_7-.Ltmp4, $4  }
0xe0: {  	_ = 	snop  }
0xe1: {  	_ =	swait.ge [sflag:s13], $0x960  }
0xe2: {  	[sflag:s13] =	ssyncset.done $0x0  }
0xe3: {  	[sflag:s13] =	ssyncadd.s32 $0xFFFFF6A0  }
.LBB2_6:
0xe4: {  	s16 =	sshrl.u32 s24, $0x3;
	s12 =	rddreg [dreg:$0x4];
	s28 =	simm.s32 $0x0  }
.Ltmp5:
0xe5: {  	s17 =	simm.s32 $0x2BC0;
	s16 =	sadd.s32 s12, s16;
	(pc) =	sbr.rel @p1 .LBB2_8-.Ltmp5, $4  }
0xe6: {  	[tilespmem:s17], [sflag:$0x11] =	stream.linear.gather [hbm4b:s16+s28], $0x38, $0x38;
	[tilespmem:$0x162E0] =	vst v63  }
0xe7: {  	_ =	swait.ge [sflag:s13], $0x960  }
0xe8: {  	[sflag:s13] =	ssyncset.done $0x0  }
0xe9: {  	[sflag:s13] =	ssyncadd.s32 $0xFFFFF6A0  }
.LBB2_7:
0xea: {  	_ =	swait.ge [sflag:s15], $0x960  }
0xeb: {  	[sflag:s15] =	ssyncset.done $0x0  }
0xec: {  	[sflag:s15] =	ssyncadd.s32 $0xFFFFF6A0  }
.LBB2_8:
0xed: {  	s16 =	sadd.s32 $0x38, s4;
	s9 =	simm.s32 $0x36E0  }
0xee: {  	[spmem:s2] =	stream.indirect.scatter.add.f32 [tilespmem:s9], [sflag:$0xA], $0x30, s16, s14, $0xb8;
	[tilespmem:$0x162E0] =	vst v63  }
0xef: {  	_ =	swait.ge [sflag:s25], $0x38  }
0xf0: {  	p1 =	seq.s32 s30, $0xA800;
	[sflag:s25] =	ssyncset.done $0x0  }
0xf1: {  	s16 =	simm.s32 @p1 $0x3;
	[sflag:s25] =	ssyncadd.s32 $0xFFFFFFC8  }
0xf2: {  	[tilespmem:s0], [sflag:$0x8] =	stream.indirect.gather [spmem:s3], $0x30, s23, s14, $0xb8;
	[tilespmem:$0x162E0] =	vst v63  }
0xf3: {  	_ =	swait.ge @p1 [sflag:s16], $0x960  }
0xf4: {  	[sflag:s16] =	ssyncset.done @p1 $0x0  }
0xf5: {  	[sflag:s16] =	ssyncadd.s32 @p1 $0xFFFFF6A0;
	s16 =	simm.s32 @p1 $0x9  }
0xf6: {  	s17 =	sshra.s32 @p1 s30, $0x2;
	_ =	swait.ge @p1 [sflag:s16], $0x960  }
0xf7: {  	s18 =	simm.s32 @p1 $0x32;
	s23 =	simm.s32 @p1 $0x4040;
	[sflag:s16] =	ssyncset.done @p1 $0x0  }
0xf8: {  	s12 =	rddreg [dreg:$0x15];
	[sflag:s16] =	ssyncadd.s32 @p1 $0xFFFFF6A0;
	s16 =	sadd.s32 @p1 $0x70, s17  }
0xf9: {  	[spmem:s2] =	stream.indirect.scatter.add.f32 @p1 [tilespmem:s23], [sflag:$0xB], $0x30, s16, s18, $0xb8;
	[tilespmem:$0x162E0] =	vst v63  }
0xfa: {  	s28 =	simm.s32 @!p1 $0x0;
	s19 =	simm.s32 @!p1 $0x2BF8;
	s16 =	sadd.s32 @!p1 s26, s12  }
0xfb: {  	[tilespmem:s19], [sflag:$0x12] =	stream.linear.gather @!p1 [hbm4b:s16+s28], $0x38, $0x38;
	[tilespmem:$0x162E0] =	vst v63  }
0xfc: {  	s16 =	simm.s32 @!p1 $0x3  }
0xfd: {  	_ =	swait.ge @!p1 [sflag:s16], $0x960  }
0xfe: {  	[sflag:s16] =	ssyncset.done @!p1 $0x0  }
0xff: {  	[sflag:s16] =	ssyncadd.s32 @!p1 $0xFFFFF6A0;
	s16 =	simm.s32 @!p1 $0x9  }
0x100: {  	_ =	swait.ge @!p1 [sflag:s16], $0x960  }
0x101: {  	[sflag:s16] =	ssyncset.done @!p1 $0x0  }
0x102: {  	[sflag:s16] =	ssyncadd.s32 @!p1 $0xFFFFF6A0;
	s16 =	sshra.s32 @!p1 s30, $0x2  }
0x103: {  	s21 =	simm.s32 @!p1 $0x4040;
	s23 =	simm.s32 @!p1 $0x32;
	s20 =	sadd.s32 @!p1 $0x70, s16  }
0x104: {  	[spmem:s2] =	stream.indirect.scatter.add.f32 @!p1 [tilespmem:s21], [sflag:$0xB], $0x30, s20, s23, $0xb8;
	[tilespmem:$0x162E0] =	vst v63  }
0x105: {  	s20 =	simm.s32 @!p1 $0x11  }
0x106: {  	_ =	swait.ge @!p1 [sflag:s20], $0x38  }
0x107: {  	s22 =	simm.s32 @!p1 $0x2D80;
	[sflag:s20] =	ssyncset.done @!p1 $0x0  }
0x108: {  	s12 =	rddreg [dreg:$0x14];
	[sflag:s20] =	ssyncadd.s32 @!p1 $0xFFFFFFC8;
	s20 =	simm.s32 @!p1 $0x2BC0  }
0x109: {  	[tilespmem:s22], [sflag:$0x1] =	stream.indirect.gather @!p1 [spmem:s3], $0x30, s20, s23, $0xb8;
	[tilespmem:$0x162E0] =	vst v63  }
0x10a: {  	s20 =	sadd.s32 @!p1 s26, s12;
	s22 =	simm.s32 @!p1 $0x2C30  }
0x10b: {  	[tilespmem:s22], [sflag:$0x13] =	stream.linear.gather @!p1 [hbm4b:s20+s28], $0x38, $0x38;
	[tilespmem:$0x162E0] =	vst v63  }
0x10c: {  	_ =	swait.ge [sflag:s1], $0x960  }
0x10d: {  	[sflag:s1] =	ssyncset.done $0x0  }
0x10e: {  	[sflag:s1] =	ssyncadd.s32 $0xFFFFF6A0  }
0x10f: {  	_ =	swait.ge [sflag:s29], $0x960  }
0x110: {  	[sflag:s29] =	ssyncset.done $0x0  }
0x111: {  	s12 =	simm.s32 $0x49A0;
	s20 =	sadd.s32 $0xA8, s4;
	[sflag:s29] =	ssyncadd.s32 $0xFFFFF6A0  }
0x112: {  	[spmem:s2] =	stream.indirect.scatter.add.f32 [tilespmem:s12], [sflag:$0xC], $0x30, s20, s14, $0xb8;
	[tilespmem:$0x162E0] =	vst v63  }
0x113: {  	s20 =	simm.s32 @p1 $0x5  }
0x114: {  	_ =	swait.ge @p1 [sflag:s20], $0x960  }
0x115: {  	[sflag:s20] =	ssyncset.done @p1 $0x0  }
0x116: {  	[sflag:s20] =	ssyncadd.s32 @p1 $0xFFFFF6A0;
	s20 =	simm.s32 @p1 $0xB  }
0x117: {  	_ =	swait.ge @p1 [sflag:s20], $0x960  }
0x118: {  	[sflag:s20] =	ssyncset.done @p1 $0x0  }
0x119: {  	s12 =	simm.s32 @p1 $0x5300;
	[sflag:s20] =	ssyncadd.s32 @p1 $0xFFFFF6A0;
	s20 =	sadd.s32 @p1 $0xE0, s17  }
0x11a: {  	[spmem:s2] =	stream.indirect.scatter.add.f32 @p1 [tilespmem:s12], [sflag:$0xD], $0x30, s20, s18, $0xb8;
	[tilespmem:$0x162E0] =	vst v63  }
0x11b: {  	s12 =	simm.s32 @!p1 $0x12  }
0x11c: {  	_ =	swait.ge @!p1 [sflag:s12], $0x38  }
0x11d: {  	[sflag:s12] =	ssyncset.done @!p1 $0x0  }
0x11e: {  	[sflag:s12] =	ssyncadd.s32 @!p1 $0xFFFFFFC8;
	s12 =	simm.s32 @!p1 $0x36E0  }
0x11f: {  	[tilespmem:s12], [sflag:$0x2] =	stream.indirect.gather @!p1 [spmem:s3], $0x30, s19, s23, $0xb8;
	[tilespmem:$0x162E0] =	vst v63  }
0x120: {  	s12 =	rddreg [dreg:$0x13]  }
0x121: {  	s19 =	simm.s32 @!p1 $0x2C68;
	s12 =	sadd.s32 @!p1 s26, s12  }
0x122: {  	[tilespmem:s19], [sflag:$0x14] =	stream.linear.gather @!p1 [hbm4b:s12+s28], $0x38, $0x38;
	[tilespmem:$0x162E0] =	vst v63  }
0x123: {  	s12 =	simm.s32 @!p1 $0x5  }
0x124: {  	_ =	swait.ge @!p1 [sflag:s12], $0x960  }
0x125: {  	[sflag:s12] =	ssyncset.done @!p1 $0x0  }
0x126: {  	[sflag:s12] =	ssyncadd.s32 @!p1 $0xFFFFF6A0;
	s12 =	simm.s32 @!p1 $0xB  }
0x127: {  	_ =	swait.ge @!p1 [sflag:s12], $0x960  }
0x128: {  	[sflag:s12] =	ssyncset.done @!p1 $0x0  }
0x129: {  	s20 =	simm.s32 @!p1 $0x5300;
	[sflag:s12] =	ssyncadd.s32 @!p1 $0xFFFFF6A0;
	s12 =	sadd.s32 @!p1 $0xE0, s16  }
0x12a: {  	[spmem:s2] =	stream.indirect.scatter.add.f32 @!p1 [tilespmem:s20], [sflag:$0xD], $0x30, s12, s23, $0xb8;
	[tilespmem:$0x162E0] =	vst v63  }
0x12b: {  	s12 =	simm.s32 @!p1 $0x13  }
0x12c: {  	_ =	swait.ge @!p1 [sflag:s12], $0x38  }
0x12d: {  	[sflag:s12] =	ssyncset.done @!p1 $0x0  }
0x12e: {  	[sflag:s12] =	ssyncadd.s32 @!p1 $0xFFFFFFC8;
	s12 =	rddreg [dreg:$0x12]  }
0x12f: {  	[tilespmem:s21], [sflag:$0x3] =	stream.indirect.gather @!p1 [spmem:s3], $0x30, s22, s23, $0xb8;
	[tilespmem:$0x162E0] =	vst v63  }
0x130: {  	s12 =	sadd.s32 @!p1 s26, s12;
	s21 =	simm.s32 @!p1 $0x2CA0  }
0x131: {  	[tilespmem:s21], [sflag:$0x15] =	stream.linear.gather @!p1 [hbm4b:s12+s28], $0x38, $0x38;
	[tilespmem:$0x162E0] =	vst v63  }
0x132: {  	_ =	swait.ge [sflag:s31], $0x960  }
0x133: {  	[sflag:s31] =	ssyncset.done $0x0  }
0x134: {  	[sflag:s31] =	ssyncadd.s32 $0xFFFFF6A0  }
0x135: {  	_ =	swait.ge [sflag:s5], $0x960  }
0x136: {  	[sflag:s5] =	ssyncset.done $0x0  }
0x137: {  	s22 =	simm.s32 $0x5C60;
	s12 =	sadd.s32 $0x118, s4;
	[sflag:s5] =	ssyncadd.s32 $0xFFFFF6A0  }
0x138: {  	[spmem:s2] =	stream.indirect.scatter.add.f32 [tilespmem:s22], [sflag:$0xE], $0x30, s12, s14, $0xb8;
	[tilespmem:$0x162E0] =	vst v63  }
0x139: {  	s12 =	simm.s32 @p1 $0x7  }
0x13a: {  	_ =	swait.ge @p1 [sflag:s12], $0x960  }
0x13b: {  	[sflag:s12] =	ssyncset.done @p1 $0x0  }
0x13c: {  	[sflag:s12] =	ssyncadd.s32 @p1 $0xFFFFF6A0;
	s12 =	simm.s32 @p1 $0xD  }
0x13d: {  	_ =	swait.ge @p1 [sflag:s12], $0x960  }
0x13e: {  	[sflag:s12] =	ssyncset.done @p1 $0x0  }
0x13f: {  	[sflag:s12] =	ssyncadd.s32 @p1 $0xFFFFF6A0;
	s12 =	sadd.s32 @p1 $0x150, s17;
	s17 =	simm.s32 @p1 $0x65C0  }
0x140: {  	[spmem:s2] =	stream.indirect.scatter.add.f32 @p1 [tilespmem:s17], [sflag:$0xF], $0x30, s12, s18, $0xb8;
	[tilespmem:$0x162E0] =	vst v63  }
0x141: {  	s12 =	simm.s32 @!p1 $0x14  }
0x142: {  	_ =	swait.ge @!p1 [sflag:s12], $0x38  }
0x143: {  	[sflag:s12] =	ssyncset.done @!p1 $0x0  }
0x144: {  	[sflag:s12] =	ssyncadd.s32 @!p1 $0xFFFFFFC8;
	s12 =	simm.s32 @!p1 $0x49A0  }
0x145: {  	[tilespmem:s12], [sflag:$0x4] =	stream.indirect.gather @!p1 [spmem:s3], $0x30, s19, s23, $0xb8;
	[tilespmem:$0x162E0] =	vst v63  }
0x146: {  	s12 =	rddreg [dreg:$0x11]  }
0x147: {  	s17 =	simm.s32 @!p1 $0x2CD8;
	s12 =	sadd.s32 @!p1 s26, s12  }
0x148: {  	[tilespmem:s17], [sflag:$0x16] =	stream.linear.gather @!p1 [hbm4b:s12+s28], $0x38, $0x38;
	[tilespmem:$0x162E0] =	vst v63  }
0x149: {  	s12 =	simm.s32 @!p1 $0x7  }
0x14a: {  	_ =	swait.ge @!p1 [sflag:s12], $0x960  }
0x14b: {  	[sflag:s12] =	ssyncset.done @!p1 $0x0  }
0x14c: {  	[sflag:s12] =	ssyncadd.s32 @!p1 $0xFFFFF6A0;
	s12 =	simm.s32 @!p1 $0xD  }
0x14d: {  	_ =	swait.ge @!p1 [sflag:s12], $0x960  }
0x14e: {  	[sflag:s12] =	ssyncset.done @!p1 $0x0  }
0x14f: {  	[sflag:s12] =	ssyncadd.s32 @!p1 $0xFFFFF6A0;
	s12 =	sadd.s32 @!p1 $0x150, s16;
	s16 =	simm.s32 @!p1 $0x65C0  }
0x150: {  	[spmem:s2] =	stream.indirect.scatter.add.f32 @!p1 [tilespmem:s16], [sflag:$0xF], $0x30, s12, s23, $0xb8;
	[tilespmem:$0x162E0] =	vst v63  }
0x151: {  	s12 =	simm.s32 @!p1 $0x15  }
0x152: {  	_ =	swait.ge @!p1 [sflag:s12], $0x38  }
0x153: {  	[sflag:s12] =	ssyncset.done @!p1 $0x0  }
0x154: {  	[sflag:s12] =	ssyncadd.s32 @!p1 $0xFFFFFFC8;
	s12 =	rddreg [dreg:$0x10]  }
0x155: {  	[tilespmem:s20], [sflag:$0x5] =	stream.indirect.gather @!p1 [spmem:s3], $0x30, s21, s23, $0xb8;
	[tilespmem:$0x162E0] =	vst v63  }
0x156: {  	s16 =	simm.s32 @!p1 $0x2D10;
	s12 =	sadd.s32 @!p1 s26, s12  }
0x157: {  	[tilespmem:s16], [sflag:$0x17] =	stream.linear.gather @!p1 [hbm4b:s12+s28], $0x38, $0x38;
	[tilespmem:$0x162E0] =	vst v63  }
0x158: {  	_ =	swait.ge [sflag:s10], $0x960  }
0x159: {  	[sflag:s10] =	ssyncset.done $0x0  }
.Ltmp6:
0x15a: {  	[sflag:s10] =	ssyncadd.s32 $0xFFFFF6A0;
	(pc) =	sbr.rel @p1 .LBB2_10-.Ltmp6, $4  }
0x15b: {  	_ =	swait.ge [sflag:s11], $0x960  }
0x15c: {  	[sflag:s11] =	ssyncset.done $0x0  }
0x15d: {  	s9 =	simm.s32 $0x2D48;
	s28 =	sadd.s32 $0x188, s4;
	[sflag:s11] =	ssyncadd.s32 $0xFFFFF6A0  }
0x15e: {  	[spmem:s2] =	stream.indirect.scatter.add.f32 [tilespmem:s0], [sflag:$0x10], $0x30, s28, s14, $0xb8;
	[tilespmem:$0x162E0] =	vst v63  }
0x15f: {  	_ =	swait.ge [sflag:s7], $0x38;
	s4 =	simm.s32 $0x2CD8;
	s12 =	simm.s32 $0x0  }
.Ltmp7:
0x160: {  	s24 =	sadd.s32 $0x1C0, s24;
	[sflag:s7] =	ssyncset.done $0x0;
	(pc) =	sbr.rel .LBB2_4-.Ltmp7, $4  }
0x161: {  	s30 =	sadd.s32 $0x700, s30;
	s28 =	rddreg [dreg:$0xf];
	[sflag:s7] =	ssyncadd.s32 $0xFFFFFFC8  }
0x162: {  	[tilespmem:s22], [sflag:$0x6] =	stream.indirect.gather [spmem:s3], $0x30, s4, s14, $0xb8;
	[tilespmem:$0x162E0] =	vst v63  }
0x163: {  	s23 =	simm.s32 $0x2D48;
	s4 =	sadd.s32 s26, s28;
	s26 =	sadd.s32 $0x38, s26  }
0x164: {  	[tilespmem:s9], [sflag:$0x18] =	stream.linear.gather [hbm4b:s4+s12], $0x38, $0x38;
	[tilespmem:$0x162E0] =	vst v63  }
.LBB2_11:
0x165: {  	_ =	sfence.sel $0x180000  }
0x166: {  	[bflag:$0x0] =	sbarrier.arrive $0xFFFF  }
0x167: {  	_ =	strace $0x9000004D  }
0x168: {  	s0 =	stileid.u32;
	[bflag:$0x2] =	sbarrier.arrive $0xFFFF  }
0x169: {  	p0 =	sne.s32 s0, $0x0;
	s0 =	rddreg [dreg:$0x3]  }
0x16a: {  	s0 =	sadd.s32 @!p0 $0x100000, s0  }
0x16b: {  	[sflag:s0] =	ssyncadd.tile.s32 @!p0 $0x1;
	_ =	shalt  }
.Lfunc_end2:
_tile_overlayer_lowered:
.L_overlay_start_2:
0x16c: {  	(tag) =	ssettag $0x2  }
0x16d: {  	s0 =	rddreg [dreg:$0x0];
	s2 =	stileid.u32  }
0x16e: {  	s1 =	rddreg [dreg:$0x1];
	p0 =	sne.s32 s2, $0x0  }
0x16f: {  	s3 =	rddreg [dreg:$0x2];
	[bflag:$0x3] =	sbarrier.arrive $0xFFFF;
	s2 =	simm.s32 @!p0 $0x1C1B  }
0x170: {  	[timem:s3], [sflag:s2] =	dma.local @!p0 [hbm:s0], s1  }
0x171: {  	s0 =	simm.s32 @!p0 $0x1B  }
0x172: {  	_ =	swait.ge @!p0 [sflag:s0], s1  }
0x173: {  	s1 =	ssub.s32 @!p0 $0x0, s1;
	[sflag:s0] =	ssyncset.done @!p0 $0x0  }
0x174: {  	[sflag:s0] =	ssyncadd.s32 @!p0 s1  }
0x175: {  	[bflag:$0x3] =	sbarrier.arrive $0xFFFF  }
0x176: {  	_ =	shalt  }

// kernel: kernel.8.cloned.1.call-start
scs
__scs_entry_jumppad:
0x0: {  	(pc) =	sbr.rel $0x88, $3  }
0x1: {  	(tag) =	ssettag $0x0;
	lr =	simm.s32 $0x1  }
0x2: {  	[smem:$0x3F9B] =	sst lr;
	_ =	strace $0xD0000000  }
0x3: {  	_ = 	snop  }
0x4: {  	_ = 	snop  }
0x5: {  	_ = 	snop  }
0x6: {  	_ = 	snop  }
0x7: {  	_ = 	snop  }
__scs_overlays_trampoline_lowered:
0x8: {  	[smem:$0x3FAA] =	sst s0  }
0x9: {  	[smem:$0x3FAB] =	sst s1  }
0xa: {  	[smem:$0x3FAC] =	sst s2  }
0xb: {  	[smem:$0x3FAD] =	sst s3  }
0xc: {  	[smem:$0x3FAE] =	sst s4  }
0xd: {  	[smem:$0x3FAF] =	sst s5  }
0xe: {  	[smem:$0x3FB0] =	sst s6  }
0xf: {  	[smem:$0x3FB1] =	sst s7  }
0x10: {  	[smem:$0x3FB2] =	sst s8  }
0x11: {  	[smem:$0x3FB3] =	sst s9;
	s0 =	simm.s32 @!p0 $0x0  }
0x12: {  	s1 =	sld [smem:$0x3F99];
	s0 =	simm.s32 @p0 $0x1  }
0x13: {  	[smem:$0x3FB4] =	sst s0;
	s0 =	simm.s32 @!p1 $0x0  }
0x14: {  	s2 =	sld [smem:$0x3F98];
	s0 =	simm.s32 @p1 $0x1  }
0x15: {  	[smem:$0x3FB5] =	sst s0;
	s0 =	simm.s32 @!p2 $0x0  }
0x16: {  	s3 =	sld [smem:$0x3FDB];
	s0 =	simm.s32 @p2 $0x1  }
0x17: {  	s4 =	simm.s32 $0x1BF5;
	[smem:$0x3FB7] =	sst s0  }
0x18: {  	s0 =	sld [smem:$0x3F9A];
	_ =	swait.ge [sflag:s4], $0x0  }
0x19: {  	s7 =	sld [smem:$0x3F9B]  }
0x1a: {  	s8 =	sadd.s32 $0xFFFFE003, lr  }
0x1b: {  	s9 =	sadd.s32 $0xFFFFFEF7, lr;
	s5 =	simm.s32 $0xFFFFFFFF;
	p2 =	slt.u32 s8, $0xFFFFF086  }
0x1c: {  	p1 =	slt.u32 s9, $0xF7A;
	s5 =	simm.s32 @!p2 $0x0  }
0x1d: {  	s5 =	simm.s32 @p1 $0x1;
	p0 =	seq.s32 s7, s2  }
0x1e: {  	s7 =	smul.u32 @!p0 $0xF7A, s2;
	p2 =	seq.s32 @!p0 s5, $0x0  }
0x1f: {  	s9 =	smul.u32 $0xF7A, s1;
	s8 =	simm.s32 @!p0 $0x1BF5;
	p2 =	por !p2, p0  }
0x20: {  	[sflag:s8] =	ssyncset.s32 @!p0 $0xFFFFF086;
	s6 =	sadd.s32 @!p0 s3, s7;
	s7 =	simm.s32 @!p0 $0x108  }
0x21: {  	s3 =	sadd.s32 s3, s9;
	s6 =	sadd.s32 @!p0 $0x88, s6;
	s7 =	simm.s32 @p2 $0x1082  }
0x22: {  	[simem:s7], [sflag:s8] =	dma.local @!p0 [hbm:s6], $0xF7A  }
0x23: {  	s9 =	sor.u32 $0xD0000000, s2;
	s6 =	simm.s32 $0x108;
	_ =	swait.ge @!p0 [sflag:s8], $0x0  }
0x24: {  	s3 =	sadd.s32 $0x88, s3;
	s6 =	simm.s32 @!p1 $0x1082;
	[sflag:s4] =	ssyncset.s32 $0xFFFFF086  }
0x25: {  	[simem:s6], [sflag:s4] =	dma.local [hbm:s3], $0xF7A  }
0x26: {  	[smem:$0x3F9B] =	sst s1;
	(tag) =	ssettag s2;
	_ =	strace s9  }
0x27: {  	s1 =	sld [smem:$0x3FAB]  }
0x28: {  	s2 =	sld [smem:$0x3FAC]  }
0x29: {  	s4 =	sld [smem:$0x3FAE]  }
0x2a: {  	p0 =	seq.s32 s5, $0x0;
	s5 =	sld [smem:$0x3FAF]  }
0x2b: {  	s6 =	sld [smem:$0x3FB0]  }
0x2c: {  	s7 =	sld [smem:$0x3FB1]  }
0x2d: {  	s3 =	simm.s32 $0x108;
	s8 =	sld [smem:$0x3FB2]  }
0x2e: {  	s3 =	simm.s32 @!p0 $0x1082;
	s9 =	sld [smem:$0x3FB3]  }
0x2f: {  	lr =	sadd.s32 s0, s3;
	s0 =	sld [smem:$0x3FAA]  }
0x30: {  	s3 =	sld [smem:$0x3FAD]  }
0x31: {  	[smem:$0x3FB6] =	sst s10  }
0x32: {  	s10 =	sld [smem:$0x3FB4];
	_ =	sdelay $0x3  }
0x33: {  	p0 =	seq.s32 s10, $0x1;
	s10 =	sld [smem:$0x3FB6];
	_ =	sdelay $0x3  }
0x34: {  	[smem:$0x3FB6] =	sst s10  }
0x35: {  	s10 =	sld [smem:$0x3FB5];
	_ =	sdelay $0x3  }
0x36: {  	p1 =	seq.s32 s10, $0x1;
	s10 =	sld [smem:$0x3FB6];
	_ =	sdelay $0x3  }
0x37: {  	[smem:$0x3FB6] =	sst s10  }
0x38: {  	s10 =	sld [smem:$0x3FB7]  }
0x39: {  	_ = 	snop;
	(pc) =	sbr.ind lr, $3  }
0x3a: {  	_ = 	snop  }
0x3b: {  	_ = 	snop  }
0x3c: {  	p2 =	seq.s32 s10, $0x1;
	s10 =	sld [smem:$0x3FB6]  }
0x3d: {  	_ =	shalt  }
0x3e: {  	_ =	shalt  }
0x3f: {  	_ =	shalt  }
0x40: {  	_ =	shalt  }
0x41: {  	_ =	shalt  }
0x42: {  	_ =	shalt  }
0x43: {  	_ =	shalt  }
0x44: {  	_ =	shalt  }
0x45: {  	_ =	shalt  }
0x46: {  	_ =	shalt  }
0x47: {  	_ =	shalt  }
0x48: {  	_ =	shalt  }
0x49: {  	_ =	shalt  }
0x4a: {  	_ =	shalt  }
0x4b: {  	_ =	shalt  }
0x4c: {  	_ =	shalt  }
0x4d: {  	_ =	shalt  }
0x4e: {  	_ =	shalt  }
0x4f: {  	_ =	shalt  }
0x50: {  	_ =	shalt  }
0x51: {  	_ =	shalt  }
0x52: {  	_ =	shalt  }
0x53: {  	_ =	shalt  }
0x54: {  	_ =	shalt  }
0x55: {  	_ =	shalt  }
0x56: {  	_ =	shalt  }
0x57: {  	_ =	shalt  }
0x58: {  	_ =	shalt  }
0x59: {  	_ =	shalt  }
0x5a: {  	_ =	shalt  }
0x5b: {  	_ =	shalt  }
0x5c: {  	_ =	shalt  }
0x5d: {  	_ =	shalt  }
0x5e: {  	_ =	shalt  }
0x5f: {  	_ =	shalt  }
0x60: {  	_ =	shalt  }
0x61: {  	_ =	shalt  }
0x62: {  	_ =	shalt  }
0x63: {  	_ =	shalt  }
0x64: {  	_ =	shalt  }
0x65: {  	_ =	shalt  }
0x66: {  	_ =	shalt  }
0x67: {  	_ =	shalt  }
0x68: {  	_ =	shalt  }
0x69: {  	_ =	shalt  }
0x6a: {  	_ =	shalt  }
0x6b: {  	_ =	shalt  }
0x6c: {  	_ =	shalt  }
0x6d: {  	_ =	shalt  }
0x6e: {  	_ =	shalt  }
0x6f: {  	_ =	shalt  }
0x70: {  	_ =	shalt  }
0x71: {  	_ =	shalt  }
0x72: {  	_ =	shalt  }
0x73: {  	_ =	shalt  }
0x74: {  	_ =	shalt  }
0x75: {  	_ =	shalt  }
0x76: {  	_ =	shalt  }
0x77: {  	_ =	shalt  }
0x78: {  	_ =	shalt  }
0x79: {  	_ =	shalt  }
0x7a: {  	_ =	shalt  }
0x7b: {  	_ =	shalt  }
0x7c: {  	_ =	shalt  }
0x7d: {  	_ =	shalt  }
0x7e: {  	_ =	shalt  }
0x7f: {  	_ =	shalt  }
0x80: {  	_ =	shalt  }
0x81: {  	_ =	shalt  }
0x82: {  	_ =	shalt  }
0x83: {  	_ =	shalt  }
0x84: {  	_ =	shalt  }
0x85: {  	_ =	shalt  }
0x86: {  	_ =	shalt  }
0x87: {  	_ =	shalt  }
.Lfunc_end0:
.L_simem_size_0:
called_computation_lowered:
.L_overlay_start_0:
0x88: {  	s2 =	sld [smem:$0x3FD9]  }
0x89: {  	s3 =	sld [smem:$0x3FFE];
	_ =	sdelay $0x1  }
0x8a: {  	s1 =	srdreg.scid  }
0x8b: {  	s0 =	sand.u32 $0x1, s1  }
0x8c: {  	s17 =	sshll.u32 s0, $0xA;
	s2 =	sadd.s32 s3, s2  }
0x8d: {  	s2 =	sadd.s32 s2, s17  }
0x8e: {  	[smem:$0x3FC2] =	sst s2  }
0x8f: {  	_ = 	snop  }
0x90: {  	s2 =	sld [smem:$0x3FD0];
	(tm) =	ssettm $0x1  }
0x91: {  	s18 =	sld [smem:$0x3FFB];
	_ =	sdelay $0x3  }
0x92: {  	_ =	strace s18  }
0x93: {  	s3 =	sld [smem:$0x3FFC];
	_ =	sdelay $0x3  }
0x94: {  	_ =	strace s3  }
0x95: {  	s3 =	sld [smem:$0x3FFD];
	_ =	sdelay $0x3  }
0x96: {  	_ =	strace s3  }
0x97: {  	_ =	strace $0x8FFFFFFF  }
0x98: {  	s19 =	sld [smem:$0x3FDB];
	_ =	sdelay $0x1  }
0x99: {  	s4 =	simm.s32 $_scs_section_size  }
0x9a: {  	s5 =	simm.s32 $_size__tile_overlayer_lowered;
	s6 =	simm.s32 $_tile_overlayer_lowered  }
0x9b: {  	s22 =	simm.s32 $0x1BFF;
	s21 =	sshll.u32 s6, $0x1;
	s3 =	sadd.s32 s4, s19  }
0x9c: {  	s7 =	simm.s32 $0x0;
	s20 =	sshll.u32 s5, $0x1;
	s5 =	sadd.s32 s21, s3  }
0x9d: {  	[timem:s7], [sflag:s22] =	dma.local [hbm:s5], s20  }
0x9e: {  	_ =	swait.ge [sflag:s22], s20  }
0x9f: {  	s4 =	ssub.s32 $0x0, s20;
	[sflag:s22] =	ssyncset.done $0x0  }
0xa0: {  	[sflag:s22] =	ssyncadd.s32 s4;
	_ =	sdelay $0x1  }
0xa1: {  	s23 =	simm.s32 $0x1B8B  }
0xa2: {  	_ =	swait.ge [sflag:s23], $0x1  }
0xa3: {  	[sflag:s23] =	ssyncset.done $0x0  }
0xa4: {  	s25 =	simm.s32 $0x1B8E;
	s24 =	sld [smem:$0x3FFE];
	[sflag:s23] =	ssyncadd.s32 $0xFFFFFFFF  }
0xa5: {  	s26 =	simm.s32 $execute0_lowered;
	[smem:$0x3FD2] =	sst s25  }
0xa6: {  	s5 =	sshll.u32 s26, $0x1;
	_ =	strace $0x80000046;
	[dreg:$0x1] =	wrdreg $0xFFFFFFFF  }
0xa7: {  	s28 =	simm.s32 $_size_execute0_lowered;
	s3 =	sadd.s32 s3, s5;
	[dreg:$0x0] =	wrdreg $0x0  }
0xa8: {  	s5 =	sshll.u32 s28, $0x1;
	[dreg:$0x2] =	wrdreg s3  }
0xa9: {  	[dreg:$0x3] =	wrdreg s5  }
0xaa: {  	[dreg:$0x4] =	wrdreg $0xC0  }
0xab: {  	_ =	task [dreg:s7], $0x5FFFF  }
0xac: {  	[dreg:$0x1] =	wrdreg $0xFFFFFFFF  }
0xad: {  	[dreg:$0x0] =	wrdreg $0x60  }
0xae: {  	[dreg:$0x2] =	wrdreg s24  }
0xaf: {  	[dreg:$0x3] =	wrdreg s2  }
0xb0: {  	[dreg:$0x4] =	wrdreg $0x33E00  }
0xb1: {  	[dreg:$0x5] =	wrdreg $0x9  }
0xb2: {  	_ =	task.clear_ibuf [dreg:s7], $0x6FFFF;
	_ =	strace $0x90000046  }
0xb3: {  	s29 =	simm.s32 $0x9;
	_ =	strace $0x80000048  }
0xb4: {  	_ =	swait.ge [sflag:s29], $0x1  }
0xb5: {  	[sflag:s29] =	ssyncadd.s32 $0xFFFFFFFF  }
0xb6: {  	_ =	strace $0x90000048  }
0xb7: {  	_ =	sfence  }
0xb8: {  	s30 =	sld [smem:$0x0];
	_ =	sdelay $0x2  }
0xb9: {  	s31 =	sshll.u32 s1, $0xD;
	s1 =	sshrl.u32 s1, $0x2  }
0xba: {  	s3 =	sand.u32 $0x4000, s31;
	s1 =	sadd.s32 s1, s30  }
0xbb: {  	s0 =	sor.u32 s3, s0;
	s1 =	sshll.u32 s1, $0x11  }
0xbc: {  	s0 =	sor.u32 s1, s0  }
0xbd: {  	s0 =	sadd.s32 $0x8F2B, s0  }
0xbe: {  	[sflag:s0] =	ssyncadd.remote.s32 $0x1  }
0xbf: {  	_ =	sfence.sel $0xFFFF  }
0xc0: {  	[dreg:$0x0] =	wrdreg $0xFFFFFFFF;
	(pc) =	sbr.abs _section_cstart, $3  }
0xc1: {  	[dreg:$0x1] =	wrdreg $0xFFFFFFFF  }
0xc2: {  	_ =	task.clear_ibuf [dreg:s7], $0x2FFFF;
	_ =	strace $0x9FFFFFFF  }
0xc3: {  	(tm) =	ssettm $0x7FFFFFFF  }
tec
execute0_lowered:
.L_overlay_start_1:
0x0: {  	(tag) =	ssettag $0x1  }
0x1: {  	s4 =	rddreg [dreg:$0x0]  }
0x2: {  	s0 =	srdreg.scid;
	s13 =	rddreg [dreg:$0x1]  }
0x3: {  	s2 =	rddreg [dreg:$0x2];
	s1 =	stileid.u32  }
0x4: {  	s17 =	simm.s32 $0x1;
	s18 =	simm.s32 $0x32;
	s19 =	simm.s32 $0x2BC0  }
0x5: {  	s22 =	simm.s32 $0x3;
	s23 =	simm.s32 $0x0;
	s9 =	smul.u32 $0x1400, s1  }
0x6: {  	s5 =	sand.u32 $0x1, s0;
	s0 =	rddreg [dreg:$0x3];
	s15 =	smul.u32 $0x2710, s1  }
0x7: {  	p0 =	sgt.u32 s1, $0xC;
	s20 =	sshll.u32 s1, $0x6;
	s3 =	sshll.u32 s5, $0x4  }
0x8: {  	s7 =	ssub.s32 $0x2, s5;
	s10 =	smul.u32 $0x27100, s5;
	s20 =	sor.u32 $0x1C03, s20  }
0x9: {  	s6 =	sor.u32 s1, s3;
	s3 =	simm.s32 $0x0;
	s8 =	sshrl.u32 s7, $0x1  }
0xa: {  	s30 =	sshrl.u32 s9, $0x2;
	s21 =	sadd.s32 s15, s2;
	s6 =	smul.u32 $0x2BC0, s6  }
0xb: {  	[smem:$0x7FF] =	sst s3;
	s14 =	ssub.s32 s7, s8;
	s12 =	sadd.s32 s15, s10  }
0xc: {  	s15 =	simm.s32 $0x2EE0;
	s21 =	sshrl.u32 s21, $0x3;
	_ =	strace $0x80000047  }
0xd: {  	s16 =	sshrl.u32 s12, $0x3;
	s14 =	smax.u32 s14, $0x1;
	s6 =	sshrl.u32 s6, $0x3  }
0xe: {  	s13 =	sadd.s32 s13, s16;
	s31 =	sadd.s32 s4, s6;
	s4 =	sadd.s32 s30, s2  }
0xf: {  	s16 =	simm.s32 $0x2;
	s5 =	sadd.s32 $0xD100, s31;
	s6 =	sadd.s32 $0x5000, s4  }
0x10: {  	s7 =	sadd.s32 $0xA000, s4;
	s8 =	sadd.s32 $0xF000, s4;
	s9 =	sadd.s32 $0x14000, s4  }
0x11: {  	v0 =	vimm.f32 $1.000000000e+00;
	v1 =	vimm.f32 $0.0e+00;
	s10 =	sadd.s32 $0x19000, s4;
	s11 =	sadd.s32 $0x1E000, s4;
	s12 =	sadd.s32 $0x23000, s4  }
.LBB2_1:
0x12: {  	[tilespmem:s3], [sflag:$0x1] =	stream.linear.gather [hbm4b:s5+s3], $0x2BC0, $0x38;
	[tilespmem:$0x5AF0] =	vst v63  }
0x13: {  	s24 =	simm.s32 $0x0  }
.LBB2_2:
0x14: {  	p1 =	sne.s32 s24, $0xC40  }
.Ltmp0:
0x15: {  	_ = 	snop;
	(pc) =	sbr.rel @p1 .LBB2_2-.Ltmp0, $3  }
0x16: {  	_ =	sdelay $0x1  }
0x17: {  	s25 =	sshra.s32 s24, $0x2  }
0x18: {  	s24 =	sadd.s32 $0x40, s24;
	[tilespmem:s25+$0x2BC0] =	vst v0  }
0x19: {  	s24 =	simm.s32 $0x40;
	s25 =	simm.s32 $0x0  }
.LBB2_4:
0x1a: {  	p1 =	sne.s32 s24, $0x13C0;
	[tilespmem:s25+$0x2EE0] =	vst v1;
	s25 =	smov.u32 s24;
	s24 =	sadd.s32 $0x40, s24  }
.Ltmp1:
0x1b: {  	(pc) =	sbr.rel @p1 .LBB2_4-.Ltmp1, $2  }
0x1c: {  	_ =	sdelay $0x2  }
0x1d: {  	s25 =	sshra.s32 s25, $0x2  }
0x1e: {  	[tilespmem:s25+$0x2EE0] =	vst v1  }
0x1f: {  	[spmem:s4] =	stream.linear.scatter [tilespmem:s15], [sflag:$0x2], $0x500, $0x38;
	[tilespmem:$0x5AF0] =	vst v63  }
0x20: {  	_ = 	snop  }
0x21: {  	[spmem:s6] =	stream.linear.scatter [tilespmem:s15], [sflag:$0x2], $0x500, $0x38;
	[tilespmem:$0x5AF0] =	vst v63  }
0x22: {  	_ = 	snop  }
0x23: {  	[spmem:s7] =	stream.linear.scatter [tilespmem:s15], [sflag:$0x2], $0x500, $0x38;
	[tilespmem:$0x5AF0] =	vst v63  }
0x24: {  	_ = 	snop  }
0x25: {  	[spmem:s8] =	stream.linear.scatter [tilespmem:s15], [sflag:$0x2], $0x500, $0x38;
	[tilespmem:$0x5AF0] =	vst v63  }
0x26: {  	_ = 	snop  }
0x27: {  	[spmem:s9] =	stream.linear.scatter [tilespmem:s15], [sflag:$0x2], $0x500, $0x38;
	[tilespmem:$0x5AF0] =	vst v63  }
0x28: {  	_ = 	snop  }
0x29: {  	[spmem:s10] =	stream.linear.scatter [tilespmem:s15], [sflag:$0x2], $0x500, $0x38;
	[tilespmem:$0x5AF0] =	vst v63  }
0x2a: {  	_ = 	snop  }
0x2b: {  	[spmem:s11] =	stream.linear.scatter [tilespmem:s15], [sflag:$0x2], $0x500, $0x38;
	[tilespmem:$0x5AF0] =	vst v63  }
0x2c: {  	s24 =	simm.s32 @!p0 $0x2EE0  }
0x2d: {  	[spmem:s12] =	stream.linear.scatter @!p0 [tilespmem:s24], [sflag:$0x2], $0x500, $0x38;
	[tilespmem:$0x5AF0] =	vst v63  }
0x2e: {  	_ =	swait.ge [sflag:s16], $0x500  }
0x2f: {  	[sflag:s16] =	ssyncset.done $0x0  }
0x30: {  	[sflag:s16] =	ssyncadd.s32 $0xFFFFFB00  }
0x31: {  	_ =	swait.ge [sflag:s16], $0x500  }
0x32: {  	[sflag:s16] =	ssyncset.done $0x0  }
0x33: {  	[sflag:s16] =	ssyncadd.s32 $0xFFFFFB00  }
0x34: {  	_ =	swait.ge [sflag:s16], $0x500  }
0x35: {  	[sflag:s16] =	ssyncset.done $0x0  }
0x36: {  	[sflag:s16] =	ssyncadd.s32 $0xFFFFFB00  }
0x37: {  	_ =	swait.ge [sflag:s16], $0x500  }
0x38: {  	[sflag:s16] =	ssyncset.done $0x0  }
0x39: {  	[sflag:s16] =	ssyncadd.s32 $0xFFFFFB00  }
0x3a: {  	_ =	swait.ge [sflag:s16], $0x500  }
0x3b: {  	[sflag:s16] =	ssyncset.done $0x0  }
0x3c: {  	[sflag:s16] =	ssyncadd.s32 $0xFFFFFB00  }
0x3d: {  	_ =	swait.ge [sflag:s16], $0x500  }
0x3e: {  	[sflag:s16] =	ssyncset.done $0x0  }
0x3f: {  	[sflag:s16] =	ssyncadd.s32 $0xFFFFFB00  }
0x40: {  	_ =	swait.ge [sflag:s16], $0x500  }
0x41: {  	[sflag:s16] =	ssyncset.done $0x0  }
0x42: {  	s24 =	simm.s32 @!p0 $0x2;
	[sflag:s16] =	ssyncadd.s32 $0xFFFFFB00  }
0x43: {  	_ =	swait.ge @!p0 [sflag:s24], $0x500  }
0x44: {  	[sflag:s24] =	ssyncset.done @!p0 $0x0  }
0x45: {  	[sflag:s24] =	ssyncadd.s32 @!p0 $0xFFFFFB00  }
0x46: {  	_ =	swait.ge [sflag:s17], $0x2BC0  }
0x47: {  	[sflag:s17] =	ssyncset.done $0x0  }
0x48: {  	[sflag:s17] =	ssyncadd.s32 $0xFFFFD440  }
0x49: {  	s28 =	simm.s32 $0x0;
	[bflag:$0x0] =	sbarrier.arrive $0xFFFF  }
0x4a: {  	[spmem:s2] =	stream.indirect.scatter.add.f32 [tilespmem:s19], [sflag:$0x2], $0x10, s28, s18, $0xb8;
	[tilespmem:$0x5AF0] =	vst v63  }
0x4b: {  	s29 =	simm.s32 $0x38  }
0x4c: {  	[spmem:s2] =	stream.indirect.scatter.add.f32 [tilespmem:s19], [sflag:$0x2], $0x10, s29, s18, $0xb8;
	[tilespmem:$0x5AF0] =	vst v63  }
0x4d: {  	s30 =	simm.s32 $0x70  }
0x4e: {  	[spmem:s2] =	stream.indirect.scatter.add.f32 [tilespmem:s19], [sflag:$0x2], $0x10, s30, s18, $0xb8;
	[tilespmem:$0x5AF0] =	vst v63  }
0x4f: {  	s31 =	simm.s32 $0xA8  }
0x50: {  	[spmem:s2] =	stream.indirect.scatter.add.f32 [tilespmem:s19], [sflag:$0x2], $0x10, s31, s18, $0xb8;
	[tilespmem:$0x5AF0] =	vst v63  }
0x51: {  	s25 =	simm.s32 $0xE0  }
0x52: {  	[spmem:s2] =	stream.indirect.scatter.add.f32 [tilespmem:s19], [sflag:$0x2], $0x10, s25, s18, $0xb8;
	[tilespmem:$0x5AF0] =	vst v63  }
0x53: {  	s26 =	simm.s32 $0x118  }
0x54: {  	[spmem:s2] =	stream.indirect.scatter.add.f32 [tilespmem:s19], [sflag:$0x2], $0x10, s26, s18, $0xb8;
	[tilespmem:$0x5AF0] =	vst v63  }
0x55: {  	s28 =	simm.s32 $0x150  }
0x56: {  	[spmem:s2] =	stream.indirect.scatter.add.f32 [tilespmem:s19], [sflag:$0x2], $0x10, s28, s18, $0xb8;
	[tilespmem:$0x5AF0] =	vst v63  }
0x57: {  	s29 =	simm.s32 $0x188  }
0x58: {  	[spmem:s2] =	stream.indirect.scatter.add.f32 [tilespmem:s19], [sflag:$0x2], $0x10, s29, s18, $0xb8;
	[tilespmem:$0x5AF0] =	vst v63  }
0x59: {  	s30 =	simm.s32 $0x1C0  }
0x5a: {  	[spmem:s2] =	stream.indirect.scatter.add.f32 [tilespmem:s19], [sflag:$0x2], $0x10, s30, s18, $0xb8;
	[tilespmem:$0x5AF0] =	vst v63  }
0x5b: {  	s31 =	simm.s32 $0x1F8  }
0x5c: {  	[spmem:s2] =	stream.indirect.scatter.add.f32 [tilespmem:s19], [sflag:$0x2], $0x10, s31, s18, $0xb8;
	[tilespmem:$0x5AF0] =	vst v63  }
0x5d: {  	_ =	swait.ge [sflag:s16], $0x320  }
0x5e: {  	[sflag:s16] =	ssyncset.done $0x0  }
0x5f: {  	[sflag:s16] =	ssyncadd.s32 $0xFFFFFCE0  }
0x60: {  	_ =	swait.ge [sflag:s16], $0x320  }
0x61: {  	[sflag:s16] =	ssyncset.done $0x0  }
0x62: {  	[sflag:s16] =	ssyncadd.s32 $0xFFFFFCE0  }
0x63: {  	_ =	swait.ge [sflag:s16], $0x320  }
0x64: {  	[sflag:s16] =	ssyncset.done $0x0  }
0x65: {  	[sflag:s16] =	ssyncadd.s32 $0xFFFFFCE0  }
0x66: {  	_ =	swait.ge [sflag:s16], $0x320  }
0x67: {  	[sflag:s16] =	ssyncset.done $0x0  }
0x68: {  	[sflag:s16] =	ssyncadd.s32 $0xFFFFFCE0  }
0x69: {  	_ =	swait.ge [sflag:s16], $0x320  }
0x6a: {  	[sflag:s16] =	ssyncset.done $0x0  }
0x6b: {  	[sflag:s16] =	ssyncadd.s32 $0xFFFFFCE0  }
0x6c: {  	_ =	swait.ge [sflag:s16], $0x320  }
0x6d: {  	[sflag:s16] =	ssyncset.done $0x0  }
0x6e: {  	[sflag:s16] =	ssyncadd.s32 $0xFFFFFCE0  }
0x6f: {  	_ =	swait.ge [sflag:s16], $0x320  }
0x70: {  	[sflag:s16] =	ssyncset.done $0x0  }
0x71: {  	[sflag:s16] =	ssyncadd.s32 $0xFFFFFCE0  }
0x72: {  	_ =	swait.ge [sflag:s16], $0x320  }
0x73: {  	[sflag:s16] =	ssyncset.done $0x0  }
0x74: {  	[sflag:s16] =	ssyncadd.s32 $0xFFFFFCE0  }
0x75: {  	_ =	swait.ge [sflag:s16], $0x320  }
0x76: {  	[sflag:s16] =	ssyncset.done $0x0  }
0x77: {  	[sflag:s16] =	ssyncadd.s32 $0xFFFFFCE0  }
0x78: {  	_ =	swait.ge [sflag:s16], $0x320  }
0x79: {  	s24 =	simm.s32 $0x8C0;
	s26 =	simm.s32 $0x1180;
	[sflag:s16] =	ssyncset.done $0x0  }
.LBB2_6:
0x7a: {  	s28 =	sshra.s32 s24, $0x2  }
0x7b: {  	[sflag:s16] =	ssyncadd.s32 $0xFFFFFCE0;
	s24 =	smov.u32 s26;
	s25 =	sadd.s32 $0x8C0, s26  }
0x7c: {  	[spmem:s2] =	stream.indirect.scatter.add.f32 [tilespmem:s19], [sflag:$0x2], $0x10, s28, s18, $0xb8;
	[tilespmem:$0x5AF0] =	vst v63  }
0x7d: {  	p1 =	sne.s32 s26, $0xA640;
	s26 =	sadd.s32 $0x38, s28  }
0x7e: {  	[spmem:s2] =	stream.indirect.scatter.add.f32 [tilespmem:s19], [sflag:$0x2], $0x10, s26, s18, $0xb8;
	[tilespmem:$0x5AF0] =	vst v63  }
0x7f: {  	s26 =	sadd.s32 $0x70, s28  }
0x80: {  	[spmem:s2] =	stream.indirect.scatter.add.f32 [tilespmem:s19], [sflag:$0x2], $0x10, s26, s18, $0xb8;
	[tilespmem:$0x5AF0] =	vst v63  }
0x81: {  	s26 =	sadd.s32 $0xA8, s28  }
0x82: {  	[spmem:s2] =	stream.indirect.scatter.add.f32 [tilespmem:s19], [sflag:$0x2], $0x10, s26, s18, $0xb8;
	[tilespmem:$0x5AF0] =	vst v63  }
0x83: {  	s26 =	sadd.s32 $0xE0, s28  }
0x84: {  	[spmem:s2] =	stream.indirect.scatter.add.f32 [tilespmem:s19], [sflag:$0x2], $0x10, s26, s18, $0xb8;
	[tilespmem:$0x5AF0] =	vst v63  }
0x85: {  	s26 =	sadd.s32 $0x118, s28  }
0x86: {  	[spmem:s2] =	stream.indirect.scatter.add.f32 [tilespmem:s19], [sflag:$0x2], $0x10, s26, s18, $0xb8;
	[tilespmem:$0x5AF0] =	vst v63  }
0x87: {  	s26 =	sadd.s32 $0x150, s28  }
0x88: {  	[spmem:s2] =	stream.indirect.scatter.add.f32 [tilespmem:s19], [sflag:$0x2], $0x10, s26, s18, $0xb8;
	[tilespmem:$0x5AF0] =	vst v63  }
0x89: {  	s26 =	sadd.s32 $0x188, s28  }
0x8a: {  	[spmem:s2] =	stream.indirect.scatter.add.f32 [tilespmem:s19], [sflag:$0x2], $0x10, s26, s18, $0xb8;
	[tilespmem:$0x5AF0] =	vst v63  }
0x8b: {  	s26 =	sadd.s32 $0x1C0, s28  }
0x8c: {  	[spmem:s2] =	stream.indirect.scatter.add.f32 [tilespmem:s19], [sflag:$0x2], $0x10, s26, s18, $0xb8;
	[tilespmem:$0x5AF0] =	vst v63  }
0x8d: {  	s26 =	sadd.s32 $0x1F8, s28  }
0x8e: {  	[spmem:s2] =	stream.indirect.scatter.add.f32 [tilespmem:s19], [sflag:$0x2], $0x10, s26, s18, $0xb8;
	[tilespmem:$0x5AF0] =	vst v63  }
0x8f: {  	_ =	swait.ge [sflag:s16], $0x320  }
0x90: {  	[sflag:s16] =	ssyncset.done $0x0  }
0x91: {  	[sflag:s16] =	ssyncadd.s32 $0xFFFFFCE0  }
0x92: {  	_ =	swait.ge [sflag:s16], $0x320  }
0x93: {  	[sflag:s16] =	ssyncset.done $0x0  }
0x94: {  	[sflag:s16] =	ssyncadd.s32 $0xFFFFFCE0  }
0x95: {  	_ =	swait.ge [sflag:s16], $0x320  }
0x96: {  	[sflag:s16] =	ssyncset.done $0x0  }
0x97: {  	[sflag:s16] =	ssyncadd.s32 $0xFFFFFCE0  }
0x98: {  	_ =	swait.ge [sflag:s16], $0x320  }
0x99: {  	[sflag:s16] =	ssyncset.done $0x0  }
0x9a: {  	[sflag:s16] =	ssyncadd.s32 $0xFFFFFCE0  }
0x9b: {  	_ =	swait.ge [sflag:s16], $0x320  }
0x9c: {  	[sflag:s16] =	ssyncset.done $0x0  }
0x9d: {  	[sflag:s16] =	ssyncadd.s32 $0xFFFFFCE0  }
0x9e: {  	_ =	swait.ge [sflag:s16], $0x320  }
0x9f: {  	[sflag:s16] =	ssyncset.done $0x0  }
0xa0: {  	[sflag:s16] =	ssyncadd.s32 $0xFFFFFCE0  }
0xa1: {  	_ =	swait.ge [sflag:s16], $0x320  }
0xa2: {  	[sflag:s16] =	ssyncset.done $0x0  }
0xa3: {  	[sflag:s16] =	ssyncadd.s32 $0xFFFFFCE0  }
0xa4: {  	_ =	swait.ge [sflag:s16], $0x320  }
0xa5: {  	[sflag:s16] =	ssyncset.done $0x0  }
0xa6: {  	[sflag:s16] =	ssyncadd.s32 $0xFFFFFCE0  }
.Ltmp2:
0xa7: {  	_ =	swait.ge [sflag:s16], $0x320;
	(pc) =	sbr.rel @p1 .LBB2_6-.Ltmp2, $4  }
0xa8: {  	[sflag:s16] =	ssyncset.done $0x0  }
0xa9: {  	[sflag:s16] =	ssyncadd.s32 $0xFFFFFCE0  }
0xaa: {  	_ =	swait.ge [sflag:s16], $0x320  }
0xab: {  	s26 =	smov.u32 s25;
	[sflag:s16] =	ssyncset.done $0x0  }
0xac: {  	s24 =	sshra.s32 s24, $0x2;
	[sflag:s16] =	ssyncadd.s32 $0xFFFFFCE0  }
0xad: {  	[spmem:s2] =	stream.indirect.scatter.add.f32 [tilespmem:s19], [sflag:$0x2], $0x10, s24, s18, $0xb8;
	[tilespmem:$0x5AF0] =	vst v63  }
0xae: {  	s25 =	sadd.s32 $0x38, s24  }
0xaf: {  	[spmem:s2] =	stream.indirect.scatter.add.f32 [tilespmem:s19], [sflag:$0x2], $0x10, s25, s18, $0xb8;
	[tilespmem:$0x5AF0] =	vst v63  }
0xb0: {  	s30 =	sadd.s32 $0x70, s24  }
0xb1: {  	[spmem:s2] =	stream.indirect.scatter.add.f32 [tilespmem:s19], [sflag:$0x2], $0x10, s30, s18, $0xb8;
	[tilespmem:$0x5AF0] =	vst v63  }
0xb2: {  	s31 =	sadd.s32 $0xA8, s24  }
0xb3: {  	[spmem:s2] =	stream.indirect.scatter.add.f32 [tilespmem:s19], [sflag:$0x2], $0x10, s31, s18, $0xb8;
	[tilespmem:$0x5AF0] =	vst v63  }
0xb4: {  	s26 =	sadd.s32 $0xE0, s24  }
0xb5: {  	[spmem:s2] =	stream.indirect.scatter.add.f32 [tilespmem:s19], [sflag:$0x2], $0x10, s26, s18, $0xb8;
	[tilespmem:$0x5AF0] =	vst v63  }
0xb6: {  	s28 =	sadd.s32 $0x118, s24  }
0xb7: {  	[spmem:s2] =	stream.indirect.scatter.add.f32 [tilespmem:s19], [sflag:$0x2], $0x10, s28, s18, $0xb8;
	[tilespmem:$0x5AF0] =	vst v63  }
0xb8: {  	s29 =	sadd.s32 $0x150, s24  }
0xb9: {  	[spmem:s2] =	stream.indirect.scatter.add.f32 [tilespmem:s19], [sflag:$0x2], $0x10, s29, s18, $0xb8;
	[tilespmem:$0x5AF0] =	vst v63  }
0xba: {  	s30 =	sadd.s32 $0x188, s24  }
0xbb: {  	[spmem:s2] =	stream.indirect.scatter.add.f32 [tilespmem:s19], [sflag:$0x2], $0x10, s30, s18, $0xb8;
	[tilespmem:$0x5AF0] =	vst v63  }
0xbc: {  	s31 =	sadd.s32 $0x1C0, s24  }
0xbd: {  	[spmem:s2] =	stream.indirect.scatter.add.f32 [tilespmem:s19], [sflag:$0x2], $0x10, s31, s18, $0xb8;
	[tilespmem:$0x5AF0] =	vst v63  }
0xbe: {  	s24 =	sadd.s32 $0x1F8, s24  }
0xbf: {  	[spmem:s2] =	stream.indirect.scatter.add.f32 [tilespmem:s19], [sflag:$0x2], $0x10, s24, s18, $0xb8;
	[tilespmem:$0x5AF0] =	vst v63  }
0xc0: {  	_ =	swait.ge [sflag:s16], $0x320  }
0xc1: {  	[sflag:s16] =	ssyncset.done $0x0  }
0xc2: {  	[sflag:s16] =	ssyncadd.s32 $0xFFFFFCE0  }
0xc3: {  	_ =	swait.ge [sflag:s16], $0x320  }
0xc4: {  	[sflag:s16] =	ssyncset.done $0x0  }
0xc5: {  	[sflag:s16] =	ssyncadd.s32 $0xFFFFFCE0  }
0xc6: {  	_ =	swait.ge [sflag:s16], $0x320  }
0xc7: {  	[sflag:s16] =	ssyncset.done $0x0  }
0xc8: {  	[sflag:s16] =	ssyncadd.s32 $0xFFFFFCE0  }
0xc9: {  	_ =	swait.ge [sflag:s16], $0x320  }
0xca: {  	[sflag:s16] =	ssyncset.done $0x0  }
0xcb: {  	[sflag:s16] =	ssyncadd.s32 $0xFFFFFCE0  }
0xcc: {  	_ =	swait.ge [sflag:s16], $0x320  }
0xcd: {  	[sflag:s16] =	ssyncset.done $0x0  }
0xce: {  	[sflag:s16] =	ssyncadd.s32 $0xFFFFFCE0  }
0xcf: {  	_ =	swait.ge [sflag:s16], $0x320  }
0xd0: {  	[sflag:s16] =	ssyncset.done $0x0  }
0xd1: {  	[sflag:s16] =	ssyncadd.s32 $0xFFFFFCE0  }
0xd2: {  	_ =	swait.ge [sflag:s16], $0x320  }
0xd3: {  	[sflag:s16] =	ssyncset.done $0x0  }
0xd4: {  	[sflag:s16] =	ssyncadd.s32 $0xFFFFFCE0  }
0xd5: {  	_ =	swait.ge [sflag:s16], $0x320  }
0xd6: {  	[sflag:s16] =	ssyncset.done $0x0  }
0xd7: {  	[sflag:s16] =	ssyncadd.s32 $0xFFFFFCE0  }
0xd8: {  	_ =	swait.ge [sflag:s16], $0x320  }
0xd9: {  	[sflag:s16] =	ssyncset.done $0x0  }
0xda: {  	[sflag:s16] =	ssyncadd.s32 $0xFFFFFCE0  }
0xdb: {  	_ =	swait.ge [sflag:s16], $0x320  }
0xdc: {  	s23 =	sadd.s32 $0x1, s23;
	[sflag:s16] =	ssyncset.done $0x0  }
0xdd: {  	p1 =	sne.s32 s23, s14;
	[sflag:s16] =	ssyncadd.s32 $0xFFFFFCE0  }
.Ltmp3:
0xde: {  	[bflag:$0x0] =	sbarrier.arrive $0xFFFF;
	(pc) =	sbr.rel @p1 .LBB2_1-.Ltmp3, $4  }
0xdf: {  	[hbm:s13], [sflag:s20] =	dma.local [spmem:s21], $0x4E2  }
0xe0: {  	_ =	swait.ge [sflag:s22], $0x4E2  }
0xe1: {  	[sflag:s22] =	ssyncset.done $0x0  }
0xe2: {  	[sflag:s22] =	ssyncadd.s32 $0xFFFFFB1E  }
0xe3: {  	_ =	sfence.sel $0x180000  }
0xe4: {  	[bflag:$0x0] =	sbarrier.arrive $0xFFFF  }
0xe5: {  	p0 =	sne.s32 s1, $0x0;
	_ =	strace $0x90000047  }
0xe6: {  	s0 =	sadd.s32 @!p0 $0x100000, s0;
	[bflag:$0x2] =	sbarrier.arrive $0xFFFF  }
0xe7: {  	[sflag:s0] =	ssyncadd.tile.s32 @!p0 $0x1;
	_ =	shalt  }
.Lfunc_end2:
_tile_overlayer_lowered:
.L_overlay_start_2:
0xe8: {  	(tag) =	ssettag $0x2  }
0xe9: {  	s0 =	rddreg [dreg:$0x0];
	s2 =	stileid.u32  }
0xea: {  	s1 =	rddreg [dreg:$0x1];
	p0 =	sne.s32 s2, $0x0  }
0xeb: {  	s3 =	rddreg [dreg:$0x2];
	[bflag:$0x3] =	sbarrier.arrive $0xFFFF;
	s2 =	simm.s32 @!p0 $0x1C03  }
0xec: {  	[timem:s3], [sflag:s2] =	dma.local @!p0 [hbm:s0], s1  }
0xed: {  	s0 =	simm.s32 @!p0 $0x3  }
0xee: {  	_ =	swait.ge @!p0 [sflag:s0], s1  }
0xef: {  	s1 =	ssub.s32 @!p0 $0x0, s1;
	[sflag:s0] =	ssyncset.done @!p0 $0x0  }
0xf0: {  	[sflag:s0] =	ssyncadd.s32 @!p0 s1  }
0xf1: {  	[bflag:$0x3] =	sbarrier.arrive $0xFFFF  }
0xf2: {  	_ =	shalt  }

</sc_bundles>
